<compile_context>
chip_gen: v7x
topology: tpu7x:2x2x1
jax: 0.10.2.dev20260603
libtpu: 0.0.44.dev20260713+nightly
codegen_flags: <defaults>
</compile_context>

<pallas_src>
import functools

import jax
import jax.numpy as jnp
from jax import lax
from jax.experimental import pallas as pl
from jax.experimental.pallas import tpu as pltpu
from jax.experimental.pallas import tpu_sc as plsc

TOP_K = 8
NUM_EXPERTS = 64
ROW_BLOCK = 1024

NEG_INF = float("-inf")


def _logits_t_kernel(t_per_w, h_ref, w_ref, b_ref, o_ref):
    x = h_ref[:, :]
    w = w_ref[:, :]
    logits_t = jax.lax.dot_general(
        w, x, (((0,), (1,)), ((), ())),
        preferred_element_type=jnp.float32) + b_ref[:, :]
    for w_loc in range(ROW_BLOCK // t_per_w):
        o_ref[w_loc] = logits_t[:, w_loc * t_per_w:(w_loc + 1) * t_per_w]


def _make_logits_t(hidden_states, weight, bias, nw):
    n_tokens, hidden = hidden_states.shape
    t_per_w = n_tokens // nw
    w_per_block = ROW_BLOCK // t_per_w
    grid = (n_tokens // ROW_BLOCK,)
    bias2 = bias.reshape(NUM_EXPERTS, 1)
    return pl.pallas_call(
        functools.partial(_logits_t_kernel, t_per_w),
        grid=grid,
        in_specs=[
            pl.BlockSpec((ROW_BLOCK, hidden), lambda i: (i, 0)),
            pl.BlockSpec((hidden, NUM_EXPERTS), lambda i: (0, 0)),
            pl.BlockSpec((NUM_EXPERTS, 1), lambda i: (0, 0)),
        ],
        out_specs=pl.BlockSpec(
            (w_per_block, NUM_EXPERTS, t_per_w), lambda i: (i, 0, 0)),
        out_shape=jax.ShapeDtypeStruct(
            (nw, NUM_EXPERTS, t_per_w), jnp.float32),
    )(hidden_states, weight, bias2)


def _make_router(n_tokens):
    info = plsc.get_sparse_core_info()
    nc, ns, nl = info.num_cores, info.num_subcores, info.num_lanes
    nw = nc * ns
    t_per_w = n_tokens // nw
    n_groups = t_per_w // nl

    mesh = plsc.VectorSubcoreMesh(core_axis_name="c", subcore_axis_name="s")

    @functools.partial(
        pl.kernel, mesh=mesh,
        out_type=[
            jax.ShapeDtypeStruct((TOP_K, n_tokens), jnp.float32),
            jax.ShapeDtypeStruct((TOP_K, n_tokens), jnp.int32),
        ],
        scratch_types=[
            pltpu.VMEM((NUM_EXPERTS, t_per_w), jnp.float32),
            pltpu.VMEM((TOP_K, t_per_w), jnp.float32),
            pltpu.VMEM((TOP_K, t_per_w), jnp.int32),
        ],
    )
    def router(lt_hbm, ow_hbm, oi_hbm, chunk, ovw, oiw):
        wid = lax.axis_index("s") * nc + lax.axis_index("c")
        base = wid * t_per_w
        pltpu.sync_copy(lt_hbm.at[wid], chunk)

        @plsc.parallel_loop(0, n_groups, step=1)
        def group_body(g):
            col = g * nl
            m = [jnp.full((nl,), NEG_INF, jnp.float32) for _ in range(TOP_K)]
            ix = [jnp.zeros((nl,), jnp.int32) for _ in range(TOP_K)]
            for e in range(NUM_EXPERTS):
                v = chunk[e, pl.ds(col, nl)]
                vi = jnp.full((nl,), e, jnp.int32)
                kmax = min(e + 1, TOP_K)
                gts = [v > m[k] for k in range(kmax)]
                new_m = []
                new_ix = []
                for k in range(kmax):
                    vk = jnp.where(gts[k], v, m[k])
                    ik = jnp.where(gts[k], vi, ix[k])
                    if k > 0:
                        vk = jnp.where(gts[k - 1], m[k - 1], vk)
                        ik = jnp.where(gts[k - 1], ix[k - 1], ik)
                    new_m.append(vk)
                    new_ix.append(ik)
                m[:kmax] = new_m
                ix[:kmax] = new_ix
            es = [jnp.exp(v - m[0]) for v in m]
            s = es[0]
            for t in es[1:]:
                s = s + t
            inv = 1.0 / s
            for k in range(TOP_K):
                ovw[k, pl.ds(col, nl)] = es[k] * inv
                oiw[k, pl.ds(col, nl)] = ix[k]

        pltpu.sync_copy(ovw, ow_hbm.at[:, pl.ds(base, t_per_w)])
        pltpu.sync_copy(oiw, oi_hbm.at[:, pl.ds(base, t_per_w)])

    return router


@jax.jit
def kernel(hidden_states, weight, bias):
    n_tokens = hidden_states.shape[0]
    info = plsc.get_sparse_core_info()
    nw = info.num_cores * info.num_subcores
    logits_t = _make_logits_t(hidden_states, weight, bias, nw)
    router = _make_router(n_tokens)
    ow, oi = router(logits_t)
    return ow.T, oi.T

# --- scband reference (transcript-rebuilt; emitter-appended) ---
"""Pipeline reference for scband-gpt-oss-top-krouter-90778428768672 (READ-ONLY COPY).

The authoritative reference and input builder live on the scoring server;
editing this copy changes nothing except your own understanding.
"""

import jax, jax.numpy as jnp
import numpy as np

TOP_K = 8

def setup_inputs(seed: int = 0) -> dict:
    key = jax.random.key(seed)
    k1, k2, k3 = jax.random.split(key, 3)
    hidden_states = jax.random.normal(k1, (8192, 2048), dtype=jnp.float32)
    weight = jax.random.normal(k2, (2048, 64), dtype=jnp.float32)
    bias = jax.random.normal(k3, (64,), dtype=jnp.float32)
    return {"hidden_states": hidden_states, "weight": weight, "bias": bias}

def reference(hidden_states, weight, bias):
    router_logits = hidden_states.astype(jnp.float32) @ weight + bias
    topk_values, topk_ids = jax.lax.top_k(router_logits, k=TOP_K)
    topk_weights = jax.nn.softmax(topk_values, axis=-1).astype(hidden_states.dtype)
    return (topk_weights, topk_ids)

if __name__ == "__main__":
    import jax
    _d = setup_inputs()
    print(jax.jit(kernel)(*tuple(_d.values())))

</pallas_src>

<mosaic_0001>
#map = affine_map<(d0, d1) -> (0, 0, 0)>
#map1 = affine_map<(d0, d1) -> (0, 0)>
module attributes {stable_mosaic.version = 14 : i64} {
  func.func @router(%arg0: i32, %arg1: i32, %arg2: memref<32x64x256xf32, #tpu.memory_space<hbm>>, %arg3: memref<8x8192xf32, #tpu.memory_space<hbm>>, %arg4: memref<8x8192xi32, #tpu.memory_space<hbm>>, %arg5: memref<64x256xf32, #tpu.memory_space<vmem>>, %arg6: memref<8x256xf32, #tpu.memory_space<vmem>>, %arg7: memref<8x256xi32, #tpu.memory_space<vmem>>) attributes {dimension_semantics = [#tpu.dimension_semantics<core_parallel>, #tpu.dimension_semantics<subcore_parallel>], iteration_bounds = array<i64: 2, 16>, scalar_prefetch = 0 : i64, scratch_operands = 3 : i64, tpu.core_type = #tpu.core_type<sc_vector_subcore>, window_params = [{transform_indices = #map}, {transform_indices = #map1}, {transform_indices = #map1}]} {
    %mul3A = arith.constant 2 : i32
    %mul3A_0 = arith.muli %arg1, %mul3A : i32
    %add3A = arith.addi %mul3A_0, %arg0 : i32
    %mul3A_1 = arith.constant 256 : i32
    %mul3A_2 = arith.muli %add3A, %mul3A_1 : i32
    "tpu.region"() ({
      %run_scoped3A = tpu.sem_alloc : memref<!tpu.dma_semaphore, #tpu.memory_space<semaphore_mem>>
      %dma_start3A = arith.constant 0 : i32
      %dma_start3A_5 = arith.constant 0 : i32
      %dma_start3A_6 = tpu.memref_slice %arg2[%add3A, %dma_start3A, %dma_start3A_5] : memref<32x64x256xf32, #tpu.memory_space<hbm>> -> memref<1x64x256xf32, #tpu.memory_space<hbm>>
      %dma_start3A_7 = tpu.memref_squeeze %dma_start3A_6 : memref<1x64x256xf32, #tpu.memory_space<hbm>> -> memref<64x256xf32, #tpu.memory_space<hbm>>
      %dma_start3A_8 = arith.constant 0 : i32
      %dma_start3A_9 = arith.constant 0 : i32
      %dma_start3A_10 = tpu.memref_slice %arg2[%add3A, %dma_start3A_8, %dma_start3A_9] : memref<32x64x256xf32, #tpu.memory_space<hbm>> -> memref<1x64x256xf32, #tpu.memory_space<hbm>>
      %dma_start3A_11 = tpu.memref_squeeze %dma_start3A_10 : memref<1x64x256xf32, #tpu.memory_space<hbm>> -> memref<64x256xf32, #tpu.memory_space<hbm>>
      tpu.enqueue_dma source(%dma_start3A_11 : memref<64x256xf32, #tpu.memory_space<hbm>>) target(%arg5 : memref<64x256xf32, #tpu.memory_space<vmem>>) target_semaphore(%run_scoped3A : memref<!tpu.dma_semaphore, #tpu.memory_space<semaphore_mem>>)
      %dma_wait3A = arith.constant 0 : i32
      %dma_wait3A_12 = arith.constant 0 : i32
      %dma_wait3A_13 = tpu.memref_slice %arg2[%add3A, %dma_wait3A, %dma_wait3A_12] : memref<32x64x256xf32, #tpu.memory_space<hbm>> -> memref<1x64x256xf32, #tpu.memory_space<hbm>>
      %dma_wait3A_14 = tpu.memref_squeeze %dma_wait3A_13 : memref<1x64x256xf32, #tpu.memory_space<hbm>> -> memref<64x256xf32, #tpu.memory_space<hbm>>
      %dma_wait3A_15 = arith.constant 0 : i32
      %dma_wait3A_16 = arith.constant 0 : i32
      %dma_wait3A_17 = tpu.memref_slice %arg2[%add3A, %dma_wait3A_15, %dma_wait3A_16] : memref<32x64x256xf32, #tpu.memory_space<hbm>> -> memref<1x64x256xf32, #tpu.memory_space<hbm>>
      %dma_wait3A_18 = tpu.memref_squeeze %dma_wait3A_17 : memref<1x64x256xf32, #tpu.memory_space<hbm>> -> memref<64x256xf32, #tpu.memory_space<hbm>>
      tpu.wait_dma2 semaphore(%run_scoped3A : memref<!tpu.dma_semaphore, #tpu.memory_space<semaphore_mem>>) src(%dma_wait3A_18 : memref<64x256xf32, #tpu.memory_space<hbm>>) dst(%arg5 : memref<64x256xf32, #tpu.memory_space<vmem>>)
      tpu.yield
    }) : () -> ()
    %parallel_loop3A = arith.constant 0 : i32
    %parallel_loop3A_3 = arith.constant 16 : i32
    %parallel_loop3A_4 = arith.constant 1 : i32
    scf.for %parallel_loop3A_5 = %parallel_loop3A to %parallel_loop3A_3 step %parallel_loop3A_4  : i32 {
      %parallel_loop3A_6 = arith.constant 16 : i32
      %parallel_loop3A_7 = arith.muli %parallel_loop3A_5, %parallel_loop3A_6 : i32
      %parallel_loop3A_8 = arith.constant 0xFF800000 : f32
      %parallel_loop3A_9 = vector.broadcast %parallel_loop3A_8 : f32 to vector<16xf32>
      %parallel_loop3A_10 = arith.constant 0xFF800000 : f32
      %parallel_loop3A_11 = vector.broadcast %parallel_loop3A_10 : f32 to vector<16xf32>
      %parallel_loop3A_12 = arith.constant 0xFF800000 : f32
      %parallel_loop3A_13 = vector.broadcast %parallel_loop3A_12 : f32 to vector<16xf32>
      %parallel_loop3A_14 = arith.constant 0xFF800000 : f32
      %parallel_loop3A_15 = vector.broadcast %parallel_loop3A_14 : f32 to vector<16xf32>
      %parallel_loop3A_16 = arith.constant 0xFF800000 : f32
      %parallel_loop3A_17 = vector.broadcast %parallel_loop3A_16 : f32 to vector<16xf32>
      %parallel_loop3A_18 = arith.constant 0xFF800000 : f32
      %parallel_loop3A_19 = vector.broadcast %parallel_loop3A_18 : f32 to vector<16xf32>
      %parallel_loop3A_20 = arith.constant 0xFF800000 : f32
      %parallel_loop3A_21 = vector.broadcast %parallel_loop3A_20 : f32 to vector<16xf32>
      %parallel_loop3A_22 = arith.constant 0xFF800000 : f32
      %parallel_loop3A_23 = vector.broadcast %parallel_loop3A_22 : f32 to vector<16xf32>
      %parallel_loop3A_24 = arith.constant 0 : i32
      %parallel_loop3A_25 = vector.broadcast %parallel_loop3A_24 : i32 to vector<16xi32>
      %parallel_loop3A_26 = arith.constant 0 : i32
      %parallel_loop3A_27 = vector.broadcast %parallel_loop3A_26 : i32 to vector<16xi32>
      %parallel_loop3A_28 = arith.constant 0 : i32
      %parallel_loop3A_29 = vector.broadcast %parallel_loop3A_28 : i32 to vector<16xi32>
      %parallel_loop3A_30 = arith.constant 0 : i32
      %parallel_loop3A_31 = vector.broadcast %parallel_loop3A_30 : i32 to vector<16xi32>
      %parallel_loop3A_32 = arith.constant 0 : i32
      %parallel_loop3A_33 = vector.broadcast %parallel_loop3A_32 : i32 to vector<16xi32>
      %parallel_loop3A_34 = arith.constant 0 : i32
      %parallel_loop3A_35 = vector.broadcast %parallel_loop3A_34 : i32 to vector<16xi32>
      %parallel_loop3A_36 = arith.constant 0 : i32
      %parallel_loop3A_37 = vector.broadcast %parallel_loop3A_36 : i32 to vector<16xi32>
      %parallel_loop3A_38 = arith.constant 0 : i32
      %parallel_loop3A_39 = vector.broadcast %parallel_loop3A_38 : i32 to vector<16xi32>
      %parallel_loop3A_40 = arith.constant 0 : i32
      %parallel_loop3A_41 = arith.index_cast %parallel_loop3A_40 : i32 to index
      %parallel_loop3A_42 = arith.index_cast %parallel_loop3A_7 : i32 to index
      %parallel_loop3A_43 = tpu.vector_load %arg5[%parallel_loop3A_41, %parallel_loop3A_42] {strides = array<i32>} : memref<64x256xf32, #tpu.memory_space<vmem>>, vector<1x16xf32>,
      %parallel_loop3A_44 = vector.shape_cast %parallel_loop3A_43 : vector<1x16xf32> to vector<16xf32>
      %parallel_loop3A_45 = arith.constant 0 : i32
      %parallel_loop3A_46 = vector.broadcast %parallel_loop3A_45 : i32 to vector<16xi32>
      %parallel_loop3A_47 = arith.cmpf ogt, %parallel_loop3A_44, %parallel_loop3A_9 : vector<16xf32>
      %parallel_loop3A_48 = arith.select %parallel_loop3A_47, %parallel_loop3A_44, %parallel_loop3A_9 : vector<16xi1>, vector<16xf32>
      %parallel_loop3A_49 = arith.select %parallel_loop3A_47, %parallel_loop3A_46, %parallel_loop3A_25 : vector<16xi1>, vector<16xi32>
      %parallel_loop3A_50 = arith.constant 1 : i32
      %parallel_loop3A_51 = arith.index_cast %parallel_loop3A_50 : i32 to index
      %parallel_loop3A_52 = arith.index_cast %parallel_loop3A_7 : i32 to index
      %parallel_loop3A_53 = tpu.vector_load %arg5[%parallel_loop3A_51, %parallel_loop3A_52] {strides = array<i32>} : memref<64x256xf32, #tpu.memory_space<vmem>>, vector<1x16xf32>,
      %parallel_loop3A_54 = vector.shape_cast %parallel_loop3A_53 : vector<1x16xf32> to vector<16xf32>
      %parallel_loop3A_55 = arith.constant 1 : i32
      %parallel_loop3A_56 = vector.broadcast %parallel_loop3A_55 : i32 to vector<16xi32>
      %parallel_loop3A_57 = arith.cmpf ogt, %parallel_loop3A_54, %parallel_loop3A_48 : vector<16xf32>
      %parallel_loop3A_58 = arith.cmpf ogt, %parallel_loop3A_54, %parallel_loop3A_11 : vector<16xf32>
      %parallel_loop3A_59 = arith.select %parallel_loop3A_57, %parallel_loop3A_54, %parallel_loop3A_48 : vector<16xi1>, vector<16xf32>
      %parallel_loop3A_60 = arith.select %parallel_loop3A_57, %parallel_loop3A_56, %parallel_loop3A_49 : vector<16xi1>, vector<16xi32>
      %parallel_loop3A_61 = arith.select %parallel_loop3A_58, %parallel_loop3A_54, %parallel_loop3A_11 : vector<16xi1>, vector<16xf32>
      %parallel_loop3A_62 = arith.select %parallel_loop3A_58, %parallel_loop3A_56, %parallel_loop3A_27 : vector<16xi1>, vector<16xi32>
      %parallel_loop3A_63 = arith.select %parallel_loop3A_57, %parallel_loop3A_48, %parallel_loop3A_61 : vector<16xi1>, vector<16xf32>
      %parallel_loop3A_64 = arith.select %parallel_loop3A_57, %parallel_loop3A_49, %parallel_loop3A_62 : vector<16xi1>, vector<16xi32>
      %parallel_loop3A_65 = arith.constant 2 : i32
      %parallel_loop3A_66 = arith.index_cast %parallel_loop3A_65 : i32 to index
      %parallel_loop3A_67 = arith.index_cast %parallel_loop3A_7 : i32 to index
      %parallel_loop3A_68 = tpu.vector_load %arg5[%parallel_loop3A_66, %parallel_loop3A_67] {strides = array<i32>} : memref<64x256xf32, #tpu.memory_space<vmem>>, vector<1x16xf32>,
      %parallel_loop3A_69 = vector.shape_cast %parallel_loop3A_68 : vector<1x16xf32> to vector<16xf32>
      %parallel_loop3A_70 = arith.constant 2 : i32
      %parallel_loop3A_71 = vector.broadcast %parallel_loop3A_70 : i32 to vector<16xi32>
      %parallel_loop3A_72 = arith.cmpf ogt, %parallel_loop3A_69, %parallel_loop3A_59 : vector<16xf32>
      %parallel_loop3A_73 = arith.cmpf ogt, %parallel_loop3A_69, %parallel_loop3A_63 : vector<16xf32>
      %parallel_loop3A_74 = arith.cmpf ogt, %parallel_loop3A_69, %parallel_loop3A_13 : vector<16xf32>
      %parallel_loop3A_75 = arith.select %parallel_loop3A_72, %parallel_loop3A_69, %parallel_loop3A_59 : vector<16xi1>, vector<16xf32>
      %parallel_loop3A_76 = arith.select %parallel_loop3A_72, %parallel_loop3A_71, %parallel_loop3A_60 : vector<16xi1>, vector<16xi32>
      %parallel_loop3A_77 = arith.select %parallel_loop3A_73, %parallel_loop3A_69, %parallel_loop3A_63 : vector<16xi1>, vector<16xf32>
      %parallel_loop3A_78 = arith.select %parallel_loop3A_73, %parallel_loop3A_71, %parallel_loop3A_64 : vector<16xi1>, vector<16xi32>
      %parallel_loop3A_79 = arith.select %parallel_loop3A_72, %parallel_loop3A_59, %parallel_loop3A_77 : vector<16xi1>, vector<16xf32>
      %parallel_loop3A_80 = arith.select %parallel_loop3A_72, %parallel_loop3A_60, %parallel_loop3A_78 : vector<16xi1>, vector<16xi32>
      %parallel_loop3A_81 = arith.select %parallel_loop3A_74, %parallel_loop3A_69, %parallel_loop3A_13 : vector<16xi1>, vector<16xf32>
      %parallel_loop3A_82 = arith.select %parallel_loop3A_74, %parallel_loop3A_71, %parallel_loop3A_29 : vector<16xi1>, vector<16xi32>
      %parallel_loop3A_83 = arith.select %parallel_loop3A_73, %parallel_loop3A_63, %parallel_loop3A_81 : vector<16xi1>, vector<16xf32>
      %parallel_loop3A_84 = arith.select %parallel_loop3A_73, %parallel_loop3A_64, %parallel_loop3A_82 : vector<16xi1>, vector<16xi32>
      %parallel_loop3A_85 = arith.constant 3 : i32
      %parallel_loop3A_86 = arith.index_cast %parallel_loop3A_85 : i32 to index
      %parallel_loop3A_87 = arith.index_cast %parallel_loop3A_7 : i32 to index
      %parallel_loop3A_88 = tpu.vector_load %arg5[%parallel_loop3A_86, %parallel_loop3A_87] {strides = array<i32>} : memref<64x256xf32, #tpu.memory_space<vmem>>, vector<1x16xf32>,
      %parallel_loop3A_89 = vector.shape_cast %parallel_loop3A_88 : vector<1x16xf32> to vector<16xf32>
      %parallel_loop3A_90 = arith.constant 3 : i32
      %parallel_loop3A_91 = vector.broadcast %parallel_loop3A_90 : i32 to vector<16xi32>
      %parallel_loop3A_92 = arith.cmpf ogt, %parallel_loop3A_89, %parallel_loop3A_75 : vector<16xf32>
      %parallel_loop3A_93 = arith.cmpf ogt, %parallel_loop3A_89, %parallel_loop3A_79 : vector<16xf32>
      %parallel_loop3A_94 = arith.cmpf ogt, %parallel_loop3A_89, %parallel_loop3A_83 : vector<16xf32>
      %parallel_loop3A_95 = arith.cmpf ogt, %parallel_loop3A_89, %parallel_loop3A_15 : vector<16xf32>
      %parallel_loop3A_96 = arith.select %parallel_loop3A_92, %parallel_loop3A_89, %parallel_loop3A_75 : vector<16xi1>, vector<16xf32>
      %parallel_loop3A_97 = arith.select %parallel_loop3A_92, %parallel_loop3A_91, %parallel_loop3A_76 : vector<16xi1>, vector<16xi32>
      %parallel_loop3A_98 = arith.select %parallel_loop3A_93, %parallel_loop3A_89, %parallel_loop3A_79 : vector<16xi1>, vector<16xf32>
      %parallel_loop3A_99 = arith.select %parallel_loop3A_93, %parallel_loop3A_91, %parallel_loop3A_80 : vector<16xi1>, vector<16xi32>
      %parallel_loop3A_100 = arith.select %parallel_loop3A_92, %parallel_loop3A_75, %parallel_loop3A_98 : vector<16xi1>, vector<16xf32>
      %parallel_loop3A_101 = arith.select %parallel_loop3A_92, %parallel_loop3A_76, %parallel_loop3A_99 : vector<16xi1>, vector<16xi32>
      %parallel_loop3A_102 = arith.select %parallel_loop3A_94, %parallel_loop3A_89, %parallel_loop3A_83 : vector<16xi1>, vector<16xf32>
      %parallel_loop3A_103 = arith.select %parallel_loop3A_94, %parallel_loop3A_91, %parallel_loop3A_84 : vector<16xi1>, vector<16xi32>
      %parallel_loop3A_104 = arith.select %parallel_loop3A_93, %parallel_loop3A_79, %parallel_loop3A_102 : vector<16xi1>, vector<16xf32>
      %parallel_loop3A_105 = arith.select %parallel_loop3A_93, %parallel_loop3A_80, %parallel_loop3A_103 : vector<16xi1>, vector<16xi32>
      %parallel_loop3A_106 = arith.select %parallel_loop3A_95, %parallel_loop3A_89, %parallel_loop3A_15 : vector<16xi1>, vector<16xf32>
      %parallel_loop3A_107 = arith.select %parallel_loop3A_95, %parallel_loop3A_91, %parallel_loop3A_31 : vector<16xi1>, vector<16xi32>
      %parallel_loop3A_108 = arith.select %parallel_loop3A_94, %parallel_loop3A_83, %parallel_loop3A_106 : vector<16xi1>, vector<16xf32>
      %parallel_loop3A_109 = arith.select %parallel_loop3A_94, %parallel_loop3A_84, %parallel_loop3A_107 : vector<16xi1>, vector<16xi32>
      %parallel_loop3A_110 = arith.constant 4 : i32
      %parallel_loop3A_111 = arith.index_cast %parallel_loop3A_110 : i32 to index
      %parallel_loop3A_112 = arith.index_cast %parallel_loop3A_7 : i32 to index
      %parallel_loop3A_113 = tpu.vector_load %arg5[%parallel_loop3A_111, %parallel_loop3A_112] {strides = array<i32>} : memref<64x256xf32, #tpu.memory_space<vmem>>, vector<1x16xf32>,
      %parallel_loop3A_114 = vector.shape_cast %parallel_loop3A_113 : vector<1x16xf32> to vector<16xf32>
      %parallel_loop3A_115 = arith.constant 4 : i32
      %parallel_loop3A_116 = vector.broadcast %parallel_loop3A_115 : i32 to vector<16xi32>
      %parallel_loop3A_117 = arith.cmpf ogt, %parallel_loop3A_114, %parallel_loop3A_96 : vector<16xf32>
      %parallel_loop3A_118 = arith.cmpf ogt, %parallel_loop3A_114, %parallel_loop3A_100 : vector<16xf32>
      %parallel_loop3A_119 = arith.cmpf ogt, %parallel_loop3A_114, %parallel_loop3A_104 : vector<16xf32>
      %parallel_loop3A_120 = arith.cmpf ogt, %parallel_loop3A_114, %parallel_loop3A_108 : vector<16xf32>
      %parallel_loop3A_121 = arith.cmpf ogt, %parallel_loop3A_114, %parallel_loop3A_17 : vector<16xf32>
      %parallel_loop3A_122 = arith.select %parallel_loop3A_117, %parallel_loop3A_114, %parallel_loop3A_96 : vector<16xi1>, vector<16xf32>
      %parallel_loop3A_123 = arith.select %parallel_loop3A_117, %parallel_loop3A_116, %parallel_loop3A_97 : vector<16xi1>, vector<16xi32>
      %parallel_loop3A_124 = arith.select %parallel_loop3A_118, %parallel_loop3A_114, %parallel_loop3A_100 : vector<16xi1>, vector<16xf32>
      %parallel_loop3A_125 = arith.select %parallel_loop3A_118, %parallel_loop3A_116, %parallel_loop3A_101 : vector<16xi1>, vector<16xi32>
      %parallel_loop3A_126 = arith.select %parallel_loop3A_117, %parallel_loop3A_96, %parallel_loop3A_124 : vector<16xi1>, vector<16xf32>
      %parallel_loop3A_127 = arith.select %parallel_loop3A_117, %parallel_loop3A_97, %parallel_loop3A_125 : vector<16xi1>, vector<16xi32>
      %parallel_loop3A_128 = arith.select %parallel_loop3A_119, %parallel_loop3A_114, %parallel_loop3A_104 : vector<16xi1>, vector<16xf32>
      %parallel_loop3A_129 = arith.select %parallel_loop3A_119, %parallel_loop3A_116, %parallel_loop3A_105 : vector<16xi1>, vector<16xi32>
      %parallel_loop3A_130 = arith.select %parallel_loop3A_118, %parallel_loop3A_100, %parallel_loop3A_128 : vector<16xi1>, vector<16xf32>
      %parallel_loop3A_131 = arith.select %parallel_loop3A_118, %parallel_loop3A_101, %parallel_loop3A_129 : vector<16xi1>, vector<16xi32>
      %parallel_loop3A_132 = arith.select %parallel_loop3A_120, %parallel_loop3A_114, %parallel_loop3A_108 : vector<16xi1>, vector<16xf32>
      %parallel_loop3A_133 = arith.select %parallel_loop3A_120, %parallel_loop3A_116, %parallel_loop3A_109 : vector<16xi1>, vector<16xi32>
      %parallel_loop3A_134 = arith.select %parallel_loop3A_119, %parallel_loop3A_104, %parallel_loop3A_132 : vector<16xi1>, vector<16xf32>
      %parallel_loop3A_135 = arith.select %parallel_loop3A_119, %parallel_loop3A_105, %parallel_loop3A_133 : vector<16xi1>, vector<16xi32>
      %parallel_loop3A_136 = arith.select %parallel_loop3A_121, %parallel_loop3A_114, %parallel_loop3A_17 : vector<16xi1>, vector<16xf32>
      %parallel_loop3A_137 = arith.select %parallel_loop3A_121, %parallel_loop3A_116, %parallel_loop3A_33 : vector<16xi1>, vector<16xi32>
      %parallel_loop3A_138 = arith.select %parallel_loop3A_120, %parallel_loop3A_108, %parallel_loop3A_136 : vector<16xi1>, vector<16xf32>
      %parallel_loop3A_139 = arith.select %parallel_loop3A_120, %parallel_loop3A_109, %parallel_loop3A_137 : vector<16xi1>, vector<16xi32>
      %parallel_loop3A_140 = arith.constant 5 : i32
      %parallel_loop3A_141 = arith.index_cast %parallel_loop3A_140 : i32 to index
      %parallel_loop3A_142 = arith.index_cast %parallel_loop3A_7 : i32 to index
      %parallel_loop3A_143 = tpu.vector_load %arg5[%parallel_loop3A_141, %parallel_loop3A_142] {strides = array<i32>} : memref<64x256xf32, #tpu.memory_space<vmem>>, vector<1x16xf32>,
      %parallel_loop3A_144 = vector.shape_cast %parallel_loop3A_143 : vector<1x16xf32> to vector<16xf32>
      %parallel_loop3A_145 = arith.constant 5 : i32
      %parallel_loop3A_146 = vector.broadcast %parallel_loop3A_145 : i32 to vector<16xi32>
      %parallel_loop3A_147 = arith.cmpf ogt, %parallel_loop3A_144, %parallel_loop3A_122 : vector<16xf32>
      %parallel_loop3A_148 = arith.cmpf ogt, %parallel_loop3A_144, %parallel_loop3A_126 : vector<16xf32>
      %parallel_loop3A_149 = arith.cmpf ogt, %parallel_loop3A_144, %parallel_loop3A_130 : vector<16xf32>
      %parallel_loop3A_150 = arith.cmpf ogt, %parallel_loop3A_144, %parallel_loop3A_134 : vector<16xf32>
      %parallel_loop3A_151 = arith.cmpf ogt, %parallel_loop3A_144, %parallel_loop3A_138 : vector<16xf32>
      %parallel_loop3A_152 = arith.cmpf ogt, %parallel_loop3A_144, %parallel_loop3A_19 : vector<16xf32>
      %parallel_loop3A_153 = arith.select %parallel_loop3A_147, %parallel_loop3A_144, %parallel_loop3A_122 : vector<16xi1>, vector<16xf32>
      %parallel_loop3A_154 = arith.select %parallel_loop3A_147, %parallel_loop3A_146, %parallel_loop3A_123 : vector<16xi1>, vector<16xi32>
      %parallel_loop3A_155 = arith.select %parallel_loop3A_148, %parallel_loop3A_144, %parallel_loop3A_126 : vector<16xi1>, vector<16xf32>
      %parallel_loop3A_156 = arith.select %parallel_loop3A_148, %parallel_loop3A_146, %parallel_loop3A_127 : vector<16xi1>, vector<16xi32>
      %parallel_loop3A_157 = arith.select %parallel_loop3A_147, %parallel_loop3A_122, %parallel_loop3A_155 : vector<16xi1>, vector<16xf32>
      %parallel_loop3A_158 = arith.select %parallel_loop3A_147, %parallel_loop3A_123, %parallel_loop3A_156 : vector<16xi1>, vector<16xi32>
      %parallel_loop3A_159 = arith.select %parallel_loop3A_149, %parallel_loop3A_144, %parallel_loop3A_130 : vector<16xi1>, vector<16xf32>
      %parallel_loop3A_160 = arith.select %parallel_loop3A_149, %parallel_loop3A_146, %parallel_loop3A_131 : vector<16xi1>, vector<16xi32>
      %parallel_loop3A_161 = arith.select %parallel_loop3A_148, %parallel_loop3A_126, %parallel_loop3A_159 : vector<16xi1>, vector<16xf32>
      %parallel_loop3A_162 = arith.select %parallel_loop3A_148, %parallel_loop3A_127, %parallel_loop3A_160 : vector<16xi1>, vector<16xi32>
      %parallel_loop3A_163 = arith.select %parallel_loop3A_150, %parallel_loop3A_144, %parallel_loop3A_134 : vector<16xi1>, vector<16xf32>
      %parallel_loop3A_164 = arith.select %parallel_loop3A_150, %parallel_loop3A_146, %parallel_loop3A_135 : vector<16xi1>, vector<16xi32>
      %parallel_loop3A_165 = arith.select %parallel_loop3A_149, %parallel_loop3A_130, %parallel_loop3A_163 : vector<16xi1>, vector<16xf32>
      %parallel_loop3A_166 = arith.select %parallel_loop3A_149, %parallel_loop3A_131, %parallel_loop3A_164 : vector<16xi1>, vector<16xi32>
      %parallel_loop3A_167 = arith.select %parallel_loop3A_151, %parallel_loop3A_144, %parallel_loop3A_138 : vector<16xi1>, vector<16xf32>
      %parallel_loop3A_168 = arith.select %parallel_loop3A_151, %parallel_loop3A_146, %parallel_loop3A_139 : vector<16xi1>, vector<16xi32>
      %parallel_loop3A_169 = arith.select %parallel_loop3A_150, %parallel_loop3A_134, %parallel_loop3A_167 : vector<16xi1>, vector<16xf32>
      %parallel_loop3A_170 = arith.select %parallel_loop3A_150, %parallel_loop3A_135, %parallel_loop3A_168 : vector<16xi1>, vector<16xi32>
      %parallel_loop3A_171 = arith.select %parallel_loop3A_152, %parallel_loop3A_144, %parallel_loop3A_19 : vector<16xi1>, vector<16xf32>
      %parallel_loop3A_172 = arith.select %parallel_loop3A_152, %parallel_loop3A_146, %parallel_loop3A_35 : vector<16xi1>, vector<16xi32>
      %parallel_loop3A_173 = arith.select %parallel_loop3A_151, %parallel_loop3A_138, %parallel_loop3A_171 : vector<16xi1>, vector<16xf32>
      %parallel_loop3A_174 = arith.select %parallel_loop3A_151, %parallel_loop3A_139, %parallel_loop3A_172 : vector<16xi1>, vector<16xi32>
      %parallel_loop3A_175 = arith.constant 6 : i32
      %parallel_loop3A_176 = arith.index_cast %parallel_loop3A_175 : i32 to index
      %parallel_loop3A_177 = arith.index_cast %parallel_loop3A_7 : i32 to index
      %parallel_loop3A_178 = tpu.vector_load %arg5[%parallel_loop3A_176, %parallel_loop3A_177] {strides = array<i32>} : memref<64x256xf32, #tpu.memory_space<vmem>>, vector<1x16xf32>,
      %parallel_loop3A_179 = vector.shape_cast %parallel_loop3A_178 : vector<1x16xf32> to vector<16xf32>
      %parallel_loop3A_180 = arith.constant 6 : i32
      %parallel_loop3A_181 = vector.broadcast %parallel_loop3A_180 : i32 to vector<16xi32>
      %parallel_loop3A_182 = arith.cmpf ogt, %parallel_loop3A_179, %parallel_loop3A_153 : vector<16xf32>
      %parallel_loop3A_183 = arith.cmpf ogt, %parallel_loop3A_179, %parallel_loop3A_157 : vector<16xf32>
      %parallel_loop3A_184 = arith.cmpf ogt, %parallel_loop3A_179, %parallel_loop3A_161 : vector<16xf32>
      %parallel_loop3A_185 = arith.cmpf ogt, %parallel_loop3A_179, %parallel_loop3A_165 : vector<16xf32>
      %parallel_loop3A_186 = arith.cmpf ogt, %parallel_loop3A_179, %parallel_loop3A_169 : vector<16xf32>
      %parallel_loop3A_187 = arith.cmpf ogt, %parallel_loop3A_179, %parallel_loop3A_173 : vector<16xf32>
      %parallel_loop3A_188 = arith.cmpf ogt, %parallel_loop3A_179, %parallel_loop3A_21 : vector<16xf32>
      %parallel_loop3A_189 = arith.select %parallel_loop3A_182, %parallel_loop3A_179, %parallel_loop3A_153 : vector<16xi1>, vector<16xf32>
      %parallel_loop3A_190 = arith.select %parallel_loop3A_182, %parallel_loop3A_181, %parallel_loop3A_154 : vector<16xi1>, vector<16xi32>
      %parallel_loop3A_191 = arith.select %parallel_loop3A_183, %parallel_loop3A_179, %parallel_loop3A_157 : vector<16xi1>, vector<16xf32>
      %parallel_loop3A_192 = arith.select %parallel_loop3A_183, %parallel_loop3A_181, %parallel_loop3A_158 : vector<16xi1>, vector<16xi32>
      %parallel_loop3A_193 = arith.select %parallel_loop3A_182, %parallel_loop3A_153, %parallel_loop3A_191 : vector<16xi1>, vector<16xf32>
      %parallel_loop3A_194 = arith.select %parallel_loop3A_182, %parallel_loop3A_154, %parallel_loop3A_192 : vector<16xi1>, vector<16xi32>
      %parallel_loop3A_195 = arith.select %parallel_loop3A_184, %parallel_loop3A_179, %parallel_loop3A_161 : vector<16xi1>, vector<16xf32>
      %parallel_loop3A_196 = arith.select %parallel_loop3A_184, %parallel_loop3A_181, %parallel_loop3A_162 : vector<16xi1>, vector<16xi32>
      %parallel_loop3A_197 = arith.select %parallel_loop3A_183, %parallel_loop3A_157, %parallel_loop3A_195 : vector<16xi1>, vector<16xf32>
      %parallel_loop3A_198 = arith.select %parallel_loop3A_183, %parallel_loop3A_158, %parallel_loop3A_196 : vector<16xi1>, vector<16xi32>
      %parallel_loop3A_199 = arith.select %parallel_loop3A_185, %parallel_loop3A_179, %parallel_loop3A_165 : vector<16xi1>, vector<16xf32>
      %parallel_loop3A_200 = arith.select %parallel_loop3A_185, %parallel_loop3A_181, %parallel_loop3A_166 : vector<16xi1>, vector<16xi32>
      %parallel_loop3A_201 = arith.select %parallel_loop3A_184, %parallel_loop3A_161, %parallel_loop3A_199 : vector<16xi1>, vector<16xf32>
      %parallel_loop3A_202 = arith.select %parallel_loop3A_184, %parallel_loop3A_162, %parallel_loop3A_200 : vector<16xi1>, vector<16xi32>
      %parallel_loop3A_203 = arith.select %parallel_loop3A_186, %parallel_loop3A_179, %parallel_loop3A_169 : vector<16xi1>, vector<16xf32>
      %parallel_loop3A_204 = arith.select %parallel_loop3A_186, %parallel_loop3A_181, %parallel_loop3A_170 : vector<16xi1>, vector<16xi32>
      %parallel_loop3A_205 = arith.select %parallel_loop3A_185, %parallel_loop3A_165, %parallel_loop3A_203 : vector<16xi1>, vector<16xf32>
      %parallel_loop3A_206 = arith.select %parallel_loop3A_185, %parallel_loop3A_166, %parallel_loop3A_204 : vector<16xi1>, vector<16xi32>
      %parallel_loop3A_207 = arith.select %parallel_loop3A_187, %parallel_loop3A_179, %parallel_loop3A_173 : vector<16xi1>, vector<16xf32>
      %parallel_loop3A_208 = arith.select %parallel_loop3A_187, %parallel_loop3A_181, %parallel_loop3A_174 : vector<16xi1>, vector<16xi32>
      %parallel_loop3A_209 = arith.select %parallel_loop3A_186, %parallel_loop3A_169, %parallel_loop3A_207 : vector<16xi1>, vector<16xf32>
      %parallel_loop3A_210 = arith.select %parallel_loop3A_186, %parallel_loop3A_170, %parallel_loop3A_208 : vector<16xi1>, vector<16xi32>
      %parallel_loop3A_211 = arith.select %parallel_loop3A_188, %parallel_loop3A_179, %parallel_loop3A_21 : vector<16xi1>, vector<16xf32>
      %parallel_loop3A_212 = arith.select %parallel_loop3A_188, %parallel_loop3A_181, %parallel_loop3A_37 : vector<16xi1>, vector<16xi32>
      %parallel_loop3A_213 = arith.select %parallel_loop3A_187, %parallel_loop3A_173, %parallel_loop3A_211 : vector<16xi1>, vector<16xf32>
      %parallel_loop3A_214 = arith.select %parallel_loop3A_187, %parallel_loop3A_174, %parallel_loop3A_212 : vector<16xi1>, vector<16xi32>
      %parallel_loop3A_215 = arith.constant 7 : i32
      %parallel_loop3A_216 = arith.index_cast %parallel_loop3A_215 : i32 to index
      %parallel_loop3A_217 = arith.index_cast %parallel_loop3A_7 : i32 to index
      %parallel_loop3A_218 = tpu.vector_load %arg5[%parallel_loop3A_216, %parallel_loop3A_217] {strides = array<i32>} : memref<64x256xf32, #tpu.memory_space<vmem>>, vector<1x16xf32>,
      %parallel_loop3A_219 = vector.shape_cast %parallel_loop3A_218 : vector<1x16xf32> to vector<16xf32>
      %parallel_loop3A_220 = arith.constant 7 : i32
      %parallel_loop3A_221 = vector.broadcast %parallel_loop3A_220 : i32 to vector<16xi32>
      %parallel_loop3A_222 = arith.cmpf ogt, %parallel_loop3A_219, %parallel_loop3A_189 : vector<16xf32>
      %parallel_loop3A_223 = arith.cmpf ogt, %parallel_loop3A_219, %parallel_loop3A_193 : vector<16xf32>
      %parallel_loop3A_224 = arith.cmpf ogt, %parallel_loop3A_219, %parallel_loop3A_197 : vector<16xf32>
      %parallel_loop3A_225 = arith.cmpf ogt, %parallel_loop3A_219, %parallel_loop3A_201 : vector<16xf32>
      %parallel_loop3A_226 = arith.cmpf ogt, %parallel_loop3A_219, %parallel_loop3A_205 : vector<16xf32>
      %parallel_loop3A_227 = arith.cmpf ogt, %parallel_loop3A_219, %parallel_loop3A_209 : vector<16xf32>
      %parallel_loop3A_228 = arith.cmpf ogt, %parallel_loop3A_219, %parallel_loop3A_213 : vector<16xf32>
      %parallel_loop3A_229 = arith.cmpf ogt, %parallel_loop3A_219, %parallel_loop3A_23 : vector<16xf32>
      %parallel_loop3A_230 = arith.select %parallel_loop3A_222, %parallel_loop3A_219, %parallel_loop3A_189 : vector<16xi1>, vector<16xf32>
      %parallel_loop3A_231 = arith.select %parallel_loop3A_222, %parallel_loop3A_221, %parallel_loop3A_190 : vector<16xi1>, vector<16xi32>
      %parallel_loop3A_232 = arith.select %parallel_loop3A_223, %parallel_loop3A_219, %parallel_loop3A_193 : vector<16xi1>, vector<16xf32>
      %parallel_loop3A_233 = arith.select %parallel_loop3A_223, %parallel_loop3A_221, %parallel_loop3A_194 : vector<16xi1>, vector<16xi32>
      %parallel_loop3A_234 = arith.select %parallel_loop3A_222, %parallel_loop3A_189, %parallel_loop3A_232 : vector<16xi1>, vector<16xf32>
      %parallel_loop3A_235 = arith.select %parallel_loop3A_222, %parallel_loop3A_190, %parallel_loop3A_233 : vector<16xi1>, vector<16xi32>
      %parallel_loop3A_236 = arith.select %parallel_loop3A_224, %parallel_loop3A_219, %parallel_loop3A_197 : vector<16xi1>, vector<16xf32>
      %parallel_loop3A_237 = arith.select %parallel_loop3A_224, %parallel_loop3A_221, %parallel_loop3A_198 : vector<16xi1>, vector<16xi32>
      %parallel_loop3A_238 = arith.select %parallel_loop3A_223, %parallel_loop3A_193, %parallel_loop3A_236 : vector<16xi1>, vector<16xf32>
      %parallel_loop3A_239 = arith.select %parallel_loop3A_223, %parallel_loop3A_194, %parallel_loop3A_237 : vector<16xi1>, vector<16xi32>
      %parallel_loop3A_240 = arith.select %parallel_loop3A_225, %parallel_loop3A_219, %parallel_loop3A_201 : vector<16xi1>, vector<16xf32>
      %parallel_loop3A_241 = arith.select %parallel_loop3A_225, %parallel_loop3A_221, %parallel_loop3A_202 : vector<16xi1>, vector<16xi32>
      %parallel_loop3A_242 = arith.select %parallel_loop3A_224, %parallel_loop3A_197, %parallel_loop3A_240 : vector<16xi1>, vector<16xf32>
      %parallel_loop3A_243 = arith.select %parallel_loop3A_224, %parallel_loop3A_198, %parallel_loop3A_241 : vector<16xi1>, vector<16xi32>
      %parallel_loop3A_244 = arith.select %parallel_loop3A_226, %parallel_loop3A_219, %parallel_loop3A_205 : vector<16xi1>, vector<16xf32>
      %parallel_loop3A_245 = arith.select %parallel_loop3A_226, %parallel_loop3A_221, %parallel_loop3A_206 : vector<16xi1>, vector<16xi32>
      %parallel_loop3A_246 = arith.select %parallel_loop3A_225, %parallel_loop3A_201, %parallel_loop3A_244 : vector<16xi1>, vector<16xf32>
      %parallel_loop3A_247 = arith.select %parallel_loop3A_225, %parallel_loop3A_202, %parallel_loop3A_245 : vector<16xi1>, vector<16xi32>
      %parallel_loop3A_248 = arith.select %parallel_loop3A_227, %parallel_loop3A_219, %parallel_loop3A_209 : vector<16xi1>, vector<16xf32>
      %parallel_loop3A_249 = arith.select %parallel_loop3A_227, %parallel_loop3A_221, %parallel_loop3A_210 : vector<16xi1>, vector<16xi32>
      %parallel_loop3A_250 = arith.select %parallel_loop3A_226, %parallel_loop3A_205, %parallel_loop3A_248 : vector<16xi1>, vector<16xf32>
      %parallel_loop3A_251 = arith.select %parallel_loop3A_226, %parallel_loop3A_206, %parallel_loop3A_249 : vector<16xi1>, vector<16xi32>
      %parallel_loop3A_252 = arith.select %parallel_loop3A_228, %parallel_loop3A_219, %parallel_loop3A_213 : vector<16xi1>, vector<16xf32>
      %parallel_loop3A_253 = arith.select %parallel_loop3A_228, %parallel_loop3A_221, %parallel_loop3A_214 : vector<16xi1>, vector<16xi32>
      %parallel_loop3A_254 = arith.select %parallel_loop3A_227, %parallel_loop3A_209, %parallel_loop3A_252 : vector<16xi1>, vector<16xf32>
      %parallel_loop3A_255 = arith.select %parallel_loop3A_227, %parallel_loop3A_210, %parallel_loop3A_253 : vector<16xi1>, vector<16xi32>
      %parallel_loop3A_256 = arith.select %parallel_loop3A_229, %parallel_loop3A_219, %parallel_loop3A_23 : vector<16xi1>, vector<16xf32>
      %parallel_loop3A_257 = arith.select %parallel_loop3A_229, %parallel_loop3A_221, %parallel_loop3A_39 : vector<16xi1>, vector<16xi32>
      %parallel_loop3A_258 = arith.select %parallel_loop3A_228, %parallel_loop3A_213, %parallel_loop3A_256 : vector<16xi1>, vector<16xf32>
      %parallel_loop3A_259 = arith.select %parallel_loop3A_228, %parallel_loop3A_214, %parallel_loop3A_257 : vector<16xi1>, vector<16xi32>
      %parallel_loop3A_260 = arith.constant 8 : i32
      %parallel_loop3A_261 = arith.index_cast %parallel_loop3A_260 : i32 to index
      %parallel_loop3A_262 = arith.index_cast %parallel_loop3A_7 : i32 to index
      %parallel_loop3A_263 = tpu.vector_load %arg5[%parallel_loop3A_261, %parallel_loop3A_262] {strides = array<i32>} : memref<64x256xf32, #tpu.memory_space<vmem>>, vector<1x16xf32>,
      %parallel_loop3A_264 = vector.shape_cast %parallel_loop3A_263 : vector<1x16xf32> to vector<16xf32>
      %parallel_loop3A_265 = arith.constant 8 : i32
      %parallel_loop3A_266 = vector.broadcast %parallel_loop3A_265 : i32 to vector<16xi32>
      %parallel_loop3A_267 = arith.cmpf ogt, %parallel_loop3A_264, %parallel_loop3A_230 : vector<16xf32>
      %parallel_loop3A_268 = arith.cmpf ogt, %parallel_loop3A_264, %parallel_loop3A_234 : vector<16xf32>
      %parallel_loop3A_269 = arith.cmpf ogt, %parallel_loop3A_264, %parallel_loop3A_238 : vector<16xf32>
      %parallel_loop3A_270 = arith.cmpf ogt, %parallel_loop3A_264, %parallel_loop3A_242 : vector<16xf32>
      %parallel_loop3A_271 = arith.cmpf ogt, %parallel_loop3A_264, %parallel_loop3A_246 : vector<16xf32>
      %parallel_loop3A_272 = arith.cmpf ogt, %parallel_loop3A_264, %parallel_loop3A_250 : vector<16xf32>
      %parallel_loop3A_273 = arith.cmpf ogt, %parallel_loop3A_264, %parallel_loop3A_254 : vector<16xf32>
      %parallel_loop3A_274 = arith.cmpf ogt, %parallel_loop3A_264, %parallel_loop3A_258 : vector<16xf32>
      %parallel_loop3A_275 = arith.select %parallel_loop3A_267, %parallel_loop3A_264, %parallel_loop3A_230 : vector<16xi1>, vector<16xf32>
      %parallel_loop3A_276 = arith.select %parallel_loop3A_267, %parallel_loop3A_266, %parallel_loop3A_231 : vector<16xi1>, vector<16xi32>
      %parallel_loop3A_277 = arith.select %parallel_loop3A_268, %parallel_loop3A_264, %parallel_loop3A_234 : vector<16xi1>, vector<16xf32>
      %parallel_loop3A_278 = arith.select %parallel_loop3A_268, %parallel_loop3A_266, %parallel_loop3A_235 : vector<16xi1>, vector<16xi32>
      %parallel_loop3A_279 = arith.select %parallel_loop3A_267, %parallel_loop3A_230, %parallel_loop3A_277 : vector<16xi1>, vector<16xf32>
      %parallel_loop3A_280 = arith.select %parallel_loop3A_267, %parallel_loop3A_231, %parallel_loop3A_278 : vector<16xi1>, vector<16xi32>
      %parallel_loop3A_281 = arith.select %parallel_loop3A_269, %parallel_loop3A_264, %parallel_loop3A_238 : vector<16xi1>, vector<16xf32>
      %parallel_loop3A_282 = arith.select %parallel_loop3A_269, %parallel_loop3A_266, %parallel_loop3A_239 : vector<16xi1>, vector<16xi32>
      %parallel_loop3A_283 = arith.select %parallel_loop3A_268, %parallel_loop3A_234, %parallel_loop3A_281 : vector<16xi1>, vector<16xf32>
      %parallel_loop3A_284 = arith.select %parallel_loop3A_268, %parallel_loop3A_235, %parallel_loop3A_282 : vector<16xi1>, vector<16xi32>
      %parallel_loop3A_285 = arith.select %parallel_loop3A_270, %parallel_loop3A_264, %parallel_loop3A_242 : vector<16xi1>, vector<16xf32>
      %parallel_loop3A_286 = arith.select %parallel_loop3A_270, %parallel_loop3A_266, %parallel_loop3A_243 : vector<16xi1>, vector<16xi32>
      %parallel_loop3A_287 = arith.select %parallel_loop3A_269, %parallel_loop3A_238, %parallel_loop3A_285 : vector<16xi1>, vector<16xf32>
      %parallel_loop3A_288 = arith.select %parallel_loop3A_269, %parallel_loop3A_239, %parallel_loop3A_286 : vector<16xi1>, vector<16xi32>
      %parallel_loop3A_289 = arith.select %parallel_loop3A_271, %parallel_loop3A_264, %parallel_loop3A_246 : vector<16xi1>, vector<16xf32>
      %parallel_loop3A_290 = arith.select %parallel_loop3A_271, %parallel_loop3A_266, %parallel_loop3A_247 : vector<16xi1>, vector<16xi32>
      %parallel_loop3A_291 = arith.select %parallel_loop3A_270, %parallel_loop3A_242, %parallel_loop3A_289 : vector<16xi1>, vector<16xf32>
      %parallel_loop3A_292 = arith.select %parallel_loop3A_270, %parallel_loop3A_243, %parallel_loop3A_290 : vector<16xi1>, vector<16xi32>
      %parallel_loop3A_293 = arith.select %parallel_loop3A_272, %parallel_loop3A_264, %parallel_loop3A_250 : vector<16xi1>, vector<16xf32>
      %parallel_loop3A_294 = arith.select %parallel_loop3A_272, %parallel_loop3A_266, %parallel_loop3A_251 : vector<16xi1>, vector<16xi32>
      %parallel_loop3A_295 = arith.select %parallel_loop3A_271, %parallel_loop3A_246, %parallel_loop3A_293 : vector<16xi1>, vector<16xf32>
      %parallel_loop3A_296 = arith.select %parallel_loop3A_271, %parallel_loop3A_247, %parallel_loop3A_294 : vector<16xi1>, vector<16xi32>
      %parallel_loop3A_297 = arith.select %parallel_loop3A_273, %parallel_loop3A_264, %parallel_loop3A_254 : vector<16xi1>, vector<16xf32>
      %parallel_loop3A_298 = arith.select %parallel_loop3A_273, %parallel_loop3A_266, %parallel_loop3A_255 : vector<16xi1>, vector<16xi32>
      %parallel_loop3A_299 = arith.select %parallel_loop3A_272, %parallel_loop3A_250, %parallel_loop3A_297 : vector<16xi1>, vector<16xf32>
      %parallel_loop3A_300 = arith.select %parallel_loop3A_272, %parallel_loop3A_251, %parallel_loop3A_298 : vector<16xi1>, vector<16xi32>
      %parallel_loop3A_301 = arith.select %parallel_loop3A_274, %parallel_loop3A_264, %parallel_loop3A_258 : vector<16xi1>, vector<16xf32>
      %parallel_loop3A_302 = arith.select %parallel_loop3A_274, %parallel_loop3A_266, %parallel_loop3A_259 : vector<16xi1>, vector<16xi32>
      %parallel_loop3A_303 = arith.select %parallel_loop3A_273, %parallel_loop3A_254, %parallel_loop3A_301 : vector<16xi1>, vector<16xf32>
      %parallel_loop3A_304 = arith.select %parallel_loop3A_273, %parallel_loop3A_255, %parallel_loop3A_302 : vector<16xi1>, vector<16xi32>
      %parallel_loop3A_305 = arith.constant 9 : i32
      %parallel_loop3A_306 = arith.index_cast %parallel_loop3A_305 : i32 to index
      %parallel_loop3A_307 = arith.index_cast %parallel_loop3A_7 : i32 to index
      %parallel_loop3A_308 = tpu.vector_load %arg5[%parallel_loop3A_306, %parallel_loop3A_307] {strides = array<i32>} : memref<64x256xf32, #tpu.memory_space<vmem>>, vector<1x16xf32>,
      %parallel_loop3A_309 = vector.shape_cast %parallel_loop3A_308 : vector<1x16xf32> to vector<16xf32>
      %parallel_loop3A_310 = arith.constant 9 : i32
      %parallel_loop3A_311 = vector.broadcast %parallel_loop3A_310 : i32 to vector<16xi32>
      %parallel_loop3A_312 = arith.cmpf ogt, %parallel_loop3A_309, %parallel_loop3A_275 : vector<16xf32>
      %parallel_loop3A_313 = arith.cmpf ogt, %parallel_loop3A_309, %parallel_loop3A_279 : vector<16xf32>
      %parallel_loop3A_314 = arith.cmpf ogt, %parallel_loop3A_309, %parallel_loop3A_283 : vector<16xf32>
      %parallel_loop3A_315 = arith.cmpf ogt, %parallel_loop3A_309, %parallel_loop3A_287 : vector<16xf32>
      %parallel_loop3A_316 = arith.cmpf ogt, %parallel_loop3A_309, %parallel_loop3A_291 : vector<16xf32>
      %parallel_loop3A_317 = arith.cmpf ogt, %parallel_loop3A_309, %parallel_loop3A_295 : vector<16xf32>
      %parallel_loop3A_318 = arith.cmpf ogt, %parallel_loop3A_309, %parallel_loop3A_299 : vector<16xf32>
      %parallel_loop3A_319 = arith.cmpf ogt, %parallel_loop3A_309, %parallel_loop3A_303 : vector<16xf32>
      %parallel_loop3A_320 = arith.select %parallel_loop3A_312, %parallel_loop3A_309, %parallel_loop3A_275 : vector<16xi1>, vector<16xf32>
      %parallel_loop3A_321 = arith.select %parallel_loop3A_312, %parallel_loop3A_311, %parallel_loop3A_276 : vector<16xi1>, vector<16xi32>
      %parallel_loop3A_322 = arith.select %parallel_loop3A_313, %parallel_loop3A_309, %parallel_loop3A_279 : vector<16xi1>, vector<16xf32>
      %parallel_loop3A_323 = arith.select %parallel_loop3A_313, %parallel_loop3A_311, %parallel_loop3A_280 : vector<16xi1>, vector<16xi32>
      %parallel_loop3A_324 = arith.select %parallel_loop3A_312, %parallel_loop3A_275, %parallel_loop3A_322 : vector<16xi1>, vector<16xf32>
      %parallel_loop3A_325 = arith.select %parallel_loop3A_312, %parallel_loop3A_276, %parallel_loop3A_323 : vector<16xi1>, vector<16xi32>
      %parallel_loop3A_326 = arith.select %parallel_loop3A_314, %parallel_loop3A_309, %parallel_loop3A_283 : vector<16xi1>, vector<16xf32>
      %parallel_loop3A_327 = arith.select %parallel_loop3A_314, %parallel_loop3A_311, %parallel_loop3A_284 : vector<16xi1>, vector<16xi32>
      %parallel_loop3A_328 = arith.select %parallel_loop3A_313, %parallel_loop3A_279, %parallel_loop3A_326 : vector<16xi1>, vector<16xf32>
      %parallel_loop3A_329 = arith.select %parallel_loop3A_313, %parallel_loop3A_280, %parallel_loop3A_327 : vector<16xi1>, vector<16xi32>
      %parallel_loop3A_330 = arith.select %parallel_loop3A_315, %parallel_loop3A_309, %parallel_loop3A_287 : vector<16xi1>, vector<16xf32>
      %parallel_loop3A_331 = arith.select %parallel_loop3A_315, %parallel_loop3A_311, %parallel_loop3A_288 : vector<16xi1>, vector<16xi32>
      %parallel_loop3A_332 = arith.select %parallel_loop3A_314, %parallel_loop3A_283, %parallel_loop3A_330 : vector<16xi1>, vector<16xf32>
      %parallel_loop3A_333 = arith.select %parallel_loop3A_314, %parallel_loop3A_284, %parallel_loop3A_331 : vector<16xi1>, vector<16xi32>
      %parallel_loop3A_334 = arith.select %parallel_loop3A_316, %parallel_loop3A_309, %parallel_loop3A_291 : vector<16xi1>, vector<16xf32>
      %parallel_loop3A_335 = arith.select %parallel_loop3A_316, %parallel_loop3A_311, %parallel_loop3A_292 : vector<16xi1>, vector<16xi32>
      %parallel_loop3A_336 = arith.select %parallel_loop3A_315, %parallel_loop3A_287, %parallel_loop3A_334 : vector<16xi1>, vector<16xf32>
      %parallel_loop3A_337 = arith.select %parallel_loop3A_315, %parallel_loop3A_288, %parallel_loop3A_335 : vector<16xi1>, vector<16xi32>
      %parallel_loop3A_338 = arith.select %parallel_loop3A_317, %parallel_loop3A_309, %parallel_loop3A_295 : vector<16xi1>, vector<16xf32>
      %parallel_loop3A_339 = arith.select %parallel_loop3A_317, %parallel_loop3A_311, %parallel_loop3A_296 : vector<16xi1>, vector<16xi32>
      %parallel_loop3A_340 = arith.select %parallel_loop3A_316, %parallel_loop3A_291, %parallel_loop3A_338 : vector<16xi1>, vector<16xf32>
      %parallel_loop3A_341 = arith.select %parallel_loop3A_316, %parallel_loop3A_292, %parallel_loop3A_339 : vector<16xi1>, vector<16xi32>
      %parallel_loop3A_342 = arith.select %parallel_loop3A_318, %parallel_loop3A_309, %parallel_loop3A_299 : vector<16xi1>, vector<16xf32>
      %parallel_loop3A_343 = arith.select %parallel_loop3A_318, %parallel_loop3A_311, %parallel_loop3A_300 : vector<16xi1>, vector<16xi32>
      %parallel_loop3A_344 = arith.select %parallel_loop3A_317, %parallel_loop3A_295, %parallel_loop3A_342 : vector<16xi1>, vector<16xf32>
      %parallel_loop3A_345 = arith.select %parallel_loop3A_317, %parallel_loop3A_296, %parallel_loop3A_343 : vector<16xi1>, vector<16xi32>
      %parallel_loop3A_346 = arith.select %parallel_loop3A_319, %parallel_loop3A_309, %parallel_loop3A_303 : vector<16xi1>, vector<16xf32>
      %parallel_loop3A_347 = arith.select %parallel_loop3A_319, %parallel_loop3A_311, %parallel_loop3A_304 : vector<16xi1>, vector<16xi32>
      %parallel_loop3A_348 = arith.select %parallel_loop3A_318, %parallel_loop3A_299, %parallel_loop3A_346 : vector<16xi1>, vector<16xf32>
      %parallel_loop3A_349 = arith.select %parallel_loop3A_318, %parallel_loop3A_300, %parallel_loop3A_347 : vector<16xi1>, vector<16xi32>
      %parallel_loop3A_350 = arith.constant 10 : i32
      %parallel_loop3A_351 = arith.index_cast %parallel_loop3A_350 : i32 to index
      %parallel_loop3A_352 = arith.index_cast %parallel_loop3A_7 : i32 to index
      %parallel_loop3A_353 = tpu.vector_load %arg5[%parallel_loop3A_351, %parallel_loop3A_352] {strides = array<i32>} : memref<64x256xf32, #tpu.memory_space<vmem>>, vector<1x16xf32>,
      %parallel_loop3A_354 = vector.shape_cast %parallel_loop3A_353 : vector<1x16xf32> to vector<16xf32>
      %parallel_loop3A_355 = arith.constant 10 : i32
      %parallel_loop3A_356 = vector.broadcast %parallel_loop3A_355 : i32 to vector<16xi32>
      %parallel_loop3A_357 = arith.cmpf ogt, %parallel_loop3A_354, %parallel_loop3A_320 : vector<16xf32>
      %parallel_loop3A_358 = arith.cmpf ogt, %parallel_loop3A_354, %parallel_loop3A_324 : vector<16xf32>
      %parallel_loop3A_359 = arith.cmpf ogt, %parallel_loop3A_354, %parallel_loop3A_328 : vector<16xf32>
      %parallel_loop3A_360 = arith.cmpf ogt, %parallel_loop3A_354, %parallel_loop3A_332 : vector<16xf32>
      %parallel_loop3A_361 = arith.cmpf ogt, %parallel_loop3A_354, %parallel_loop3A_336 : vector<16xf32>
      %parallel_loop3A_362 = arith.cmpf ogt, %parallel_loop3A_354, %parallel_loop3A_340 : vector<16xf32>
      %parallel_loop3A_363 = arith.cmpf ogt, %parallel_loop3A_354, %parallel_loop3A_344 : vector<16xf32>
      %parallel_loop3A_364 = arith.cmpf ogt, %parallel_loop3A_354, %parallel_loop3A_348 : vector<16xf32>
      %parallel_loop3A_365 = arith.select %parallel_loop3A_357, %parallel_loop3A_354, %parallel_loop3A_320 : vector<16xi1>, vector<16xf32>
      %parallel_loop3A_366 = arith.select %parallel_loop3A_357, %parallel_loop3A_356, %parallel_loop3A_321 : vector<16xi1>, vector<16xi32>
      %parallel_loop3A_367 = arith.select %parallel_loop3A_358, %parallel_loop3A_354, %parallel_loop3A_324 : vector<16xi1>, vector<16xf32>
      %parallel_loop3A_368 = arith.select %parallel_loop3A_358, %parallel_loop3A_356, %parallel_loop3A_325 : vector<16xi1>, vector<16xi32>
      %parallel_loop3A_369 = arith.select %parallel_loop3A_357, %parallel_loop3A_320, %parallel_loop3A_367 : vector<16xi1>, vector<16xf32>
      %parallel_loop3A_370 = arith.select %parallel_loop3A_357, %parallel_loop3A_321, %parallel_loop3A_368 : vector<16xi1>, vector<16xi32>
      %parallel_loop3A_371 = arith.select %parallel_loop3A_359, %parallel_loop3A_354, %parallel_loop3A_328 : vector<16xi1>, vector<16xf32>
      %parallel_loop3A_372 = arith.select %parallel_loop3A_359, %parallel_loop3A_356, %parallel_loop3A_329 : vector<16xi1>, vector<16xi32>
      %parallel_loop3A_373 = arith.select %parallel_loop3A_358, %parallel_loop3A_324, %parallel_loop3A_371 : vector<16xi1>, vector<16xf32>
      %parallel_loop3A_374 = arith.select %parallel_loop3A_358, %parallel_loop3A_325, %parallel_loop3A_372 : vector<16xi1>, vector<16xi32>
      %parallel_loop3A_375 = arith.select %parallel_loop3A_360, %parallel_loop3A_354, %parallel_loop3A_332 : vector<16xi1>, vector<16xf32>
      %parallel_loop3A_376 = arith.select %parallel_loop3A_360, %parallel_loop3A_356, %parallel_loop3A_333 : vector<16xi1>, vector<16xi32>
      %parallel_loop3A_377 = arith.select %parallel_loop3A_359, %parallel_loop3A_328, %parallel_loop3A_375 : vector<16xi1>, vector<16xf32>
      %parallel_loop3A_378 = arith.select %parallel_loop3A_359, %parallel_loop3A_329, %parallel_loop3A_376 : vector<16xi1>, vector<16xi32>
      %parallel_loop3A_379 = arith.select %parallel_loop3A_361, %parallel_loop3A_354, %parallel_loop3A_336 : vector<16xi1>, vector<16xf32>
      %parallel_loop3A_380 = arith.select %parallel_loop3A_361, %parallel_loop3A_356, %parallel_loop3A_337 : vector<16xi1>, vector<16xi32>
      %parallel_loop3A_381 = arith.select %parallel_loop3A_360, %parallel_loop3A_332, %parallel_loop3A_379 : vector<16xi1>, vector<16xf32>
      %parallel_loop3A_382 = arith.select %parallel_loop3A_360, %parallel_loop3A_333, %parallel_loop3A_380 : vector<16xi1>, vector<16xi32>
      %parallel_loop3A_383 = arith.select %parallel_loop3A_362, %parallel_loop3A_354, %parallel_loop3A_340 : vector<16xi1>, vector<16xf32>
      %parallel_loop3A_384 = arith.select %parallel_loop3A_362, %parallel_loop3A_356, %parallel_loop3A_341 : vector<16xi1>, vector<16xi32>
      %parallel_loop3A_385 = arith.select %parallel_loop3A_361, %parallel_loop3A_336, %parallel_loop3A_383 : vector<16xi1>, vector<16xf32>
      %parallel_loop3A_386 = arith.select %parallel_loop3A_361, %parallel_loop3A_337, %parallel_loop3A_384 : vector<16xi1>, vector<16xi32>
      %parallel_loop3A_387 = arith.select %parallel_loop3A_363, %parallel_loop3A_354, %parallel_loop3A_344 : vector<16xi1>, vector<16xf32>
      %parallel_loop3A_388 = arith.select %parallel_loop3A_363, %parallel_loop3A_356, %parallel_loop3A_345 : vector<16xi1>, vector<16xi32>
      %parallel_loop3A_389 = arith.select %parallel_loop3A_362, %parallel_loop3A_340, %parallel_loop3A_387 : vector<16xi1>, vector<16xf32>
      %parallel_loop3A_390 = arith.select %parallel_loop3A_362, %parallel_loop3A_341, %parallel_loop3A_388 : vector<16xi1>, vector<16xi32>
      %parallel_loop3A_391 = arith.select %parallel_loop3A_364, %parallel_loop3A_354, %parallel_loop3A_348 : vector<16xi1>, vector<16xf32>
      %parallel_loop3A_392 = arith.select %parallel_loop3A_364, %parallel_loop3A_356, %parallel_loop3A_349 : vector<16xi1>, vector<16xi32>
      %parallel_loop3A_393 = arith.select %parallel_loop3A_363, %parallel_loop3A_344, %parallel_loop3A_391 : vector<16xi1>, vector<16xf32>
      %parallel_loop3A_394 = arith.select %parallel_loop3A_363, %parallel_loop3A_345, %parallel_loop3A_392 : vector<16xi1>, vector<16xi32>
      %parallel_loop3A_395 = arith.constant 11 : i32
      %parallel_loop3A_396 = arith.index_cast %parallel_loop3A_395 : i32 to index
      %parallel_loop3A_397 = arith.index_cast %parallel_loop3A_7 : i32 to index
      %parallel_loop3A_398 = tpu.vector_load %arg5[%parallel_loop3A_396, %parallel_loop3A_397] {strides = array<i32>} : memref<64x256xf32, #tpu.memory_space<vmem>>, vector<1x16xf32>,
      %parallel_loop3A_399 = vector.shape_cast %parallel_loop3A_398 : vector<1x16xf32> to vector<16xf32>
      %parallel_loop3A_400 = arith.constant 11 : i32
      %parallel_loop3A_401 = vector.broadcast %parallel_loop3A_400 : i32 to vector<16xi32>
      %parallel_loop3A_402 = arith.cmpf ogt, %parallel_loop3A_399, %parallel_loop3A_365 : vector<16xf32>
      %parallel_loop3A_403 = arith.cmpf ogt, %parallel_loop3A_399, %parallel_loop3A_369 : vector<16xf32>
      %parallel_loop3A_404 = arith.cmpf ogt, %parallel_loop3A_399, %parallel_loop3A_373 : vector<16xf32>
      %parallel_loop3A_405 = arith.cmpf ogt, %parallel_loop3A_399, %parallel_loop3A_377 : vector<16xf32>
      %parallel_loop3A_406 = arith.cmpf ogt, %parallel_loop3A_399, %parallel_loop3A_381 : vector<16xf32>
      %parallel_loop3A_407 = arith.cmpf ogt, %parallel_loop3A_399, %parallel_loop3A_385 : vector<16xf32>
      %parallel_loop3A_408 = arith.cmpf ogt, %parallel_loop3A_399, %parallel_loop3A_389 : vector<16xf32>
      %parallel_loop3A_409 = arith.cmpf ogt, %parallel_loop3A_399, %parallel_loop3A_393 : vector<16xf32>
      %parallel_loop3A_410 = arith.select %parallel_loop3A_402, %parallel_loop3A_399, %parallel_loop3A_365 : vector<16xi1>, vector<16xf32>
      %parallel_loop3A_411 = arith.select %parallel_loop3A_402, %parallel_loop3A_401, %parallel_loop3A_366 : vector<16xi1>, vector<16xi32>
      %parallel_loop3A_412 = arith.select %parallel_loop3A_403, %parallel_loop3A_399, %parallel_loop3A_369 : vector<16xi1>, vector<16xf32>
      %parallel_loop3A_413 = arith.select %parallel_loop3A_403, %parallel_loop3A_401, %parallel_loop3A_370 : vector<16xi1>, vector<16xi32>
      %parallel_loop3A_414 = arith.select %parallel_loop3A_402, %parallel_loop3A_365, %parallel_loop3A_412 : vector<16xi1>, vector<16xf32>
      %parallel_loop3A_415 = arith.select %parallel_loop3A_402, %parallel_loop3A_366, %parallel_loop3A_413 : vector<16xi1>, vector<16xi32>
      %parallel_loop3A_416 = arith.select %parallel_loop3A_404, %parallel_loop3A_399, %parallel_loop3A_373 : vector<16xi1>, vector<16xf32>
      %parallel_loop3A_417 = arith.select %parallel_loop3A_404, %parallel_loop3A_401, %parallel_loop3A_374 : vector<16xi1>, vector<16xi32>
      %parallel_loop3A_418 = arith.select %parallel_loop3A_403, %parallel_loop3A_369, %parallel_loop3A_416 : vector<16xi1>, vector<16xf32>
      %parallel_loop3A_419 = arith.select %parallel_loop3A_403, %parallel_loop3A_370, %parallel_loop3A_417 : vector<16xi1>, vector<16xi32>
      %parallel_loop3A_420 = arith.select %parallel_loop3A_405, %parallel_loop3A_399, %parallel_loop3A_377 : vector<16xi1>, vector<16xf32>
      %parallel_loop3A_421 = arith.select %parallel_loop3A_405, %parallel_loop3A_401, %parallel_loop3A_378 : vector<16xi1>, vector<16xi32>
      %parallel_loop3A_422 = arith.select %parallel_loop3A_404, %parallel_loop3A_373, %parallel_loop3A_420 : vector<16xi1>, vector<16xf32>
      %parallel_loop3A_423 = arith.select %parallel_loop3A_404, %parallel_loop3A_374, %parallel_loop3A_421 : vector<16xi1>, vector<16xi32>
      %parallel_loop3A_424 = arith.select %parallel_loop3A_406, %parallel_loop3A_399, %parallel_loop3A_381 : vector<16xi1>, vector<16xf32>
      %parallel_loop3A_425 = arith.select %parallel_loop3A_406, %parallel_loop3A_401, %parallel_loop3A_382 : vector<16xi1>, vector<16xi32>
      %parallel_loop3A_426 = arith.select %parallel_loop3A_405, %parallel_loop3A_377, %parallel_loop3A_424 : vector<16xi1>, vector<16xf32>
      %parallel_loop3A_427 = arith.select %parallel_loop3A_405, %parallel_loop3A_378, %parallel_loop3A_425 : vector<16xi1>, vector<16xi32>
      %parallel_loop3A_428 = arith.select %parallel_loop3A_407, %parallel_loop3A_399, %parallel_loop3A_385 : vector<16xi1>, vector<16xf32>
      %parallel_loop3A_429 = arith.select %parallel_loop3A_407, %parallel_loop3A_401, %parallel_loop3A_386 : vector<16xi1>, vector<16xi32>
      %parallel_loop3A_430 = arith.select %parallel_loop3A_406, %parallel_loop3A_381, %parallel_loop3A_428 : vector<16xi1>, vector<16xf32>
      %parallel_loop3A_431 = arith.select %parallel_loop3A_406, %parallel_loop3A_382, %parallel_loop3A_429 : vector<16xi1>, vector<16xi32>
      %parallel_loop3A_432 = arith.select %parallel_loop3A_408, %parallel_loop3A_399, %parallel_loop3A_389 : vector<16xi1>, vector<16xf32>
      %parallel_loop3A_433 = arith.select %parallel_loop3A_408, %parallel_loop3A_401, %parallel_loop3A_390 : vector<16xi1>, vector<16xi32>
      %parallel_loop3A_434 = arith.select %parallel_loop3A_407, %parallel_loop3A_385, %parallel_loop3A_432 : vector<16xi1>, vector<16xf32>
      %parallel_loop3A_435 = arith.select %parallel_loop3A_407, %parallel_loop3A_386, %parallel_loop3A_433 : vector<16xi1>, vector<16xi32>
      %parallel_loop3A_436 = arith.select %parallel_loop3A_409, %parallel_loop3A_399, %parallel_loop3A_393 : vector<16xi1>, vector<16xf32>
      %parallel_loop3A_437 = arith.select %parallel_loop3A_409, %parallel_loop3A_401, %parallel_loop3A_394 : vector<16xi1>, vector<16xi32>
      %parallel_loop3A_438 = arith.select %parallel_loop3A_408, %parallel_loop3A_389, %parallel_loop3A_436 : vector<16xi1>, vector<16xf32>
      %parallel_loop3A_439 = arith.select %parallel_loop3A_408, %parallel_loop3A_390, %parallel_loop3A_437 : vector<16xi1>, vector<16xi32>
      %parallel_loop3A_440 = arith.constant 12 : i32
      %parallel_loop3A_441 = arith.index_cast %parallel_loop3A_440 : i32 to index
      %parallel_loop3A_442 = arith.index_cast %parallel_loop3A_7 : i32 to index
      %parallel_loop3A_443 = tpu.vector_load %arg5[%parallel_loop3A_441, %parallel_loop3A_442] {strides = array<i32>} : memref<64x256xf32, #tpu.memory_space<vmem>>, vector<1x16xf32>,
      %parallel_loop3A_444 = vector.shape_cast %parallel_loop3A_443 : vector<1x16xf32> to vector<16xf32>
      %parallel_loop3A_445 = arith.constant 12 : i32
      %parallel_loop3A_446 = vector.broadcast %parallel_loop3A_445 : i32 to vector<16xi32>
      %parallel_loop3A_447 = arith.cmpf ogt, %parallel_loop3A_444, %parallel_loop3A_410 : vector<16xf32>
      %parallel_loop3A_448 = arith.cmpf ogt, %parallel_loop3A_444, %parallel_loop3A_414 : vector<16xf32>
      %parallel_loop3A_449 = arith.cmpf ogt, %parallel_loop3A_444, %parallel_loop3A_418 : vector<16xf32>
      %parallel_loop3A_450 = arith.cmpf ogt, %parallel_loop3A_444, %parallel_loop3A_422 : vector<16xf32>
      %parallel_loop3A_451 = arith.cmpf ogt, %parallel_loop3A_444, %parallel_loop3A_426 : vector<16xf32>
      %parallel_loop3A_452 = arith.cmpf ogt, %parallel_loop3A_444, %parallel_loop3A_430 : vector<16xf32>
      %parallel_loop3A_453 = arith.cmpf ogt, %parallel_loop3A_444, %parallel_loop3A_434 : vector<16xf32>
      %parallel_loop3A_454 = arith.cmpf ogt, %parallel_loop3A_444, %parallel_loop3A_438 : vector<16xf32>
      %parallel_loop3A_455 = arith.select %parallel_loop3A_447, %parallel_loop3A_444, %parallel_loop3A_410 : vector<16xi1>, vector<16xf32>
      %parallel_loop3A_456 = arith.select %parallel_loop3A_447, %parallel_loop3A_446, %parallel_loop3A_411 : vector<16xi1>, vector<16xi32>
      %parallel_loop3A_457 = arith.select %parallel_loop3A_448, %parallel_loop3A_444, %parallel_loop3A_414 : vector<16xi1>, vector<16xf32>
      %parallel_loop3A_458 = arith.select %parallel_loop3A_448, %parallel_loop3A_446, %parallel_loop3A_415 : vector<16xi1>, vector<16xi32>
      %parallel_loop3A_459 = arith.select %parallel_loop3A_447, %parallel_loop3A_410, %parallel_loop3A_457 : vector<16xi1>, vector<16xf32>
      %parallel_loop3A_460 = arith.select %parallel_loop3A_447, %parallel_loop3A_411, %parallel_loop3A_458 : vector<16xi1>, vector<16xi32>
      %parallel_loop3A_461 = arith.select %parallel_loop3A_449, %parallel_loop3A_444, %parallel_loop3A_418 : vector<16xi1>, vector<16xf32>
      %parallel_loop3A_462 = arith.select %parallel_loop3A_449, %parallel_loop3A_446, %parallel_loop3A_419 : vector<16xi1>, vector<16xi32>
      %parallel_loop3A_463 = arith.select %parallel_loop3A_448, %parallel_loop3A_414, %parallel_loop3A_461 : vector<16xi1>, vector<16xf32>
      %parallel_loop3A_464 = arith.select %parallel_loop3A_448, %parallel_loop3A_415, %parallel_loop3A_462 : vector<16xi1>, vector<16xi32>
      %parallel_loop3A_465 = arith.select %parallel_loop3A_450, %parallel_loop3A_444, %parallel_loop3A_422 : vector<16xi1>, vector<16xf32>
      %parallel_loop3A_466 = arith.select %parallel_loop3A_450, %parallel_loop3A_446, %parallel_loop3A_423 : vector<16xi1>, vector<16xi32>
      %parallel_loop3A_467 = arith.select %parallel_loop3A_449, %parallel_loop3A_418, %parallel_loop3A_465 : vector<16xi1>, vector<16xf32>
      %parallel_loop3A_468 = arith.select %parallel_loop3A_449, %parallel_loop3A_419, %parallel_loop3A_466 : vector<16xi1>, vector<16xi32>
      %parallel_loop3A_469 = arith.select %parallel_loop3A_451, %parallel_loop3A_444, %parallel_loop3A_426 : vector<16xi1>, vector<16xf32>
      %parallel_loop3A_470 = arith.select %parallel_loop3A_451, %parallel_loop3A_446, %parallel_loop3A_427 : vector<16xi1>, vector<16xi32>
      %parallel_loop3A_471 = arith.select %parallel_loop3A_450, %parallel_loop3A_422, %parallel_loop3A_469 : vector<16xi1>, vector<16xf32>
      %parallel_loop3A_472 = arith.select %parallel_loop3A_450, %parallel_loop3A_423, %parallel_loop3A_470 : vector<16xi1>, vector<16xi32>
      %parallel_loop3A_473 = arith.select %parallel_loop3A_452, %parallel_loop3A_444, %parallel_loop3A_430 : vector<16xi1>, vector<16xf32>
      %parallel_loop3A_474 = arith.select %parallel_loop3A_452, %parallel_loop3A_446, %parallel_loop3A_431 : vector<16xi1>, vector<16xi32>
      %parallel_loop3A_475 = arith.select %parallel_loop3A_451, %parallel_loop3A_426, %parallel_loop3A_473 : vector<16xi1>, vector<16xf32>
      %parallel_loop3A_476 = arith.select %parallel_loop3A_451, %parallel_loop3A_427, %parallel_loop3A_474 : vector<16xi1>, vector<16xi32>
      %parallel_loop3A_477 = arith.select %parallel_loop3A_453, %parallel_loop3A_444, %parallel_loop3A_434 : vector<16xi1>, vector<16xf32>
      %parallel_loop3A_478 = arith.select %parallel_loop3A_453, %parallel_loop3A_446, %parallel_loop3A_435 : vector<16xi1>, vector<16xi32>
      %parallel_loop3A_479 = arith.select %parallel_loop3A_452, %parallel_loop3A_430, %parallel_loop3A_477 : vector<16xi1>, vector<16xf32>
      %parallel_loop3A_480 = arith.select %parallel_loop3A_452, %parallel_loop3A_431, %parallel_loop3A_478 : vector<16xi1>, vector<16xi32>
      %parallel_loop3A_481 = arith.select %parallel_loop3A_454, %parallel_loop3A_444, %parallel_loop3A_438 : vector<16xi1>, vector<16xf32>
      %parallel_loop3A_482 = arith.select %parallel_loop3A_454, %parallel_loop3A_446, %parallel_loop3A_439 : vector<16xi1>, vector<16xi32>
      %parallel_loop3A_483 = arith.select %parallel_loop3A_453, %parallel_loop3A_434, %parallel_loop3A_481 : vector<16xi1>, vector<16xf32>
      %parallel_loop3A_484 = arith.select %parallel_loop3A_453, %parallel_loop3A_435, %parallel_loop3A_482 : vector<16xi1>, vector<16xi32>
      %parallel_loop3A_485 = arith.constant 13 : i32
      %parallel_loop3A_486 = arith.index_cast %parallel_loop3A_485 : i32 to index
      %parallel_loop3A_487 = arith.index_cast %parallel_loop3A_7 : i32 to index
      %parallel_loop3A_488 = tpu.vector_load %arg5[%parallel_loop3A_486, %parallel_loop3A_487] {strides = array<i32>} : memref<64x256xf32, #tpu.memory_space<vmem>>, vector<1x16xf32>,
      %parallel_loop3A_489 = vector.shape_cast %parallel_loop3A_488 : vector<1x16xf32> to vector<16xf32>
      %parallel_loop3A_490 = arith.constant 13 : i32
      %parallel_loop3A_491 = vector.broadcast %parallel_loop3A_490 : i32 to vector<16xi32>
      %parallel_loop3A_492 = arith.cmpf ogt, %parallel_loop3A_489, %parallel_loop3A_455 : vector<16xf32>
      %parallel_loop3A_493 = arith.cmpf ogt, %parallel_loop3A_489, %parallel_loop3A_459 : vector<16xf32>
      %parallel_loop3A_494 = arith.cmpf ogt, %parallel_loop3A_489, %parallel_loop3A_463 : vector<16xf32>
      %parallel_loop3A_495 = arith.cmpf ogt, %parallel_loop3A_489, %parallel_loop3A_467 : vector<16xf32>
      %parallel_loop3A_496 = arith.cmpf ogt, %parallel_loop3A_489, %parallel_loop3A_471 : vector<16xf32>
      %parallel_loop3A_497 = arith.cmpf ogt, %parallel_loop3A_489, %parallel_loop3A_475 : vector<16xf32>
      %parallel_loop3A_498 = arith.cmpf ogt, %parallel_loop3A_489, %parallel_loop3A_479 : vector<16xf32>
      %parallel_loop3A_499 = arith.cmpf ogt, %parallel_loop3A_489, %parallel_loop3A_483 : vector<16xf32>
      %parallel_loop3A_500 = arith.select %parallel_loop3A_492, %parallel_loop3A_489, %parallel_loop3A_455 : vector<16xi1>, vector<16xf32>
      %parallel_loop3A_501 = arith.select %parallel_loop3A_492, %parallel_loop3A_491, %parallel_loop3A_456 : vector<16xi1>, vector<16xi32>
      %parallel_loop3A_502 = arith.select %parallel_loop3A_493, %parallel_loop3A_489, %parallel_loop3A_459 : vector<16xi1>, vector<16xf32>
      %parallel_loop3A_503 = arith.select %parallel_loop3A_493, %parallel_loop3A_491, %parallel_loop3A_460 : vector<16xi1>, vector<16xi32>
      %parallel_loop3A_504 = arith.select %parallel_loop3A_492, %parallel_loop3A_455, %parallel_loop3A_502 : vector<16xi1>, vector<16xf32>
      %parallel_loop3A_505 = arith.select %parallel_loop3A_492, %parallel_loop3A_456, %parallel_loop3A_503 : vector<16xi1>, vector<16xi32>
      %parallel_loop3A_506 = arith.select %parallel_loop3A_494, %parallel_loop3A_489, %parallel_loop3A_463 : vector<16xi1>, vector<16xf32>
      %parallel_loop3A_507 = arith.select %parallel_loop3A_494, %parallel_loop3A_491, %parallel_loop3A_464 : vector<16xi1>, vector<16xi32>
      %parallel_loop3A_508 = arith.select %parallel_loop3A_493, %parallel_loop3A_459, %parallel_loop3A_506 : vector<16xi1>, vector<16xf32>
      %parallel_loop3A_509 = arith.select %parallel_loop3A_493, %parallel_loop3A_460, %parallel_loop3A_507 : vector<16xi1>, vector<16xi32>
      %parallel_loop3A_510 = arith.select %parallel_loop3A_495, %parallel_loop3A_489, %parallel_loop3A_467 : vector<16xi1>, vector<16xf32>
      %parallel_loop3A_511 = arith.select %parallel_loop3A_495, %parallel_loop3A_491, %parallel_loop3A_468 : vector<16xi1>, vector<16xi32>
      %parallel_loop3A_512 = arith.select %parallel_loop3A_494, %parallel_loop3A_463, %parallel_loop3A_510 : vector<16xi1>, vector<16xf32>
      %parallel_loop3A_513 = arith.select %parallel_loop3A_494, %parallel_loop3A_464, %parallel_loop3A_511 : vector<16xi1>, vector<16xi32>
      %parallel_loop3A_514 = arith.select %parallel_loop3A_496, %parallel_loop3A_489, %parallel_loop3A_471 : vector<16xi1>, vector<16xf32>
      %parallel_loop3A_515 = arith.select %parallel_loop3A_496, %parallel_loop3A_491, %parallel_loop3A_472 : vector<16xi1>, vector<16xi32>
      %parallel_loop3A_516 = arith.select %parallel_loop3A_495, %parallel_loop3A_467, %parallel_loop3A_514 : vector<16xi1>, vector<16xf32>
      %parallel_loop3A_517 = arith.select %parallel_loop3A_495, %parallel_loop3A_468, %parallel_loop3A_515 : vector<16xi1>, vector<16xi32>
      %parallel_loop3A_518 = arith.select %parallel_loop3A_497, %parallel_loop3A_489, %parallel_loop3A_475 : vector<16xi1>, vector<16xf32>
      %parallel_loop3A_519 = arith.select %parallel_loop3A_497, %parallel_loop3A_491, %parallel_loop3A_476 : vector<16xi1>, vector<16xi32>
      %parallel_loop3A_520 = arith.select %parallel_loop3A_496, %parallel_loop3A_471, %parallel_loop3A_518 : vector<16xi1>, vector<16xf32>
      %parallel_loop3A_521 = arith.select %parallel_loop3A_496, %parallel_loop3A_472, %parallel_loop3A_519 : vector<16xi1>, vector<16xi32>
      %parallel_loop3A_522 = arith.select %parallel_loop3A_498, %parallel_loop3A_489, %parallel_loop3A_479 : vector<16xi1>, vector<16xf32>
      %parallel_loop3A_523 = arith.select %parallel_loop3A_498, %parallel_loop3A_491, %parallel_loop3A_480 : vector<16xi1>, vector<16xi32>
      %parallel_loop3A_524 = arith.select %parallel_loop3A_497, %parallel_loop3A_475, %parallel_loop3A_522 : vector<16xi1>, vector<16xf32>
      %parallel_loop3A_525 = arith.select %parallel_loop3A_497, %parallel_loop3A_476, %parallel_loop3A_523 : vector<16xi1>, vector<16xi32>
      %parallel_loop3A_526 = arith.select %parallel_loop3A_499, %parallel_loop3A_489, %parallel_loop3A_483 : vector<16xi1>, vector<16xf32>
      %parallel_loop3A_527 = arith.select %parallel_loop3A_499, %parallel_loop3A_491, %parallel_loop3A_484 : vector<16xi1>, vector<16xi32>
      %parallel_loop3A_528 = arith.select %parallel_loop3A_498, %parallel_loop3A_479, %parallel_loop3A_526 : vector<16xi1>, vector<16xf32>
      %parallel_loop3A_529 = arith.select %parallel_loop3A_498, %parallel_loop3A_480, %parallel_loop3A_527 : vector<16xi1>, vector<16xi32>
      %parallel_loop3A_530 = arith.constant 14 : i32
      %parallel_loop3A_531 = arith.index_cast %parallel_loop3A_530 : i32 to index
      %parallel_loop3A_532 = arith.index_cast %parallel_loop3A_7 : i32 to index
      %parallel_loop3A_533 = tpu.vector_load %arg5[%parallel_loop3A_531, %parallel_loop3A_532] {strides = array<i32>} : memref<64x256xf32, #tpu.memory_space<vmem>>, vector<1x16xf32>,
      %parallel_loop3A_534 = vector.shape_cast %parallel_loop3A_533 : vector<1x16xf32> to vector<16xf32>
      %parallel_loop3A_535 = arith.constant 14 : i32
      %parallel_loop3A_536 = vector.broadcast %parallel_loop3A_535 : i32 to vector<16xi32>
      %parallel_loop3A_537 = arith.cmpf ogt, %parallel_loop3A_534, %parallel_loop3A_500 : vector<16xf32>
      %parallel_loop3A_538 = arith.cmpf ogt, %parallel_loop3A_534, %parallel_loop3A_504 : vector<16xf32>
      %parallel_loop3A_539 = arith.cmpf ogt, %parallel_loop3A_534, %parallel_loop3A_508 : vector<16xf32>
      %parallel_loop3A_540 = arith.cmpf ogt, %parallel_loop3A_534, %parallel_loop3A_512 : vector<16xf32>
      %parallel_loop3A_541 = arith.cmpf ogt, %parallel_loop3A_534, %parallel_loop3A_516 : vector<16xf32>
      %parallel_loop3A_542 = arith.cmpf ogt, %parallel_loop3A_534, %parallel_loop3A_520 : vector<16xf32>
      %parallel_loop3A_543 = arith.cmpf ogt, %parallel_loop3A_534, %parallel_loop3A_524 : vector<16xf32>
      %parallel_loop3A_544 = arith.cmpf ogt, %parallel_loop3A_534, %parallel_loop3A_528 : vector<16xf32>
      %parallel_loop3A_545 = arith.select %parallel_loop3A_537, %parallel_loop3A_534, %parallel_loop3A_500 : vector<16xi1>, vector<16xf32>
      %parallel_loop3A_546 = arith.select %parallel_loop3A_537, %parallel_loop3A_536, %parallel_loop3A_501 : vector<16xi1>, vector<16xi32>
      %parallel_loop3A_547 = arith.select %parallel_loop3A_538, %parallel_loop3A_534, %parallel_loop3A_504 : vector<16xi1>, vector<16xf32>
      %parallel_loop3A_548 = arith.select %parallel_loop3A_538, %parallel_loop3A_536, %parallel_loop3A_505 : vector<16xi1>, vector<16xi32>
      %parallel_loop3A_549 = arith.select %parallel_loop3A_537, %parallel_loop3A_500, %parallel_loop3A_547 : vector<16xi1>, vector<16xf32>
      %parallel_loop3A_550 = arith.select %parallel_loop3A_537, %parallel_loop3A_501, %parallel_loop3A_548 : vector<16xi1>, vector<16xi32>
      %parallel_loop3A_551 = arith.select %parallel_loop3A_539, %parallel_loop3A_534, %parallel_loop3A_508 : vector<16xi1>, vector<16xf32>
      %parallel_loop3A_552 = arith.select %parallel_loop3A_539, %parallel_loop3A_536, %parallel_loop3A_509 : vector<16xi1>, vector<16xi32>
      %parallel_loop3A_553 = arith.select %parallel_loop3A_538, %parallel_loop3A_504, %parallel_loop3A_551 : vector<16xi1>, vector<16xf32>
      %parallel_loop3A_554 = arith.select %parallel_loop3A_538, %parallel_loop3A_505, %parallel_loop3A_552 : vector<16xi1>, vector<16xi32>
      %parallel_loop3A_555 = arith.select %parallel_loop3A_540, %parallel_loop3A_534, %parallel_loop3A_512 : vector<16xi1>, vector<16xf32>
      %parallel_loop3A_556 = arith.select %parallel_loop3A_540, %parallel_loop3A_536, %parallel_loop3A_513 : vector<16xi1>, vector<16xi32>
      %parallel_loop3A_557 = arith.select %parallel_loop3A_539, %parallel_loop3A_508, %parallel_loop3A_555 : vector<16xi1>, vector<16xf32>
      %parallel_loop3A_558 = arith.select %parallel_loop3A_539, %parallel_loop3A_509, %parallel_loop3A_556 : vector<16xi1>, vector<16xi32>
      %parallel_loop3A_559 = arith.select %parallel_loop3A_541, %parallel_loop3A_534, %parallel_loop3A_516 : vector<16xi1>, vector<16xf32>
      %parallel_loop3A_560 = arith.select %parallel_loop3A_541, %parallel_loop3A_536, %parallel_loop3A_517 : vector<16xi1>, vector<16xi32>
      %parallel_loop3A_561 = arith.select %parallel_loop3A_540, %parallel_loop3A_512, %parallel_loop3A_559 : vector<16xi1>, vector<16xf32>
      %parallel_loop3A_562 = arith.select %parallel_loop3A_540, %parallel_loop3A_513, %parallel_loop3A_560 : vector<16xi1>, vector<16xi32>
      %parallel_loop3A_563 = arith.select %parallel_loop3A_542, %parallel_loop3A_534, %parallel_loop3A_520 : vector<16xi1>, vector<16xf32>
      %parallel_loop3A_564 = arith.select %parallel_loop3A_542, %parallel_loop3A_536, %parallel_loop3A_521 : vector<16xi1>, vector<16xi32>
      %parallel_loop3A_565 = arith.select %parallel_loop3A_541, %parallel_loop3A_516, %parallel_loop3A_563 : vector<16xi1>, vector<16xf32>
      %parallel_loop3A_566 = arith.select %parallel_loop3A_541, %parallel_loop3A_517, %parallel_loop3A_564 : vector<16xi1>, vector<16xi32>
      %parallel_loop3A_567 = arith.select %parallel_loop3A_543, %parallel_loop3A_534, %parallel_loop3A_524 : vector<16xi1>, vector<16xf32>
      %parallel_loop3A_568 = arith.select %parallel_loop3A_543, %parallel_loop3A_536, %parallel_loop3A_525 : vector<16xi1>, vector<16xi32>
      %parallel_loop3A_569 = arith.select %parallel_loop3A_542, %parallel_loop3A_520, %parallel_loop3A_567 : vector<16xi1>, vector<16xf32>
      %parallel_loop3A_570 = arith.select %parallel_loop3A_542, %parallel_loop3A_521, %parallel_loop3A_568 : vector<16xi1>, vector<16xi32>
      %parallel_loop3A_571 = arith.select %parallel_loop3A_544, %parallel_loop3A_534, %parallel_loop3A_528 : vector<16xi1>, vector<16xf32>
      %parallel_loop3A_572 = arith.select %parallel_loop3A_544, %parallel_loop3A_536, %parallel_loop3A_529 : vector<16xi1>, vector<16xi32>
      %parallel_loop3A_573 = arith.select %parallel_loop3A_543, %parallel_loop3A_524, %parallel_loop3A_571 : vector<16xi1>, vector<16xf32>
      %parallel_loop3A_574 = arith.select %parallel_loop3A_543, %parallel_loop3A_525, %parallel_loop3A_572 : vector<16xi1>, vector<16xi32>
      %parallel_loop3A_575 = arith.constant 15 : i32
      %parallel_loop3A_576 = arith.index_cast %parallel_loop3A_575 : i32 to index
      %parallel_loop3A_577 = arith.index_cast %parallel_loop3A_7 : i32 to index
      %parallel_loop3A_578 = tpu.vector_load %arg5[%parallel_loop3A_576, %parallel_loop3A_577] {strides = array<i32>} : memref<64x256xf32, #tpu.memory_space<vmem>>, vector<1x16xf32>,
      %parallel_loop3A_579 = vector.shape_cast %parallel_loop3A_578 : vector<1x16xf32> to vector<16xf32>
      %parallel_loop3A_580 = arith.constant 15 : i32
      %parallel_loop3A_581 = vector.broadcast %parallel_loop3A_580 : i32 to vector<16xi32>
      %parallel_loop3A_582 = arith.cmpf ogt, %parallel_loop3A_579, %parallel_loop3A_545 : vector<16xf32>
      %parallel_loop3A_583 = arith.cmpf ogt, %parallel_loop3A_579, %parallel_loop3A_549 : vector<16xf32>
      %parallel_loop3A_584 = arith.cmpf ogt, %parallel_loop3A_579, %parallel_loop3A_553 : vector<16xf32>
      %parallel_loop3A_585 = arith.cmpf ogt, %parallel_loop3A_579, %parallel_loop3A_557 : vector<16xf32>
      %parallel_loop3A_586 = arith.cmpf ogt, %parallel_loop3A_579, %parallel_loop3A_561 : vector<16xf32>
      %parallel_loop3A_587 = arith.cmpf ogt, %parallel_loop3A_579, %parallel_loop3A_565 : vector<16xf32>
      %parallel_loop3A_588 = arith.cmpf ogt, %parallel_loop3A_579, %parallel_loop3A_569 : vector<16xf32>
      %parallel_loop3A_589 = arith.cmpf ogt, %parallel_loop3A_579, %parallel_loop3A_573 : vector<16xf32>
      %parallel_loop3A_590 = arith.select %parallel_loop3A_582, %parallel_loop3A_579, %parallel_loop3A_545 : vector<16xi1>, vector<16xf32>
      %parallel_loop3A_591 = arith.select %parallel_loop3A_582, %parallel_loop3A_581, %parallel_loop3A_546 : vector<16xi1>, vector<16xi32>
      %parallel_loop3A_592 = arith.select %parallel_loop3A_583, %parallel_loop3A_579, %parallel_loop3A_549 : vector<16xi1>, vector<16xf32>
      %parallel_loop3A_593 = arith.select %parallel_loop3A_583, %parallel_loop3A_581, %parallel_loop3A_550 : vector<16xi1>, vector<16xi32>
      %parallel_loop3A_594 = arith.select %parallel_loop3A_582, %parallel_loop3A_545, %parallel_loop3A_592 : vector<16xi1>, vector<16xf32>
      %parallel_loop3A_595 = arith.select %parallel_loop3A_582, %parallel_loop3A_546, %parallel_loop3A_593 : vector<16xi1>, vector<16xi32>
      %parallel_loop3A_596 = arith.select %parallel_loop3A_584, %parallel_loop3A_579, %parallel_loop3A_553 : vector<16xi1>, vector<16xf32>
      %parallel_loop3A_597 = arith.select %parallel_loop3A_584, %parallel_loop3A_581, %parallel_loop3A_554 : vector<16xi1>, vector<16xi32>
      %parallel_loop3A_598 = arith.select %parallel_loop3A_583, %parallel_loop3A_549, %parallel_loop3A_596 : vector<16xi1>, vector<16xf32>
      %parallel_loop3A_599 = arith.select %parallel_loop3A_583, %parallel_loop3A_550, %parallel_loop3A_597 : vector<16xi1>, vector<16xi32>
      %parallel_loop3A_600 = arith.select %parallel_loop3A_585, %parallel_loop3A_579, %parallel_loop3A_557 : vector<16xi1>, vector<16xf32>
      %parallel_loop3A_601 = arith.select %parallel_loop3A_585, %parallel_loop3A_581, %parallel_loop3A_558 : vector<16xi1>, vector<16xi32>
      %parallel_loop3A_602 = arith.select %parallel_loop3A_584, %parallel_loop3A_553, %parallel_loop3A_600 : vector<16xi1>, vector<16xf32>
      %parallel_loop3A_603 = arith.select %parallel_loop3A_584, %parallel_loop3A_554, %parallel_loop3A_601 : vector<16xi1>, vector<16xi32>
      %parallel_loop3A_604 = arith.select %parallel_loop3A_586, %parallel_loop3A_579, %parallel_loop3A_561 : vector<16xi1>, vector<16xf32>
      %parallel_loop3A_605 = arith.select %parallel_loop3A_586, %parallel_loop3A_581, %parallel_loop3A_562 : vector<16xi1>, vector<16xi32>
      %parallel_loop3A_606 = arith.select %parallel_loop3A_585, %parallel_loop3A_557, %parallel_loop3A_604 : vector<16xi1>, vector<16xf32>
      %parallel_loop3A_607 = arith.select %parallel_loop3A_585, %parallel_loop3A_558, %parallel_loop3A_605 : vector<16xi1>, vector<16xi32>
      %parallel_loop3A_608 = arith.select %parallel_loop3A_587, %parallel_loop3A_579, %parallel_loop3A_565 : vector<16xi1>, vector<16xf32>
      %parallel_loop3A_609 = arith.select %parallel_loop3A_587, %parallel_loop3A_581, %parallel_loop3A_566 : vector<16xi1>, vector<16xi32>
      %parallel_loop3A_610 = arith.select %parallel_loop3A_586, %parallel_loop3A_561, %parallel_loop3A_608 : vector<16xi1>, vector<16xf32>
      %parallel_loop3A_611 = arith.select %parallel_loop3A_586, %parallel_loop3A_562, %parallel_loop3A_609 : vector<16xi1>, vector<16xi32>
      %parallel_loop3A_612 = arith.select %parallel_loop3A_588, %parallel_loop3A_579, %parallel_loop3A_569 : vector<16xi1>, vector<16xf32>
      %parallel_loop3A_613 = arith.select %parallel_loop3A_588, %parallel_loop3A_581, %parallel_loop3A_570 : vector<16xi1>, vector<16xi32>
      %parallel_loop3A_614 = arith.select %parallel_loop3A_587, %parallel_loop3A_565, %parallel_loop3A_612 : vector<16xi1>, vector<16xf32>
      %parallel_loop3A_615 = arith.select %parallel_loop3A_587, %parallel_loop3A_566, %parallel_loop3A_613 : vector<16xi1>, vector<16xi32>
      %parallel_loop3A_616 = arith.select %parallel_loop3A_589, %parallel_loop3A_579, %parallel_loop3A_573 : vector<16xi1>, vector<16xf32>
      %parallel_loop3A_617 = arith.select %parallel_loop3A_589, %parallel_loop3A_581, %parallel_loop3A_574 : vector<16xi1>, vector<16xi32>
      %parallel_loop3A_618 = arith.select %parallel_loop3A_588, %parallel_loop3A_569, %parallel_loop3A_616 : vector<16xi1>, vector<16xf32>
      %parallel_loop3A_619 = arith.select %parallel_loop3A_588, %parallel_loop3A_570, %parallel_loop3A_617 : vector<16xi1>, vector<16xi32>
      %parallel_loop3A_620 = arith.constant 16 : i32
      %parallel_loop3A_621 = arith.index_cast %parallel_loop3A_620 : i32 to index
      %parallel_loop3A_622 = arith.index_cast %parallel_loop3A_7 : i32 to index
      %parallel_loop3A_623 = tpu.vector_load %arg5[%parallel_loop3A_621, %parallel_loop3A_622] {strides = array<i32>} : memref<64x256xf32, #tpu.memory_space<vmem>>, vector<1x16xf32>,
      %parallel_loop3A_624 = vector.shape_cast %parallel_loop3A_623 : vector<1x16xf32> to vector<16xf32>
      %parallel_loop3A_625 = arith.constant 16 : i32
      %parallel_loop3A_626 = vector.broadcast %parallel_loop3A_625 : i32 to vector<16xi32>
      %parallel_loop3A_627 = arith.cmpf ogt, %parallel_loop3A_624, %parallel_loop3A_590 : vector<16xf32>
      %parallel_loop3A_628 = arith.cmpf ogt, %parallel_loop3A_624, %parallel_loop3A_594 : vector<16xf32>
      %parallel_loop3A_629 = arith.cmpf ogt, %parallel_loop3A_624, %parallel_loop3A_598 : vector<16xf32>
      %parallel_loop3A_630 = arith.cmpf ogt, %parallel_loop3A_624, %parallel_loop3A_602 : vector<16xf32>
      %parallel_loop3A_631 = arith.cmpf ogt, %parallel_loop3A_624, %parallel_loop3A_606 : vector<16xf32>
      %parallel_loop3A_632 = arith.cmpf ogt, %parallel_loop3A_624, %parallel_loop3A_610 : vector<16xf32>
      %parallel_loop3A_633 = arith.cmpf ogt, %parallel_loop3A_624, %parallel_loop3A_614 : vector<16xf32>
      %parallel_loop3A_634 = arith.cmpf ogt, %parallel_loop3A_624, %parallel_loop3A_618 : vector<16xf32>
      %parallel_loop3A_635 = arith.select %parallel_loop3A_627, %parallel_loop3A_624, %parallel_loop3A_590 : vector<16xi1>, vector<16xf32>
      %parallel_loop3A_636 = arith.select %parallel_loop3A_627, %parallel_loop3A_626, %parallel_loop3A_591 : vector<16xi1>, vector<16xi32>
      %parallel_loop3A_637 = arith.select %parallel_loop3A_628, %parallel_loop3A_624, %parallel_loop3A_594 : vector<16xi1>, vector<16xf32>
      %parallel_loop3A_638 = arith.select %parallel_loop3A_628, %parallel_loop3A_626, %parallel_loop3A_595 : vector<16xi1>, vector<16xi32>
      %parallel_loop3A_639 = arith.select %parallel_loop3A_627, %parallel_loop3A_590, %parallel_loop3A_637 : vector<16xi1>, vector<16xf32>
      %parallel_loop3A_640 = arith.select %parallel_loop3A_627, %parallel_loop3A_591, %parallel_loop3A_638 : vector<16xi1>, vector<16xi32>
      %parallel_loop3A_641 = arith.select %parallel_loop3A_629, %parallel_loop3A_624, %parallel_loop3A_598 : vector<16xi1>, vector<16xf32>
      %parallel_loop3A_642 = arith.select %parallel_loop3A_629, %parallel_loop3A_626, %parallel_loop3A_599 : vector<16xi1>, vector<16xi32>
      %parallel_loop3A_643 = arith.select %parallel_loop3A_628, %parallel_loop3A_594, %parallel_loop3A_641 : vector<16xi1>, vector<16xf32>
      %parallel_loop3A_644 = arith.select %parallel_loop3A_628, %parallel_loop3A_595, %parallel_loop3A_642 : vector<16xi1>, vector<16xi32>
      %parallel_loop3A_645 = arith.select %parallel_loop3A_630, %parallel_loop3A_624, %parallel_loop3A_602 : vector<16xi1>, vector<16xf32>
      %parallel_loop3A_646 = arith.select %parallel_loop3A_630, %parallel_loop3A_626, %parallel_loop3A_603 : vector<16xi1>, vector<16xi32>
      %parallel_loop3A_647 = arith.select %parallel_loop3A_629, %parallel_loop3A_598, %parallel_loop3A_645 : vector<16xi1>, vector<16xf32>
      %parallel_loop3A_648 = arith.select %parallel_loop3A_629, %parallel_loop3A_599, %parallel_loop3A_646 : vector<16xi1>, vector<16xi32>
      %parallel_loop3A_649 = arith.select %parallel_loop3A_631, %parallel_loop3A_624, %parallel_loop3A_606 : vector<16xi1>, vector<16xf32>
      %parallel_loop3A_650 = arith.select %parallel_loop3A_631, %parallel_loop3A_626, %parallel_loop3A_607 : vector<16xi1>, vector<16xi32>
      %parallel_loop3A_651 = arith.select %parallel_loop3A_630, %parallel_loop3A_602, %parallel_loop3A_649 : vector<16xi1>, vector<16xf32>
      %parallel_loop3A_652 = arith.select %parallel_loop3A_630, %parallel_loop3A_603, %parallel_loop3A_650 : vector<16xi1>, vector<16xi32>
      %parallel_loop3A_653 = arith.select %parallel_loop3A_632, %parallel_loop3A_624, %parallel_loop3A_610 : vector<16xi1>, vector<16xf32>
      %parallel_loop3A_654 = arith.select %parallel_loop3A_632, %parallel_loop3A_626, %parallel_loop3A_611 : vector<16xi1>, vector<16xi32>
      %parallel_loop3A_655 = arith.select %parallel_loop3A_631, %parallel_loop3A_606, %parallel_loop3A_653 : vector<16xi1>, vector<16xf32>
      %parallel_loop3A_656 = arith.select %parallel_loop3A_631, %parallel_loop3A_607, %parallel_loop3A_654 : vector<16xi1>, vector<16xi32>
      %parallel_loop3A_657 = arith.select %parallel_loop3A_633, %parallel_loop3A_624, %parallel_loop3A_614 : vector<16xi1>, vector<16xf32>
      %parallel_loop3A_658 = arith.select %parallel_loop3A_633, %parallel_loop3A_626, %parallel_loop3A_615 : vector<16xi1>, vector<16xi32>
      %parallel_loop3A_659 = arith.select %parallel_loop3A_632, %parallel_loop3A_610, %parallel_loop3A_657 : vector<16xi1>, vector<16xf32>
      %parallel_loop3A_660 = arith.select %parallel_loop3A_632, %parallel_loop3A_611, %parallel_loop3A_658 : vector<16xi1>, vector<16xi32>
      %parallel_loop3A_661 = arith.select %parallel_loop3A_634, %parallel_loop3A_624, %parallel_loop3A_618 : vector<16xi1>, vector<16xf32>
      %parallel_loop3A_662 = arith.select %parallel_loop3A_634, %parallel_loop3A_626, %parallel_loop3A_619 : vector<16xi1>, vector<16xi32>
      %parallel_loop3A_663 = arith.select %parallel_loop3A_633, %parallel_loop3A_614, %parallel_loop3A_661 : vector<16xi1>, vector<16xf32>
      %parallel_loop3A_664 = arith.select %parallel_loop3A_633, %parallel_loop3A_615, %parallel_loop3A_662 : vector<16xi1>, vector<16xi32>
      %parallel_loop3A_665 = arith.constant 17 : i32
      %parallel_loop3A_666 = arith.index_cast %parallel_loop3A_665 : i32 to index
      %parallel_loop3A_667 = arith.index_cast %parallel_loop3A_7 : i32 to index
      %parallel_loop3A_668 = tpu.vector_load %arg5[%parallel_loop3A_666, %parallel_loop3A_667] {strides = array<i32>} : memref<64x256xf32, #tpu.memory_space<vmem>>, vector<1x16xf32>,
      %parallel_loop3A_669 = vector.shape_cast %parallel_loop3A_668 : vector<1x16xf32> to vector<16xf32>
      %parallel_loop3A_670 = arith.constant 17 : i32
      %parallel_loop3A_671 = vector.broadcast %parallel_loop3A_670 : i32 to vector<16xi32>
      %parallel_loop3A_672 = arith.cmpf ogt, %parallel_loop3A_669, %parallel_loop3A_635 : vector<16xf32>
      %parallel_loop3A_673 = arith.cmpf ogt, %parallel_loop3A_669, %parallel_loop3A_639 : vector<16xf32>
      %parallel_loop3A_674 = arith.cmpf ogt, %parallel_loop3A_669, %parallel_loop3A_643 : vector<16xf32>
      %parallel_loop3A_675 = arith.cmpf ogt, %parallel_loop3A_669, %parallel_loop3A_647 : vector<16xf32>
      %parallel_loop3A_676 = arith.cmpf ogt, %parallel_loop3A_669, %parallel_loop3A_651 : vector<16xf32>
      %parallel_loop3A_677 = arith.cmpf ogt, %parallel_loop3A_669, %parallel_loop3A_655 : vector<16xf32>
      %parallel_loop3A_678 = arith.cmpf ogt, %parallel_loop3A_669, %parallel_loop3A_659 : vector<16xf32>
      %parallel_loop3A_679 = arith.cmpf ogt, %parallel_loop3A_669, %parallel_loop3A_663 : vector<16xf32>
      %parallel_loop3A_680 = arith.select %parallel_loop3A_672, %parallel_loop3A_669, %parallel_loop3A_635 : vector<16xi1>, vector<16xf32>
      %parallel_loop3A_681 = arith.select %parallel_loop3A_672, %parallel_loop3A_671, %parallel_loop3A_636 : vector<16xi1>, vector<16xi32>
      %parallel_loop3A_682 = arith.select %parallel_loop3A_673, %parallel_loop3A_669, %parallel_loop3A_639 : vector<16xi1>, vector<16xf32>
      %parallel_loop3A_683 = arith.select %parallel_loop3A_673, %parallel_loop3A_671, %parallel_loop3A_640 : vector<16xi1>, vector<16xi32>
      %parallel_loop3A_684 = arith.select %parallel_loop3A_672, %parallel_loop3A_635, %parallel_loop3A_682 : vector<16xi1>, vector<16xf32>
      %parallel_loop3A_685 = arith.select %parallel_loop3A_672, %parallel_loop3A_636, %parallel_loop3A_683 : vector<16xi1>, vector<16xi32>
      %parallel_loop3A_686 = arith.select %parallel_loop3A_674, %parallel_loop3A_669, %parallel_loop3A_643 : vector<16xi1>, vector<16xf32>
      %parallel_loop3A_687 = arith.select %parallel_loop3A_674, %parallel_loop3A_671, %parallel_loop3A_644 : vector<16xi1>, vector<16xi32>
      %parallel_loop3A_688 = arith.select %parallel_loop3A_673, %parallel_loop3A_639, %parallel_loop3A_686 : vector<16xi1>, vector<16xf32>
      %parallel_loop3A_689 = arith.select %parallel_loop3A_673, %parallel_loop3A_640, %parallel_loop3A_687 : vector<16xi1>, vector<16xi32>
      %parallel_loop3A_690 = arith.select %parallel_loop3A_675, %parallel_loop3A_669, %parallel_loop3A_647 : vector<16xi1>, vector<16xf32>
      %parallel_loop3A_691 = arith.select %parallel_loop3A_675, %parallel_loop3A_671, %parallel_loop3A_648 : vector<16xi1>, vector<16xi32>
      %parallel_loop3A_692 = arith.select %parallel_loop3A_674, %parallel_loop3A_643, %parallel_loop3A_690 : vector<16xi1>, vector<16xf32>
      %parallel_loop3A_693 = arith.select %parallel_loop3A_674, %parallel_loop3A_644, %parallel_loop3A_691 : vector<16xi1>, vector<16xi32>
      %parallel_loop3A_694 = arith.select %parallel_loop3A_676, %parallel_loop3A_669, %parallel_loop3A_651 : vector<16xi1>, vector<16xf32>
      %parallel_loop3A_695 = arith.select %parallel_loop3A_676, %parallel_loop3A_671, %parallel_loop3A_652 : vector<16xi1>, vector<16xi32>
      %parallel_loop3A_696 = arith.select %parallel_loop3A_675, %parallel_loop3A_647, %parallel_loop3A_694 : vector<16xi1>, vector<16xf32>
      %parallel_loop3A_697 = arith.select %parallel_loop3A_675, %parallel_loop3A_648, %parallel_loop3A_695 : vector<16xi1>, vector<16xi32>
      %parallel_loop3A_698 = arith.select %parallel_loop3A_677, %parallel_loop3A_669, %parallel_loop3A_655 : vector<16xi1>, vector<16xf32>
      %parallel_loop3A_699 = arith.select %parallel_loop3A_677, %parallel_loop3A_671, %parallel_loop3A_656 : vector<16xi1>, vector<16xi32>
      %parallel_loop3A_700 = arith.select %parallel_loop3A_676, %parallel_loop3A_651, %parallel_loop3A_698 : vector<16xi1>, vector<16xf32>
      %parallel_loop3A_701 = arith.select %parallel_loop3A_676, %parallel_loop3A_652, %parallel_loop3A_699 : vector<16xi1>, vector<16xi32>
      %parallel_loop3A_702 = arith.select %parallel_loop3A_678, %parallel_loop3A_669, %parallel_loop3A_659 : vector<16xi1>, vector<16xf32>
      %parallel_loop3A_703 = arith.select %parallel_loop3A_678, %parallel_loop3A_671, %parallel_loop3A_660 : vector<16xi1>, vector<16xi32>
      %parallel_loop3A_704 = arith.select %parallel_loop3A_677, %parallel_loop3A_655, %parallel_loop3A_702 : vector<16xi1>, vector<16xf32>
      %parallel_loop3A_705 = arith.select %parallel_loop3A_677, %parallel_loop3A_656, %parallel_loop3A_703 : vector<16xi1>, vector<16xi32>
      %parallel_loop3A_706 = arith.select %parallel_loop3A_679, %parallel_loop3A_669, %parallel_loop3A_663 : vector<16xi1>, vector<16xf32>
      %parallel_loop3A_707 = arith.select %parallel_loop3A_679, %parallel_loop3A_671, %parallel_loop3A_664 : vector<16xi1>, vector<16xi32>
      %parallel_loop3A_708 = arith.select %parallel_loop3A_678, %parallel_loop3A_659, %parallel_loop3A_706 : vector<16xi1>, vector<16xf32>
      %parallel_loop3A_709 = arith.select %parallel_loop3A_678, %parallel_loop3A_660, %parallel_loop3A_707 : vector<16xi1>, vector<16xi32>
      %parallel_loop3A_710 = arith.constant 18 : i32
      %parallel_loop3A_711 = arith.index_cast %parallel_loop3A_710 : i32 to index
      %parallel_loop3A_712 = arith.index_cast %parallel_loop3A_7 : i32 to index
      %parallel_loop3A_713 = tpu.vector_load %arg5[%parallel_loop3A_711, %parallel_loop3A_712] {strides = array<i32>} : memref<64x256xf32, #tpu.memory_space<vmem>>, vector<1x16xf32>,
      %parallel_loop3A_714 = vector.shape_cast %parallel_loop3A_713 : vector<1x16xf32> to vector<16xf32>
      %parallel_loop3A_715 = arith.constant 18 : i32
      %parallel_loop3A_716 = vector.broadcast %parallel_loop3A_715 : i32 to vector<16xi32>
      %parallel_loop3A_717 = arith.cmpf ogt, %parallel_loop3A_714, %parallel_loop3A_680 : vector<16xf32>
      %parallel_loop3A_718 = arith.cmpf ogt, %parallel_loop3A_714, %parallel_loop3A_684 : vector<16xf32>
      %parallel_loop3A_719 = arith.cmpf ogt, %parallel_loop3A_714, %parallel_loop3A_688 : vector<16xf32>
      %parallel_loop3A_720 = arith.cmpf ogt, %parallel_loop3A_714, %parallel_loop3A_692 : vector<16xf32>
      %parallel_loop3A_721 = arith.cmpf ogt, %parallel_loop3A_714, %parallel_loop3A_696 : vector<16xf32>
      %parallel_loop3A_722 = arith.cmpf ogt, %parallel_loop3A_714, %parallel_loop3A_700 : vector<16xf32>
      %parallel_loop3A_723 = arith.cmpf ogt, %parallel_loop3A_714, %parallel_loop3A_704 : vector<16xf32>
      %parallel_loop3A_724 = arith.cmpf ogt, %parallel_loop3A_714, %parallel_loop3A_708 : vector<16xf32>
      %parallel_loop3A_725 = arith.select %parallel_loop3A_717, %parallel_loop3A_714, %parallel_loop3A_680 : vector<16xi1>, vector<16xf32>
      %parallel_loop3A_726 = arith.select %parallel_loop3A_717, %parallel_loop3A_716, %parallel_loop3A_681 : vector<16xi1>, vector<16xi32>
      %parallel_loop3A_727 = arith.select %parallel_loop3A_718, %parallel_loop3A_714, %parallel_loop3A_684 : vector<16xi1>, vector<16xf32>
      %parallel_loop3A_728 = arith.select %parallel_loop3A_718, %parallel_loop3A_716, %parallel_loop3A_685 : vector<16xi1>, vector<16xi32>
      %parallel_loop3A_729 = arith.select %parallel_loop3A_717, %parallel_loop3A_680, %parallel_loop3A_727 : vector<16xi1>, vector<16xf32>
      %parallel_loop3A_730 = arith.select %parallel_loop3A_717, %parallel_loop3A_681, %parallel_loop3A_728 : vector<16xi1>, vector<16xi32>
      %parallel_loop3A_731 = arith.select %parallel_loop3A_719, %parallel_loop3A_714, %parallel_loop3A_688 : vector<16xi1>, vector<16xf32>
      %parallel_loop3A_732 = arith.select %parallel_loop3A_719, %parallel_loop3A_716, %parallel_loop3A_689 : vector<16xi1>, vector<16xi32>
      %parallel_loop3A_733 = arith.select %parallel_loop3A_718, %parallel_loop3A_684, %parallel_loop3A_731 : vector<16xi1>, vector<16xf32>
      %parallel_loop3A_734 = arith.select %parallel_loop3A_718, %parallel_loop3A_685, %parallel_loop3A_732 : vector<16xi1>, vector<16xi32>
      %parallel_loop3A_735 = arith.select %parallel_loop3A_720, %parallel_loop3A_714, %parallel_loop3A_692 : vector<16xi1>, vector<16xf32>
      %parallel_loop3A_736 = arith.select %parallel_loop3A_720, %parallel_loop3A_716, %parallel_loop3A_693 : vector<16xi1>, vector<16xi32>
      %parallel_loop3A_737 = arith.select %parallel_loop3A_719, %parallel_loop3A_688, %parallel_loop3A_735 : vector<16xi1>, vector<16xf32>
      %parallel_loop3A_738 = arith.select %parallel_loop3A_719, %parallel_loop3A_689, %parallel_loop3A_736 : vector<16xi1>, vector<16xi32>
      %parallel_loop3A_739 = arith.select %parallel_loop3A_721, %parallel_loop3A_714, %parallel_loop3A_696 : vector<16xi1>, vector<16xf32>
      %parallel_loop3A_740 = arith.select %parallel_loop3A_721, %parallel_loop3A_716, %parallel_loop3A_697 : vector<16xi1>, vector<16xi32>
      %parallel_loop3A_741 = arith.select %parallel_loop3A_720, %parallel_loop3A_692, %parallel_loop3A_739 : vector<16xi1>, vector<16xf32>
      %parallel_loop3A_742 = arith.select %parallel_loop3A_720, %parallel_loop3A_693, %parallel_loop3A_740 : vector<16xi1>, vector<16xi32>
      %parallel_loop3A_743 = arith.select %parallel_loop3A_722, %parallel_loop3A_714, %parallel_loop3A_700 : vector<16xi1>, vector<16xf32>
      %parallel_loop3A_744 = arith.select %parallel_loop3A_722, %parallel_loop3A_716, %parallel_loop3A_701 : vector<16xi1>, vector<16xi32>
      %parallel_loop3A_745 = arith.select %parallel_loop3A_721, %parallel_loop3A_696, %parallel_loop3A_743 : vector<16xi1>, vector<16xf32>
      %parallel_loop3A_746 = arith.select %parallel_loop3A_721, %parallel_loop3A_697, %parallel_loop3A_744 : vector<16xi1>, vector<16xi32>
      %parallel_loop3A_747 = arith.select %parallel_loop3A_723, %parallel_loop3A_714, %parallel_loop3A_704 : vector<16xi1>, vector<16xf32>
      %parallel_loop3A_748 = arith.select %parallel_loop3A_723, %parallel_loop3A_716, %parallel_loop3A_705 : vector<16xi1>, vector<16xi32>
      %parallel_loop3A_749 = arith.select %parallel_loop3A_722, %parallel_loop3A_700, %parallel_loop3A_747 : vector<16xi1>, vector<16xf32>
      %parallel_loop3A_750 = arith.select %parallel_loop3A_722, %parallel_loop3A_701, %parallel_loop3A_748 : vector<16xi1>, vector<16xi32>
      %parallel_loop3A_751 = arith.select %parallel_loop3A_724, %parallel_loop3A_714, %parallel_loop3A_708 : vector<16xi1>, vector<16xf32>
      %parallel_loop3A_752 = arith.select %parallel_loop3A_724, %parallel_loop3A_716, %parallel_loop3A_709 : vector<16xi1>, vector<16xi32>
      %parallel_loop3A_753 = arith.select %parallel_loop3A_723, %parallel_loop3A_704, %parallel_loop3A_751 : vector<16xi1>, vector<16xf32>
      %parallel_loop3A_754 = arith.select %parallel_loop3A_723, %parallel_loop3A_705, %parallel_loop3A_752 : vector<16xi1>, vector<16xi32>
      %parallel_loop3A_755 = arith.constant 19 : i32
      %parallel_loop3A_756 = arith.index_cast %parallel_loop3A_755 : i32 to index
      %parallel_loop3A_757 = arith.index_cast %parallel_loop3A_7 : i32 to index
      %parallel_loop3A_758 = tpu.vector_load %arg5[%parallel_loop3A_756, %parallel_loop3A_757] {strides = array<i32>} : memref<64x256xf32, #tpu.memory_space<vmem>>, vector<1x16xf32>,
      %parallel_loop3A_759 = vector.shape_cast %parallel_loop3A_758 : vector<1x16xf32> to vector<16xf32>
      %parallel_loop3A_760 = arith.constant 19 : i32
      %parallel_loop3A_761 = vector.broadcast %parallel_loop3A_760 : i32 to vector<16xi32>
      %parallel_loop3A_762 = arith.cmpf ogt, %parallel_loop3A_759, %parallel_loop3A_725 : vector<16xf32>
      %parallel_loop3A_763 = arith.cmpf ogt, %parallel_loop3A_759, %parallel_loop3A_729 : vector<16xf32>
      %parallel_loop3A_764 = arith.cmpf ogt, %parallel_loop3A_759, %parallel_loop3A_733 : vector<16xf32>
      %parallel_loop3A_765 = arith.cmpf ogt, %parallel_loop3A_759, %parallel_loop3A_737 : vector<16xf32>
      %parallel_loop3A_766 = arith.cmpf ogt, %parallel_loop3A_759, %parallel_loop3A_741 : vector<16xf32>
      %parallel_loop3A_767 = arith.cmpf ogt, %parallel_loop3A_759, %parallel_loop3A_745 : vector<16xf32>
      %parallel_loop3A_768 = arith.cmpf ogt, %parallel_loop3A_759, %parallel_loop3A_749 : vector<16xf32>
      %parallel_loop3A_769 = arith.cmpf ogt, %parallel_loop3A_759, %parallel_loop3A_753 : vector<16xf32>
      %parallel_loop3A_770 = arith.select %parallel_loop3A_762, %parallel_loop3A_759, %parallel_loop3A_725 : vector<16xi1>, vector<16xf32>
      %parallel_loop3A_771 = arith.select %parallel_loop3A_762, %parallel_loop3A_761, %parallel_loop3A_726 : vector<16xi1>, vector<16xi32>
      %parallel_loop3A_772 = arith.select %parallel_loop3A_763, %parallel_loop3A_759, %parallel_loop3A_729 : vector<16xi1>, vector<16xf32>
      %parallel_loop3A_773 = arith.select %parallel_loop3A_763, %parallel_loop3A_761, %parallel_loop3A_730 : vector<16xi1>, vector<16xi32>
      %parallel_loop3A_774 = arith.select %parallel_loop3A_762, %parallel_loop3A_725, %parallel_loop3A_772 : vector<16xi1>, vector<16xf32>
      %parallel_loop3A_775 = arith.select %parallel_loop3A_762, %parallel_loop3A_726, %parallel_loop3A_773 : vector<16xi1>, vector<16xi32>
      %parallel_loop3A_776 = arith.select %parallel_loop3A_764, %parallel_loop3A_759, %parallel_loop3A_733 : vector<16xi1>, vector<16xf32>
      %parallel_loop3A_777 = arith.select %parallel_loop3A_764, %parallel_loop3A_761, %parallel_loop3A_734 : vector<16xi1>, vector<16xi32>
      %parallel_loop3A_778 = arith.select %parallel_loop3A_763, %parallel_loop3A_729, %parallel_loop3A_776 : vector<16xi1>, vector<16xf32>
      %parallel_loop3A_779 = arith.select %parallel_loop3A_763, %parallel_loop3A_730, %parallel_loop3A_777 : vector<16xi1>, vector<16xi32>
      %parallel_loop3A_780 = arith.select %parallel_loop3A_765, %parallel_loop3A_759, %parallel_loop3A_737 : vector<16xi1>, vector<16xf32>
      %parallel_loop3A_781 = arith.select %parallel_loop3A_765, %parallel_loop3A_761, %parallel_loop3A_738 : vector<16xi1>, vector<16xi32>
      %parallel_loop3A_782 = arith.select %parallel_loop3A_764, %parallel_loop3A_733, %parallel_loop3A_780 : vector<16xi1>, vector<16xf32>
      %parallel_loop3A_783 = arith.select %parallel_loop3A_764, %parallel_loop3A_734, %parallel_loop3A_781 : vector<16xi1>, vector<16xi32>
      %parallel_loop3A_784 = arith.select %parallel_loop3A_766, %parallel_loop3A_759, %parallel_loop3A_741 : vector<16xi1>, vector<16xf32>
      %parallel_loop3A_785 = arith.select %parallel_loop3A_766, %parallel_loop3A_761, %parallel_loop3A_742 : vector<16xi1>, vector<16xi32>
      %parallel_loop3A_786 = arith.select %parallel_loop3A_765, %parallel_loop3A_737, %parallel_loop3A_784 : vector<16xi1>, vector<16xf32>
      %parallel_loop3A_787 = arith.select %parallel_loop3A_765, %parallel_loop3A_738, %parallel_loop3A_785 : vector<16xi1>, vector<16xi32>
      %parallel_loop3A_788 = arith.select %parallel_loop3A_767, %parallel_loop3A_759, %parallel_loop3A_745 : vector<16xi1>, vector<16xf32>
      %parallel_loop3A_789 = arith.select %parallel_loop3A_767, %parallel_loop3A_761, %parallel_loop3A_746 : vector<16xi1>, vector<16xi32>
      %parallel_loop3A_790 = arith.select %parallel_loop3A_766, %parallel_loop3A_741, %parallel_loop3A_788 : vector<16xi1>, vector<16xf32>
      %parallel_loop3A_791 = arith.select %parallel_loop3A_766, %parallel_loop3A_742, %parallel_loop3A_789 : vector<16xi1>, vector<16xi32>
      %parallel_loop3A_792 = arith.select %parallel_loop3A_768, %parallel_loop3A_759, %parallel_loop3A_749 : vector<16xi1>, vector<16xf32>
      %parallel_loop3A_793 = arith.select %parallel_loop3A_768, %parallel_loop3A_761, %parallel_loop3A_750 : vector<16xi1>, vector<16xi32>
      %parallel_loop3A_794 = arith.select %parallel_loop3A_767, %parallel_loop3A_745, %parallel_loop3A_792 : vector<16xi1>, vector<16xf32>
      %parallel_loop3A_795 = arith.select %parallel_loop3A_767, %parallel_loop3A_746, %parallel_loop3A_793 : vector<16xi1>, vector<16xi32>
      %parallel_loop3A_796 = arith.select %parallel_loop3A_769, %parallel_loop3A_759, %parallel_loop3A_753 : vector<16xi1>, vector<16xf32>
      %parallel_loop3A_797 = arith.select %parallel_loop3A_769, %parallel_loop3A_761, %parallel_loop3A_754 : vector<16xi1>, vector<16xi32>
      %parallel_loop3A_798 = arith.select %parallel_loop3A_768, %parallel_loop3A_749, %parallel_loop3A_796 : vector<16xi1>, vector<16xf32>
      %parallel_loop3A_799 = arith.select %parallel_loop3A_768, %parallel_loop3A_750, %parallel_loop3A_797 : vector<16xi1>, vector<16xi32>
      %parallel_loop3A_800 = arith.constant 20 : i32
      %parallel_loop3A_801 = arith.index_cast %parallel_loop3A_800 : i32 to index
      %parallel_loop3A_802 = arith.index_cast %parallel_loop3A_7 : i32 to index
      %parallel_loop3A_803 = tpu.vector_load %arg5[%parallel_loop3A_801, %parallel_loop3A_802] {strides = array<i32>} : memref<64x256xf32, #tpu.memory_space<vmem>>, vector<1x16xf32>,
      %parallel_loop3A_804 = vector.shape_cast %parallel_loop3A_803 : vector<1x16xf32> to vector<16xf32>
      %parallel_loop3A_805 = arith.constant 20 : i32
      %parallel_loop3A_806 = vector.broadcast %parallel_loop3A_805 : i32 to vector<16xi32>
      %parallel_loop3A_807 = arith.cmpf ogt, %parallel_loop3A_804, %parallel_loop3A_770 : vector<16xf32>
      %parallel_loop3A_808 = arith.cmpf ogt, %parallel_loop3A_804, %parallel_loop3A_774 : vector<16xf32>
      %parallel_loop3A_809 = arith.cmpf ogt, %parallel_loop3A_804, %parallel_loop3A_778 : vector<16xf32>
      %parallel_loop3A_810 = arith.cmpf ogt, %parallel_loop3A_804, %parallel_loop3A_782 : vector<16xf32>
      %parallel_loop3A_811 = arith.cmpf ogt, %parallel_loop3A_804, %parallel_loop3A_786 : vector<16xf32>
      %parallel_loop3A_812 = arith.cmpf ogt, %parallel_loop3A_804, %parallel_loop3A_790 : vector<16xf32>
      %parallel_loop3A_813 = arith.cmpf ogt, %parallel_loop3A_804, %parallel_loop3A_794 : vector<16xf32>
      %parallel_loop3A_814 = arith.cmpf ogt, %parallel_loop3A_804, %parallel_loop3A_798 : vector<16xf32>
      %parallel_loop3A_815 = arith.select %parallel_loop3A_807, %parallel_loop3A_804, %parallel_loop3A_770 : vector<16xi1>, vector<16xf32>
      %parallel_loop3A_816 = arith.select %parallel_loop3A_807, %parallel_loop3A_806, %parallel_loop3A_771 : vector<16xi1>, vector<16xi32>
      %parallel_loop3A_817 = arith.select %parallel_loop3A_808, %parallel_loop3A_804, %parallel_loop3A_774 : vector<16xi1>, vector<16xf32>
      %parallel_loop3A_818 = arith.select %parallel_loop3A_808, %parallel_loop3A_806, %parallel_loop3A_775 : vector<16xi1>, vector<16xi32>
      %parallel_loop3A_819 = arith.select %parallel_loop3A_807, %parallel_loop3A_770, %parallel_loop3A_817 : vector<16xi1>, vector<16xf32>
      %parallel_loop3A_820 = arith.select %parallel_loop3A_807, %parallel_loop3A_771, %parallel_loop3A_818 : vector<16xi1>, vector<16xi32>
      %parallel_loop3A_821 = arith.select %parallel_loop3A_809, %parallel_loop3A_804, %parallel_loop3A_778 : vector<16xi1>, vector<16xf32>
      %parallel_loop3A_822 = arith.select %parallel_loop3A_809, %parallel_loop3A_806, %parallel_loop3A_779 : vector<16xi1>, vector<16xi32>
      %parallel_loop3A_823 = arith.select %parallel_loop3A_808, %parallel_loop3A_774, %parallel_loop3A_821 : vector<16xi1>, vector<16xf32>
      %parallel_loop3A_824 = arith.select %parallel_loop3A_808, %parallel_loop3A_775, %parallel_loop3A_822 : vector<16xi1>, vector<16xi32>
      %parallel_loop3A_825 = arith.select %parallel_loop3A_810, %parallel_loop3A_804, %parallel_loop3A_782 : vector<16xi1>, vector<16xf32>
      %parallel_loop3A_826 = arith.select %parallel_loop3A_810, %parallel_loop3A_806, %parallel_loop3A_783 : vector<16xi1>, vector<16xi32>
      %parallel_loop3A_827 = arith.select %parallel_loop3A_809, %parallel_loop3A_778, %parallel_loop3A_825 : vector<16xi1>, vector<16xf32>
      %parallel_loop3A_828 = arith.select %parallel_loop3A_809, %parallel_loop3A_779, %parallel_loop3A_826 : vector<16xi1>, vector<16xi32>
      %parallel_loop3A_829 = arith.select %parallel_loop3A_811, %parallel_loop3A_804, %parallel_loop3A_786 : vector<16xi1>, vector<16xf32>
      %parallel_loop3A_830 = arith.select %parallel_loop3A_811, %parallel_loop3A_806, %parallel_loop3A_787 : vector<16xi1>, vector<16xi32>
      %parallel_loop3A_831 = arith.select %parallel_loop3A_810, %parallel_loop3A_782, %parallel_loop3A_829 : vector<16xi1>, vector<16xf32>
      %parallel_loop3A_832 = arith.select %parallel_loop3A_810, %parallel_loop3A_783, %parallel_loop3A_830 : vector<16xi1>, vector<16xi32>
      %parallel_loop3A_833 = arith.select %parallel_loop3A_812, %parallel_loop3A_804, %parallel_loop3A_790 : vector<16xi1>, vector<16xf32>
      %parallel_loop3A_834 = arith.select %parallel_loop3A_812, %parallel_loop3A_806, %parallel_loop3A_791 : vector<16xi1>, vector<16xi32>
      %parallel_loop3A_835 = arith.select %parallel_loop3A_811, %parallel_loop3A_786, %parallel_loop3A_833 : vector<16xi1>, vector<16xf32>
      %parallel_loop3A_836 = arith.select %parallel_loop3A_811, %parallel_loop3A_787, %parallel_loop3A_834 : vector<16xi1>, vector<16xi32>
      %parallel_loop3A_837 = arith.select %parallel_loop3A_813, %parallel_loop3A_804, %parallel_loop3A_794 : vector<16xi1>, vector<16xf32>
      %parallel_loop3A_838 = arith.select %parallel_loop3A_813, %parallel_loop3A_806, %parallel_loop3A_795 : vector<16xi1>, vector<16xi32>
      %parallel_loop3A_839 = arith.select %parallel_loop3A_812, %parallel_loop3A_790, %parallel_loop3A_837 : vector<16xi1>, vector<16xf32>
      %parallel_loop3A_840 = arith.select %parallel_loop3A_812, %parallel_loop3A_791, %parallel_loop3A_838 : vector<16xi1>, vector<16xi32>
      %parallel_loop3A_841 = arith.select %parallel_loop3A_814, %parallel_loop3A_804, %parallel_loop3A_798 : vector<16xi1>, vector<16xf32>
      %parallel_loop3A_842 = arith.select %parallel_loop3A_814, %parallel_loop3A_806, %parallel_loop3A_799 : vector<16xi1>, vector<16xi32>
      %parallel_loop3A_843 = arith.select %parallel_loop3A_813, %parallel_loop3A_794, %parallel_loop3A_841 : vector<16xi1>, vector<16xf32>
      %parallel_loop3A_844 = arith.select %parallel_loop3A_813, %parallel_loop3A_795, %parallel_loop3A_842 : vector<16xi1>, vector<16xi32>
      %parallel_loop3A_845 = arith.constant 21 : i32
      %parallel_loop3A_846 = arith.index_cast %parallel_loop3A_845 : i32 to index
      %parallel_loop3A_847 = arith.index_cast %parallel_loop3A_7 : i32 to index
      %parallel_loop3A_848 = tpu.vector_load %arg5[%parallel_loop3A_846, %parallel_loop3A_847] {strides = array<i32>} : memref<64x256xf32, #tpu.memory_space<vmem>>, vector<1x16xf32>,
      %parallel_loop3A_849 = vector.shape_cast %parallel_loop3A_848 : vector<1x16xf32> to vector<16xf32>
      %parallel_loop3A_850 = arith.constant 21 : i32
      %parallel_loop3A_851 = vector.broadcast %parallel_loop3A_850 : i32 to vector<16xi32>
      %parallel_loop3A_852 = arith.cmpf ogt, %parallel_loop3A_849, %parallel_loop3A_815 : vector<16xf32>
      %parallel_loop3A_853 = arith.cmpf ogt, %parallel_loop3A_849, %parallel_loop3A_819 : vector<16xf32>
      %parallel_loop3A_854 = arith.cmpf ogt, %parallel_loop3A_849, %parallel_loop3A_823 : vector<16xf32>
      %parallel_loop3A_855 = arith.cmpf ogt, %parallel_loop3A_849, %parallel_loop3A_827 : vector<16xf32>
      %parallel_loop3A_856 = arith.cmpf ogt, %parallel_loop3A_849, %parallel_loop3A_831 : vector<16xf32>
      %parallel_loop3A_857 = arith.cmpf ogt, %parallel_loop3A_849, %parallel_loop3A_835 : vector<16xf32>
      %parallel_loop3A_858 = arith.cmpf ogt, %parallel_loop3A_849, %parallel_loop3A_839 : vector<16xf32>
      %parallel_loop3A_859 = arith.cmpf ogt, %parallel_loop3A_849, %parallel_loop3A_843 : vector<16xf32>
      %parallel_loop3A_860 = arith.select %parallel_loop3A_852, %parallel_loop3A_849, %parallel_loop3A_815 : vector<16xi1>, vector<16xf32>
      %parallel_loop3A_861 = arith.select %parallel_loop3A_852, %parallel_loop3A_851, %parallel_loop3A_816 : vector<16xi1>, vector<16xi32>
      %parallel_loop3A_862 = arith.select %parallel_loop3A_853, %parallel_loop3A_849, %parallel_loop3A_819 : vector<16xi1>, vector<16xf32>
      %parallel_loop3A_863 = arith.select %parallel_loop3A_853, %parallel_loop3A_851, %parallel_loop3A_820 : vector<16xi1>, vector<16xi32>
      %parallel_loop3A_864 = arith.select %parallel_loop3A_852, %parallel_loop3A_815, %parallel_loop3A_862 : vector<16xi1>, vector<16xf32>
      %parallel_loop3A_865 = arith.select %parallel_loop3A_852, %parallel_loop3A_816, %parallel_loop3A_863 : vector<16xi1>, vector<16xi32>
      %parallel_loop3A_866 = arith.select %parallel_loop3A_854, %parallel_loop3A_849, %parallel_loop3A_823 : vector<16xi1>, vector<16xf32>
      %parallel_loop3A_867 = arith.select %parallel_loop3A_854, %parallel_loop3A_851, %parallel_loop3A_824 : vector<16xi1>, vector<16xi32>
      %parallel_loop3A_868 = arith.select %parallel_loop3A_853, %parallel_loop3A_819, %parallel_loop3A_866 : vector<16xi1>, vector<16xf32>
      %parallel_loop3A_869 = arith.select %parallel_loop3A_853, %parallel_loop3A_820, %parallel_loop3A_867 : vector<16xi1>, vector<16xi32>
      %parallel_loop3A_870 = arith.select %parallel_loop3A_855, %parallel_loop3A_849, %parallel_loop3A_827 : vector<16xi1>, vector<16xf32>
      %parallel_loop3A_871 = arith.select %parallel_loop3A_855, %parallel_loop3A_851, %parallel_loop3A_828 : vector<16xi1>, vector<16xi32>
      %parallel_loop3A_872 = arith.select %parallel_loop3A_854, %parallel_loop3A_823, %parallel_loop3A_870 : vector<16xi1>, vector<16xf32>
      %parallel_loop3A_873 = arith.select %parallel_loop3A_854, %parallel_loop3A_824, %parallel_loop3A_871 : vector<16xi1>, vector<16xi32>
      %parallel_loop3A_874 = arith.select %parallel_loop3A_856, %parallel_loop3A_849, %parallel_loop3A_831 : vector<16xi1>, vector<16xf32>
      %parallel_loop3A_875 = arith.select %parallel_loop3A_856, %parallel_loop3A_851, %parallel_loop3A_832 : vector<16xi1>, vector<16xi32>
      %parallel_loop3A_876 = arith.select %parallel_loop3A_855, %parallel_loop3A_827, %parallel_loop3A_874 : vector<16xi1>, vector<16xf32>
      %parallel_loop3A_877 = arith.select %parallel_loop3A_855, %parallel_loop3A_828, %parallel_loop3A_875 : vector<16xi1>, vector<16xi32>
      %parallel_loop3A_878 = arith.select %parallel_loop3A_857, %parallel_loop3A_849, %parallel_loop3A_835 : vector<16xi1>, vector<16xf32>
      %parallel_loop3A_879 = arith.select %parallel_loop3A_857, %parallel_loop3A_851, %parallel_loop3A_836 : vector<16xi1>, vector<16xi32>
      %parallel_loop3A_880 = arith.select %parallel_loop3A_856, %parallel_loop3A_831, %parallel_loop3A_878 : vector<16xi1>, vector<16xf32>
      %parallel_loop3A_881 = arith.select %parallel_loop3A_856, %parallel_loop3A_832, %parallel_loop3A_879 : vector<16xi1>, vector<16xi32>
      %parallel_loop3A_882 = arith.select %parallel_loop3A_858, %parallel_loop3A_849, %parallel_loop3A_839 : vector<16xi1>, vector<16xf32>
      %parallel_loop3A_883 = arith.select %parallel_loop3A_858, %parallel_loop3A_851, %parallel_loop3A_840 : vector<16xi1>, vector<16xi32>
      %parallel_loop3A_884 = arith.select %parallel_loop3A_857, %parallel_loop3A_835, %parallel_loop3A_882 : vector<16xi1>, vector<16xf32>
      %parallel_loop3A_885 = arith.select %parallel_loop3A_857, %parallel_loop3A_836, %parallel_loop3A_883 : vector<16xi1>, vector<16xi32>
      %parallel_loop3A_886 = arith.select %parallel_loop3A_859, %parallel_loop3A_849, %parallel_loop3A_843 : vector<16xi1>, vector<16xf32>
      %parallel_loop3A_887 = arith.select %parallel_loop3A_859, %parallel_loop3A_851, %parallel_loop3A_844 : vector<16xi1>, vector<16xi32>
      %parallel_loop3A_888 = arith.select %parallel_loop3A_858, %parallel_loop3A_839, %parallel_loop3A_886 : vector<16xi1>, vector<16xf32>
      %parallel_loop3A_889 = arith.select %parallel_loop3A_858, %parallel_loop3A_840, %parallel_loop3A_887 : vector<16xi1>, vector<16xi32>
      %parallel_loop3A_890 = arith.constant 22 : i32
      %parallel_loop3A_891 = arith.index_cast %parallel_loop3A_890 : i32 to index
      %parallel_loop3A_892 = arith.index_cast %parallel_loop3A_7 : i32 to index
      %parallel_loop3A_893 = tpu.vector_load %arg5[%parallel_loop3A_891, %parallel_loop3A_892] {strides = array<i32>} : memref<64x256xf32, #tpu.memory_space<vmem>>, vector<1x16xf32>,
      %parallel_loop3A_894 = vector.shape_cast %parallel_loop3A_893 : vector<1x16xf32> to vector<16xf32>
      %parallel_loop3A_895 = arith.constant 22 : i32
      %parallel_loop3A_896 = vector.broadcast %parallel_loop3A_895 : i32 to vector<16xi32>
      %parallel_loop3A_897 = arith.cmpf ogt, %parallel_loop3A_894, %parallel_loop3A_860 : vector<16xf32>
      %parallel_loop3A_898 = arith.cmpf ogt, %parallel_loop3A_894, %parallel_loop3A_864 : vector<16xf32>
      %parallel_loop3A_899 = arith.cmpf ogt, %parallel_loop3A_894, %parallel_loop3A_868 : vector<16xf32>
      %parallel_loop3A_900 = arith.cmpf ogt, %parallel_loop3A_894, %parallel_loop3A_872 : vector<16xf32>
      %parallel_loop3A_901 = arith.cmpf ogt, %parallel_loop3A_894, %parallel_loop3A_876 : vector<16xf32>
      %parallel_loop3A_902 = arith.cmpf ogt, %parallel_loop3A_894, %parallel_loop3A_880 : vector<16xf32>
      %parallel_loop3A_903 = arith.cmpf ogt, %parallel_loop3A_894, %parallel_loop3A_884 : vector<16xf32>
      %parallel_loop3A_904 = arith.cmpf ogt, %parallel_loop3A_894, %parallel_loop3A_888 : vector<16xf32>
      %parallel_loop3A_905 = arith.select %parallel_loop3A_897, %parallel_loop3A_894, %parallel_loop3A_860 : vector<16xi1>, vector<16xf32>
      %parallel_loop3A_906 = arith.select %parallel_loop3A_897, %parallel_loop3A_896, %parallel_loop3A_861 : vector<16xi1>, vector<16xi32>
      %parallel_loop3A_907 = arith.select %parallel_loop3A_898, %parallel_loop3A_894, %parallel_loop3A_864 : vector<16xi1>, vector<16xf32>
      %parallel_loop3A_908 = arith.select %parallel_loop3A_898, %parallel_loop3A_896, %parallel_loop3A_865 : vector<16xi1>, vector<16xi32>
      %parallel_loop3A_909 = arith.select %parallel_loop3A_897, %parallel_loop3A_860, %parallel_loop3A_907 : vector<16xi1>, vector<16xf32>
      %parallel_loop3A_910 = arith.select %parallel_loop3A_897, %parallel_loop3A_861, %parallel_loop3A_908 : vector<16xi1>, vector<16xi32>
      %parallel_loop3A_911 = arith.select %parallel_loop3A_899, %parallel_loop3A_894, %parallel_loop3A_868 : vector<16xi1>, vector<16xf32>
      %parallel_loop3A_912 = arith.select %parallel_loop3A_899, %parallel_loop3A_896, %parallel_loop3A_869 : vector<16xi1>, vector<16xi32>
      %parallel_loop3A_913 = arith.select %parallel_loop3A_898, %parallel_loop3A_864, %parallel_loop3A_911 : vector<16xi1>, vector<16xf32>
      %parallel_loop3A_914 = arith.select %parallel_loop3A_898, %parallel_loop3A_865, %parallel_loop3A_912 : vector<16xi1>, vector<16xi32>
      %parallel_loop3A_915 = arith.select %parallel_loop3A_900, %parallel_loop3A_894, %parallel_loop3A_872 : vector<16xi1>, vector<16xf32>
      %parallel_loop3A_916 = arith.select %parallel_loop3A_900, %parallel_loop3A_896, %parallel_loop3A_873 : vector<16xi1>, vector<16xi32>
      %parallel_loop3A_917 = arith.select %parallel_loop3A_899, %parallel_loop3A_868, %parallel_loop3A_915 : vector<16xi1>, vector<16xf32>
      %parallel_loop3A_918 = arith.select %parallel_loop3A_899, %parallel_loop3A_869, %parallel_loop3A_916 : vector<16xi1>, vector<16xi32>
      %parallel_loop3A_919 = arith.select %parallel_loop3A_901, %parallel_loop3A_894, %parallel_loop3A_876 : vector<16xi1>, vector<16xf32>
      %parallel_loop3A_920 = arith.select %parallel_loop3A_901, %parallel_loop3A_896, %parallel_loop3A_877 : vector<16xi1>, vector<16xi32>
      %parallel_loop3A_921 = arith.select %parallel_loop3A_900, %parallel_loop3A_872, %parallel_loop3A_919 : vector<16xi1>, vector<16xf32>
      %parallel_loop3A_922 = arith.select %parallel_loop3A_900, %parallel_loop3A_873, %parallel_loop3A_920 : vector<16xi1>, vector<16xi32>
      %parallel_loop3A_923 = arith.select %parallel_loop3A_902, %parallel_loop3A_894, %parallel_loop3A_880 : vector<16xi1>, vector<16xf32>
      %parallel_loop3A_924 = arith.select %parallel_loop3A_902, %parallel_loop3A_896, %parallel_loop3A_881 : vector<16xi1>, vector<16xi32>
      %parallel_loop3A_925 = arith.select %parallel_loop3A_901, %parallel_loop3A_876, %parallel_loop3A_923 : vector<16xi1>, vector<16xf32>
      %parallel_loop3A_926 = arith.select %parallel_loop3A_901, %parallel_loop3A_877, %parallel_loop3A_924 : vector<16xi1>, vector<16xi32>
      %parallel_loop3A_927 = arith.select %parallel_loop3A_903, %parallel_loop3A_894, %parallel_loop3A_884 : vector<16xi1>, vector<16xf32>
      %parallel_loop3A_928 = arith.select %parallel_loop3A_903, %parallel_loop3A_896, %parallel_loop3A_885 : vector<16xi1>, vector<16xi32>
      %parallel_loop3A_929 = arith.select %parallel_loop3A_902, %parallel_loop3A_880, %parallel_loop3A_927 : vector<16xi1>, vector<16xf32>
      %parallel_loop3A_930 = arith.select %parallel_loop3A_902, %parallel_loop3A_881, %parallel_loop3A_928 : vector<16xi1>, vector<16xi32>
      %parallel_loop3A_931 = arith.select %parallel_loop3A_904, %parallel_loop3A_894, %parallel_loop3A_888 : vector<16xi1>, vector<16xf32>
      %parallel_loop3A_932 = arith.select %parallel_loop3A_904, %parallel_loop3A_896, %parallel_loop3A_889 : vector<16xi1>, vector<16xi32>
      %parallel_loop3A_933 = arith.select %parallel_loop3A_903, %parallel_loop3A_884, %parallel_loop3A_931 : vector<16xi1>, vector<16xf32>
      %parallel_loop3A_934 = arith.select %parallel_loop3A_903, %parallel_loop3A_885, %parallel_loop3A_932 : vector<16xi1>, vector<16xi32>
      %parallel_loop3A_935 = arith.constant 23 : i32
      %parallel_loop3A_936 = arith.index_cast %parallel_loop3A_935 : i32 to index
      %parallel_loop3A_937 = arith.index_cast %parallel_loop3A_7 : i32 to index
      %parallel_loop3A_938 = tpu.vector_load %arg5[%parallel_loop3A_936, %parallel_loop3A_937] {strides = array<i32>} : memref<64x256xf32, #tpu.memory_space<vmem>>, vector<1x16xf32>,
      %parallel_loop3A_939 = vector.shape_cast %parallel_loop3A_938 : vector<1x16xf32> to vector<16xf32>
      %parallel_loop3A_940 = arith.constant 23 : i32
      %parallel_loop3A_941 = vector.broadcast %parallel_loop3A_940 : i32 to vector<16xi32>
      %parallel_loop3A_942 = arith.cmpf ogt, %parallel_loop3A_939, %parallel_loop3A_905 : vector<16xf32>
      %parallel_loop3A_943 = arith.cmpf ogt, %parallel_loop3A_939, %parallel_loop3A_909 : vector<16xf32>
      %parallel_loop3A_944 = arith.cmpf ogt, %parallel_loop3A_939, %parallel_loop3A_913 : vector<16xf32>
      %parallel_loop3A_945 = arith.cmpf ogt, %parallel_loop3A_939, %parallel_loop3A_917 : vector<16xf32>
      %parallel_loop3A_946 = arith.cmpf ogt, %parallel_loop3A_939, %parallel_loop3A_921 : vector<16xf32>
      %parallel_loop3A_947 = arith.cmpf ogt, %parallel_loop3A_939, %parallel_loop3A_925 : vector<16xf32>
      %parallel_loop3A_948 = arith.cmpf ogt, %parallel_loop3A_939, %parallel_loop3A_929 : vector<16xf32>
      %parallel_loop3A_949 = arith.cmpf ogt, %parallel_loop3A_939, %parallel_loop3A_933 : vector<16xf32>
      %parallel_loop3A_950 = arith.select %parallel_loop3A_942, %parallel_loop3A_939, %parallel_loop3A_905 : vector<16xi1>, vector<16xf32>
      %parallel_loop3A_951 = arith.select %parallel_loop3A_942, %parallel_loop3A_941, %parallel_loop3A_906 : vector<16xi1>, vector<16xi32>
      %parallel_loop3A_952 = arith.select %parallel_loop3A_943, %parallel_loop3A_939, %parallel_loop3A_909 : vector<16xi1>, vector<16xf32>
      %parallel_loop3A_953 = arith.select %parallel_loop3A_943, %parallel_loop3A_941, %parallel_loop3A_910 : vector<16xi1>, vector<16xi32>
      %parallel_loop3A_954 = arith.select %parallel_loop3A_942, %parallel_loop3A_905, %parallel_loop3A_952 : vector<16xi1>, vector<16xf32>
      %parallel_loop3A_955 = arith.select %parallel_loop3A_942, %parallel_loop3A_906, %parallel_loop3A_953 : vector<16xi1>, vector<16xi32>
      %parallel_loop3A_956 = arith.select %parallel_loop3A_944, %parallel_loop3A_939, %parallel_loop3A_913 : vector<16xi1>, vector<16xf32>
      %parallel_loop3A_957 = arith.select %parallel_loop3A_944, %parallel_loop3A_941, %parallel_loop3A_914 : vector<16xi1>, vector<16xi32>
      %parallel_loop3A_958 = arith.select %parallel_loop3A_943, %parallel_loop3A_909, %parallel_loop3A_956 : vector<16xi1>, vector<16xf32>
      %parallel_loop3A_959 = arith.select %parallel_loop3A_943, %parallel_loop3A_910, %parallel_loop3A_957 : vector<16xi1>, vector<16xi32>
      %parallel_loop3A_960 = arith.select %parallel_loop3A_945, %parallel_loop3A_939, %parallel_loop3A_917 : vector<16xi1>, vector<16xf32>
      %parallel_loop3A_961 = arith.select %parallel_loop3A_945, %parallel_loop3A_941, %parallel_loop3A_918 : vector<16xi1>, vector<16xi32>
      %parallel_loop3A_962 = arith.select %parallel_loop3A_944, %parallel_loop3A_913, %parallel_loop3A_960 : vector<16xi1>, vector<16xf32>
      %parallel_loop3A_963 = arith.select %parallel_loop3A_944, %parallel_loop3A_914, %parallel_loop3A_961 : vector<16xi1>, vector<16xi32>
      %parallel_loop3A_964 = arith.select %parallel_loop3A_946, %parallel_loop3A_939, %parallel_loop3A_921 : vector<16xi1>, vector<16xf32>
      %parallel_loop3A_965 = arith.select %parallel_loop3A_946, %parallel_loop3A_941, %parallel_loop3A_922 : vector<16xi1>, vector<16xi32>
      %parallel_loop3A_966 = arith.select %parallel_loop3A_945, %parallel_loop3A_917, %parallel_loop3A_964 : vector<16xi1>, vector<16xf32>
      %parallel_loop3A_967 = arith.select %parallel_loop3A_945, %parallel_loop3A_918, %parallel_loop3A_965 : vector<16xi1>, vector<16xi32>
      %parallel_loop3A_968 = arith.select %parallel_loop3A_947, %parallel_loop3A_939, %parallel_loop3A_925 : vector<16xi1>, vector<16xf32>
      %parallel_loop3A_969 = arith.select %parallel_loop3A_947, %parallel_loop3A_941, %parallel_loop3A_926 : vector<16xi1>, vector<16xi32>
      %parallel_loop3A_970 = arith.select %parallel_loop3A_946, %parallel_loop3A_921, %parallel_loop3A_968 : vector<16xi1>, vector<16xf32>
      %parallel_loop3A_971 = arith.select %parallel_loop3A_946, %parallel_loop3A_922, %parallel_loop3A_969 : vector<16xi1>, vector<16xi32>
      %parallel_loop3A_972 = arith.select %parallel_loop3A_948, %parallel_loop3A_939, %parallel_loop3A_929 : vector<16xi1>, vector<16xf32>
      %parallel_loop3A_973 = arith.select %parallel_loop3A_948, %parallel_loop3A_941, %parallel_loop3A_930 : vector<16xi1>, vector<16xi32>
      %parallel_loop3A_974 = arith.select %parallel_loop3A_947, %parallel_loop3A_925, %parallel_loop3A_972 : vector<16xi1>, vector<16xf32>
      %parallel_loop3A_975 = arith.select %parallel_loop3A_947, %parallel_loop3A_926, %parallel_loop3A_973 : vector<16xi1>, vector<16xi32>
      %parallel_loop3A_976 = arith.select %parallel_loop3A_949, %parallel_loop3A_939, %parallel_loop3A_933 : vector<16xi1>, vector<16xf32>
      %parallel_loop3A_977 = arith.select %parallel_loop3A_949, %parallel_loop3A_941, %parallel_loop3A_934 : vector<16xi1>, vector<16xi32>
      %parallel_loop3A_978 = arith.select %parallel_loop3A_948, %parallel_loop3A_929, %parallel_loop3A_976 : vector<16xi1>, vector<16xf32>
      %parallel_loop3A_979 = arith.select %parallel_loop3A_948, %parallel_loop3A_930, %parallel_loop3A_977 : vector<16xi1>, vector<16xi32>
      %parallel_loop3A_980 = arith.constant 24 : i32
      %parallel_loop3A_981 = arith.index_cast %parallel_loop3A_980 : i32 to index
      %parallel_loop3A_982 = arith.index_cast %parallel_loop3A_7 : i32 to index
      %parallel_loop3A_983 = tpu.vector_load %arg5[%parallel_loop3A_981, %parallel_loop3A_982] {strides = array<i32>} : memref<64x256xf32, #tpu.memory_space<vmem>>, vector<1x16xf32>,
      %parallel_loop3A_984 = vector.shape_cast %parallel_loop3A_983 : vector<1x16xf32> to vector<16xf32>
      %parallel_loop3A_985 = arith.constant 24 : i32
      %parallel_loop3A_986 = vector.broadcast %parallel_loop3A_985 : i32 to vector<16xi32>
      %parallel_loop3A_987 = arith.cmpf ogt, %parallel_loop3A_984, %parallel_loop3A_950 : vector<16xf32>
      %parallel_loop3A_988 = arith.cmpf ogt, %parallel_loop3A_984, %parallel_loop3A_954 : vector<16xf32>
      %parallel_loop3A_989 = arith.cmpf ogt, %parallel_loop3A_984, %parallel_loop3A_958 : vector<16xf32>
      %parallel_loop3A_990 = arith.cmpf ogt, %parallel_loop3A_984, %parallel_loop3A_962 : vector<16xf32>
      %parallel_loop3A_991 = arith.cmpf ogt, %parallel_loop3A_984, %parallel_loop3A_966 : vector<16xf32>
      %parallel_loop3A_992 = arith.cmpf ogt, %parallel_loop3A_984, %parallel_loop3A_970 : vector<16xf32>
      %parallel_loop3A_993 = arith.cmpf ogt, %parallel_loop3A_984, %parallel_loop3A_974 : vector<16xf32>
      %parallel_loop3A_994 = arith.cmpf ogt, %parallel_loop3A_984, %parallel_loop3A_978 : vector<16xf32>
      %parallel_loop3A_995 = arith.select %parallel_loop3A_987, %parallel_loop3A_984, %parallel_loop3A_950 : vector<16xi1>, vector<16xf32>
      %parallel_loop3A_996 = arith.select %parallel_loop3A_987, %parallel_loop3A_986, %parallel_loop3A_951 : vector<16xi1>, vector<16xi32>
      %parallel_loop3A_997 = arith.select %parallel_loop3A_988, %parallel_loop3A_984, %parallel_loop3A_954 : vector<16xi1>, vector<16xf32>
      %parallel_loop3A_998 = arith.select %parallel_loop3A_988, %parallel_loop3A_986, %parallel_loop3A_955 : vector<16xi1>, vector<16xi32>
      %parallel_loop3A_999 = arith.select %parallel_loop3A_987, %parallel_loop3A_950, %parallel_loop3A_997 : vector<16xi1>, vector<16xf32>
      %parallel_loop3A_1000 = arith.select %parallel_loop3A_987, %parallel_loop3A_951, %parallel_loop3A_998 : vector<16xi1>, vector<16xi32>
      %parallel_loop3A_1001 = arith.select %parallel_loop3A_989, %parallel_loop3A_984, %parallel_loop3A_958 : vector<16xi1>, vector<16xf32>
      %parallel_loop3A_1002 = arith.select %parallel_loop3A_989, %parallel_loop3A_986, %parallel_loop3A_959 : vector<16xi1>, vector<16xi32>
      %parallel_loop3A_1003 = arith.select %parallel_loop3A_988, %parallel_loop3A_954, %parallel_loop3A_1001 : vector<16xi1>, vector<16xf32>
      %parallel_loop3A_1004 = arith.select %parallel_loop3A_988, %parallel_loop3A_955, %parallel_loop3A_1002 : vector<16xi1>, vector<16xi32>
      %parallel_loop3A_1005 = arith.select %parallel_loop3A_990, %parallel_loop3A_984, %parallel_loop3A_962 : vector<16xi1>, vector<16xf32>
      %parallel_loop3A_1006 = arith.select %parallel_loop3A_990, %parallel_loop3A_986, %parallel_loop3A_963 : vector<16xi1>, vector<16xi32>
      %parallel_loop3A_1007 = arith.select %parallel_loop3A_989, %parallel_loop3A_958, %parallel_loop3A_1005 : vector<16xi1>, vector<16xf32>
      %parallel_loop3A_1008 = arith.select %parallel_loop3A_989, %parallel_loop3A_959, %parallel_loop3A_1006 : vector<16xi1>, vector<16xi32>
      %parallel_loop3A_1009 = arith.select %parallel_loop3A_991, %parallel_loop3A_984, %parallel_loop3A_966 : vector<16xi1>, vector<16xf32>
      %parallel_loop3A_1010 = arith.select %parallel_loop3A_991, %parallel_loop3A_986, %parallel_loop3A_967 : vector<16xi1>, vector<16xi32>
      %parallel_loop3A_1011 = arith.select %parallel_loop3A_990, %parallel_loop3A_962, %parallel_loop3A_1009 : vector<16xi1>, vector<16xf32>
      %parallel_loop3A_1012 = arith.select %parallel_loop3A_990, %parallel_loop3A_963, %parallel_loop3A_1010 : vector<16xi1>, vector<16xi32>
      %parallel_loop3A_1013 = arith.select %parallel_loop3A_992, %parallel_loop3A_984, %parallel_loop3A_970 : vector<16xi1>, vector<16xf32>
      %parallel_loop3A_1014 = arith.select %parallel_loop3A_992, %parallel_loop3A_986, %parallel_loop3A_971 : vector<16xi1>, vector<16xi32>
      %parallel_loop3A_1015 = arith.select %parallel_loop3A_991, %parallel_loop3A_966, %parallel_loop3A_1013 : vector<16xi1>, vector<16xf32>
      %parallel_loop3A_1016 = arith.select %parallel_loop3A_991, %parallel_loop3A_967, %parallel_loop3A_1014 : vector<16xi1>, vector<16xi32>
      %parallel_loop3A_1017 = arith.select %parallel_loop3A_993, %parallel_loop3A_984, %parallel_loop3A_974 : vector<16xi1>, vector<16xf32>
      %parallel_loop3A_1018 = arith.select %parallel_loop3A_993, %parallel_loop3A_986, %parallel_loop3A_975 : vector<16xi1>, vector<16xi32>
      %parallel_loop3A_1019 = arith.select %parallel_loop3A_992, %parallel_loop3A_970, %parallel_loop3A_1017 : vector<16xi1>, vector<16xf32>
      %parallel_loop3A_1020 = arith.select %parallel_loop3A_992, %parallel_loop3A_971, %parallel_loop3A_1018 : vector<16xi1>, vector<16xi32>
      %parallel_loop3A_1021 = arith.select %parallel_loop3A_994, %parallel_loop3A_984, %parallel_loop3A_978 : vector<16xi1>, vector<16xf32>
      %parallel_loop3A_1022 = arith.select %parallel_loop3A_994, %parallel_loop3A_986, %parallel_loop3A_979 : vector<16xi1>, vector<16xi32>
      %parallel_loop3A_1023 = arith.select %parallel_loop3A_993, %parallel_loop3A_974, %parallel_loop3A_1021 : vector<16xi1>, vector<16xf32>
      %parallel_loop3A_1024 = arith.select %parallel_loop3A_993, %parallel_loop3A_975, %parallel_loop3A_1022 : vector<16xi1>, vector<16xi32>
      %parallel_loop3A_1025 = arith.constant 25 : i32
      %parallel_loop3A_1026 = arith.index_cast %parallel_loop3A_1025 : i32 to index
      %parallel_loop3A_1027 = arith.index_cast %parallel_loop3A_7 : i32 to index
      %parallel_loop3A_1028 = tpu.vector_load %arg5[%parallel_loop3A_1026, %parallel_loop3A_1027] {strides = array<i32>} : memref<64x256xf32, #tpu.memory_space<vmem>>, vector<1x16xf32>,
      %parallel_loop3A_1029 = vector.shape_cast %parallel_loop3A_1028 : vector<1x16xf32> to vector<16xf32>
      %parallel_loop3A_1030 = arith.constant 25 : i32
      %parallel_loop3A_1031 = vector.broadcast %parallel_loop3A_1030 : i32 to vector<16xi32>
      %parallel_loop3A_1032 = arith.cmpf ogt, %parallel_loop3A_1029, %parallel_loop3A_995 : vector<16xf32>
      %parallel_loop3A_1033 = arith.cmpf ogt, %parallel_loop3A_1029, %parallel_loop3A_999 : vector<16xf32>
      %parallel_loop3A_1034 = arith.cmpf ogt, %parallel_loop3A_1029, %parallel_loop3A_1003 : vector<16xf32>
      %parallel_loop3A_1035 = arith.cmpf ogt, %parallel_loop3A_1029, %parallel_loop3A_1007 : vector<16xf32>
      %parallel_loop3A_1036 = arith.cmpf ogt, %parallel_loop3A_1029, %parallel_loop3A_1011 : vector<16xf32>
      %parallel_loop3A_1037 = arith.cmpf ogt, %parallel_loop3A_1029, %parallel_loop3A_1015 : vector<16xf32>
      %parallel_loop3A_1038 = arith.cmpf ogt, %parallel_loop3A_1029, %parallel_loop3A_1019 : vector<16xf32>
      %parallel_loop3A_1039 = arith.cmpf ogt, %parallel_loop3A_1029, %parallel_loop3A_1023 : vector<16xf32>
      %parallel_loop3A_1040 = arith.select %parallel_loop3A_1032, %parallel_loop3A_1029, %parallel_loop3A_995 : vector<16xi1>, vector<16xf32>
      %parallel_loop3A_1041 = arith.select %parallel_loop3A_1032, %parallel_loop3A_1031, %parallel_loop3A_996 : vector<16xi1>, vector<16xi32>
      %parallel_loop3A_1042 = arith.select %parallel_loop3A_1033, %parallel_loop3A_1029, %parallel_loop3A_999 : vector<16xi1>, vector<16xf32>
      %parallel_loop3A_1043 = arith.select %parallel_loop3A_1033, %parallel_loop3A_1031, %parallel_loop3A_1000 : vector<16xi1>, vector<16xi32>
      %parallel_loop3A_1044 = arith.select %parallel_loop3A_1032, %parallel_loop3A_995, %parallel_loop3A_1042 : vector<16xi1>, vector<16xf32>
      %parallel_loop3A_1045 = arith.select %parallel_loop3A_1032, %parallel_loop3A_996, %parallel_loop3A_1043 : vector<16xi1>, vector<16xi32>
      %parallel_loop3A_1046 = arith.select %parallel_loop3A_1034, %parallel_loop3A_1029, %parallel_loop3A_1003 : vector<16xi1>, vector<16xf32>
      %parallel_loop3A_1047 = arith.select %parallel_loop3A_1034, %parallel_loop3A_1031, %parallel_loop3A_1004 : vector<16xi1>, vector<16xi32>
      %parallel_loop3A_1048 = arith.select %parallel_loop3A_1033, %parallel_loop3A_999, %parallel_loop3A_1046 : vector<16xi1>, vector<16xf32>
      %parallel_loop3A_1049 = arith.select %parallel_loop3A_1033, %parallel_loop3A_1000, %parallel_loop3A_1047 : vector<16xi1>, vector<16xi32>
      %parallel_loop3A_1050 = arith.select %parallel_loop3A_1035, %parallel_loop3A_1029, %parallel_loop3A_1007 : vector<16xi1>, vector<16xf32>
      %parallel_loop3A_1051 = arith.select %parallel_loop3A_1035, %parallel_loop3A_1031, %parallel_loop3A_1008 : vector<16xi1>, vector<16xi32>
      %parallel_loop3A_1052 = arith.select %parallel_loop3A_1034, %parallel_loop3A_1003, %parallel_loop3A_1050 : vector<16xi1>, vector<16xf32>
      %parallel_loop3A_1053 = arith.select %parallel_loop3A_1034, %parallel_loop3A_1004, %parallel_loop3A_1051 : vector<16xi1>, vector<16xi32>
      %parallel_loop3A_1054 = arith.select %parallel_loop3A_1036, %parallel_loop3A_1029, %parallel_loop3A_1011 : vector<16xi1>, vector<16xf32>
      %parallel_loop3A_1055 = arith.select %parallel_loop3A_1036, %parallel_loop3A_1031, %parallel_loop3A_1012 : vector<16xi1>, vector<16xi32>
      %parallel_loop3A_1056 = arith.select %parallel_loop3A_1035, %parallel_loop3A_1007, %parallel_loop3A_1054 : vector<16xi1>, vector<16xf32>
      %parallel_loop3A_1057 = arith.select %parallel_loop3A_1035, %parallel_loop3A_1008, %parallel_loop3A_1055 : vector<16xi1>, vector<16xi32>
      %parallel_loop3A_1058 = arith.select %parallel_loop3A_1037, %parallel_loop3A_1029, %parallel_loop3A_1015 : vector<16xi1>, vector<16xf32>
      %parallel_loop3A_1059 = arith.select %parallel_loop3A_1037, %parallel_loop3A_1031, %parallel_loop3A_1016 : vector<16xi1>, vector<16xi32>
      %parallel_loop3A_1060 = arith.select %parallel_loop3A_1036, %parallel_loop3A_1011, %parallel_loop3A_1058 : vector<16xi1>, vector<16xf32>
      %parallel_loop3A_1061 = arith.select %parallel_loop3A_1036, %parallel_loop3A_1012, %parallel_loop3A_1059 : vector<16xi1>, vector<16xi32>
      %parallel_loop3A_1062 = arith.select %parallel_loop3A_1038, %parallel_loop3A_1029, %parallel_loop3A_1019 : vector<16xi1>, vector<16xf32>
      %parallel_loop3A_1063 = arith.select %parallel_loop3A_1038, %parallel_loop3A_1031, %parallel_loop3A_1020 : vector<16xi1>, vector<16xi32>
      %parallel_loop3A_1064 = arith.select %parallel_loop3A_1037, %parallel_loop3A_1015, %parallel_loop3A_1062 : vector<16xi1>, vector<16xf32>
      %parallel_loop3A_1065 = arith.select %parallel_loop3A_1037, %parallel_loop3A_1016, %parallel_loop3A_1063 : vector<16xi1>, vector<16xi32>
      %parallel_loop3A_1066 = arith.select %parallel_loop3A_1039, %parallel_loop3A_1029, %parallel_loop3A_1023 : vector<16xi1>, vector<16xf32>
      %parallel_loop3A_1067 = arith.select %parallel_loop3A_1039, %parallel_loop3A_1031, %parallel_loop3A_1024 : vector<16xi1>, vector<16xi32>
      %parallel_loop3A_1068 = arith.select %parallel_loop3A_1038, %parallel_loop3A_1019, %parallel_loop3A_1066 : vector<16xi1>, vector<16xf32>
      %parallel_loop3A_1069 = arith.select %parallel_loop3A_1038, %parallel_loop3A_1020, %parallel_loop3A_1067 : vector<16xi1>, vector<16xi32>
      %parallel_loop3A_1070 = arith.constant 26 : i32
      %parallel_loop3A_1071 = arith.index_cast %parallel_loop3A_1070 : i32 to index
      %parallel_loop3A_1072 = arith.index_cast %parallel_loop3A_7 : i32 to index
      %parallel_loop3A_1073 = tpu.vector_load %arg5[%parallel_loop3A_1071, %parallel_loop3A_1072] {strides = array<i32>} : memref<64x256xf32, #tpu.memory_space<vmem>>, vector<1x16xf32>,
      %parallel_loop3A_1074 = vector.shape_cast %parallel_loop3A_1073 : vector<1x16xf32> to vector<16xf32>
      %parallel_loop3A_1075 = arith.constant 26 : i32
      %parallel_loop3A_1076 = vector.broadcast %parallel_loop3A_1075 : i32 to vector<16xi32>
      %parallel_loop3A_1077 = arith.cmpf ogt, %parallel_loop3A_1074, %parallel_loop3A_1040 : vector<16xf32>
      %parallel_loop3A_1078 = arith.cmpf ogt, %parallel_loop3A_1074, %parallel_loop3A_1044 : vector<16xf32>
      %parallel_loop3A_1079 = arith.cmpf ogt, %parallel_loop3A_1074, %parallel_loop3A_1048 : vector<16xf32>
      %parallel_loop3A_1080 = arith.cmpf ogt, %parallel_loop3A_1074, %parallel_loop3A_1052 : vector<16xf32>
      %parallel_loop3A_1081 = arith.cmpf ogt, %parallel_loop3A_1074, %parallel_loop3A_1056 : vector<16xf32>
      %parallel_loop3A_1082 = arith.cmpf ogt, %parallel_loop3A_1074, %parallel_loop3A_1060 : vector<16xf32>
      %parallel_loop3A_1083 = arith.cmpf ogt, %parallel_loop3A_1074, %parallel_loop3A_1064 : vector<16xf32>
      %parallel_loop3A_1084 = arith.cmpf ogt, %parallel_loop3A_1074, %parallel_loop3A_1068 : vector<16xf32>
      %parallel_loop3A_1085 = arith.select %parallel_loop3A_1077, %parallel_loop3A_1074, %parallel_loop3A_1040 : vector<16xi1>, vector<16xf32>
      %parallel_loop3A_1086 = arith.select %parallel_loop3A_1077, %parallel_loop3A_1076, %parallel_loop3A_1041 : vector<16xi1>, vector<16xi32>
      %parallel_loop3A_1087 = arith.select %parallel_loop3A_1078, %parallel_loop3A_1074, %parallel_loop3A_1044 : vector<16xi1>, vector<16xf32>
      %parallel_loop3A_1088 = arith.select %parallel_loop3A_1078, %parallel_loop3A_1076, %parallel_loop3A_1045 : vector<16xi1>, vector<16xi32>
      %parallel_loop3A_1089 = arith.select %parallel_loop3A_1077, %parallel_loop3A_1040, %parallel_loop3A_1087 : vector<16xi1>, vector<16xf32>
      %parallel_loop3A_1090 = arith.select %parallel_loop3A_1077, %parallel_loop3A_1041, %parallel_loop3A_1088 : vector<16xi1>, vector<16xi32>
      %parallel_loop3A_1091 = arith.select %parallel_loop3A_1079, %parallel_loop3A_1074, %parallel_loop3A_1048 : vector<16xi1>, vector<16xf32>
      %parallel_loop3A_1092 = arith.select %parallel_loop3A_1079, %parallel_loop3A_1076, %parallel_loop3A_1049 : vector<16xi1>, vector<16xi32>
      %parallel_loop3A_1093 = arith.select %parallel_loop3A_1078, %parallel_loop3A_1044, %parallel_loop3A_1091 : vector<16xi1>, vector<16xf32>
      %parallel_loop3A_1094 = arith.select %parallel_loop3A_1078, %parallel_loop3A_1045, %parallel_loop3A_1092 : vector<16xi1>, vector<16xi32>
      %parallel_loop3A_1095 = arith.select %parallel_loop3A_1080, %parallel_loop3A_1074, %parallel_loop3A_1052 : vector<16xi1>, vector<16xf32>
      %parallel_loop3A_1096 = arith.select %parallel_loop3A_1080, %parallel_loop3A_1076, %parallel_loop3A_1053 : vector<16xi1>, vector<16xi32>
      %parallel_loop3A_1097 = arith.select %parallel_loop3A_1079, %parallel_loop3A_1048, %parallel_loop3A_1095 : vector<16xi1>, vector<16xf32>
      %parallel_loop3A_1098 = arith.select %parallel_loop3A_1079, %parallel_loop3A_1049, %parallel_loop3A_1096 : vector<16xi1>, vector<16xi32>
      %parallel_loop3A_1099 = arith.select %parallel_loop3A_1081, %parallel_loop3A_1074, %parallel_loop3A_1056 : vector<16xi1>, vector<16xf32>
      %parallel_loop3A_1100 = arith.select %parallel_loop3A_1081, %parallel_loop3A_1076, %parallel_loop3A_1057 : vector<16xi1>, vector<16xi32>
      %parallel_loop3A_1101 = arith.select %parallel_loop3A_1080, %parallel_loop3A_1052, %parallel_loop3A_1099 : vector<16xi1>, vector<16xf32>
      %parallel_loop3A_1102 = arith.select %parallel_loop3A_1080, %parallel_loop3A_1053, %parallel_loop3A_1100 : vector<16xi1>, vector<16xi32>
      %parallel_loop3A_1103 = arith.select %parallel_loop3A_1082, %parallel_loop3A_1074, %parallel_loop3A_1060 : vector<16xi1>, vector<16xf32>
      %parallel_loop3A_1104 = arith.select %parallel_loop3A_1082, %parallel_loop3A_1076, %parallel_loop3A_1061 : vector<16xi1>, vector<16xi32>
      %parallel_loop3A_1105 = arith.select %parallel_loop3A_1081, %parallel_loop3A_1056, %parallel_loop3A_1103 : vector<16xi1>, vector<16xf32>
      %parallel_loop3A_1106 = arith.select %parallel_loop3A_1081, %parallel_loop3A_1057, %parallel_loop3A_1104 : vector<16xi1>, vector<16xi32>
      %parallel_loop3A_1107 = arith.select %parallel_loop3A_1083, %parallel_loop3A_1074, %parallel_loop3A_1064 : vector<16xi1>, vector<16xf32>
      %parallel_loop3A_1108 = arith.select %parallel_loop3A_1083, %parallel_loop3A_1076, %parallel_loop3A_1065 : vector<16xi1>, vector<16xi32>
      %parallel_loop3A_1109 = arith.select %parallel_loop3A_1082, %parallel_loop3A_1060, %parallel_loop3A_1107 : vector<16xi1>, vector<16xf32>
      %parallel_loop3A_1110 = arith.select %parallel_loop3A_1082, %parallel_loop3A_1061, %parallel_loop3A_1108 : vector<16xi1>, vector<16xi32>
      %parallel_loop3A_1111 = arith.select %parallel_loop3A_1084, %parallel_loop3A_1074, %parallel_loop3A_1068 : vector<16xi1>, vector<16xf32>
      %parallel_loop3A_1112 = arith.select %parallel_loop3A_1084, %parallel_loop3A_1076, %parallel_loop3A_1069 : vector<16xi1>, vector<16xi32>
      %parallel_loop3A_1113 = arith.select %parallel_loop3A_1083, %parallel_loop3A_1064, %parallel_loop3A_1111 : vector<16xi1>, vector<16xf32>
      %parallel_loop3A_1114 = arith.select %parallel_loop3A_1083, %parallel_loop3A_1065, %parallel_loop3A_1112 : vector<16xi1>, vector<16xi32>
      %parallel_loop3A_1115 = arith.constant 27 : i32
      %parallel_loop3A_1116 = arith.index_cast %parallel_loop3A_1115 : i32 to index
      %parallel_loop3A_1117 = arith.index_cast %parallel_loop3A_7 : i32 to index
      %parallel_loop3A_1118 = tpu.vector_load %arg5[%parallel_loop3A_1116, %parallel_loop3A_1117] {strides = array<i32>} : memref<64x256xf32, #tpu.memory_space<vmem>>, vector<1x16xf32>,
      %parallel_loop3A_1119 = vector.shape_cast %parallel_loop3A_1118 : vector<1x16xf32> to vector<16xf32>
      %parallel_loop3A_1120 = arith.constant 27 : i32
      %parallel_loop3A_1121 = vector.broadcast %parallel_loop3A_1120 : i32 to vector<16xi32>
      %parallel_loop3A_1122 = arith.cmpf ogt, %parallel_loop3A_1119, %parallel_loop3A_1085 : vector<16xf32>
      %parallel_loop3A_1123 = arith.cmpf ogt, %parallel_loop3A_1119, %parallel_loop3A_1089 : vector<16xf32>
      %parallel_loop3A_1124 = arith.cmpf ogt, %parallel_loop3A_1119, %parallel_loop3A_1093 : vector<16xf32>
      %parallel_loop3A_1125 = arith.cmpf ogt, %parallel_loop3A_1119, %parallel_loop3A_1097 : vector<16xf32>
      %parallel_loop3A_1126 = arith.cmpf ogt, %parallel_loop3A_1119, %parallel_loop3A_1101 : vector<16xf32>
      %parallel_loop3A_1127 = arith.cmpf ogt, %parallel_loop3A_1119, %parallel_loop3A_1105 : vector<16xf32>
      %parallel_loop3A_1128 = arith.cmpf ogt, %parallel_loop3A_1119, %parallel_loop3A_1109 : vector<16xf32>
      %parallel_loop3A_1129 = arith.cmpf ogt, %parallel_loop3A_1119, %parallel_loop3A_1113 : vector<16xf32>
      %parallel_loop3A_1130 = arith.select %parallel_loop3A_1122, %parallel_loop3A_1119, %parallel_loop3A_1085 : vector<16xi1>, vector<16xf32>
      %parallel_loop3A_1131 = arith.select %parallel_loop3A_1122, %parallel_loop3A_1121, %parallel_loop3A_1086 : vector<16xi1>, vector<16xi32>
      %parallel_loop3A_1132 = arith.select %parallel_loop3A_1123, %parallel_loop3A_1119, %parallel_loop3A_1089 : vector<16xi1>, vector<16xf32>
      %parallel_loop3A_1133 = arith.select %parallel_loop3A_1123, %parallel_loop3A_1121, %parallel_loop3A_1090 : vector<16xi1>, vector<16xi32>
      %parallel_loop3A_1134 = arith.select %parallel_loop3A_1122, %parallel_loop3A_1085, %parallel_loop3A_1132 : vector<16xi1>, vector<16xf32>
      %parallel_loop3A_1135 = arith.select %parallel_loop3A_1122, %parallel_loop3A_1086, %parallel_loop3A_1133 : vector<16xi1>, vector<16xi32>
      %parallel_loop3A_1136 = arith.select %parallel_loop3A_1124, %parallel_loop3A_1119, %parallel_loop3A_1093 : vector<16xi1>, vector<16xf32>
      %parallel_loop3A_1137 = arith.select %parallel_loop3A_1124, %parallel_loop3A_1121, %parallel_loop3A_1094 : vector<16xi1>, vector<16xi32>
      %parallel_loop3A_1138 = arith.select %parallel_loop3A_1123, %parallel_loop3A_1089, %parallel_loop3A_1136 : vector<16xi1>, vector<16xf32>
      %parallel_loop3A_1139 = arith.select %parallel_loop3A_1123, %parallel_loop3A_1090, %parallel_loop3A_1137 : vector<16xi1>, vector<16xi32>
      %parallel_loop3A_1140 = arith.select %parallel_loop3A_1125, %parallel_loop3A_1119, %parallel_loop3A_1097 : vector<16xi1>, vector<16xf32>
      %parallel_loop3A_1141 = arith.select %parallel_loop3A_1125, %parallel_loop3A_1121, %parallel_loop3A_1098 : vector<16xi1>, vector<16xi32>
      %parallel_loop3A_1142 = arith.select %parallel_loop3A_1124, %parallel_loop3A_1093, %parallel_loop3A_1140 : vector<16xi1>, vector<16xf32>
      %parallel_loop3A_1143 = arith.select %parallel_loop3A_1124, %parallel_loop3A_1094, %parallel_loop3A_1141 : vector<16xi1>, vector<16xi32>
      %parallel_loop3A_1144 = arith.select %parallel_loop3A_1126, %parallel_loop3A_1119, %parallel_loop3A_1101 : vector<16xi1>, vector<16xf32>
      %parallel_loop3A_1145 = arith.select %parallel_loop3A_1126, %parallel_loop3A_1121, %parallel_loop3A_1102 : vector<16xi1>, vector<16xi32>
      %parallel_loop3A_1146 = arith.select %parallel_loop3A_1125, %parallel_loop3A_1097, %parallel_loop3A_1144 : vector<16xi1>, vector<16xf32>
      %parallel_loop3A_1147 = arith.select %parallel_loop3A_1125, %parallel_loop3A_1098, %parallel_loop3A_1145 : vector<16xi1>, vector<16xi32>
      %parallel_loop3A_1148 = arith.select %parallel_loop3A_1127, %parallel_loop3A_1119, %parallel_loop3A_1105 : vector<16xi1>, vector<16xf32>
      %parallel_loop3A_1149 = arith.select %parallel_loop3A_1127, %parallel_loop3A_1121, %parallel_loop3A_1106 : vector<16xi1>, vector<16xi32>
      %parallel_loop3A_1150 = arith.select %parallel_loop3A_1126, %parallel_loop3A_1101, %parallel_loop3A_1148 : vector<16xi1>, vector<16xf32>
      %parallel_loop3A_1151 = arith.select %parallel_loop3A_1126, %parallel_loop3A_1102, %parallel_loop3A_1149 : vector<16xi1>, vector<16xi32>
      %parallel_loop3A_1152 = arith.select %parallel_loop3A_1128, %parallel_loop3A_1119, %parallel_loop3A_1109 : vector<16xi1>, vector<16xf32>
      %parallel_loop3A_1153 = arith.select %parallel_loop3A_1128, %parallel_loop3A_1121, %parallel_loop3A_1110 : vector<16xi1>, vector<16xi32>
      %parallel_loop3A_1154 = arith.select %parallel_loop3A_1127, %parallel_loop3A_1105, %parallel_loop3A_1152 : vector<16xi1>, vector<16xf32>
      %parallel_loop3A_1155 = arith.select %parallel_loop3A_1127, %parallel_loop3A_1106, %parallel_loop3A_1153 : vector<16xi1>, vector<16xi32>
      %parallel_loop3A_1156 = arith.select %parallel_loop3A_1129, %parallel_loop3A_1119, %parallel_loop3A_1113 : vector<16xi1>, vector<16xf32>
      %parallel_loop3A_1157 = arith.select %parallel_loop3A_1129, %parallel_loop3A_1121, %parallel_loop3A_1114 : vector<16xi1>, vector<16xi32>
      %parallel_loop3A_1158 = arith.select %parallel_loop3A_1128, %parallel_loop3A_1109, %parallel_loop3A_1156 : vector<16xi1>, vector<16xf32>
      %parallel_loop3A_1159 = arith.select %parallel_loop3A_1128, %parallel_loop3A_1110, %parallel_loop3A_1157 : vector<16xi1>, vector<16xi32>
      %parallel_loop3A_1160 = arith.constant 28 : i32
      %parallel_loop3A_1161 = arith.index_cast %parallel_loop3A_1160 : i32 to index
      %parallel_loop3A_1162 = arith.index_cast %parallel_loop3A_7 : i32 to index
      %parallel_loop3A_1163 = tpu.vector_load %arg5[%parallel_loop3A_1161, %parallel_loop3A_1162] {strides = array<i32>} : memref<64x256xf32, #tpu.memory_space<vmem>>, vector<1x16xf32>,
      %parallel_loop3A_1164 = vector.shape_cast %parallel_loop3A_1163 : vector<1x16xf32> to vector<16xf32>
      %parallel_loop3A_1165 = arith.constant 28 : i32
      %parallel_loop3A_1166 = vector.broadcast %parallel_loop3A_1165 : i32 to vector<16xi32>
      %parallel_loop3A_1167 = arith.cmpf ogt, %parallel_loop3A_1164, %parallel_loop3A_1130 : vector<16xf32>
      %parallel_loop3A_1168 = arith.cmpf ogt, %parallel_loop3A_1164, %parallel_loop3A_1134 : vector<16xf32>
      %parallel_loop3A_1169 = arith.cmpf ogt, %parallel_loop3A_1164, %parallel_loop3A_1138 : vector<16xf32>
      %parallel_loop3A_1170 = arith.cmpf ogt, %parallel_loop3A_1164, %parallel_loop3A_1142 : vector<16xf32>
      %parallel_loop3A_1171 = arith.cmpf ogt, %parallel_loop3A_1164, %parallel_loop3A_1146 : vector<16xf32>
      %parallel_loop3A_1172 = arith.cmpf ogt, %parallel_loop3A_1164, %parallel_loop3A_1150 : vector<16xf32>
      %parallel_loop3A_1173 = arith.cmpf ogt, %parallel_loop3A_1164, %parallel_loop3A_1154 : vector<16xf32>
      %parallel_loop3A_1174 = arith.cmpf ogt, %parallel_loop3A_1164, %parallel_loop3A_1158 : vector<16xf32>
      %parallel_loop3A_1175 = arith.select %parallel_loop3A_1167, %parallel_loop3A_1164, %parallel_loop3A_1130 : vector<16xi1>, vector<16xf32>
      %parallel_loop3A_1176 = arith.select %parallel_loop3A_1167, %parallel_loop3A_1166, %parallel_loop3A_1131 : vector<16xi1>, vector<16xi32>
      %parallel_loop3A_1177 = arith.select %parallel_loop3A_1168, %parallel_loop3A_1164, %parallel_loop3A_1134 : vector<16xi1>, vector<16xf32>
      %parallel_loop3A_1178 = arith.select %parallel_loop3A_1168, %parallel_loop3A_1166, %parallel_loop3A_1135 : vector<16xi1>, vector<16xi32>
      %parallel_loop3A_1179 = arith.select %parallel_loop3A_1167, %parallel_loop3A_1130, %parallel_loop3A_1177 : vector<16xi1>, vector<16xf32>
      %parallel_loop3A_1180 = arith.select %parallel_loop3A_1167, %parallel_loop3A_1131, %parallel_loop3A_1178 : vector<16xi1>, vector<16xi32>
      %parallel_loop3A_1181 = arith.select %parallel_loop3A_1169, %parallel_loop3A_1164, %parallel_loop3A_1138 : vector<16xi1>, vector<16xf32>
      %parallel_loop3A_1182 = arith.select %parallel_loop3A_1169, %parallel_loop3A_1166, %parallel_loop3A_1139 : vector<16xi1>, vector<16xi32>
      %parallel_loop3A_1183 = arith.select %parallel_loop3A_1168, %parallel_loop3A_1134, %parallel_loop3A_1181 : vector<16xi1>, vector<16xf32>
      %parallel_loop3A_1184 = arith.select %parallel_loop3A_1168, %parallel_loop3A_1135, %parallel_loop3A_1182 : vector<16xi1>, vector<16xi32>
      %parallel_loop3A_1185 = arith.select %parallel_loop3A_1170, %parallel_loop3A_1164, %parallel_loop3A_1142 : vector<16xi1>, vector<16xf32>
      %parallel_loop3A_1186 = arith.select %parallel_loop3A_1170, %parallel_loop3A_1166, %parallel_loop3A_1143 : vector<16xi1>, vector<16xi32>
      %parallel_loop3A_1187 = arith.select %parallel_loop3A_1169, %parallel_loop3A_1138, %parallel_loop3A_1185 : vector<16xi1>, vector<16xf32>
      %parallel_loop3A_1188 = arith.select %parallel_loop3A_1169, %parallel_loop3A_1139, %parallel_loop3A_1186 : vector<16xi1>, vector<16xi32>
      %parallel_loop3A_1189 = arith.select %parallel_loop3A_1171, %parallel_loop3A_1164, %parallel_loop3A_1146 : vector<16xi1>, vector<16xf32>
      %parallel_loop3A_1190 = arith.select %parallel_loop3A_1171, %parallel_loop3A_1166, %parallel_loop3A_1147 : vector<16xi1>, vector<16xi32>
      %parallel_loop3A_1191 = arith.select %parallel_loop3A_1170, %parallel_loop3A_1142, %parallel_loop3A_1189 : vector<16xi1>, vector<16xf32>
      %parallel_loop3A_1192 = arith.select %parallel_loop3A_1170, %parallel_loop3A_1143, %parallel_loop3A_1190 : vector<16xi1>, vector<16xi32>
      %parallel_loop3A_1193 = arith.select %parallel_loop3A_1172, %parallel_loop3A_1164, %parallel_loop3A_1150 : vector<16xi1>, vector<16xf32>
      %parallel_loop3A_1194 = arith.select %parallel_loop3A_1172, %parallel_loop3A_1166, %parallel_loop3A_1151 : vector<16xi1>, vector<16xi32>
      %parallel_loop3A_1195 = arith.select %parallel_loop3A_1171, %parallel_loop3A_1146, %parallel_loop3A_1193 : vector<16xi1>, vector<16xf32>
      %parallel_loop3A_1196 = arith.select %parallel_loop3A_1171, %parallel_loop3A_1147, %parallel_loop3A_1194 : vector<16xi1>, vector<16xi32>
      %parallel_loop3A_1197 = arith.select %parallel_loop3A_1173, %parallel_loop3A_1164, %parallel_loop3A_1154 : vector<16xi1>, vector<16xf32>
      %parallel_loop3A_1198 = arith.select %parallel_loop3A_1173, %parallel_loop3A_1166, %parallel_loop3A_1155 : vector<16xi1>, vector<16xi32>
      %parallel_loop3A_1199 = arith.select %parallel_loop3A_1172, %parallel_loop3A_1150, %parallel_loop3A_1197 : vector<16xi1>, vector<16xf32>
      %parallel_loop3A_1200 = arith.select %parallel_loop3A_1172, %parallel_loop3A_1151, %parallel_loop3A_1198 : vector<16xi1>, vector<16xi32>
      %parallel_loop3A_1201 = arith.select %parallel_loop3A_1174, %parallel_loop3A_1164, %parallel_loop3A_1158 : vector<16xi1>, vector<16xf32>
      %parallel_loop3A_1202 = arith.select %parallel_loop3A_1174, %parallel_loop3A_1166, %parallel_loop3A_1159 : vector<16xi1>, vector<16xi32>
      %parallel_loop3A_1203 = arith.select %parallel_loop3A_1173, %parallel_loop3A_1154, %parallel_loop3A_1201 : vector<16xi1>, vector<16xf32>
      %parallel_loop3A_1204 = arith.select %parallel_loop3A_1173, %parallel_loop3A_1155, %parallel_loop3A_1202 : vector<16xi1>, vector<16xi32>
      %parallel_loop3A_1205 = arith.constant 29 : i32
      %parallel_loop3A_1206 = arith.index_cast %parallel_loop3A_1205 : i32 to index
      %parallel_loop3A_1207 = arith.index_cast %parallel_loop3A_7 : i32 to index
      %parallel_loop3A_1208 = tpu.vector_load %arg5[%parallel_loop3A_1206, %parallel_loop3A_1207] {strides = array<i32>} : memref<64x256xf32, #tpu.memory_space<vmem>>, vector<1x16xf32>,
      %parallel_loop3A_1209 = vector.shape_cast %parallel_loop3A_1208 : vector<1x16xf32> to vector<16xf32>
      %parallel_loop3A_1210 = arith.constant 29 : i32
      %parallel_loop3A_1211 = vector.broadcast %parallel_loop3A_1210 : i32 to vector<16xi32>
      %parallel_loop3A_1212 = arith.cmpf ogt, %parallel_loop3A_1209, %parallel_loop3A_1175 : vector<16xf32>
      %parallel_loop3A_1213 = arith.cmpf ogt, %parallel_loop3A_1209, %parallel_loop3A_1179 : vector<16xf32>
      %parallel_loop3A_1214 = arith.cmpf ogt, %parallel_loop3A_1209, %parallel_loop3A_1183 : vector<16xf32>
      %parallel_loop3A_1215 = arith.cmpf ogt, %parallel_loop3A_1209, %parallel_loop3A_1187 : vector<16xf32>
      %parallel_loop3A_1216 = arith.cmpf ogt, %parallel_loop3A_1209, %parallel_loop3A_1191 : vector<16xf32>
      %parallel_loop3A_1217 = arith.cmpf ogt, %parallel_loop3A_1209, %parallel_loop3A_1195 : vector<16xf32>
      %parallel_loop3A_1218 = arith.cmpf ogt, %parallel_loop3A_1209, %parallel_loop3A_1199 : vector<16xf32>
      %parallel_loop3A_1219 = arith.cmpf ogt, %parallel_loop3A_1209, %parallel_loop3A_1203 : vector<16xf32>
      %parallel_loop3A_1220 = arith.select %parallel_loop3A_1212, %parallel_loop3A_1209, %parallel_loop3A_1175 : vector<16xi1>, vector<16xf32>
      %parallel_loop3A_1221 = arith.select %parallel_loop3A_1212, %parallel_loop3A_1211, %parallel_loop3A_1176 : vector<16xi1>, vector<16xi32>
      %parallel_loop3A_1222 = arith.select %parallel_loop3A_1213, %parallel_loop3A_1209, %parallel_loop3A_1179 : vector<16xi1>, vector<16xf32>
      %parallel_loop3A_1223 = arith.select %parallel_loop3A_1213, %parallel_loop3A_1211, %parallel_loop3A_1180 : vector<16xi1>, vector<16xi32>
      %parallel_loop3A_1224 = arith.select %parallel_loop3A_1212, %parallel_loop3A_1175, %parallel_loop3A_1222 : vector<16xi1>, vector<16xf32>
      %parallel_loop3A_1225 = arith.select %parallel_loop3A_1212, %parallel_loop3A_1176, %parallel_loop3A_1223 : vector<16xi1>, vector<16xi32>
      %parallel_loop3A_1226 = arith.select %parallel_loop3A_1214, %parallel_loop3A_1209, %parallel_loop3A_1183 : vector<16xi1>, vector<16xf32>
      %parallel_loop3A_1227 = arith.select %parallel_loop3A_1214, %parallel_loop3A_1211, %parallel_loop3A_1184 : vector<16xi1>, vector<16xi32>
      %parallel_loop3A_1228 = arith.select %parallel_loop3A_1213, %parallel_loop3A_1179, %parallel_loop3A_1226 : vector<16xi1>, vector<16xf32>
      %parallel_loop3A_1229 = arith.select %parallel_loop3A_1213, %parallel_loop3A_1180, %parallel_loop3A_1227 : vector<16xi1>, vector<16xi32>
      %parallel_loop3A_1230 = arith.select %parallel_loop3A_1215, %parallel_loop3A_1209, %parallel_loop3A_1187 : vector<16xi1>, vector<16xf32>
      %parallel_loop3A_1231 = arith.select %parallel_loop3A_1215, %parallel_loop3A_1211, %parallel_loop3A_1188 : vector<16xi1>, vector<16xi32>
      %parallel_loop3A_1232 = arith.select %parallel_loop3A_1214, %parallel_loop3A_1183, %parallel_loop3A_1230 : vector<16xi1>, vector<16xf32>
      %parallel_loop3A_1233 = arith.select %parallel_loop3A_1214, %parallel_loop3A_1184, %parallel_loop3A_1231 : vector<16xi1>, vector<16xi32>
      %parallel_loop3A_1234 = arith.select %parallel_loop3A_1216, %parallel_loop3A_1209, %parallel_loop3A_1191 : vector<16xi1>, vector<16xf32>
      %parallel_loop3A_1235 = arith.select %parallel_loop3A_1216, %parallel_loop3A_1211, %parallel_loop3A_1192 : vector<16xi1>, vector<16xi32>
      %parallel_loop3A_1236 = arith.select %parallel_loop3A_1215, %parallel_loop3A_1187, %parallel_loop3A_1234 : vector<16xi1>, vector<16xf32>
      %parallel_loop3A_1237 = arith.select %parallel_loop3A_1215, %parallel_loop3A_1188, %parallel_loop3A_1235 : vector<16xi1>, vector<16xi32>
      %parallel_loop3A_1238 = arith.select %parallel_loop3A_1217, %parallel_loop3A_1209, %parallel_loop3A_1195 : vector<16xi1>, vector<16xf32>
      %parallel_loop3A_1239 = arith.select %parallel_loop3A_1217, %parallel_loop3A_1211, %parallel_loop3A_1196 : vector<16xi1>, vector<16xi32>
      %parallel_loop3A_1240 = arith.select %parallel_loop3A_1216, %parallel_loop3A_1191, %parallel_loop3A_1238 : vector<16xi1>, vector<16xf32>
      %parallel_loop3A_1241 = arith.select %parallel_loop3A_1216, %parallel_loop3A_1192, %parallel_loop3A_1239 : vector<16xi1>, vector<16xi32>
      %parallel_loop3A_1242 = arith.select %parallel_loop3A_1218, %parallel_loop3A_1209, %parallel_loop3A_1199 : vector<16xi1>, vector<16xf32>
      %parallel_loop3A_1243 = arith.select %parallel_loop3A_1218, %parallel_loop3A_1211, %parallel_loop3A_1200 : vector<16xi1>, vector<16xi32>
      %parallel_loop3A_1244 = arith.select %parallel_loop3A_1217, %parallel_loop3A_1195, %parallel_loop3A_1242 : vector<16xi1>, vector<16xf32>
      %parallel_loop3A_1245 = arith.select %parallel_loop3A_1217, %parallel_loop3A_1196, %parallel_loop3A_1243 : vector<16xi1>, vector<16xi32>
      %parallel_loop3A_1246 = arith.select %parallel_loop3A_1219, %parallel_loop3A_1209, %parallel_loop3A_1203 : vector<16xi1>, vector<16xf32>
      %parallel_loop3A_1247 = arith.select %parallel_loop3A_1219, %parallel_loop3A_1211, %parallel_loop3A_1204 : vector<16xi1>, vector<16xi32>
      %parallel_loop3A_1248 = arith.select %parallel_loop3A_1218, %parallel_loop3A_1199, %parallel_loop3A_1246 : vector<16xi1>, vector<16xf32>
      %parallel_loop3A_1249 = arith.select %parallel_loop3A_1218, %parallel_loop3A_1200, %parallel_loop3A_1247 : vector<16xi1>, vector<16xi32>
      %parallel_loop3A_1250 = arith.constant 30 : i32
      %parallel_loop3A_1251 = arith.index_cast %parallel_loop3A_1250 : i32 to index
      %parallel_loop3A_1252 = arith.index_cast %parallel_loop3A_7 : i32 to index
      %parallel_loop3A_1253 = tpu.vector_load %arg5[%parallel_loop3A_1251, %parallel_loop3A_1252] {strides = array<i32>} : memref<64x256xf32, #tpu.memory_space<vmem>>, vector<1x16xf32>,
      %parallel_loop3A_1254 = vector.shape_cast %parallel_loop3A_1253 : vector<1x16xf32> to vector<16xf32>
      %parallel_loop3A_1255 = arith.constant 30 : i32
      %parallel_loop3A_1256 = vector.broadcast %parallel_loop3A_1255 : i32 to vector<16xi32>
      %parallel_loop3A_1257 = arith.cmpf ogt, %parallel_loop3A_1254, %parallel_loop3A_1220 : vector<16xf32>
      %parallel_loop3A_1258 = arith.cmpf ogt, %parallel_loop3A_1254, %parallel_loop3A_1224 : vector<16xf32>
      %parallel_loop3A_1259 = arith.cmpf ogt, %parallel_loop3A_1254, %parallel_loop3A_1228 : vector<16xf32>
      %parallel_loop3A_1260 = arith.cmpf ogt, %parallel_loop3A_1254, %parallel_loop3A_1232 : vector<16xf32>
      %parallel_loop3A_1261 = arith.cmpf ogt, %parallel_loop3A_1254, %parallel_loop3A_1236 : vector<16xf32>
      %parallel_loop3A_1262 = arith.cmpf ogt, %parallel_loop3A_1254, %parallel_loop3A_1240 : vector<16xf32>
      %parallel_loop3A_1263 = arith.cmpf ogt, %parallel_loop3A_1254, %parallel_loop3A_1244 : vector<16xf32>
      %parallel_loop3A_1264 = arith.cmpf ogt, %parallel_loop3A_1254, %parallel_loop3A_1248 : vector<16xf32>
      %parallel_loop3A_1265 = arith.select %parallel_loop3A_1257, %parallel_loop3A_1254, %parallel_loop3A_1220 : vector<16xi1>, vector<16xf32>
      %parallel_loop3A_1266 = arith.select %parallel_loop3A_1257, %parallel_loop3A_1256, %parallel_loop3A_1221 : vector<16xi1>, vector<16xi32>
      %parallel_loop3A_1267 = arith.select %parallel_loop3A_1258, %parallel_loop3A_1254, %parallel_loop3A_1224 : vector<16xi1>, vector<16xf32>
      %parallel_loop3A_1268 = arith.select %parallel_loop3A_1258, %parallel_loop3A_1256, %parallel_loop3A_1225 : vector<16xi1>, vector<16xi32>
      %parallel_loop3A_1269 = arith.select %parallel_loop3A_1257, %parallel_loop3A_1220, %parallel_loop3A_1267 : vector<16xi1>, vector<16xf32>
      %parallel_loop3A_1270 = arith.select %parallel_loop3A_1257, %parallel_loop3A_1221, %parallel_loop3A_1268 : vector<16xi1>, vector<16xi32>
      %parallel_loop3A_1271 = arith.select %parallel_loop3A_1259, %parallel_loop3A_1254, %parallel_loop3A_1228 : vector<16xi1>, vector<16xf32>
      %parallel_loop3A_1272 = arith.select %parallel_loop3A_1259, %parallel_loop3A_1256, %parallel_loop3A_1229 : vector<16xi1>, vector<16xi32>
      %parallel_loop3A_1273 = arith.select %parallel_loop3A_1258, %parallel_loop3A_1224, %parallel_loop3A_1271 : vector<16xi1>, vector<16xf32>
      %parallel_loop3A_1274 = arith.select %parallel_loop3A_1258, %parallel_loop3A_1225, %parallel_loop3A_1272 : vector<16xi1>, vector<16xi32>
      %parallel_loop3A_1275 = arith.select %parallel_loop3A_1260, %parallel_loop3A_1254, %parallel_loop3A_1232 : vector<16xi1>, vector<16xf32>
      %parallel_loop3A_1276 = arith.select %parallel_loop3A_1260, %parallel_loop3A_1256, %parallel_loop3A_1233 : vector<16xi1>, vector<16xi32>
      %parallel_loop3A_1277 = arith.select %parallel_loop3A_1259, %parallel_loop3A_1228, %parallel_loop3A_1275 : vector<16xi1>, vector<16xf32>
      %parallel_loop3A_1278 = arith.select %parallel_loop3A_1259, %parallel_loop3A_1229, %parallel_loop3A_1276 : vector<16xi1>, vector<16xi32>
      %parallel_loop3A_1279 = arith.select %parallel_loop3A_1261, %parallel_loop3A_1254, %parallel_loop3A_1236 : vector<16xi1>, vector<16xf32>
      %parallel_loop3A_1280 = arith.select %parallel_loop3A_1261, %parallel_loop3A_1256, %parallel_loop3A_1237 : vector<16xi1>, vector<16xi32>
      %parallel_loop3A_1281 = arith.select %parallel_loop3A_1260, %parallel_loop3A_1232, %parallel_loop3A_1279 : vector<16xi1>, vector<16xf32>
      %parallel_loop3A_1282 = arith.select %parallel_loop3A_1260, %parallel_loop3A_1233, %parallel_loop3A_1280 : vector<16xi1>, vector<16xi32>
      %parallel_loop3A_1283 = arith.select %parallel_loop3A_1262, %parallel_loop3A_1254, %parallel_loop3A_1240 : vector<16xi1>, vector<16xf32>
      %parallel_loop3A_1284 = arith.select %parallel_loop3A_1262, %parallel_loop3A_1256, %parallel_loop3A_1241 : vector<16xi1>, vector<16xi32>
      %parallel_loop3A_1285 = arith.select %parallel_loop3A_1261, %parallel_loop3A_1236, %parallel_loop3A_1283 : vector<16xi1>, vector<16xf32>
      %parallel_loop3A_1286 = arith.select %parallel_loop3A_1261, %parallel_loop3A_1237, %parallel_loop3A_1284 : vector<16xi1>, vector<16xi32>
      %parallel_loop3A_1287 = arith.select %parallel_loop3A_1263, %parallel_loop3A_1254, %parallel_loop3A_1244 : vector<16xi1>, vector<16xf32>
      %parallel_loop3A_1288 = arith.select %parallel_loop3A_1263, %parallel_loop3A_1256, %parallel_loop3A_1245 : vector<16xi1>, vector<16xi32>
      %parallel_loop3A_1289 = arith.select %parallel_loop3A_1262, %parallel_loop3A_1240, %parallel_loop3A_1287 : vector<16xi1>, vector<16xf32>
      %parallel_loop3A_1290 = arith.select %parallel_loop3A_1262, %parallel_loop3A_1241, %parallel_loop3A_1288 : vector<16xi1>, vector<16xi32>
      %parallel_loop3A_1291 = arith.select %parallel_loop3A_1264, %parallel_loop3A_1254, %parallel_loop3A_1248 : vector<16xi1>, vector<16xf32>
      %parallel_loop3A_1292 = arith.select %parallel_loop3A_1264, %parallel_loop3A_1256, %parallel_loop3A_1249 : vector<16xi1>, vector<16xi32>
      %parallel_loop3A_1293 = arith.select %parallel_loop3A_1263, %parallel_loop3A_1244, %parallel_loop3A_1291 : vector<16xi1>, vector<16xf32>
      %parallel_loop3A_1294 = arith.select %parallel_loop3A_1263, %parallel_loop3A_1245, %parallel_loop3A_1292 : vector<16xi1>, vector<16xi32>
      %parallel_loop3A_1295 = arith.constant 31 : i32
      %parallel_loop3A_1296 = arith.index_cast %parallel_loop3A_1295 : i32 to index
      %parallel_loop3A_1297 = arith.index_cast %parallel_loop3A_7 : i32 to index
      %parallel_loop3A_1298 = tpu.vector_load %arg5[%parallel_loop3A_1296, %parallel_loop3A_1297] {strides = array<i32>} : memref<64x256xf32, #tpu.memory_space<vmem>>, vector<1x16xf32>,
      %parallel_loop3A_1299 = vector.shape_cast %parallel_loop3A_1298 : vector<1x16xf32> to vector<16xf32>
      %parallel_loop3A_1300 = arith.constant 31 : i32
      %parallel_loop3A_1301 = vector.broadcast %parallel_loop3A_1300 : i32 to vector<16xi32>
      %parallel_loop3A_1302 = arith.cmpf ogt, %parallel_loop3A_1299, %parallel_loop3A_1265 : vector<16xf32>
      %parallel_loop3A_1303 = arith.cmpf ogt, %parallel_loop3A_1299, %parallel_loop3A_1269 : vector<16xf32>
      %parallel_loop3A_1304 = arith.cmpf ogt, %parallel_loop3A_1299, %parallel_loop3A_1273 : vector<16xf32>
      %parallel_loop3A_1305 = arith.cmpf ogt, %parallel_loop3A_1299, %parallel_loop3A_1277 : vector<16xf32>
      %parallel_loop3A_1306 = arith.cmpf ogt, %parallel_loop3A_1299, %parallel_loop3A_1281 : vector<16xf32>
      %parallel_loop3A_1307 = arith.cmpf ogt, %parallel_loop3A_1299, %parallel_loop3A_1285 : vector<16xf32>
      %parallel_loop3A_1308 = arith.cmpf ogt, %parallel_loop3A_1299, %parallel_loop3A_1289 : vector<16xf32>
      %parallel_loop3A_1309 = arith.cmpf ogt, %parallel_loop3A_1299, %parallel_loop3A_1293 : vector<16xf32>
      %parallel_loop3A_1310 = arith.select %parallel_loop3A_1302, %parallel_loop3A_1299, %parallel_loop3A_1265 : vector<16xi1>, vector<16xf32>
      %parallel_loop3A_1311 = arith.select %parallel_loop3A_1302, %parallel_loop3A_1301, %parallel_loop3A_1266 : vector<16xi1>, vector<16xi32>
      %parallel_loop3A_1312 = arith.select %parallel_loop3A_1303, %parallel_loop3A_1299, %parallel_loop3A_1269 : vector<16xi1>, vector<16xf32>
      %parallel_loop3A_1313 = arith.select %parallel_loop3A_1303, %parallel_loop3A_1301, %parallel_loop3A_1270 : vector<16xi1>, vector<16xi32>
      %parallel_loop3A_1314 = arith.select %parallel_loop3A_1302, %parallel_loop3A_1265, %parallel_loop3A_1312 : vector<16xi1>, vector<16xf32>
      %parallel_loop3A_1315 = arith.select %parallel_loop3A_1302, %parallel_loop3A_1266, %parallel_loop3A_1313 : vector<16xi1>, vector<16xi32>
      %parallel_loop3A_1316 = arith.select %parallel_loop3A_1304, %parallel_loop3A_1299, %parallel_loop3A_1273 : vector<16xi1>, vector<16xf32>
      %parallel_loop3A_1317 = arith.select %parallel_loop3A_1304, %parallel_loop3A_1301, %parallel_loop3A_1274 : vector<16xi1>, vector<16xi32>
      %parallel_loop3A_1318 = arith.select %parallel_loop3A_1303, %parallel_loop3A_1269, %parallel_loop3A_1316 : vector<16xi1>, vector<16xf32>
      %parallel_loop3A_1319 = arith.select %parallel_loop3A_1303, %parallel_loop3A_1270, %parallel_loop3A_1317 : vector<16xi1>, vector<16xi32>
      %parallel_loop3A_1320 = arith.select %parallel_loop3A_1305, %parallel_loop3A_1299, %parallel_loop3A_1277 : vector<16xi1>, vector<16xf32>
      %parallel_loop3A_1321 = arith.select %parallel_loop3A_1305, %parallel_loop3A_1301, %parallel_loop3A_1278 : vector<16xi1>, vector<16xi32>
      %parallel_loop3A_1322 = arith.select %parallel_loop3A_1304, %parallel_loop3A_1273, %parallel_loop3A_1320 : vector<16xi1>, vector<16xf32>
      %parallel_loop3A_1323 = arith.select %parallel_loop3A_1304, %parallel_loop3A_1274, %parallel_loop3A_1321 : vector<16xi1>, vector<16xi32>
      %parallel_loop3A_1324 = arith.select %parallel_loop3A_1306, %parallel_loop3A_1299, %parallel_loop3A_1281 : vector<16xi1>, vector<16xf32>
      %parallel_loop3A_1325 = arith.select %parallel_loop3A_1306, %parallel_loop3A_1301, %parallel_loop3A_1282 : vector<16xi1>, vector<16xi32>
      %parallel_loop3A_1326 = arith.select %parallel_loop3A_1305, %parallel_loop3A_1277, %parallel_loop3A_1324 : vector<16xi1>, vector<16xf32>
      %parallel_loop3A_1327 = arith.select %parallel_loop3A_1305, %parallel_loop3A_1278, %parallel_loop3A_1325 : vector<16xi1>, vector<16xi32>
      %parallel_loop3A_1328 = arith.select %parallel_loop3A_1307, %parallel_loop3A_1299, %parallel_loop3A_1285 : vector<16xi1>, vector<16xf32>
      %parallel_loop3A_1329 = arith.select %parallel_loop3A_1307, %parallel_loop3A_1301, %parallel_loop3A_1286 : vector<16xi1>, vector<16xi32>
      %parallel_loop3A_1330 = arith.select %parallel_loop3A_1306, %parallel_loop3A_1281, %parallel_loop3A_1328 : vector<16xi1>, vector<16xf32>
      %parallel_loop3A_1331 = arith.select %parallel_loop3A_1306, %parallel_loop3A_1282, %parallel_loop3A_1329 : vector<16xi1>, vector<16xi32>
      %parallel_loop3A_1332 = arith.select %parallel_loop3A_1308, %parallel_loop3A_1299, %parallel_loop3A_1289 : vector<16xi1>, vector<16xf32>
      %parallel_loop3A_1333 = arith.select %parallel_loop3A_1308, %parallel_loop3A_1301, %parallel_loop3A_1290 : vector<16xi1>, vector<16xi32>
      %parallel_loop3A_1334 = arith.select %parallel_loop3A_1307, %parallel_loop3A_1285, %parallel_loop3A_1332 : vector<16xi1>, vector<16xf32>
      %parallel_loop3A_1335 = arith.select %parallel_loop3A_1307, %parallel_loop3A_1286, %parallel_loop3A_1333 : vector<16xi1>, vector<16xi32>
      %parallel_loop3A_1336 = arith.select %parallel_loop3A_1309, %parallel_loop3A_1299, %parallel_loop3A_1293 : vector<16xi1>, vector<16xf32>
      %parallel_loop3A_1337 = arith.select %parallel_loop3A_1309, %parallel_loop3A_1301, %parallel_loop3A_1294 : vector<16xi1>, vector<16xi32>
      %parallel_loop3A_1338 = arith.select %parallel_loop3A_1308, %parallel_loop3A_1289, %parallel_loop3A_1336 : vector<16xi1>, vector<16xf32>
      %parallel_loop3A_1339 = arith.select %parallel_loop3A_1308, %parallel_loop3A_1290, %parallel_loop3A_1337 : vector<16xi1>, vector<16xi32>
      %parallel_loop3A_1340 = arith.constant 32 : i32
      %parallel_loop3A_1341 = arith.index_cast %parallel_loop3A_1340 : i32 to index
      %parallel_loop3A_1342 = arith.index_cast %parallel_loop3A_7 : i32 to index
      %parallel_loop3A_1343 = tpu.vector_load %arg5[%parallel_loop3A_1341, %parallel_loop3A_1342] {strides = array<i32>} : memref<64x256xf32, #tpu.memory_space<vmem>>, vector<1x16xf32>,
      %parallel_loop3A_1344 = vector.shape_cast %parallel_loop3A_1343 : vector<1x16xf32> to vector<16xf32>
      %parallel_loop3A_1345 = arith.constant 32 : i32
      %parallel_loop3A_1346 = vector.broadcast %parallel_loop3A_1345 : i32 to vector<16xi32>
      %parallel_loop3A_1347 = arith.cmpf ogt, %parallel_loop3A_1344, %parallel_loop3A_1310 : vector<16xf32>
      %parallel_loop3A_1348 = arith.cmpf ogt, %parallel_loop3A_1344, %parallel_loop3A_1314 : vector<16xf32>
      %parallel_loop3A_1349 = arith.cmpf ogt, %parallel_loop3A_1344, %parallel_loop3A_1318 : vector<16xf32>
      %parallel_loop3A_1350 = arith.cmpf ogt, %parallel_loop3A_1344, %parallel_loop3A_1322 : vector<16xf32>
      %parallel_loop3A_1351 = arith.cmpf ogt, %parallel_loop3A_1344, %parallel_loop3A_1326 : vector<16xf32>
      %parallel_loop3A_1352 = arith.cmpf ogt, %parallel_loop3A_1344, %parallel_loop3A_1330 : vector<16xf32>
      %parallel_loop3A_1353 = arith.cmpf ogt, %parallel_loop3A_1344, %parallel_loop3A_1334 : vector<16xf32>
      %parallel_loop3A_1354 = arith.cmpf ogt, %parallel_loop3A_1344, %parallel_loop3A_1338 : vector<16xf32>
      %parallel_loop3A_1355 = arith.select %parallel_loop3A_1347, %parallel_loop3A_1344, %parallel_loop3A_1310 : vector<16xi1>, vector<16xf32>
      %parallel_loop3A_1356 = arith.select %parallel_loop3A_1347, %parallel_loop3A_1346, %parallel_loop3A_1311 : vector<16xi1>, vector<16xi32>
      %parallel_loop3A_1357 = arith.select %parallel_loop3A_1348, %parallel_loop3A_1344, %parallel_loop3A_1314 : vector<16xi1>, vector<16xf32>
      %parallel_loop3A_1358 = arith.select %parallel_loop3A_1348, %parallel_loop3A_1346, %parallel_loop3A_1315 : vector<16xi1>, vector<16xi32>
      %parallel_loop3A_1359 = arith.select %parallel_loop3A_1347, %parallel_loop3A_1310, %parallel_loop3A_1357 : vector<16xi1>, vector<16xf32>
      %parallel_loop3A_1360 = arith.select %parallel_loop3A_1347, %parallel_loop3A_1311, %parallel_loop3A_1358 : vector<16xi1>, vector<16xi32>
      %parallel_loop3A_1361 = arith.select %parallel_loop3A_1349, %parallel_loop3A_1344, %parallel_loop3A_1318 : vector<16xi1>, vector<16xf32>
      %parallel_loop3A_1362 = arith.select %parallel_loop3A_1349, %parallel_loop3A_1346, %parallel_loop3A_1319 : vector<16xi1>, vector<16xi32>
      %parallel_loop3A_1363 = arith.select %parallel_loop3A_1348, %parallel_loop3A_1314, %parallel_loop3A_1361 : vector<16xi1>, vector<16xf32>
      %parallel_loop3A_1364 = arith.select %parallel_loop3A_1348, %parallel_loop3A_1315, %parallel_loop3A_1362 : vector<16xi1>, vector<16xi32>
      %parallel_loop3A_1365 = arith.select %parallel_loop3A_1350, %parallel_loop3A_1344, %parallel_loop3A_1322 : vector<16xi1>, vector<16xf32>
      %parallel_loop3A_1366 = arith.select %parallel_loop3A_1350, %parallel_loop3A_1346, %parallel_loop3A_1323 : vector<16xi1>, vector<16xi32>
      %parallel_loop3A_1367 = arith.select %parallel_loop3A_1349, %parallel_loop3A_1318, %parallel_loop3A_1365 : vector<16xi1>, vector<16xf32>
      %parallel_loop3A_1368 = arith.select %parallel_loop3A_1349, %parallel_loop3A_1319, %parallel_loop3A_1366 : vector<16xi1>, vector<16xi32>
      %parallel_loop3A_1369 = arith.select %parallel_loop3A_1351, %parallel_loop3A_1344, %parallel_loop3A_1326 : vector<16xi1>, vector<16xf32>
      %parallel_loop3A_1370 = arith.select %parallel_loop3A_1351, %parallel_loop3A_1346, %parallel_loop3A_1327 : vector<16xi1>, vector<16xi32>
      %parallel_loop3A_1371 = arith.select %parallel_loop3A_1350, %parallel_loop3A_1322, %parallel_loop3A_1369 : vector<16xi1>, vector<16xf32>
      %parallel_loop3A_1372 = arith.select %parallel_loop3A_1350, %parallel_loop3A_1323, %parallel_loop3A_1370 : vector<16xi1>, vector<16xi32>
      %parallel_loop3A_1373 = arith.select %parallel_loop3A_1352, %parallel_loop3A_1344, %parallel_loop3A_1330 : vector<16xi1>, vector<16xf32>
      %parallel_loop3A_1374 = arith.select %parallel_loop3A_1352, %parallel_loop3A_1346, %parallel_loop3A_1331 : vector<16xi1>, vector<16xi32>
      %parallel_loop3A_1375 = arith.select %parallel_loop3A_1351, %parallel_loop3A_1326, %parallel_loop3A_1373 : vector<16xi1>, vector<16xf32>
      %parallel_loop3A_1376 = arith.select %parallel_loop3A_1351, %parallel_loop3A_1327, %parallel_loop3A_1374 : vector<16xi1>, vector<16xi32>
      %parallel_loop3A_1377 = arith.select %parallel_loop3A_1353, %parallel_loop3A_1344, %parallel_loop3A_1334 : vector<16xi1>, vector<16xf32>
      %parallel_loop3A_1378 = arith.select %parallel_loop3A_1353, %parallel_loop3A_1346, %parallel_loop3A_1335 : vector<16xi1>, vector<16xi32>
      %parallel_loop3A_1379 = arith.select %parallel_loop3A_1352, %parallel_loop3A_1330, %parallel_loop3A_1377 : vector<16xi1>, vector<16xf32>
      %parallel_loop3A_1380 = arith.select %parallel_loop3A_1352, %parallel_loop3A_1331, %parallel_loop3A_1378 : vector<16xi1>, vector<16xi32>
      %parallel_loop3A_1381 = arith.select %parallel_loop3A_1354, %parallel_loop3A_1344, %parallel_loop3A_1338 : vector<16xi1>, vector<16xf32>
      %parallel_loop3A_1382 = arith.select %parallel_loop3A_1354, %parallel_loop3A_1346, %parallel_loop3A_1339 : vector<16xi1>, vector<16xi32>
      %parallel_loop3A_1383 = arith.select %parallel_loop3A_1353, %parallel_loop3A_1334, %parallel_loop3A_1381 : vector<16xi1>, vector<16xf32>
      %parallel_loop3A_1384 = arith.select %parallel_loop3A_1353, %parallel_loop3A_1335, %parallel_loop3A_1382 : vector<16xi1>, vector<16xi32>
      %parallel_loop3A_1385 = arith.constant 33 : i32
      %parallel_loop3A_1386 = arith.index_cast %parallel_loop3A_1385 : i32 to index
      %parallel_loop3A_1387 = arith.index_cast %parallel_loop3A_7 : i32 to index
      %parallel_loop3A_1388 = tpu.vector_load %arg5[%parallel_loop3A_1386, %parallel_loop3A_1387] {strides = array<i32>} : memref<64x256xf32, #tpu.memory_space<vmem>>, vector<1x16xf32>,
      %parallel_loop3A_1389 = vector.shape_cast %parallel_loop3A_1388 : vector<1x16xf32> to vector<16xf32>
      %parallel_loop3A_1390 = arith.constant 33 : i32
      %parallel_loop3A_1391 = vector.broadcast %parallel_loop3A_1390 : i32 to vector<16xi32>
      %parallel_loop3A_1392 = arith.cmpf ogt, %parallel_loop3A_1389, %parallel_loop3A_1355 : vector<16xf32>
      %parallel_loop3A_1393 = arith.cmpf ogt, %parallel_loop3A_1389, %parallel_loop3A_1359 : vector<16xf32>
      %parallel_loop3A_1394 = arith.cmpf ogt, %parallel_loop3A_1389, %parallel_loop3A_1363 : vector<16xf32>
      %parallel_loop3A_1395 = arith.cmpf ogt, %parallel_loop3A_1389, %parallel_loop3A_1367 : vector<16xf32>
      %parallel_loop3A_1396 = arith.cmpf ogt, %parallel_loop3A_1389, %parallel_loop3A_1371 : vector<16xf32>
      %parallel_loop3A_1397 = arith.cmpf ogt, %parallel_loop3A_1389, %parallel_loop3A_1375 : vector<16xf32>
      %parallel_loop3A_1398 = arith.cmpf ogt, %parallel_loop3A_1389, %parallel_loop3A_1379 : vector<16xf32>
      %parallel_loop3A_1399 = arith.cmpf ogt, %parallel_loop3A_1389, %parallel_loop3A_1383 : vector<16xf32>
      %parallel_loop3A_1400 = arith.select %parallel_loop3A_1392, %parallel_loop3A_1389, %parallel_loop3A_1355 : vector<16xi1>, vector<16xf32>
      %parallel_loop3A_1401 = arith.select %parallel_loop3A_1392, %parallel_loop3A_1391, %parallel_loop3A_1356 : vector<16xi1>, vector<16xi32>
      %parallel_loop3A_1402 = arith.select %parallel_loop3A_1393, %parallel_loop3A_1389, %parallel_loop3A_1359 : vector<16xi1>, vector<16xf32>
      %parallel_loop3A_1403 = arith.select %parallel_loop3A_1393, %parallel_loop3A_1391, %parallel_loop3A_1360 : vector<16xi1>, vector<16xi32>
      %parallel_loop3A_1404 = arith.select %parallel_loop3A_1392, %parallel_loop3A_1355, %parallel_loop3A_1402 : vector<16xi1>, vector<16xf32>
      %parallel_loop3A_1405 = arith.select %parallel_loop3A_1392, %parallel_loop3A_1356, %parallel_loop3A_1403 : vector<16xi1>, vector<16xi32>
      %parallel_loop3A_1406 = arith.select %parallel_loop3A_1394, %parallel_loop3A_1389, %parallel_loop3A_1363 : vector<16xi1>, vector<16xf32>
      %parallel_loop3A_1407 = arith.select %parallel_loop3A_1394, %parallel_loop3A_1391, %parallel_loop3A_1364 : vector<16xi1>, vector<16xi32>
      %parallel_loop3A_1408 = arith.select %parallel_loop3A_1393, %parallel_loop3A_1359, %parallel_loop3A_1406 : vector<16xi1>, vector<16xf32>
      %parallel_loop3A_1409 = arith.select %parallel_loop3A_1393, %parallel_loop3A_1360, %parallel_loop3A_1407 : vector<16xi1>, vector<16xi32>
      %parallel_loop3A_1410 = arith.select %parallel_loop3A_1395, %parallel_loop3A_1389, %parallel_loop3A_1367 : vector<16xi1>, vector<16xf32>
      %parallel_loop3A_1411 = arith.select %parallel_loop3A_1395, %parallel_loop3A_1391, %parallel_loop3A_1368 : vector<16xi1>, vector<16xi32>
      %parallel_loop3A_1412 = arith.select %parallel_loop3A_1394, %parallel_loop3A_1363, %parallel_loop3A_1410 : vector<16xi1>, vector<16xf32>
      %parallel_loop3A_1413 = arith.select %parallel_loop3A_1394, %parallel_loop3A_1364, %parallel_loop3A_1411 : vector<16xi1>, vector<16xi32>
      %parallel_loop3A_1414 = arith.select %parallel_loop3A_1396, %parallel_loop3A_1389, %parallel_loop3A_1371 : vector<16xi1>, vector<16xf32>
      %parallel_loop3A_1415 = arith.select %parallel_loop3A_1396, %parallel_loop3A_1391, %parallel_loop3A_1372 : vector<16xi1>, vector<16xi32>
      %parallel_loop3A_1416 = arith.select %parallel_loop3A_1395, %parallel_loop3A_1367, %parallel_loop3A_1414 : vector<16xi1>, vector<16xf32>
      %parallel_loop3A_1417 = arith.select %parallel_loop3A_1395, %parallel_loop3A_1368, %parallel_loop3A_1415 : vector<16xi1>, vector<16xi32>
      %parallel_loop3A_1418 = arith.select %parallel_loop3A_1397, %parallel_loop3A_1389, %parallel_loop3A_1375 : vector<16xi1>, vector<16xf32>
      %parallel_loop3A_1419 = arith.select %parallel_loop3A_1397, %parallel_loop3A_1391, %parallel_loop3A_1376 : vector<16xi1>, vector<16xi32>
      %parallel_loop3A_1420 = arith.select %parallel_loop3A_1396, %parallel_loop3A_1371, %parallel_loop3A_1418 : vector<16xi1>, vector<16xf32>
      %parallel_loop3A_1421 = arith.select %parallel_loop3A_1396, %parallel_loop3A_1372, %parallel_loop3A_1419 : vector<16xi1>, vector<16xi32>
      %parallel_loop3A_1422 = arith.select %parallel_loop3A_1398, %parallel_loop3A_1389, %parallel_loop3A_1379 : vector<16xi1>, vector<16xf32>
      %parallel_loop3A_1423 = arith.select %parallel_loop3A_1398, %parallel_loop3A_1391, %parallel_loop3A_1380 : vector<16xi1>, vector<16xi32>
      %parallel_loop3A_1424 = arith.select %parallel_loop3A_1397, %parallel_loop3A_1375, %parallel_loop3A_1422 : vector<16xi1>, vector<16xf32>
      %parallel_loop3A_1425 = arith.select %parallel_loop3A_1397, %parallel_loop3A_1376, %parallel_loop3A_1423 : vector<16xi1>, vector<16xi32>
      %parallel_loop3A_1426 = arith.select %parallel_loop3A_1399, %parallel_loop3A_1389, %parallel_loop3A_1383 : vector<16xi1>, vector<16xf32>
      %parallel_loop3A_1427 = arith.select %parallel_loop3A_1399, %parallel_loop3A_1391, %parallel_loop3A_1384 : vector<16xi1>, vector<16xi32>
      %parallel_loop3A_1428 = arith.select %parallel_loop3A_1398, %parallel_loop3A_1379, %parallel_loop3A_1426 : vector<16xi1>, vector<16xf32>
      %parallel_loop3A_1429 = arith.select %parallel_loop3A_1398, %parallel_loop3A_1380, %parallel_loop3A_1427 : vector<16xi1>, vector<16xi32>
      %parallel_loop3A_1430 = arith.constant 34 : i32
      %parallel_loop3A_1431 = arith.index_cast %parallel_loop3A_1430 : i32 to index
      %parallel_loop3A_1432 = arith.index_cast %parallel_loop3A_7 : i32 to index
      %parallel_loop3A_1433 = tpu.vector_load %arg5[%parallel_loop3A_1431, %parallel_loop3A_1432] {strides = array<i32>} : memref<64x256xf32, #tpu.memory_space<vmem>>, vector<1x16xf32>,
      %parallel_loop3A_1434 = vector.shape_cast %parallel_loop3A_1433 : vector<1x16xf32> to vector<16xf32>
      %parallel_loop3A_1435 = arith.constant 34 : i32
      %parallel_loop3A_1436 = vector.broadcast %parallel_loop3A_1435 : i32 to vector<16xi32>
      %parallel_loop3A_1437 = arith.cmpf ogt, %parallel_loop3A_1434, %parallel_loop3A_1400 : vector<16xf32>
      %parallel_loop3A_1438 = arith.cmpf ogt, %parallel_loop3A_1434, %parallel_loop3A_1404 : vector<16xf32>
      %parallel_loop3A_1439 = arith.cmpf ogt, %parallel_loop3A_1434, %parallel_loop3A_1408 : vector<16xf32>
      %parallel_loop3A_1440 = arith.cmpf ogt, %parallel_loop3A_1434, %parallel_loop3A_1412 : vector<16xf32>
      %parallel_loop3A_1441 = arith.cmpf ogt, %parallel_loop3A_1434, %parallel_loop3A_1416 : vector<16xf32>
      %parallel_loop3A_1442 = arith.cmpf ogt, %parallel_loop3A_1434, %parallel_loop3A_1420 : vector<16xf32>
      %parallel_loop3A_1443 = arith.cmpf ogt, %parallel_loop3A_1434, %parallel_loop3A_1424 : vector<16xf32>
      %parallel_loop3A_1444 = arith.cmpf ogt, %parallel_loop3A_1434, %parallel_loop3A_1428 : vector<16xf32>
      %parallel_loop3A_1445 = arith.select %parallel_loop3A_1437, %parallel_loop3A_1434, %parallel_loop3A_1400 : vector<16xi1>, vector<16xf32>
      %parallel_loop3A_1446 = arith.select %parallel_loop3A_1437, %parallel_loop3A_1436, %parallel_loop3A_1401 : vector<16xi1>, vector<16xi32>
      %parallel_loop3A_1447 = arith.select %parallel_loop3A_1438, %parallel_loop3A_1434, %parallel_loop3A_1404 : vector<16xi1>, vector<16xf32>
      %parallel_loop3A_1448 = arith.select %parallel_loop3A_1438, %parallel_loop3A_1436, %parallel_loop3A_1405 : vector<16xi1>, vector<16xi32>
      %parallel_loop3A_1449 = arith.select %parallel_loop3A_1437, %parallel_loop3A_1400, %parallel_loop3A_1447 : vector<16xi1>, vector<16xf32>
      %parallel_loop3A_1450 = arith.select %parallel_loop3A_1437, %parallel_loop3A_1401, %parallel_loop3A_1448 : vector<16xi1>, vector<16xi32>
      %parallel_loop3A_1451 = arith.select %parallel_loop3A_1439, %parallel_loop3A_1434, %parallel_loop3A_1408 : vector<16xi1>, vector<16xf32>
      %parallel_loop3A_1452 = arith.select %parallel_loop3A_1439, %parallel_loop3A_1436, %parallel_loop3A_1409 : vector<16xi1>, vector<16xi32>
      %parallel_loop3A_1453 = arith.select %parallel_loop3A_1438, %parallel_loop3A_1404, %parallel_loop3A_1451 : vector<16xi1>, vector<16xf32>
      %parallel_loop3A_1454 = arith.select %parallel_loop3A_1438, %parallel_loop3A_1405, %parallel_loop3A_1452 : vector<16xi1>, vector<16xi32>
      %parallel_loop3A_1455 = arith.select %parallel_loop3A_1440, %parallel_loop3A_1434, %parallel_loop3A_1412 : vector<16xi1>, vector<16xf32>
      %parallel_loop3A_1456 = arith.select %parallel_loop3A_1440, %parallel_loop3A_1436, %parallel_loop3A_1413 : vector<16xi1>, vector<16xi32>
      %parallel_loop3A_1457 = arith.select %parallel_loop3A_1439, %parallel_loop3A_1408, %parallel_loop3A_1455 : vector<16xi1>, vector<16xf32>
      %parallel_loop3A_1458 = arith.select %parallel_loop3A_1439, %parallel_loop3A_1409, %parallel_loop3A_1456 : vector<16xi1>, vector<16xi32>
      %parallel_loop3A_1459 = arith.select %parallel_loop3A_1441, %parallel_loop3A_1434, %parallel_loop3A_1416 : vector<16xi1>, vector<16xf32>
      %parallel_loop3A_1460 = arith.select %parallel_loop3A_1441, %parallel_loop3A_1436, %parallel_loop3A_1417 : vector<16xi1>, vector<16xi32>
      %parallel_loop3A_1461 = arith.select %parallel_loop3A_1440, %parallel_loop3A_1412, %parallel_loop3A_1459 : vector<16xi1>, vector<16xf32>
      %parallel_loop3A_1462 = arith.select %parallel_loop3A_1440, %parallel_loop3A_1413, %parallel_loop3A_1460 : vector<16xi1>, vector<16xi32>
      %parallel_loop3A_1463 = arith.select %parallel_loop3A_1442, %parallel_loop3A_1434, %parallel_loop3A_1420 : vector<16xi1>, vector<16xf32>
      %parallel_loop3A_1464 = arith.select %parallel_loop3A_1442, %parallel_loop3A_1436, %parallel_loop3A_1421 : vector<16xi1>, vector<16xi32>
      %parallel_loop3A_1465 = arith.select %parallel_loop3A_1441, %parallel_loop3A_1416, %parallel_loop3A_1463 : vector<16xi1>, vector<16xf32>
      %parallel_loop3A_1466 = arith.select %parallel_loop3A_1441, %parallel_loop3A_1417, %parallel_loop3A_1464 : vector<16xi1>, vector<16xi32>
      %parallel_loop3A_1467 = arith.select %parallel_loop3A_1443, %parallel_loop3A_1434, %parallel_loop3A_1424 : vector<16xi1>, vector<16xf32>
      %parallel_loop3A_1468 = arith.select %parallel_loop3A_1443, %parallel_loop3A_1436, %parallel_loop3A_1425 : vector<16xi1>, vector<16xi32>
      %parallel_loop3A_1469 = arith.select %parallel_loop3A_1442, %parallel_loop3A_1420, %parallel_loop3A_1467 : vector<16xi1>, vector<16xf32>
      %parallel_loop3A_1470 = arith.select %parallel_loop3A_1442, %parallel_loop3A_1421, %parallel_loop3A_1468 : vector<16xi1>, vector<16xi32>
      %parallel_loop3A_1471 = arith.select %parallel_loop3A_1444, %parallel_loop3A_1434, %parallel_loop3A_1428 : vector<16xi1>, vector<16xf32>
      %parallel_loop3A_1472 = arith.select %parallel_loop3A_1444, %parallel_loop3A_1436, %parallel_loop3A_1429 : vector<16xi1>, vector<16xi32>
      %parallel_loop3A_1473 = arith.select %parallel_loop3A_1443, %parallel_loop3A_1424, %parallel_loop3A_1471 : vector<16xi1>, vector<16xf32>
      %parallel_loop3A_1474 = arith.select %parallel_loop3A_1443, %parallel_loop3A_1425, %parallel_loop3A_1472 : vector<16xi1>, vector<16xi32>
      %parallel_loop3A_1475 = arith.constant 35 : i32
      %parallel_loop3A_1476 = arith.index_cast %parallel_loop3A_1475 : i32 to index
      %parallel_loop3A_1477 = arith.index_cast %parallel_loop3A_7 : i32 to index
      %parallel_loop3A_1478 = tpu.vector_load %arg5[%parallel_loop3A_1476, %parallel_loop3A_1477] {strides = array<i32>} : memref<64x256xf32, #tpu.memory_space<vmem>>, vector<1x16xf32>,
      %parallel_loop3A_1479 = vector.shape_cast %parallel_loop3A_1478 : vector<1x16xf32> to vector<16xf32>
      %parallel_loop3A_1480 = arith.constant 35 : i32
      %parallel_loop3A_1481 = vector.broadcast %parallel_loop3A_1480 : i32 to vector<16xi32>
      %parallel_loop3A_1482 = arith.cmpf ogt, %parallel_loop3A_1479, %parallel_loop3A_1445 : vector<16xf32>
      %parallel_loop3A_1483 = arith.cmpf ogt, %parallel_loop3A_1479, %parallel_loop3A_1449 : vector<16xf32>
      %parallel_loop3A_1484 = arith.cmpf ogt, %parallel_loop3A_1479, %parallel_loop3A_1453 : vector<16xf32>
      %parallel_loop3A_1485 = arith.cmpf ogt, %parallel_loop3A_1479, %parallel_loop3A_1457 : vector<16xf32>
      %parallel_loop3A_1486 = arith.cmpf ogt, %parallel_loop3A_1479, %parallel_loop3A_1461 : vector<16xf32>
      %parallel_loop3A_1487 = arith.cmpf ogt, %parallel_loop3A_1479, %parallel_loop3A_1465 : vector<16xf32>
      %parallel_loop3A_1488 = arith.cmpf ogt, %parallel_loop3A_1479, %parallel_loop3A_1469 : vector<16xf32>
      %parallel_loop3A_1489 = arith.cmpf ogt, %parallel_loop3A_1479, %parallel_loop3A_1473 : vector<16xf32>
      %parallel_loop3A_1490 = arith.select %parallel_loop3A_1482, %parallel_loop3A_1479, %parallel_loop3A_1445 : vector<16xi1>, vector<16xf32>
      %parallel_loop3A_1491 = arith.select %parallel_loop3A_1482, %parallel_loop3A_1481, %parallel_loop3A_1446 : vector<16xi1>, vector<16xi32>
      %parallel_loop3A_1492 = arith.select %parallel_loop3A_1483, %parallel_loop3A_1479, %parallel_loop3A_1449 : vector<16xi1>, vector<16xf32>
      %parallel_loop3A_1493 = arith.select %parallel_loop3A_1483, %parallel_loop3A_1481, %parallel_loop3A_1450 : vector<16xi1>, vector<16xi32>
      %parallel_loop3A_1494 = arith.select %parallel_loop3A_1482, %parallel_loop3A_1445, %parallel_loop3A_1492 : vector<16xi1>, vector<16xf32>
      %parallel_loop3A_1495 = arith.select %parallel_loop3A_1482, %parallel_loop3A_1446, %parallel_loop3A_1493 : vector<16xi1>, vector<16xi32>
      %parallel_loop3A_1496 = arith.select %parallel_loop3A_1484, %parallel_loop3A_1479, %parallel_loop3A_1453 : vector<16xi1>, vector<16xf32>
      %parallel_loop3A_1497 = arith.select %parallel_loop3A_1484, %parallel_loop3A_1481, %parallel_loop3A_1454 : vector<16xi1>, vector<16xi32>
      %parallel_loop3A_1498 = arith.select %parallel_loop3A_1483, %parallel_loop3A_1449, %parallel_loop3A_1496 : vector<16xi1>, vector<16xf32>
      %parallel_loop3A_1499 = arith.select %parallel_loop3A_1483, %parallel_loop3A_1450, %parallel_loop3A_1497 : vector<16xi1>, vector<16xi32>
      %parallel_loop3A_1500 = arith.select %parallel_loop3A_1485, %parallel_loop3A_1479, %parallel_loop3A_1457 : vector<16xi1>, vector<16xf32>
      %parallel_loop3A_1501 = arith.select %parallel_loop3A_1485, %parallel_loop3A_1481, %parallel_loop3A_1458 : vector<16xi1>, vector<16xi32>
      %parallel_loop3A_1502 = arith.select %parallel_loop3A_1484, %parallel_loop3A_1453, %parallel_loop3A_1500 : vector<16xi1>, vector<16xf32>
      %parallel_loop3A_1503 = arith.select %parallel_loop3A_1484, %parallel_loop3A_1454, %parallel_loop3A_1501 : vector<16xi1>, vector<16xi32>
      %parallel_loop3A_1504 = arith.select %parallel_loop3A_1486, %parallel_loop3A_1479, %parallel_loop3A_1461 : vector<16xi1>, vector<16xf32>
      %parallel_loop3A_1505 = arith.select %parallel_loop3A_1486, %parallel_loop3A_1481, %parallel_loop3A_1462 : vector<16xi1>, vector<16xi32>
      %parallel_loop3A_1506 = arith.select %parallel_loop3A_1485, %parallel_loop3A_1457, %parallel_loop3A_1504 : vector<16xi1>, vector<16xf32>
      %parallel_loop3A_1507 = arith.select %parallel_loop3A_1485, %parallel_loop3A_1458, %parallel_loop3A_1505 : vector<16xi1>, vector<16xi32>
      %parallel_loop3A_1508 = arith.select %parallel_loop3A_1487, %parallel_loop3A_1479, %parallel_loop3A_1465 : vector<16xi1>, vector<16xf32>
      %parallel_loop3A_1509 = arith.select %parallel_loop3A_1487, %parallel_loop3A_1481, %parallel_loop3A_1466 : vector<16xi1>, vector<16xi32>
      %parallel_loop3A_1510 = arith.select %parallel_loop3A_1486, %parallel_loop3A_1461, %parallel_loop3A_1508 : vector<16xi1>, vector<16xf32>
      %parallel_loop3A_1511 = arith.select %parallel_loop3A_1486, %parallel_loop3A_1462, %parallel_loop3A_1509 : vector<16xi1>, vector<16xi32>
      %parallel_loop3A_1512 = arith.select %parallel_loop3A_1488, %parallel_loop3A_1479, %parallel_loop3A_1469 : vector<16xi1>, vector<16xf32>
      %parallel_loop3A_1513 = arith.select %parallel_loop3A_1488, %parallel_loop3A_1481, %parallel_loop3A_1470 : vector<16xi1>, vector<16xi32>
      %parallel_loop3A_1514 = arith.select %parallel_loop3A_1487, %parallel_loop3A_1465, %parallel_loop3A_1512 : vector<16xi1>, vector<16xf32>
      %parallel_loop3A_1515 = arith.select %parallel_loop3A_1487, %parallel_loop3A_1466, %parallel_loop3A_1513 : vector<16xi1>, vector<16xi32>
      %parallel_loop3A_1516 = arith.select %parallel_loop3A_1489, %parallel_loop3A_1479, %parallel_loop3A_1473 : vector<16xi1>, vector<16xf32>
      %parallel_loop3A_1517 = arith.select %parallel_loop3A_1489, %parallel_loop3A_1481, %parallel_loop3A_1474 : vector<16xi1>, vector<16xi32>
      %parallel_loop3A_1518 = arith.select %parallel_loop3A_1488, %parallel_loop3A_1469, %parallel_loop3A_1516 : vector<16xi1>, vector<16xf32>
      %parallel_loop3A_1519 = arith.select %parallel_loop3A_1488, %parallel_loop3A_1470, %parallel_loop3A_1517 : vector<16xi1>, vector<16xi32>
      %parallel_loop3A_1520 = arith.constant 36 : i32
      %parallel_loop3A_1521 = arith.index_cast %parallel_loop3A_1520 : i32 to index
      %parallel_loop3A_1522 = arith.index_cast %parallel_loop3A_7 : i32 to index
      %parallel_loop3A_1523 = tpu.vector_load %arg5[%parallel_loop3A_1521, %parallel_loop3A_1522] {strides = array<i32>} : memref<64x256xf32, #tpu.memory_space<vmem>>, vector<1x16xf32>,
      %parallel_loop3A_1524 = vector.shape_cast %parallel_loop3A_1523 : vector<1x16xf32> to vector<16xf32>
      %parallel_loop3A_1525 = arith.constant 36 : i32
      %parallel_loop3A_1526 = vector.broadcast %parallel_loop3A_1525 : i32 to vector<16xi32>
      %parallel_loop3A_1527 = arith.cmpf ogt, %parallel_loop3A_1524, %parallel_loop3A_1490 : vector<16xf32>
      %parallel_loop3A_1528 = arith.cmpf ogt, %parallel_loop3A_1524, %parallel_loop3A_1494 : vector<16xf32>
      %parallel_loop3A_1529 = arith.cmpf ogt, %parallel_loop3A_1524, %parallel_loop3A_1498 : vector<16xf32>
      %parallel_loop3A_1530 = arith.cmpf ogt, %parallel_loop3A_1524, %parallel_loop3A_1502 : vector<16xf32>
      %parallel_loop3A_1531 = arith.cmpf ogt, %parallel_loop3A_1524, %parallel_loop3A_1506 : vector<16xf32>
      %parallel_loop3A_1532 = arith.cmpf ogt, %parallel_loop3A_1524, %parallel_loop3A_1510 : vector<16xf32>
      %parallel_loop3A_1533 = arith.cmpf ogt, %parallel_loop3A_1524, %parallel_loop3A_1514 : vector<16xf32>
      %parallel_loop3A_1534 = arith.cmpf ogt, %parallel_loop3A_1524, %parallel_loop3A_1518 : vector<16xf32>
      %parallel_loop3A_1535 = arith.select %parallel_loop3A_1527, %parallel_loop3A_1524, %parallel_loop3A_1490 : vector<16xi1>, vector<16xf32>
      %parallel_loop3A_1536 = arith.select %parallel_loop3A_1527, %parallel_loop3A_1526, %parallel_loop3A_1491 : vector<16xi1>, vector<16xi32>
      %parallel_loop3A_1537 = arith.select %parallel_loop3A_1528, %parallel_loop3A_1524, %parallel_loop3A_1494 : vector<16xi1>, vector<16xf32>
      %parallel_loop3A_1538 = arith.select %parallel_loop3A_1528, %parallel_loop3A_1526, %parallel_loop3A_1495 : vector<16xi1>, vector<16xi32>
      %parallel_loop3A_1539 = arith.select %parallel_loop3A_1527, %parallel_loop3A_1490, %parallel_loop3A_1537 : vector<16xi1>, vector<16xf32>
      %parallel_loop3A_1540 = arith.select %parallel_loop3A_1527, %parallel_loop3A_1491, %parallel_loop3A_1538 : vector<16xi1>, vector<16xi32>
      %parallel_loop3A_1541 = arith.select %parallel_loop3A_1529, %parallel_loop3A_1524, %parallel_loop3A_1498 : vector<16xi1>, vector<16xf32>
      %parallel_loop3A_1542 = arith.select %parallel_loop3A_1529, %parallel_loop3A_1526, %parallel_loop3A_1499 : vector<16xi1>, vector<16xi32>
      %parallel_loop3A_1543 = arith.select %parallel_loop3A_1528, %parallel_loop3A_1494, %parallel_loop3A_1541 : vector<16xi1>, vector<16xf32>
      %parallel_loop3A_1544 = arith.select %parallel_loop3A_1528, %parallel_loop3A_1495, %parallel_loop3A_1542 : vector<16xi1>, vector<16xi32>
      %parallel_loop3A_1545 = arith.select %parallel_loop3A_1530, %parallel_loop3A_1524, %parallel_loop3A_1502 : vector<16xi1>, vector<16xf32>
      %parallel_loop3A_1546 = arith.select %parallel_loop3A_1530, %parallel_loop3A_1526, %parallel_loop3A_1503 : vector<16xi1>, vector<16xi32>
      %parallel_loop3A_1547 = arith.select %parallel_loop3A_1529, %parallel_loop3A_1498, %parallel_loop3A_1545 : vector<16xi1>, vector<16xf32>
      %parallel_loop3A_1548 = arith.select %parallel_loop3A_1529, %parallel_loop3A_1499, %parallel_loop3A_1546 : vector<16xi1>, vector<16xi32>
      %parallel_loop3A_1549 = arith.select %parallel_loop3A_1531, %parallel_loop3A_1524, %parallel_loop3A_1506 : vector<16xi1>, vector<16xf32>
      %parallel_loop3A_1550 = arith.select %parallel_loop3A_1531, %parallel_loop3A_1526, %parallel_loop3A_1507 : vector<16xi1>, vector<16xi32>
      %parallel_loop3A_1551 = arith.select %parallel_loop3A_1530, %parallel_loop3A_1502, %parallel_loop3A_1549 : vector<16xi1>, vector<16xf32>
      %parallel_loop3A_1552 = arith.select %parallel_loop3A_1530, %parallel_loop3A_1503, %parallel_loop3A_1550 : vector<16xi1>, vector<16xi32>
      %parallel_loop3A_1553 = arith.select %parallel_loop3A_1532, %parallel_loop3A_1524, %parallel_loop3A_1510 : vector<16xi1>, vector<16xf32>
      %parallel_loop3A_1554 = arith.select %parallel_loop3A_1532, %parallel_loop3A_1526, %parallel_loop3A_1511 : vector<16xi1>, vector<16xi32>
      %parallel_loop3A_1555 = arith.select %parallel_loop3A_1531, %parallel_loop3A_1506, %parallel_loop3A_1553 : vector<16xi1>, vector<16xf32>
      %parallel_loop3A_1556 = arith.select %parallel_loop3A_1531, %parallel_loop3A_1507, %parallel_loop3A_1554 : vector<16xi1>, vector<16xi32>
      %parallel_loop3A_1557 = arith.select %parallel_loop3A_1533, %parallel_loop3A_1524, %parallel_loop3A_1514 : vector<16xi1>, vector<16xf32>
      %parallel_loop3A_1558 = arith.select %parallel_loop3A_1533, %parallel_loop3A_1526, %parallel_loop3A_1515 : vector<16xi1>, vector<16xi32>
      %parallel_loop3A_1559 = arith.select %parallel_loop3A_1532, %parallel_loop3A_1510, %parallel_loop3A_1557 : vector<16xi1>, vector<16xf32>
      %parallel_loop3A_1560 = arith.select %parallel_loop3A_1532, %parallel_loop3A_1511, %parallel_loop3A_1558 : vector<16xi1>, vector<16xi32>
      %parallel_loop3A_1561 = arith.select %parallel_loop3A_1534, %parallel_loop3A_1524, %parallel_loop3A_1518 : vector<16xi1>, vector<16xf32>
      %parallel_loop3A_1562 = arith.select %parallel_loop3A_1534, %parallel_loop3A_1526, %parallel_loop3A_1519 : vector<16xi1>, vector<16xi32>
      %parallel_loop3A_1563 = arith.select %parallel_loop3A_1533, %parallel_loop3A_1514, %parallel_loop3A_1561 : vector<16xi1>, vector<16xf32>
      %parallel_loop3A_1564 = arith.select %parallel_loop3A_1533, %parallel_loop3A_1515, %parallel_loop3A_1562 : vector<16xi1>, vector<16xi32>
      %parallel_loop3A_1565 = arith.constant 37 : i32
      %parallel_loop3A_1566 = arith.index_cast %parallel_loop3A_1565 : i32 to index
      %parallel_loop3A_1567 = arith.index_cast %parallel_loop3A_7 : i32 to index
      %parallel_loop3A_1568 = tpu.vector_load %arg5[%parallel_loop3A_1566, %parallel_loop3A_1567] {strides = array<i32>} : memref<64x256xf32, #tpu.memory_space<vmem>>, vector<1x16xf32>,
      %parallel_loop3A_1569 = vector.shape_cast %parallel_loop3A_1568 : vector<1x16xf32> to vector<16xf32>
      %parallel_loop3A_1570 = arith.constant 37 : i32
      %parallel_loop3A_1571 = vector.broadcast %parallel_loop3A_1570 : i32 to vector<16xi32>
      %parallel_loop3A_1572 = arith.cmpf ogt, %parallel_loop3A_1569, %parallel_loop3A_1535 : vector<16xf32>
      %parallel_loop3A_1573 = arith.cmpf ogt, %parallel_loop3A_1569, %parallel_loop3A_1539 : vector<16xf32>
      %parallel_loop3A_1574 = arith.cmpf ogt, %parallel_loop3A_1569, %parallel_loop3A_1543 : vector<16xf32>
      %parallel_loop3A_1575 = arith.cmpf ogt, %parallel_loop3A_1569, %parallel_loop3A_1547 : vector<16xf32>
      %parallel_loop3A_1576 = arith.cmpf ogt, %parallel_loop3A_1569, %parallel_loop3A_1551 : vector<16xf32>
      %parallel_loop3A_1577 = arith.cmpf ogt, %parallel_loop3A_1569, %parallel_loop3A_1555 : vector<16xf32>
      %parallel_loop3A_1578 = arith.cmpf ogt, %parallel_loop3A_1569, %parallel_loop3A_1559 : vector<16xf32>
      %parallel_loop3A_1579 = arith.cmpf ogt, %parallel_loop3A_1569, %parallel_loop3A_1563 : vector<16xf32>
      %parallel_loop3A_1580 = arith.select %parallel_loop3A_1572, %parallel_loop3A_1569, %parallel_loop3A_1535 : vector<16xi1>, vector<16xf32>
      %parallel_loop3A_1581 = arith.select %parallel_loop3A_1572, %parallel_loop3A_1571, %parallel_loop3A_1536 : vector<16xi1>, vector<16xi32>
      %parallel_loop3A_1582 = arith.select %parallel_loop3A_1573, %parallel_loop3A_1569, %parallel_loop3A_1539 : vector<16xi1>, vector<16xf32>
      %parallel_loop3A_1583 = arith.select %parallel_loop3A_1573, %parallel_loop3A_1571, %parallel_loop3A_1540 : vector<16xi1>, vector<16xi32>
      %parallel_loop3A_1584 = arith.select %parallel_loop3A_1572, %parallel_loop3A_1535, %parallel_loop3A_1582 : vector<16xi1>, vector<16xf32>
      %parallel_loop3A_1585 = arith.select %parallel_loop3A_1572, %parallel_loop3A_1536, %parallel_loop3A_1583 : vector<16xi1>, vector<16xi32>
      %parallel_loop3A_1586 = arith.select %parallel_loop3A_1574, %parallel_loop3A_1569, %parallel_loop3A_1543 : vector<16xi1>, vector<16xf32>
      %parallel_loop3A_1587 = arith.select %parallel_loop3A_1574, %parallel_loop3A_1571, %parallel_loop3A_1544 : vector<16xi1>, vector<16xi32>
      %parallel_loop3A_1588 = arith.select %parallel_loop3A_1573, %parallel_loop3A_1539, %parallel_loop3A_1586 : vector<16xi1>, vector<16xf32>
      %parallel_loop3A_1589 = arith.select %parallel_loop3A_1573, %parallel_loop3A_1540, %parallel_loop3A_1587 : vector<16xi1>, vector<16xi32>
      %parallel_loop3A_1590 = arith.select %parallel_loop3A_1575, %parallel_loop3A_1569, %parallel_loop3A_1547 : vector<16xi1>, vector<16xf32>
      %parallel_loop3A_1591 = arith.select %parallel_loop3A_1575, %parallel_loop3A_1571, %parallel_loop3A_1548 : vector<16xi1>, vector<16xi32>
      %parallel_loop3A_1592 = arith.select %parallel_loop3A_1574, %parallel_loop3A_1543, %parallel_loop3A_1590 : vector<16xi1>, vector<16xf32>
      %parallel_loop3A_1593 = arith.select %parallel_loop3A_1574, %parallel_loop3A_1544, %parallel_loop3A_1591 : vector<16xi1>, vector<16xi32>
      %parallel_loop3A_1594 = arith.select %parallel_loop3A_1576, %parallel_loop3A_1569, %parallel_loop3A_1551 : vector<16xi1>, vector<16xf32>
      %parallel_loop3A_1595 = arith.select %parallel_loop3A_1576, %parallel_loop3A_1571, %parallel_loop3A_1552 : vector<16xi1>, vector<16xi32>
      %parallel_loop3A_1596 = arith.select %parallel_loop3A_1575, %parallel_loop3A_1547, %parallel_loop3A_1594 : vector<16xi1>, vector<16xf32>
      %parallel_loop3A_1597 = arith.select %parallel_loop3A_1575, %parallel_loop3A_1548, %parallel_loop3A_1595 : vector<16xi1>, vector<16xi32>
      %parallel_loop3A_1598 = arith.select %parallel_loop3A_1577, %parallel_loop3A_1569, %parallel_loop3A_1555 : vector<16xi1>, vector<16xf32>
      %parallel_loop3A_1599 = arith.select %parallel_loop3A_1577, %parallel_loop3A_1571, %parallel_loop3A_1556 : vector<16xi1>, vector<16xi32>
      %parallel_loop3A_1600 = arith.select %parallel_loop3A_1576, %parallel_loop3A_1551, %parallel_loop3A_1598 : vector<16xi1>, vector<16xf32>
      %parallel_loop3A_1601 = arith.select %parallel_loop3A_1576, %parallel_loop3A_1552, %parallel_loop3A_1599 : vector<16xi1>, vector<16xi32>
      %parallel_loop3A_1602 = arith.select %parallel_loop3A_1578, %parallel_loop3A_1569, %parallel_loop3A_1559 : vector<16xi1>, vector<16xf32>
      %parallel_loop3A_1603 = arith.select %parallel_loop3A_1578, %parallel_loop3A_1571, %parallel_loop3A_1560 : vector<16xi1>, vector<16xi32>
      %parallel_loop3A_1604 = arith.select %parallel_loop3A_1577, %parallel_loop3A_1555, %parallel_loop3A_1602 : vector<16xi1>, vector<16xf32>
      %parallel_loop3A_1605 = arith.select %parallel_loop3A_1577, %parallel_loop3A_1556, %parallel_loop3A_1603 : vector<16xi1>, vector<16xi32>
      %parallel_loop3A_1606 = arith.select %parallel_loop3A_1579, %parallel_loop3A_1569, %parallel_loop3A_1563 : vector<16xi1>, vector<16xf32>
      %parallel_loop3A_1607 = arith.select %parallel_loop3A_1579, %parallel_loop3A_1571, %parallel_loop3A_1564 : vector<16xi1>, vector<16xi32>
      %parallel_loop3A_1608 = arith.select %parallel_loop3A_1578, %parallel_loop3A_1559, %parallel_loop3A_1606 : vector<16xi1>, vector<16xf32>
      %parallel_loop3A_1609 = arith.select %parallel_loop3A_1578, %parallel_loop3A_1560, %parallel_loop3A_1607 : vector<16xi1>, vector<16xi32>
      %parallel_loop3A_1610 = arith.constant 38 : i32
      %parallel_loop3A_1611 = arith.index_cast %parallel_loop3A_1610 : i32 to index
      %parallel_loop3A_1612 = arith.index_cast %parallel_loop3A_7 : i32 to index
      %parallel_loop3A_1613 = tpu.vector_load %arg5[%parallel_loop3A_1611, %parallel_loop3A_1612] {strides = array<i32>} : memref<64x256xf32, #tpu.memory_space<vmem>>, vector<1x16xf32>,
      %parallel_loop3A_1614 = vector.shape_cast %parallel_loop3A_1613 : vector<1x16xf32> to vector<16xf32>
      %parallel_loop3A_1615 = arith.constant 38 : i32
      %parallel_loop3A_1616 = vector.broadcast %parallel_loop3A_1615 : i32 to vector<16xi32>
      %parallel_loop3A_1617 = arith.cmpf ogt, %parallel_loop3A_1614, %parallel_loop3A_1580 : vector<16xf32>
      %parallel_loop3A_1618 = arith.cmpf ogt, %parallel_loop3A_1614, %parallel_loop3A_1584 : vector<16xf32>
      %parallel_loop3A_1619 = arith.cmpf ogt, %parallel_loop3A_1614, %parallel_loop3A_1588 : vector<16xf32>
      %parallel_loop3A_1620 = arith.cmpf ogt, %parallel_loop3A_1614, %parallel_loop3A_1592 : vector<16xf32>
      %parallel_loop3A_1621 = arith.cmpf ogt, %parallel_loop3A_1614, %parallel_loop3A_1596 : vector<16xf32>
      %parallel_loop3A_1622 = arith.cmpf ogt, %parallel_loop3A_1614, %parallel_loop3A_1600 : vector<16xf32>
      %parallel_loop3A_1623 = arith.cmpf ogt, %parallel_loop3A_1614, %parallel_loop3A_1604 : vector<16xf32>
      %parallel_loop3A_1624 = arith.cmpf ogt, %parallel_loop3A_1614, %parallel_loop3A_1608 : vector<16xf32>
      %parallel_loop3A_1625 = arith.select %parallel_loop3A_1617, %parallel_loop3A_1614, %parallel_loop3A_1580 : vector<16xi1>, vector<16xf32>
      %parallel_loop3A_1626 = arith.select %parallel_loop3A_1617, %parallel_loop3A_1616, %parallel_loop3A_1581 : vector<16xi1>, vector<16xi32>
      %parallel_loop3A_1627 = arith.select %parallel_loop3A_1618, %parallel_loop3A_1614, %parallel_loop3A_1584 : vector<16xi1>, vector<16xf32>
      %parallel_loop3A_1628 = arith.select %parallel_loop3A_1618, %parallel_loop3A_1616, %parallel_loop3A_1585 : vector<16xi1>, vector<16xi32>
      %parallel_loop3A_1629 = arith.select %parallel_loop3A_1617, %parallel_loop3A_1580, %parallel_loop3A_1627 : vector<16xi1>, vector<16xf32>
      %parallel_loop3A_1630 = arith.select %parallel_loop3A_1617, %parallel_loop3A_1581, %parallel_loop3A_1628 : vector<16xi1>, vector<16xi32>
      %parallel_loop3A_1631 = arith.select %parallel_loop3A_1619, %parallel_loop3A_1614, %parallel_loop3A_1588 : vector<16xi1>, vector<16xf32>
      %parallel_loop3A_1632 = arith.select %parallel_loop3A_1619, %parallel_loop3A_1616, %parallel_loop3A_1589 : vector<16xi1>, vector<16xi32>
      %parallel_loop3A_1633 = arith.select %parallel_loop3A_1618, %parallel_loop3A_1584, %parallel_loop3A_1631 : vector<16xi1>, vector<16xf32>
      %parallel_loop3A_1634 = arith.select %parallel_loop3A_1618, %parallel_loop3A_1585, %parallel_loop3A_1632 : vector<16xi1>, vector<16xi32>
      %parallel_loop3A_1635 = arith.select %parallel_loop3A_1620, %parallel_loop3A_1614, %parallel_loop3A_1592 : vector<16xi1>, vector<16xf32>
      %parallel_loop3A_1636 = arith.select %parallel_loop3A_1620, %parallel_loop3A_1616, %parallel_loop3A_1593 : vector<16xi1>, vector<16xi32>
      %parallel_loop3A_1637 = arith.select %parallel_loop3A_1619, %parallel_loop3A_1588, %parallel_loop3A_1635 : vector<16xi1>, vector<16xf32>
      %parallel_loop3A_1638 = arith.select %parallel_loop3A_1619, %parallel_loop3A_1589, %parallel_loop3A_1636 : vector<16xi1>, vector<16xi32>
      %parallel_loop3A_1639 = arith.select %parallel_loop3A_1621, %parallel_loop3A_1614, %parallel_loop3A_1596 : vector<16xi1>, vector<16xf32>
      %parallel_loop3A_1640 = arith.select %parallel_loop3A_1621, %parallel_loop3A_1616, %parallel_loop3A_1597 : vector<16xi1>, vector<16xi32>
      %parallel_loop3A_1641 = arith.select %parallel_loop3A_1620, %parallel_loop3A_1592, %parallel_loop3A_1639 : vector<16xi1>, vector<16xf32>
      %parallel_loop3A_1642 = arith.select %parallel_loop3A_1620, %parallel_loop3A_1593, %parallel_loop3A_1640 : vector<16xi1>, vector<16xi32>
      %parallel_loop3A_1643 = arith.select %parallel_loop3A_1622, %parallel_loop3A_1614, %parallel_loop3A_1600 : vector<16xi1>, vector<16xf32>
      %parallel_loop3A_1644 = arith.select %parallel_loop3A_1622, %parallel_loop3A_1616, %parallel_loop3A_1601 : vector<16xi1>, vector<16xi32>
      %parallel_loop3A_1645 = arith.select %parallel_loop3A_1621, %parallel_loop3A_1596, %parallel_loop3A_1643 : vector<16xi1>, vector<16xf32>
      %parallel_loop3A_1646 = arith.select %parallel_loop3A_1621, %parallel_loop3A_1597, %parallel_loop3A_1644 : vector<16xi1>, vector<16xi32>
      %parallel_loop3A_1647 = arith.select %parallel_loop3A_1623, %parallel_loop3A_1614, %parallel_loop3A_1604 : vector<16xi1>, vector<16xf32>
      %parallel_loop3A_1648 = arith.select %parallel_loop3A_1623, %parallel_loop3A_1616, %parallel_loop3A_1605 : vector<16xi1>, vector<16xi32>
      %parallel_loop3A_1649 = arith.select %parallel_loop3A_1622, %parallel_loop3A_1600, %parallel_loop3A_1647 : vector<16xi1>, vector<16xf32>
      %parallel_loop3A_1650 = arith.select %parallel_loop3A_1622, %parallel_loop3A_1601, %parallel_loop3A_1648 : vector<16xi1>, vector<16xi32>
      %parallel_loop3A_1651 = arith.select %parallel_loop3A_1624, %parallel_loop3A_1614, %parallel_loop3A_1608 : vector<16xi1>, vector<16xf32>
      %parallel_loop3A_1652 = arith.select %parallel_loop3A_1624, %parallel_loop3A_1616, %parallel_loop3A_1609 : vector<16xi1>, vector<16xi32>
      %parallel_loop3A_1653 = arith.select %parallel_loop3A_1623, %parallel_loop3A_1604, %parallel_loop3A_1651 : vector<16xi1>, vector<16xf32>
      %parallel_loop3A_1654 = arith.select %parallel_loop3A_1623, %parallel_loop3A_1605, %parallel_loop3A_1652 : vector<16xi1>, vector<16xi32>
      %parallel_loop3A_1655 = arith.constant 39 : i32
      %parallel_loop3A_1656 = arith.index_cast %parallel_loop3A_1655 : i32 to index
      %parallel_loop3A_1657 = arith.index_cast %parallel_loop3A_7 : i32 to index
      %parallel_loop3A_1658 = tpu.vector_load %arg5[%parallel_loop3A_1656, %parallel_loop3A_1657] {strides = array<i32>} : memref<64x256xf32, #tpu.memory_space<vmem>>, vector<1x16xf32>,
      %parallel_loop3A_1659 = vector.shape_cast %parallel_loop3A_1658 : vector<1x16xf32> to vector<16xf32>
      %parallel_loop3A_1660 = arith.constant 39 : i32
      %parallel_loop3A_1661 = vector.broadcast %parallel_loop3A_1660 : i32 to vector<16xi32>
      %parallel_loop3A_1662 = arith.cmpf ogt, %parallel_loop3A_1659, %parallel_loop3A_1625 : vector<16xf32>
      %parallel_loop3A_1663 = arith.cmpf ogt, %parallel_loop3A_1659, %parallel_loop3A_1629 : vector<16xf32>
      %parallel_loop3A_1664 = arith.cmpf ogt, %parallel_loop3A_1659, %parallel_loop3A_1633 : vector<16xf32>
      %parallel_loop3A_1665 = arith.cmpf ogt, %parallel_loop3A_1659, %parallel_loop3A_1637 : vector<16xf32>
      %parallel_loop3A_1666 = arith.cmpf ogt, %parallel_loop3A_1659, %parallel_loop3A_1641 : vector<16xf32>
      %parallel_loop3A_1667 = arith.cmpf ogt, %parallel_loop3A_1659, %parallel_loop3A_1645 : vector<16xf32>
      %parallel_loop3A_1668 = arith.cmpf ogt, %parallel_loop3A_1659, %parallel_loop3A_1649 : vector<16xf32>
      %parallel_loop3A_1669 = arith.cmpf ogt, %parallel_loop3A_1659, %parallel_loop3A_1653 : vector<16xf32>
      %parallel_loop3A_1670 = arith.select %parallel_loop3A_1662, %parallel_loop3A_1659, %parallel_loop3A_1625 : vector<16xi1>, vector<16xf32>
      %parallel_loop3A_1671 = arith.select %parallel_loop3A_1662, %parallel_loop3A_1661, %parallel_loop3A_1626 : vector<16xi1>, vector<16xi32>
      %parallel_loop3A_1672 = arith.select %parallel_loop3A_1663, %parallel_loop3A_1659, %parallel_loop3A_1629 : vector<16xi1>, vector<16xf32>
      %parallel_loop3A_1673 = arith.select %parallel_loop3A_1663, %parallel_loop3A_1661, %parallel_loop3A_1630 : vector<16xi1>, vector<16xi32>
      %parallel_loop3A_1674 = arith.select %parallel_loop3A_1662, %parallel_loop3A_1625, %parallel_loop3A_1672 : vector<16xi1>, vector<16xf32>
      %parallel_loop3A_1675 = arith.select %parallel_loop3A_1662, %parallel_loop3A_1626, %parallel_loop3A_1673 : vector<16xi1>, vector<16xi32>
      %parallel_loop3A_1676 = arith.select %parallel_loop3A_1664, %parallel_loop3A_1659, %parallel_loop3A_1633 : vector<16xi1>, vector<16xf32>
      %parallel_loop3A_1677 = arith.select %parallel_loop3A_1664, %parallel_loop3A_1661, %parallel_loop3A_1634 : vector<16xi1>, vector<16xi32>
      %parallel_loop3A_1678 = arith.select %parallel_loop3A_1663, %parallel_loop3A_1629, %parallel_loop3A_1676 : vector<16xi1>, vector<16xf32>
      %parallel_loop3A_1679 = arith.select %parallel_loop3A_1663, %parallel_loop3A_1630, %parallel_loop3A_1677 : vector<16xi1>, vector<16xi32>
      %parallel_loop3A_1680 = arith.select %parallel_loop3A_1665, %parallel_loop3A_1659, %parallel_loop3A_1637 : vector<16xi1>, vector<16xf32>
      %parallel_loop3A_1681 = arith.select %parallel_loop3A_1665, %parallel_loop3A_1661, %parallel_loop3A_1638 : vector<16xi1>, vector<16xi32>
      %parallel_loop3A_1682 = arith.select %parallel_loop3A_1664, %parallel_loop3A_1633, %parallel_loop3A_1680 : vector<16xi1>, vector<16xf32>
      %parallel_loop3A_1683 = arith.select %parallel_loop3A_1664, %parallel_loop3A_1634, %parallel_loop3A_1681 : vector<16xi1>, vector<16xi32>
      %parallel_loop3A_1684 = arith.select %parallel_loop3A_1666, %parallel_loop3A_1659, %parallel_loop3A_1641 : vector<16xi1>, vector<16xf32>
      %parallel_loop3A_1685 = arith.select %parallel_loop3A_1666, %parallel_loop3A_1661, %parallel_loop3A_1642 : vector<16xi1>, vector<16xi32>
      %parallel_loop3A_1686 = arith.select %parallel_loop3A_1665, %parallel_loop3A_1637, %parallel_loop3A_1684 : vector<16xi1>, vector<16xf32>
      %parallel_loop3A_1687 = arith.select %parallel_loop3A_1665, %parallel_loop3A_1638, %parallel_loop3A_1685 : vector<16xi1>, vector<16xi32>
      %parallel_loop3A_1688 = arith.select %parallel_loop3A_1667, %parallel_loop3A_1659, %parallel_loop3A_1645 : vector<16xi1>, vector<16xf32>
      %parallel_loop3A_1689 = arith.select %parallel_loop3A_1667, %parallel_loop3A_1661, %parallel_loop3A_1646 : vector<16xi1>, vector<16xi32>
      %parallel_loop3A_1690 = arith.select %parallel_loop3A_1666, %parallel_loop3A_1641, %parallel_loop3A_1688 : vector<16xi1>, vector<16xf32>
      %parallel_loop3A_1691 = arith.select %parallel_loop3A_1666, %parallel_loop3A_1642, %parallel_loop3A_1689 : vector<16xi1>, vector<16xi32>
      %parallel_loop3A_1692 = arith.select %parallel_loop3A_1668, %parallel_loop3A_1659, %parallel_loop3A_1649 : vector<16xi1>, vector<16xf32>
      %parallel_loop3A_1693 = arith.select %parallel_loop3A_1668, %parallel_loop3A_1661, %parallel_loop3A_1650 : vector<16xi1>, vector<16xi32>
      %parallel_loop3A_1694 = arith.select %parallel_loop3A_1667, %parallel_loop3A_1645, %parallel_loop3A_1692 : vector<16xi1>, vector<16xf32>
      %parallel_loop3A_1695 = arith.select %parallel_loop3A_1667, %parallel_loop3A_1646, %parallel_loop3A_1693 : vector<16xi1>, vector<16xi32>
      %parallel_loop3A_1696 = arith.select %parallel_loop3A_1669, %parallel_loop3A_1659, %parallel_loop3A_1653 : vector<16xi1>, vector<16xf32>
      %parallel_loop3A_1697 = arith.select %parallel_loop3A_1669, %parallel_loop3A_1661, %parallel_loop3A_1654 : vector<16xi1>, vector<16xi32>
      %parallel_loop3A_1698 = arith.select %parallel_loop3A_1668, %parallel_loop3A_1649, %parallel_loop3A_1696 : vector<16xi1>, vector<16xf32>
      %parallel_loop3A_1699 = arith.select %parallel_loop3A_1668, %parallel_loop3A_1650, %parallel_loop3A_1697 : vector<16xi1>, vector<16xi32>
      %parallel_loop3A_1700 = arith.constant 40 : i32
      %parallel_loop3A_1701 = arith.index_cast %parallel_loop3A_1700 : i32 to index
      %parallel_loop3A_1702 = arith.index_cast %parallel_loop3A_7 : i32 to index
      %parallel_loop3A_1703 = tpu.vector_load %arg5[%parallel_loop3A_1701, %parallel_loop3A_1702] {strides = array<i32>} : memref<64x256xf32, #tpu.memory_space<vmem>>, vector<1x16xf32>,
      %parallel_loop3A_1704 = vector.shape_cast %parallel_loop3A_1703 : vector<1x16xf32> to vector<16xf32>
      %parallel_loop3A_1705 = arith.constant 40 : i32
      %parallel_loop3A_1706 = vector.broadcast %parallel_loop3A_1705 : i32 to vector<16xi32>
      %parallel_loop3A_1707 = arith.cmpf ogt, %parallel_loop3A_1704, %parallel_loop3A_1670 : vector<16xf32>
      %parallel_loop3A_1708 = arith.cmpf ogt, %parallel_loop3A_1704, %parallel_loop3A_1674 : vector<16xf32>
      %parallel_loop3A_1709 = arith.cmpf ogt, %parallel_loop3A_1704, %parallel_loop3A_1678 : vector<16xf32>
      %parallel_loop3A_1710 = arith.cmpf ogt, %parallel_loop3A_1704, %parallel_loop3A_1682 : vector<16xf32>
      %parallel_loop3A_1711 = arith.cmpf ogt, %parallel_loop3A_1704, %parallel_loop3A_1686 : vector<16xf32>
      %parallel_loop3A_1712 = arith.cmpf ogt, %parallel_loop3A_1704, %parallel_loop3A_1690 : vector<16xf32>
      %parallel_loop3A_1713 = arith.cmpf ogt, %parallel_loop3A_1704, %parallel_loop3A_1694 : vector<16xf32>
      %parallel_loop3A_1714 = arith.cmpf ogt, %parallel_loop3A_1704, %parallel_loop3A_1698 : vector<16xf32>
      %parallel_loop3A_1715 = arith.select %parallel_loop3A_1707, %parallel_loop3A_1704, %parallel_loop3A_1670 : vector<16xi1>, vector<16xf32>
      %parallel_loop3A_1716 = arith.select %parallel_loop3A_1707, %parallel_loop3A_1706, %parallel_loop3A_1671 : vector<16xi1>, vector<16xi32>
      %parallel_loop3A_1717 = arith.select %parallel_loop3A_1708, %parallel_loop3A_1704, %parallel_loop3A_1674 : vector<16xi1>, vector<16xf32>
      %parallel_loop3A_1718 = arith.select %parallel_loop3A_1708, %parallel_loop3A_1706, %parallel_loop3A_1675 : vector<16xi1>, vector<16xi32>
      %parallel_loop3A_1719 = arith.select %parallel_loop3A_1707, %parallel_loop3A_1670, %parallel_loop3A_1717 : vector<16xi1>, vector<16xf32>
      %parallel_loop3A_1720 = arith.select %parallel_loop3A_1707, %parallel_loop3A_1671, %parallel_loop3A_1718 : vector<16xi1>, vector<16xi32>
      %parallel_loop3A_1721 = arith.select %parallel_loop3A_1709, %parallel_loop3A_1704, %parallel_loop3A_1678 : vector<16xi1>, vector<16xf32>
      %parallel_loop3A_1722 = arith.select %parallel_loop3A_1709, %parallel_loop3A_1706, %parallel_loop3A_1679 : vector<16xi1>, vector<16xi32>
      %parallel_loop3A_1723 = arith.select %parallel_loop3A_1708, %parallel_loop3A_1674, %parallel_loop3A_1721 : vector<16xi1>, vector<16xf32>
      %parallel_loop3A_1724 = arith.select %parallel_loop3A_1708, %parallel_loop3A_1675, %parallel_loop3A_1722 : vector<16xi1>, vector<16xi32>
      %parallel_loop3A_1725 = arith.select %parallel_loop3A_1710, %parallel_loop3A_1704, %parallel_loop3A_1682 : vector<16xi1>, vector<16xf32>
      %parallel_loop3A_1726 = arith.select %parallel_loop3A_1710, %parallel_loop3A_1706, %parallel_loop3A_1683 : vector<16xi1>, vector<16xi32>
      %parallel_loop3A_1727 = arith.select %parallel_loop3A_1709, %parallel_loop3A_1678, %parallel_loop3A_1725 : vector<16xi1>, vector<16xf32>
      %parallel_loop3A_1728 = arith.select %parallel_loop3A_1709, %parallel_loop3A_1679, %parallel_loop3A_1726 : vector<16xi1>, vector<16xi32>
      %parallel_loop3A_1729 = arith.select %parallel_loop3A_1711, %parallel_loop3A_1704, %parallel_loop3A_1686 : vector<16xi1>, vector<16xf32>
      %parallel_loop3A_1730 = arith.select %parallel_loop3A_1711, %parallel_loop3A_1706, %parallel_loop3A_1687 : vector<16xi1>, vector<16xi32>
      %parallel_loop3A_1731 = arith.select %parallel_loop3A_1710, %parallel_loop3A_1682, %parallel_loop3A_1729 : vector<16xi1>, vector<16xf32>
      %parallel_loop3A_1732 = arith.select %parallel_loop3A_1710, %parallel_loop3A_1683, %parallel_loop3A_1730 : vector<16xi1>, vector<16xi32>
      %parallel_loop3A_1733 = arith.select %parallel_loop3A_1712, %parallel_loop3A_1704, %parallel_loop3A_1690 : vector<16xi1>, vector<16xf32>
      %parallel_loop3A_1734 = arith.select %parallel_loop3A_1712, %parallel_loop3A_1706, %parallel_loop3A_1691 : vector<16xi1>, vector<16xi32>
      %parallel_loop3A_1735 = arith.select %parallel_loop3A_1711, %parallel_loop3A_1686, %parallel_loop3A_1733 : vector<16xi1>, vector<16xf32>
      %parallel_loop3A_1736 = arith.select %parallel_loop3A_1711, %parallel_loop3A_1687, %parallel_loop3A_1734 : vector<16xi1>, vector<16xi32>
      %parallel_loop3A_1737 = arith.select %parallel_loop3A_1713, %parallel_loop3A_1704, %parallel_loop3A_1694 : vector<16xi1>, vector<16xf32>
      %parallel_loop3A_1738 = arith.select %parallel_loop3A_1713, %parallel_loop3A_1706, %parallel_loop3A_1695 : vector<16xi1>, vector<16xi32>
      %parallel_loop3A_1739 = arith.select %parallel_loop3A_1712, %parallel_loop3A_1690, %parallel_loop3A_1737 : vector<16xi1>, vector<16xf32>
      %parallel_loop3A_1740 = arith.select %parallel_loop3A_1712, %parallel_loop3A_1691, %parallel_loop3A_1738 : vector<16xi1>, vector<16xi32>
      %parallel_loop3A_1741 = arith.select %parallel_loop3A_1714, %parallel_loop3A_1704, %parallel_loop3A_1698 : vector<16xi1>, vector<16xf32>
      %parallel_loop3A_1742 = arith.select %parallel_loop3A_1714, %parallel_loop3A_1706, %parallel_loop3A_1699 : vector<16xi1>, vector<16xi32>
      %parallel_loop3A_1743 = arith.select %parallel_loop3A_1713, %parallel_loop3A_1694, %parallel_loop3A_1741 : vector<16xi1>, vector<16xf32>
      %parallel_loop3A_1744 = arith.select %parallel_loop3A_1713, %parallel_loop3A_1695, %parallel_loop3A_1742 : vector<16xi1>, vector<16xi32>
      %parallel_loop3A_1745 = arith.constant 41 : i32
      %parallel_loop3A_1746 = arith.index_cast %parallel_loop3A_1745 : i32 to index
      %parallel_loop3A_1747 = arith.index_cast %parallel_loop3A_7 : i32 to index
      %parallel_loop3A_1748 = tpu.vector_load %arg5[%parallel_loop3A_1746, %parallel_loop3A_1747] {strides = array<i32>} : memref<64x256xf32, #tpu.memory_space<vmem>>, vector<1x16xf32>,
      %parallel_loop3A_1749 = vector.shape_cast %parallel_loop3A_1748 : vector<1x16xf32> to vector<16xf32>
      %parallel_loop3A_1750 = arith.constant 41 : i32
      %parallel_loop3A_1751 = vector.broadcast %parallel_loop3A_1750 : i32 to vector<16xi32>
      %parallel_loop3A_1752 = arith.cmpf ogt, %parallel_loop3A_1749, %parallel_loop3A_1715 : vector<16xf32>
      %parallel_loop3A_1753 = arith.cmpf ogt, %parallel_loop3A_1749, %parallel_loop3A_1719 : vector<16xf32>
      %parallel_loop3A_1754 = arith.cmpf ogt, %parallel_loop3A_1749, %parallel_loop3A_1723 : vector<16xf32>
      %parallel_loop3A_1755 = arith.cmpf ogt, %parallel_loop3A_1749, %parallel_loop3A_1727 : vector<16xf32>
      %parallel_loop3A_1756 = arith.cmpf ogt, %parallel_loop3A_1749, %parallel_loop3A_1731 : vector<16xf32>
      %parallel_loop3A_1757 = arith.cmpf ogt, %parallel_loop3A_1749, %parallel_loop3A_1735 : vector<16xf32>
      %parallel_loop3A_1758 = arith.cmpf ogt, %parallel_loop3A_1749, %parallel_loop3A_1739 : vector<16xf32>
      %parallel_loop3A_1759 = arith.cmpf ogt, %parallel_loop3A_1749, %parallel_loop3A_1743 : vector<16xf32>
      %parallel_loop3A_1760 = arith.select %parallel_loop3A_1752, %parallel_loop3A_1749, %parallel_loop3A_1715 : vector<16xi1>, vector<16xf32>
      %parallel_loop3A_1761 = arith.select %parallel_loop3A_1752, %parallel_loop3A_1751, %parallel_loop3A_1716 : vector<16xi1>, vector<16xi32>
      %parallel_loop3A_1762 = arith.select %parallel_loop3A_1753, %parallel_loop3A_1749, %parallel_loop3A_1719 : vector<16xi1>, vector<16xf32>
      %parallel_loop3A_1763 = arith.select %parallel_loop3A_1753, %parallel_loop3A_1751, %parallel_loop3A_1720 : vector<16xi1>, vector<16xi32>
      %parallel_loop3A_1764 = arith.select %parallel_loop3A_1752, %parallel_loop3A_1715, %parallel_loop3A_1762 : vector<16xi1>, vector<16xf32>
      %parallel_loop3A_1765 = arith.select %parallel_loop3A_1752, %parallel_loop3A_1716, %parallel_loop3A_1763 : vector<16xi1>, vector<16xi32>
      %parallel_loop3A_1766 = arith.select %parallel_loop3A_1754, %parallel_loop3A_1749, %parallel_loop3A_1723 : vector<16xi1>, vector<16xf32>
      %parallel_loop3A_1767 = arith.select %parallel_loop3A_1754, %parallel_loop3A_1751, %parallel_loop3A_1724 : vector<16xi1>, vector<16xi32>
      %parallel_loop3A_1768 = arith.select %parallel_loop3A_1753, %parallel_loop3A_1719, %parallel_loop3A_1766 : vector<16xi1>, vector<16xf32>
      %parallel_loop3A_1769 = arith.select %parallel_loop3A_1753, %parallel_loop3A_1720, %parallel_loop3A_1767 : vector<16xi1>, vector<16xi32>
      %parallel_loop3A_1770 = arith.select %parallel_loop3A_1755, %parallel_loop3A_1749, %parallel_loop3A_1727 : vector<16xi1>, vector<16xf32>
      %parallel_loop3A_1771 = arith.select %parallel_loop3A_1755, %parallel_loop3A_1751, %parallel_loop3A_1728 : vector<16xi1>, vector<16xi32>
      %parallel_loop3A_1772 = arith.select %parallel_loop3A_1754, %parallel_loop3A_1723, %parallel_loop3A_1770 : vector<16xi1>, vector<16xf32>
      %parallel_loop3A_1773 = arith.select %parallel_loop3A_1754, %parallel_loop3A_1724, %parallel_loop3A_1771 : vector<16xi1>, vector<16xi32>
      %parallel_loop3A_1774 = arith.select %parallel_loop3A_1756, %parallel_loop3A_1749, %parallel_loop3A_1731 : vector<16xi1>, vector<16xf32>
      %parallel_loop3A_1775 = arith.select %parallel_loop3A_1756, %parallel_loop3A_1751, %parallel_loop3A_1732 : vector<16xi1>, vector<16xi32>
      %parallel_loop3A_1776 = arith.select %parallel_loop3A_1755, %parallel_loop3A_1727, %parallel_loop3A_1774 : vector<16xi1>, vector<16xf32>
      %parallel_loop3A_1777 = arith.select %parallel_loop3A_1755, %parallel_loop3A_1728, %parallel_loop3A_1775 : vector<16xi1>, vector<16xi32>
      %parallel_loop3A_1778 = arith.select %parallel_loop3A_1757, %parallel_loop3A_1749, %parallel_loop3A_1735 : vector<16xi1>, vector<16xf32>
      %parallel_loop3A_1779 = arith.select %parallel_loop3A_1757, %parallel_loop3A_1751, %parallel_loop3A_1736 : vector<16xi1>, vector<16xi32>
      %parallel_loop3A_1780 = arith.select %parallel_loop3A_1756, %parallel_loop3A_1731, %parallel_loop3A_1778 : vector<16xi1>, vector<16xf32>
      %parallel_loop3A_1781 = arith.select %parallel_loop3A_1756, %parallel_loop3A_1732, %parallel_loop3A_1779 : vector<16xi1>, vector<16xi32>
      %parallel_loop3A_1782 = arith.select %parallel_loop3A_1758, %parallel_loop3A_1749, %parallel_loop3A_1739 : vector<16xi1>, vector<16xf32>
      %parallel_loop3A_1783 = arith.select %parallel_loop3A_1758, %parallel_loop3A_1751, %parallel_loop3A_1740 : vector<16xi1>, vector<16xi32>
      %parallel_loop3A_1784 = arith.select %parallel_loop3A_1757, %parallel_loop3A_1735, %parallel_loop3A_1782 : vector<16xi1>, vector<16xf32>
      %parallel_loop3A_1785 = arith.select %parallel_loop3A_1757, %parallel_loop3A_1736, %parallel_loop3A_1783 : vector<16xi1>, vector<16xi32>
      %parallel_loop3A_1786 = arith.select %parallel_loop3A_1759, %parallel_loop3A_1749, %parallel_loop3A_1743 : vector<16xi1>, vector<16xf32>
      %parallel_loop3A_1787 = arith.select %parallel_loop3A_1759, %parallel_loop3A_1751, %parallel_loop3A_1744 : vector<16xi1>, vector<16xi32>
      %parallel_loop3A_1788 = arith.select %parallel_loop3A_1758, %parallel_loop3A_1739, %parallel_loop3A_1786 : vector<16xi1>, vector<16xf32>
      %parallel_loop3A_1789 = arith.select %parallel_loop3A_1758, %parallel_loop3A_1740, %parallel_loop3A_1787 : vector<16xi1>, vector<16xi32>
      %parallel_loop3A_1790 = arith.constant 42 : i32
      %parallel_loop3A_1791 = arith.index_cast %parallel_loop3A_1790 : i32 to index
      %parallel_loop3A_1792 = arith.index_cast %parallel_loop3A_7 : i32 to index
      %parallel_loop3A_1793 = tpu.vector_load %arg5[%parallel_loop3A_1791, %parallel_loop3A_1792] {strides = array<i32>} : memref<64x256xf32, #tpu.memory_space<vmem>>, vector<1x16xf32>,
      %parallel_loop3A_1794 = vector.shape_cast %parallel_loop3A_1793 : vector<1x16xf32> to vector<16xf32>
      %parallel_loop3A_1795 = arith.constant 42 : i32
      %parallel_loop3A_1796 = vector.broadcast %parallel_loop3A_1795 : i32 to vector<16xi32>
      %parallel_loop3A_1797 = arith.cmpf ogt, %parallel_loop3A_1794, %parallel_loop3A_1760 : vector<16xf32>
      %parallel_loop3A_1798 = arith.cmpf ogt, %parallel_loop3A_1794, %parallel_loop3A_1764 : vector<16xf32>
      %parallel_loop3A_1799 = arith.cmpf ogt, %parallel_loop3A_1794, %parallel_loop3A_1768 : vector<16xf32>
      %parallel_loop3A_1800 = arith.cmpf ogt, %parallel_loop3A_1794, %parallel_loop3A_1772 : vector<16xf32>
      %parallel_loop3A_1801 = arith.cmpf ogt, %parallel_loop3A_1794, %parallel_loop3A_1776 : vector<16xf32>
      %parallel_loop3A_1802 = arith.cmpf ogt, %parallel_loop3A_1794, %parallel_loop3A_1780 : vector<16xf32>
      %parallel_loop3A_1803 = arith.cmpf ogt, %parallel_loop3A_1794, %parallel_loop3A_1784 : vector<16xf32>
      %parallel_loop3A_1804 = arith.cmpf ogt, %parallel_loop3A_1794, %parallel_loop3A_1788 : vector<16xf32>
      %parallel_loop3A_1805 = arith.select %parallel_loop3A_1797, %parallel_loop3A_1794, %parallel_loop3A_1760 : vector<16xi1>, vector<16xf32>
      %parallel_loop3A_1806 = arith.select %parallel_loop3A_1797, %parallel_loop3A_1796, %parallel_loop3A_1761 : vector<16xi1>, vector<16xi32>
      %parallel_loop3A_1807 = arith.select %parallel_loop3A_1798, %parallel_loop3A_1794, %parallel_loop3A_1764 : vector<16xi1>, vector<16xf32>
      %parallel_loop3A_1808 = arith.select %parallel_loop3A_1798, %parallel_loop3A_1796, %parallel_loop3A_1765 : vector<16xi1>, vector<16xi32>
      %parallel_loop3A_1809 = arith.select %parallel_loop3A_1797, %parallel_loop3A_1760, %parallel_loop3A_1807 : vector<16xi1>, vector<16xf32>
      %parallel_loop3A_1810 = arith.select %parallel_loop3A_1797, %parallel_loop3A_1761, %parallel_loop3A_1808 : vector<16xi1>, vector<16xi32>
      %parallel_loop3A_1811 = arith.select %parallel_loop3A_1799, %parallel_loop3A_1794, %parallel_loop3A_1768 : vector<16xi1>, vector<16xf32>
      %parallel_loop3A_1812 = arith.select %parallel_loop3A_1799, %parallel_loop3A_1796, %parallel_loop3A_1769 : vector<16xi1>, vector<16xi32>
      %parallel_loop3A_1813 = arith.select %parallel_loop3A_1798, %parallel_loop3A_1764, %parallel_loop3A_1811 : vector<16xi1>, vector<16xf32>
      %parallel_loop3A_1814 = arith.select %parallel_loop3A_1798, %parallel_loop3A_1765, %parallel_loop3A_1812 : vector<16xi1>, vector<16xi32>
      %parallel_loop3A_1815 = arith.select %parallel_loop3A_1800, %parallel_loop3A_1794, %parallel_loop3A_1772 : vector<16xi1>, vector<16xf32>
      %parallel_loop3A_1816 = arith.select %parallel_loop3A_1800, %parallel_loop3A_1796, %parallel_loop3A_1773 : vector<16xi1>, vector<16xi32>
      %parallel_loop3A_1817 = arith.select %parallel_loop3A_1799, %parallel_loop3A_1768, %parallel_loop3A_1815 : vector<16xi1>, vector<16xf32>
      %parallel_loop3A_1818 = arith.select %parallel_loop3A_1799, %parallel_loop3A_1769, %parallel_loop3A_1816 : vector<16xi1>, vector<16xi32>
      %parallel_loop3A_1819 = arith.select %parallel_loop3A_1801, %parallel_loop3A_1794, %parallel_loop3A_1776 : vector<16xi1>, vector<16xf32>
      %parallel_loop3A_1820 = arith.select %parallel_loop3A_1801, %parallel_loop3A_1796, %parallel_loop3A_1777 : vector<16xi1>, vector<16xi32>
      %parallel_loop3A_1821 = arith.select %parallel_loop3A_1800, %parallel_loop3A_1772, %parallel_loop3A_1819 : vector<16xi1>, vector<16xf32>
      %parallel_loop3A_1822 = arith.select %parallel_loop3A_1800, %parallel_loop3A_1773, %parallel_loop3A_1820 : vector<16xi1>, vector<16xi32>
      %parallel_loop3A_1823 = arith.select %parallel_loop3A_1802, %parallel_loop3A_1794, %parallel_loop3A_1780 : vector<16xi1>, vector<16xf32>
      %parallel_loop3A_1824 = arith.select %parallel_loop3A_1802, %parallel_loop3A_1796, %parallel_loop3A_1781 : vector<16xi1>, vector<16xi32>
      %parallel_loop3A_1825 = arith.select %parallel_loop3A_1801, %parallel_loop3A_1776, %parallel_loop3A_1823 : vector<16xi1>, vector<16xf32>
      %parallel_loop3A_1826 = arith.select %parallel_loop3A_1801, %parallel_loop3A_1777, %parallel_loop3A_1824 : vector<16xi1>, vector<16xi32>
      %parallel_loop3A_1827 = arith.select %parallel_loop3A_1803, %parallel_loop3A_1794, %parallel_loop3A_1784 : vector<16xi1>, vector<16xf32>
      %parallel_loop3A_1828 = arith.select %parallel_loop3A_1803, %parallel_loop3A_1796, %parallel_loop3A_1785 : vector<16xi1>, vector<16xi32>
      %parallel_loop3A_1829 = arith.select %parallel_loop3A_1802, %parallel_loop3A_1780, %parallel_loop3A_1827 : vector<16xi1>, vector<16xf32>
      %parallel_loop3A_1830 = arith.select %parallel_loop3A_1802, %parallel_loop3A_1781, %parallel_loop3A_1828 : vector<16xi1>, vector<16xi32>
      %parallel_loop3A_1831 = arith.select %parallel_loop3A_1804, %parallel_loop3A_1794, %parallel_loop3A_1788 : vector<16xi1>, vector<16xf32>
      %parallel_loop3A_1832 = arith.select %parallel_loop3A_1804, %parallel_loop3A_1796, %parallel_loop3A_1789 : vector<16xi1>, vector<16xi32>
      %parallel_loop3A_1833 = arith.select %parallel_loop3A_1803, %parallel_loop3A_1784, %parallel_loop3A_1831 : vector<16xi1>, vector<16xf32>
      %parallel_loop3A_1834 = arith.select %parallel_loop3A_1803, %parallel_loop3A_1785, %parallel_loop3A_1832 : vector<16xi1>, vector<16xi32>
      %parallel_loop3A_1835 = arith.constant 43 : i32
      %parallel_loop3A_1836 = arith.index_cast %parallel_loop3A_1835 : i32 to index
      %parallel_loop3A_1837 = arith.index_cast %parallel_loop3A_7 : i32 to index
      %parallel_loop3A_1838 = tpu.vector_load %arg5[%parallel_loop3A_1836, %parallel_loop3A_1837] {strides = array<i32>} : memref<64x256xf32, #tpu.memory_space<vmem>>, vector<1x16xf32>,
      %parallel_loop3A_1839 = vector.shape_cast %parallel_loop3A_1838 : vector<1x16xf32> to vector<16xf32>
      %parallel_loop3A_1840 = arith.constant 43 : i32
      %parallel_loop3A_1841 = vector.broadcast %parallel_loop3A_1840 : i32 to vector<16xi32>
      %parallel_loop3A_1842 = arith.cmpf ogt, %parallel_loop3A_1839, %parallel_loop3A_1805 : vector<16xf32>
      %parallel_loop3A_1843 = arith.cmpf ogt, %parallel_loop3A_1839, %parallel_loop3A_1809 : vector<16xf32>
      %parallel_loop3A_1844 = arith.cmpf ogt, %parallel_loop3A_1839, %parallel_loop3A_1813 : vector<16xf32>
      %parallel_loop3A_1845 = arith.cmpf ogt, %parallel_loop3A_1839, %parallel_loop3A_1817 : vector<16xf32>
      %parallel_loop3A_1846 = arith.cmpf ogt, %parallel_loop3A_1839, %parallel_loop3A_1821 : vector<16xf32>
      %parallel_loop3A_1847 = arith.cmpf ogt, %parallel_loop3A_1839, %parallel_loop3A_1825 : vector<16xf32>
      %parallel_loop3A_1848 = arith.cmpf ogt, %parallel_loop3A_1839, %parallel_loop3A_1829 : vector<16xf32>
      %parallel_loop3A_1849 = arith.cmpf ogt, %parallel_loop3A_1839, %parallel_loop3A_1833 : vector<16xf32>
      %parallel_loop3A_1850 = arith.select %parallel_loop3A_1842, %parallel_loop3A_1839, %parallel_loop3A_1805 : vector<16xi1>, vector<16xf32>
      %parallel_loop3A_1851 = arith.select %parallel_loop3A_1842, %parallel_loop3A_1841, %parallel_loop3A_1806 : vector<16xi1>, vector<16xi32>
      %parallel_loop3A_1852 = arith.select %parallel_loop3A_1843, %parallel_loop3A_1839, %parallel_loop3A_1809 : vector<16xi1>, vector<16xf32>
      %parallel_loop3A_1853 = arith.select %parallel_loop3A_1843, %parallel_loop3A_1841, %parallel_loop3A_1810 : vector<16xi1>, vector<16xi32>
      %parallel_loop3A_1854 = arith.select %parallel_loop3A_1842, %parallel_loop3A_1805, %parallel_loop3A_1852 : vector<16xi1>, vector<16xf32>
      %parallel_loop3A_1855 = arith.select %parallel_loop3A_1842, %parallel_loop3A_1806, %parallel_loop3A_1853 : vector<16xi1>, vector<16xi32>
      %parallel_loop3A_1856 = arith.select %parallel_loop3A_1844, %parallel_loop3A_1839, %parallel_loop3A_1813 : vector<16xi1>, vector<16xf32>
      %parallel_loop3A_1857 = arith.select %parallel_loop3A_1844, %parallel_loop3A_1841, %parallel_loop3A_1814 : vector<16xi1>, vector<16xi32>
      %parallel_loop3A_1858 = arith.select %parallel_loop3A_1843, %parallel_loop3A_1809, %parallel_loop3A_1856 : vector<16xi1>, vector<16xf32>
      %parallel_loop3A_1859 = arith.select %parallel_loop3A_1843, %parallel_loop3A_1810, %parallel_loop3A_1857 : vector<16xi1>, vector<16xi32>
      %parallel_loop3A_1860 = arith.select %parallel_loop3A_1845, %parallel_loop3A_1839, %parallel_loop3A_1817 : vector<16xi1>, vector<16xf32>
      %parallel_loop3A_1861 = arith.select %parallel_loop3A_1845, %parallel_loop3A_1841, %parallel_loop3A_1818 : vector<16xi1>, vector<16xi32>
      %parallel_loop3A_1862 = arith.select %parallel_loop3A_1844, %parallel_loop3A_1813, %parallel_loop3A_1860 : vector<16xi1>, vector<16xf32>
      %parallel_loop3A_1863 = arith.select %parallel_loop3A_1844, %parallel_loop3A_1814, %parallel_loop3A_1861 : vector<16xi1>, vector<16xi32>
      %parallel_loop3A_1864 = arith.select %parallel_loop3A_1846, %parallel_loop3A_1839, %parallel_loop3A_1821 : vector<16xi1>, vector<16xf32>
      %parallel_loop3A_1865 = arith.select %parallel_loop3A_1846, %parallel_loop3A_1841, %parallel_loop3A_1822 : vector<16xi1>, vector<16xi32>
      %parallel_loop3A_1866 = arith.select %parallel_loop3A_1845, %parallel_loop3A_1817, %parallel_loop3A_1864 : vector<16xi1>, vector<16xf32>
      %parallel_loop3A_1867 = arith.select %parallel_loop3A_1845, %parallel_loop3A_1818, %parallel_loop3A_1865 : vector<16xi1>, vector<16xi32>
      %parallel_loop3A_1868 = arith.select %parallel_loop3A_1847, %parallel_loop3A_1839, %parallel_loop3A_1825 : vector<16xi1>, vector<16xf32>
      %parallel_loop3A_1869 = arith.select %parallel_loop3A_1847, %parallel_loop3A_1841, %parallel_loop3A_1826 : vector<16xi1>, vector<16xi32>
      %parallel_loop3A_1870 = arith.select %parallel_loop3A_1846, %parallel_loop3A_1821, %parallel_loop3A_1868 : vector<16xi1>, vector<16xf32>
      %parallel_loop3A_1871 = arith.select %parallel_loop3A_1846, %parallel_loop3A_1822, %parallel_loop3A_1869 : vector<16xi1>, vector<16xi32>
      %parallel_loop3A_1872 = arith.select %parallel_loop3A_1848, %parallel_loop3A_1839, %parallel_loop3A_1829 : vector<16xi1>, vector<16xf32>
      %parallel_loop3A_1873 = arith.select %parallel_loop3A_1848, %parallel_loop3A_1841, %parallel_loop3A_1830 : vector<16xi1>, vector<16xi32>
      %parallel_loop3A_1874 = arith.select %parallel_loop3A_1847, %parallel_loop3A_1825, %parallel_loop3A_1872 : vector<16xi1>, vector<16xf32>
      %parallel_loop3A_1875 = arith.select %parallel_loop3A_1847, %parallel_loop3A_1826, %parallel_loop3A_1873 : vector<16xi1>, vector<16xi32>
      %parallel_loop3A_1876 = arith.select %parallel_loop3A_1849, %parallel_loop3A_1839, %parallel_loop3A_1833 : vector<16xi1>, vector<16xf32>
      %parallel_loop3A_1877 = arith.select %parallel_loop3A_1849, %parallel_loop3A_1841, %parallel_loop3A_1834 : vector<16xi1>, vector<16xi32>
      %parallel_loop3A_1878 = arith.select %parallel_loop3A_1848, %parallel_loop3A_1829, %parallel_loop3A_1876 : vector<16xi1>, vector<16xf32>
      %parallel_loop3A_1879 = arith.select %parallel_loop3A_1848, %parallel_loop3A_1830, %parallel_loop3A_1877 : vector<16xi1>, vector<16xi32>
      %parallel_loop3A_1880 = arith.constant 44 : i32
      %parallel_loop3A_1881 = arith.index_cast %parallel_loop3A_1880 : i32 to index
      %parallel_loop3A_1882 = arith.index_cast %parallel_loop3A_7 : i32 to index
      %parallel_loop3A_1883 = tpu.vector_load %arg5[%parallel_loop3A_1881, %parallel_loop3A_1882] {strides = array<i32>} : memref<64x256xf32, #tpu.memory_space<vmem>>, vector<1x16xf32>,
      %parallel_loop3A_1884 = vector.shape_cast %parallel_loop3A_1883 : vector<1x16xf32> to vector<16xf32>
      %parallel_loop3A_1885 = arith.constant 44 : i32
      %parallel_loop3A_1886 = vector.broadcast %parallel_loop3A_1885 : i32 to vector<16xi32>
      %parallel_loop3A_1887 = arith.cmpf ogt, %parallel_loop3A_1884, %parallel_loop3A_1850 : vector<16xf32>
      %parallel_loop3A_1888 = arith.cmpf ogt, %parallel_loop3A_1884, %parallel_loop3A_1854 : vector<16xf32>
      %parallel_loop3A_1889 = arith.cmpf ogt, %parallel_loop3A_1884, %parallel_loop3A_1858 : vector<16xf32>
      %parallel_loop3A_1890 = arith.cmpf ogt, %parallel_loop3A_1884, %parallel_loop3A_1862 : vector<16xf32>
      %parallel_loop3A_1891 = arith.cmpf ogt, %parallel_loop3A_1884, %parallel_loop3A_1866 : vector<16xf32>
      %parallel_loop3A_1892 = arith.cmpf ogt, %parallel_loop3A_1884, %parallel_loop3A_1870 : vector<16xf32>
      %parallel_loop3A_1893 = arith.cmpf ogt, %parallel_loop3A_1884, %parallel_loop3A_1874 : vector<16xf32>
      %parallel_loop3A_1894 = arith.cmpf ogt, %parallel_loop3A_1884, %parallel_loop3A_1878 : vector<16xf32>
      %parallel_loop3A_1895 = arith.select %parallel_loop3A_1887, %parallel_loop3A_1884, %parallel_loop3A_1850 : vector<16xi1>, vector<16xf32>
      %parallel_loop3A_1896 = arith.select %parallel_loop3A_1887, %parallel_loop3A_1886, %parallel_loop3A_1851 : vector<16xi1>, vector<16xi32>
      %parallel_loop3A_1897 = arith.select %parallel_loop3A_1888, %parallel_loop3A_1884, %parallel_loop3A_1854 : vector<16xi1>, vector<16xf32>
      %parallel_loop3A_1898 = arith.select %parallel_loop3A_1888, %parallel_loop3A_1886, %parallel_loop3A_1855 : vector<16xi1>, vector<16xi32>
      %parallel_loop3A_1899 = arith.select %parallel_loop3A_1887, %parallel_loop3A_1850, %parallel_loop3A_1897 : vector<16xi1>, vector<16xf32>
      %parallel_loop3A_1900 = arith.select %parallel_loop3A_1887, %parallel_loop3A_1851, %parallel_loop3A_1898 : vector<16xi1>, vector<16xi32>
      %parallel_loop3A_1901 = arith.select %parallel_loop3A_1889, %parallel_loop3A_1884, %parallel_loop3A_1858 : vector<16xi1>, vector<16xf32>
      %parallel_loop3A_1902 = arith.select %parallel_loop3A_1889, %parallel_loop3A_1886, %parallel_loop3A_1859 : vector<16xi1>, vector<16xi32>
      %parallel_loop3A_1903 = arith.select %parallel_loop3A_1888, %parallel_loop3A_1854, %parallel_loop3A_1901 : vector<16xi1>, vector<16xf32>
      %parallel_loop3A_1904 = arith.select %parallel_loop3A_1888, %parallel_loop3A_1855, %parallel_loop3A_1902 : vector<16xi1>, vector<16xi32>
      %parallel_loop3A_1905 = arith.select %parallel_loop3A_1890, %parallel_loop3A_1884, %parallel_loop3A_1862 : vector<16xi1>, vector<16xf32>
      %parallel_loop3A_1906 = arith.select %parallel_loop3A_1890, %parallel_loop3A_1886, %parallel_loop3A_1863 : vector<16xi1>, vector<16xi32>
      %parallel_loop3A_1907 = arith.select %parallel_loop3A_1889, %parallel_loop3A_1858, %parallel_loop3A_1905 : vector<16xi1>, vector<16xf32>
      %parallel_loop3A_1908 = arith.select %parallel_loop3A_1889, %parallel_loop3A_1859, %parallel_loop3A_1906 : vector<16xi1>, vector<16xi32>
      %parallel_loop3A_1909 = arith.select %parallel_loop3A_1891, %parallel_loop3A_1884, %parallel_loop3A_1866 : vector<16xi1>, vector<16xf32>
      %parallel_loop3A_1910 = arith.select %parallel_loop3A_1891, %parallel_loop3A_1886, %parallel_loop3A_1867 : vector<16xi1>, vector<16xi32>
      %parallel_loop3A_1911 = arith.select %parallel_loop3A_1890, %parallel_loop3A_1862, %parallel_loop3A_1909 : vector<16xi1>, vector<16xf32>
      %parallel_loop3A_1912 = arith.select %parallel_loop3A_1890, %parallel_loop3A_1863, %parallel_loop3A_1910 : vector<16xi1>, vector<16xi32>
      %parallel_loop3A_1913 = arith.select %parallel_loop3A_1892, %parallel_loop3A_1884, %parallel_loop3A_1870 : vector<16xi1>, vector<16xf32>
      %parallel_loop3A_1914 = arith.select %parallel_loop3A_1892, %parallel_loop3A_1886, %parallel_loop3A_1871 : vector<16xi1>, vector<16xi32>
      %parallel_loop3A_1915 = arith.select %parallel_loop3A_1891, %parallel_loop3A_1866, %parallel_loop3A_1913 : vector<16xi1>, vector<16xf32>
      %parallel_loop3A_1916 = arith.select %parallel_loop3A_1891, %parallel_loop3A_1867, %parallel_loop3A_1914 : vector<16xi1>, vector<16xi32>
      %parallel_loop3A_1917 = arith.select %parallel_loop3A_1893, %parallel_loop3A_1884, %parallel_loop3A_1874 : vector<16xi1>, vector<16xf32>
      %parallel_loop3A_1918 = arith.select %parallel_loop3A_1893, %parallel_loop3A_1886, %parallel_loop3A_1875 : vector<16xi1>, vector<16xi32>
      %parallel_loop3A_1919 = arith.select %parallel_loop3A_1892, %parallel_loop3A_1870, %parallel_loop3A_1917 : vector<16xi1>, vector<16xf32>
      %parallel_loop3A_1920 = arith.select %parallel_loop3A_1892, %parallel_loop3A_1871, %parallel_loop3A_1918 : vector<16xi1>, vector<16xi32>
      %parallel_loop3A_1921 = arith.select %parallel_loop3A_1894, %parallel_loop3A_1884, %parallel_loop3A_1878 : vector<16xi1>, vector<16xf32>
      %parallel_loop3A_1922 = arith.select %parallel_loop3A_1894, %parallel_loop3A_1886, %parallel_loop3A_1879 : vector<16xi1>, vector<16xi32>
      %parallel_loop3A_1923 = arith.select %parallel_loop3A_1893, %parallel_loop3A_1874, %parallel_loop3A_1921 : vector<16xi1>, vector<16xf32>
      %parallel_loop3A_1924 = arith.select %parallel_loop3A_1893, %parallel_loop3A_1875, %parallel_loop3A_1922 : vector<16xi1>, vector<16xi32>
      %parallel_loop3A_1925 = arith.constant 45 : i32
      %parallel_loop3A_1926 = arith.index_cast %parallel_loop3A_1925 : i32 to index
      %parallel_loop3A_1927 = arith.index_cast %parallel_loop3A_7 : i32 to index
      %parallel_loop3A_1928 = tpu.vector_load %arg5[%parallel_loop3A_1926, %parallel_loop3A_1927] {strides = array<i32>} : memref<64x256xf32, #tpu.memory_space<vmem>>, vector<1x16xf32>,
      %parallel_loop3A_1929 = vector.shape_cast %parallel_loop3A_1928 : vector<1x16xf32> to vector<16xf32>
      %parallel_loop3A_1930 = arith.constant 45 : i32
      %parallel_loop3A_1931 = vector.broadcast %parallel_loop3A_1930 : i32 to vector<16xi32>
      %parallel_loop3A_1932 = arith.cmpf ogt, %parallel_loop3A_1929, %parallel_loop3A_1895 : vector<16xf32>
      %parallel_loop3A_1933 = arith.cmpf ogt, %parallel_loop3A_1929, %parallel_loop3A_1899 : vector<16xf32>
      %parallel_loop3A_1934 = arith.cmpf ogt, %parallel_loop3A_1929, %parallel_loop3A_1903 : vector<16xf32>
      %parallel_loop3A_1935 = arith.cmpf ogt, %parallel_loop3A_1929, %parallel_loop3A_1907 : vector<16xf32>
      %parallel_loop3A_1936 = arith.cmpf ogt, %parallel_loop3A_1929, %parallel_loop3A_1911 : vector<16xf32>
      %parallel_loop3A_1937 = arith.cmpf ogt, %parallel_loop3A_1929, %parallel_loop3A_1915 : vector<16xf32>
      %parallel_loop3A_1938 = arith.cmpf ogt, %parallel_loop3A_1929, %parallel_loop3A_1919 : vector<16xf32>
      %parallel_loop3A_1939 = arith.cmpf ogt, %parallel_loop3A_1929, %parallel_loop3A_1923 : vector<16xf32>
      %parallel_loop3A_1940 = arith.select %parallel_loop3A_1932, %parallel_loop3A_1929, %parallel_loop3A_1895 : vector<16xi1>, vector<16xf32>
      %parallel_loop3A_1941 = arith.select %parallel_loop3A_1932, %parallel_loop3A_1931, %parallel_loop3A_1896 : vector<16xi1>, vector<16xi32>
      %parallel_loop3A_1942 = arith.select %parallel_loop3A_1933, %parallel_loop3A_1929, %parallel_loop3A_1899 : vector<16xi1>, vector<16xf32>
      %parallel_loop3A_1943 = arith.select %parallel_loop3A_1933, %parallel_loop3A_1931, %parallel_loop3A_1900 : vector<16xi1>, vector<16xi32>
      %parallel_loop3A_1944 = arith.select %parallel_loop3A_1932, %parallel_loop3A_1895, %parallel_loop3A_1942 : vector<16xi1>, vector<16xf32>
      %parallel_loop3A_1945 = arith.select %parallel_loop3A_1932, %parallel_loop3A_1896, %parallel_loop3A_1943 : vector<16xi1>, vector<16xi32>
      %parallel_loop3A_1946 = arith.select %parallel_loop3A_1934, %parallel_loop3A_1929, %parallel_loop3A_1903 : vector<16xi1>, vector<16xf32>
      %parallel_loop3A_1947 = arith.select %parallel_loop3A_1934, %parallel_loop3A_1931, %parallel_loop3A_1904 : vector<16xi1>, vector<16xi32>
      %parallel_loop3A_1948 = arith.select %parallel_loop3A_1933, %parallel_loop3A_1899, %parallel_loop3A_1946 : vector<16xi1>, vector<16xf32>
      %parallel_loop3A_1949 = arith.select %parallel_loop3A_1933, %parallel_loop3A_1900, %parallel_loop3A_1947 : vector<16xi1>, vector<16xi32>
      %parallel_loop3A_1950 = arith.select %parallel_loop3A_1935, %parallel_loop3A_1929, %parallel_loop3A_1907 : vector<16xi1>, vector<16xf32>
      %parallel_loop3A_1951 = arith.select %parallel_loop3A_1935, %parallel_loop3A_1931, %parallel_loop3A_1908 : vector<16xi1>, vector<16xi32>
      %parallel_loop3A_1952 = arith.select %parallel_loop3A_1934, %parallel_loop3A_1903, %parallel_loop3A_1950 : vector<16xi1>, vector<16xf32>
      %parallel_loop3A_1953 = arith.select %parallel_loop3A_1934, %parallel_loop3A_1904, %parallel_loop3A_1951 : vector<16xi1>, vector<16xi32>
      %parallel_loop3A_1954 = arith.select %parallel_loop3A_1936, %parallel_loop3A_1929, %parallel_loop3A_1911 : vector<16xi1>, vector<16xf32>
      %parallel_loop3A_1955 = arith.select %parallel_loop3A_1936, %parallel_loop3A_1931, %parallel_loop3A_1912 : vector<16xi1>, vector<16xi32>
      %parallel_loop3A_1956 = arith.select %parallel_loop3A_1935, %parallel_loop3A_1907, %parallel_loop3A_1954 : vector<16xi1>, vector<16xf32>
      %parallel_loop3A_1957 = arith.select %parallel_loop3A_1935, %parallel_loop3A_1908, %parallel_loop3A_1955 : vector<16xi1>, vector<16xi32>
      %parallel_loop3A_1958 = arith.select %parallel_loop3A_1937, %parallel_loop3A_1929, %parallel_loop3A_1915 : vector<16xi1>, vector<16xf32>
      %parallel_loop3A_1959 = arith.select %parallel_loop3A_1937, %parallel_loop3A_1931, %parallel_loop3A_1916 : vector<16xi1>, vector<16xi32>
      %parallel_loop3A_1960 = arith.select %parallel_loop3A_1936, %parallel_loop3A_1911, %parallel_loop3A_1958 : vector<16xi1>, vector<16xf32>
      %parallel_loop3A_1961 = arith.select %parallel_loop3A_1936, %parallel_loop3A_1912, %parallel_loop3A_1959 : vector<16xi1>, vector<16xi32>
      %parallel_loop3A_1962 = arith.select %parallel_loop3A_1938, %parallel_loop3A_1929, %parallel_loop3A_1919 : vector<16xi1>, vector<16xf32>
      %parallel_loop3A_1963 = arith.select %parallel_loop3A_1938, %parallel_loop3A_1931, %parallel_loop3A_1920 : vector<16xi1>, vector<16xi32>
      %parallel_loop3A_1964 = arith.select %parallel_loop3A_1937, %parallel_loop3A_1915, %parallel_loop3A_1962 : vector<16xi1>, vector<16xf32>
      %parallel_loop3A_1965 = arith.select %parallel_loop3A_1937, %parallel_loop3A_1916, %parallel_loop3A_1963 : vector<16xi1>, vector<16xi32>
      %parallel_loop3A_1966 = arith.select %parallel_loop3A_1939, %parallel_loop3A_1929, %parallel_loop3A_1923 : vector<16xi1>, vector<16xf32>
      %parallel_loop3A_1967 = arith.select %parallel_loop3A_1939, %parallel_loop3A_1931, %parallel_loop3A_1924 : vector<16xi1>, vector<16xi32>
      %parallel_loop3A_1968 = arith.select %parallel_loop3A_1938, %parallel_loop3A_1919, %parallel_loop3A_1966 : vector<16xi1>, vector<16xf32>
      %parallel_loop3A_1969 = arith.select %parallel_loop3A_1938, %parallel_loop3A_1920, %parallel_loop3A_1967 : vector<16xi1>, vector<16xi32>
      %parallel_loop3A_1970 = arith.constant 46 : i32
      %parallel_loop3A_1971 = arith.index_cast %parallel_loop3A_1970 : i32 to index
      %parallel_loop3A_1972 = arith.index_cast %parallel_loop3A_7 : i32 to index
      %parallel_loop3A_1973 = tpu.vector_load %arg5[%parallel_loop3A_1971, %parallel_loop3A_1972] {strides = array<i32>} : memref<64x256xf32, #tpu.memory_space<vmem>>, vector<1x16xf32>,
      %parallel_loop3A_1974 = vector.shape_cast %parallel_loop3A_1973 : vector<1x16xf32> to vector<16xf32>
      %parallel_loop3A_1975 = arith.constant 46 : i32
      %parallel_loop3A_1976 = vector.broadcast %parallel_loop3A_1975 : i32 to vector<16xi32>
      %parallel_loop3A_1977 = arith.cmpf ogt, %parallel_loop3A_1974, %parallel_loop3A_1940 : vector<16xf32>
      %parallel_loop3A_1978 = arith.cmpf ogt, %parallel_loop3A_1974, %parallel_loop3A_1944 : vector<16xf32>
      %parallel_loop3A_1979 = arith.cmpf ogt, %parallel_loop3A_1974, %parallel_loop3A_1948 : vector<16xf32>
      %parallel_loop3A_1980 = arith.cmpf ogt, %parallel_loop3A_1974, %parallel_loop3A_1952 : vector<16xf32>
      %parallel_loop3A_1981 = arith.cmpf ogt, %parallel_loop3A_1974, %parallel_loop3A_1956 : vector<16xf32>
      %parallel_loop3A_1982 = arith.cmpf ogt, %parallel_loop3A_1974, %parallel_loop3A_1960 : vector<16xf32>
      %parallel_loop3A_1983 = arith.cmpf ogt, %parallel_loop3A_1974, %parallel_loop3A_1964 : vector<16xf32>
      %parallel_loop3A_1984 = arith.cmpf ogt, %parallel_loop3A_1974, %parallel_loop3A_1968 : vector<16xf32>
      %parallel_loop3A_1985 = arith.select %parallel_loop3A_1977, %parallel_loop3A_1974, %parallel_loop3A_1940 : vector<16xi1>, vector<16xf32>
      %parallel_loop3A_1986 = arith.select %parallel_loop3A_1977, %parallel_loop3A_1976, %parallel_loop3A_1941 : vector<16xi1>, vector<16xi32>
      %parallel_loop3A_1987 = arith.select %parallel_loop3A_1978, %parallel_loop3A_1974, %parallel_loop3A_1944 : vector<16xi1>, vector<16xf32>
      %parallel_loop3A_1988 = arith.select %parallel_loop3A_1978, %parallel_loop3A_1976, %parallel_loop3A_1945 : vector<16xi1>, vector<16xi32>
      %parallel_loop3A_1989 = arith.select %parallel_loop3A_1977, %parallel_loop3A_1940, %parallel_loop3A_1987 : vector<16xi1>, vector<16xf32>
      %parallel_loop3A_1990 = arith.select %parallel_loop3A_1977, %parallel_loop3A_1941, %parallel_loop3A_1988 : vector<16xi1>, vector<16xi32>
      %parallel_loop3A_1991 = arith.select %parallel_loop3A_1979, %parallel_loop3A_1974, %parallel_loop3A_1948 : vector<16xi1>, vector<16xf32>
      %parallel_loop3A_1992 = arith.select %parallel_loop3A_1979, %parallel_loop3A_1976, %parallel_loop3A_1949 : vector<16xi1>, vector<16xi32>
      %parallel_loop3A_1993 = arith.select %parallel_loop3A_1978, %parallel_loop3A_1944, %parallel_loop3A_1991 : vector<16xi1>, vector<16xf32>
      %parallel_loop3A_1994 = arith.select %parallel_loop3A_1978, %parallel_loop3A_1945, %parallel_loop3A_1992 : vector<16xi1>, vector<16xi32>
      %parallel_loop3A_1995 = arith.select %parallel_loop3A_1980, %parallel_loop3A_1974, %parallel_loop3A_1952 : vector<16xi1>, vector<16xf32>
      %parallel_loop3A_1996 = arith.select %parallel_loop3A_1980, %parallel_loop3A_1976, %parallel_loop3A_1953 : vector<16xi1>, vector<16xi32>
      %parallel_loop3A_1997 = arith.select %parallel_loop3A_1979, %parallel_loop3A_1948, %parallel_loop3A_1995 : vector<16xi1>, vector<16xf32>
      %parallel_loop3A_1998 = arith.select %parallel_loop3A_1979, %parallel_loop3A_1949, %parallel_loop3A_1996 : vector<16xi1>, vector<16xi32>
      %parallel_loop3A_1999 = arith.select %parallel_loop3A_1981, %parallel_loop3A_1974, %parallel_loop3A_1956 : vector<16xi1>, vector<16xf32>
      %parallel_loop3A_2000 = arith.select %parallel_loop3A_1981, %parallel_loop3A_1976, %parallel_loop3A_1957 : vector<16xi1>, vector<16xi32>
      %parallel_loop3A_2001 = arith.select %parallel_loop3A_1980, %parallel_loop3A_1952, %parallel_loop3A_1999 : vector<16xi1>, vector<16xf32>
      %parallel_loop3A_2002 = arith.select %parallel_loop3A_1980, %parallel_loop3A_1953, %parallel_loop3A_2000 : vector<16xi1>, vector<16xi32>
      %parallel_loop3A_2003 = arith.select %parallel_loop3A_1982, %parallel_loop3A_1974, %parallel_loop3A_1960 : vector<16xi1>, vector<16xf32>
      %parallel_loop3A_2004 = arith.select %parallel_loop3A_1982, %parallel_loop3A_1976, %parallel_loop3A_1961 : vector<16xi1>, vector<16xi32>
      %parallel_loop3A_2005 = arith.select %parallel_loop3A_1981, %parallel_loop3A_1956, %parallel_loop3A_2003 : vector<16xi1>, vector<16xf32>
      %parallel_loop3A_2006 = arith.select %parallel_loop3A_1981, %parallel_loop3A_1957, %parallel_loop3A_2004 : vector<16xi1>, vector<16xi32>
      %parallel_loop3A_2007 = arith.select %parallel_loop3A_1983, %parallel_loop3A_1974, %parallel_loop3A_1964 : vector<16xi1>, vector<16xf32>
      %parallel_loop3A_2008 = arith.select %parallel_loop3A_1983, %parallel_loop3A_1976, %parallel_loop3A_1965 : vector<16xi1>, vector<16xi32>
      %parallel_loop3A_2009 = arith.select %parallel_loop3A_1982, %parallel_loop3A_1960, %parallel_loop3A_2007 : vector<16xi1>, vector<16xf32>
      %parallel_loop3A_2010 = arith.select %parallel_loop3A_1982, %parallel_loop3A_1961, %parallel_loop3A_2008 : vector<16xi1>, vector<16xi32>
      %parallel_loop3A_2011 = arith.select %parallel_loop3A_1984, %parallel_loop3A_1974, %parallel_loop3A_1968 : vector<16xi1>, vector<16xf32>
      %parallel_loop3A_2012 = arith.select %parallel_loop3A_1984, %parallel_loop3A_1976, %parallel_loop3A_1969 : vector<16xi1>, vector<16xi32>
      %parallel_loop3A_2013 = arith.select %parallel_loop3A_1983, %parallel_loop3A_1964, %parallel_loop3A_2011 : vector<16xi1>, vector<16xf32>
      %parallel_loop3A_2014 = arith.select %parallel_loop3A_1983, %parallel_loop3A_1965, %parallel_loop3A_2012 : vector<16xi1>, vector<16xi32>
      %parallel_loop3A_2015 = arith.constant 47 : i32
      %parallel_loop3A_2016 = arith.index_cast %parallel_loop3A_2015 : i32 to index
      %parallel_loop3A_2017 = arith.index_cast %parallel_loop3A_7 : i32 to index
      %parallel_loop3A_2018 = tpu.vector_load %arg5[%parallel_loop3A_2016, %parallel_loop3A_2017] {strides = array<i32>} : memref<64x256xf32, #tpu.memory_space<vmem>>, vector<1x16xf32>,
      %parallel_loop3A_2019 = vector.shape_cast %parallel_loop3A_2018 : vector<1x16xf32> to vector<16xf32>
      %parallel_loop3A_2020 = arith.constant 47 : i32
      %parallel_loop3A_2021 = vector.broadcast %parallel_loop3A_2020 : i32 to vector<16xi32>
      %parallel_loop3A_2022 = arith.cmpf ogt, %parallel_loop3A_2019, %parallel_loop3A_1985 : vector<16xf32>
      %parallel_loop3A_2023 = arith.cmpf ogt, %parallel_loop3A_2019, %parallel_loop3A_1989 : vector<16xf32>
      %parallel_loop3A_2024 = arith.cmpf ogt, %parallel_loop3A_2019, %parallel_loop3A_1993 : vector<16xf32>
      %parallel_loop3A_2025 = arith.cmpf ogt, %parallel_loop3A_2019, %parallel_loop3A_1997 : vector<16xf32>
      %parallel_loop3A_2026 = arith.cmpf ogt, %parallel_loop3A_2019, %parallel_loop3A_2001 : vector<16xf32>
      %parallel_loop3A_2027 = arith.cmpf ogt, %parallel_loop3A_2019, %parallel_loop3A_2005 : vector<16xf32>
      %parallel_loop3A_2028 = arith.cmpf ogt, %parallel_loop3A_2019, %parallel_loop3A_2009 : vector<16xf32>
      %parallel_loop3A_2029 = arith.cmpf ogt, %parallel_loop3A_2019, %parallel_loop3A_2013 : vector<16xf32>
      %parallel_loop3A_2030 = arith.select %parallel_loop3A_2022, %parallel_loop3A_2019, %parallel_loop3A_1985 : vector<16xi1>, vector<16xf32>
      %parallel_loop3A_2031 = arith.select %parallel_loop3A_2022, %parallel_loop3A_2021, %parallel_loop3A_1986 : vector<16xi1>, vector<16xi32>
      %parallel_loop3A_2032 = arith.select %parallel_loop3A_2023, %parallel_loop3A_2019, %parallel_loop3A_1989 : vector<16xi1>, vector<16xf32>
      %parallel_loop3A_2033 = arith.select %parallel_loop3A_2023, %parallel_loop3A_2021, %parallel_loop3A_1990 : vector<16xi1>, vector<16xi32>
      %parallel_loop3A_2034 = arith.select %parallel_loop3A_2022, %parallel_loop3A_1985, %parallel_loop3A_2032 : vector<16xi1>, vector<16xf32>
      %parallel_loop3A_2035 = arith.select %parallel_loop3A_2022, %parallel_loop3A_1986, %parallel_loop3A_2033 : vector<16xi1>, vector<16xi32>
      %parallel_loop3A_2036 = arith.select %parallel_loop3A_2024, %parallel_loop3A_2019, %parallel_loop3A_1993 : vector<16xi1>, vector<16xf32>
      %parallel_loop3A_2037 = arith.select %parallel_loop3A_2024, %parallel_loop3A_2021, %parallel_loop3A_1994 : vector<16xi1>, vector<16xi32>
      %parallel_loop3A_2038 = arith.select %parallel_loop3A_2023, %parallel_loop3A_1989, %parallel_loop3A_2036 : vector<16xi1>, vector<16xf32>
      %parallel_loop3A_2039 = arith.select %parallel_loop3A_2023, %parallel_loop3A_1990, %parallel_loop3A_2037 : vector<16xi1>, vector<16xi32>
      %parallel_loop3A_2040 = arith.select %parallel_loop3A_2025, %parallel_loop3A_2019, %parallel_loop3A_1997 : vector<16xi1>, vector<16xf32>
      %parallel_loop3A_2041 = arith.select %parallel_loop3A_2025, %parallel_loop3A_2021, %parallel_loop3A_1998 : vector<16xi1>, vector<16xi32>
      %parallel_loop3A_2042 = arith.select %parallel_loop3A_2024, %parallel_loop3A_1993, %parallel_loop3A_2040 : vector<16xi1>, vector<16xf32>
      %parallel_loop3A_2043 = arith.select %parallel_loop3A_2024, %parallel_loop3A_1994, %parallel_loop3A_2041 : vector<16xi1>, vector<16xi32>
      %parallel_loop3A_2044 = arith.select %parallel_loop3A_2026, %parallel_loop3A_2019, %parallel_loop3A_2001 : vector<16xi1>, vector<16xf32>
      %parallel_loop3A_2045 = arith.select %parallel_loop3A_2026, %parallel_loop3A_2021, %parallel_loop3A_2002 : vector<16xi1>, vector<16xi32>
      %parallel_loop3A_2046 = arith.select %parallel_loop3A_2025, %parallel_loop3A_1997, %parallel_loop3A_2044 : vector<16xi1>, vector<16xf32>
      %parallel_loop3A_2047 = arith.select %parallel_loop3A_2025, %parallel_loop3A_1998, %parallel_loop3A_2045 : vector<16xi1>, vector<16xi32>
      %parallel_loop3A_2048 = arith.select %parallel_loop3A_2027, %parallel_loop3A_2019, %parallel_loop3A_2005 : vector<16xi1>, vector<16xf32>
      %parallel_loop3A_2049 = arith.select %parallel_loop3A_2027, %parallel_loop3A_2021, %parallel_loop3A_2006 : vector<16xi1>, vector<16xi32>
      %parallel_loop3A_2050 = arith.select %parallel_loop3A_2026, %parallel_loop3A_2001, %parallel_loop3A_2048 : vector<16xi1>, vector<16xf32>
      %parallel_loop3A_2051 = arith.select %parallel_loop3A_2026, %parallel_loop3A_2002, %parallel_loop3A_2049 : vector<16xi1>, vector<16xi32>
      %parallel_loop3A_2052 = arith.select %parallel_loop3A_2028, %parallel_loop3A_2019, %parallel_loop3A_2009 : vector<16xi1>, vector<16xf32>
      %parallel_loop3A_2053 = arith.select %parallel_loop3A_2028, %parallel_loop3A_2021, %parallel_loop3A_2010 : vector<16xi1>, vector<16xi32>
      %parallel_loop3A_2054 = arith.select %parallel_loop3A_2027, %parallel_loop3A_2005, %parallel_loop3A_2052 : vector<16xi1>, vector<16xf32>
      %parallel_loop3A_2055 = arith.select %parallel_loop3A_2027, %parallel_loop3A_2006, %parallel_loop3A_2053 : vector<16xi1>, vector<16xi32>
      %parallel_loop3A_2056 = arith.select %parallel_loop3A_2029, %parallel_loop3A_2019, %parallel_loop3A_2013 : vector<16xi1>, vector<16xf32>
      %parallel_loop3A_2057 = arith.select %parallel_loop3A_2029, %parallel_loop3A_2021, %parallel_loop3A_2014 : vector<16xi1>, vector<16xi32>
      %parallel_loop3A_2058 = arith.select %parallel_loop3A_2028, %parallel_loop3A_2009, %parallel_loop3A_2056 : vector<16xi1>, vector<16xf32>
      %parallel_loop3A_2059 = arith.select %parallel_loop3A_2028, %parallel_loop3A_2010, %parallel_loop3A_2057 : vector<16xi1>, vector<16xi32>
      %parallel_loop3A_2060 = arith.constant 48 : i32
      %parallel_loop3A_2061 = arith.index_cast %parallel_loop3A_2060 : i32 to index
      %parallel_loop3A_2062 = arith.index_cast %parallel_loop3A_7 : i32 to index
      %parallel_loop3A_2063 = tpu.vector_load %arg5[%parallel_loop3A_2061, %parallel_loop3A_2062] {strides = array<i32>} : memref<64x256xf32, #tpu.memory_space<vmem>>, vector<1x16xf32>,
      %parallel_loop3A_2064 = vector.shape_cast %parallel_loop3A_2063 : vector<1x16xf32> to vector<16xf32>
      %parallel_loop3A_2065 = arith.constant 48 : i32
      %parallel_loop3A_2066 = vector.broadcast %parallel_loop3A_2065 : i32 to vector<16xi32>
      %parallel_loop3A_2067 = arith.cmpf ogt, %parallel_loop3A_2064, %parallel_loop3A_2030 : vector<16xf32>
      %parallel_loop3A_2068 = arith.cmpf ogt, %parallel_loop3A_2064, %parallel_loop3A_2034 : vector<16xf32>
      %parallel_loop3A_2069 = arith.cmpf ogt, %parallel_loop3A_2064, %parallel_loop3A_2038 : vector<16xf32>
      %parallel_loop3A_2070 = arith.cmpf ogt, %parallel_loop3A_2064, %parallel_loop3A_2042 : vector<16xf32>
      %parallel_loop3A_2071 = arith.cmpf ogt, %parallel_loop3A_2064, %parallel_loop3A_2046 : vector<16xf32>
      %parallel_loop3A_2072 = arith.cmpf ogt, %parallel_loop3A_2064, %parallel_loop3A_2050 : vector<16xf32>
      %parallel_loop3A_2073 = arith.cmpf ogt, %parallel_loop3A_2064, %parallel_loop3A_2054 : vector<16xf32>
      %parallel_loop3A_2074 = arith.cmpf ogt, %parallel_loop3A_2064, %parallel_loop3A_2058 : vector<16xf32>
      %parallel_loop3A_2075 = arith.select %parallel_loop3A_2067, %parallel_loop3A_2064, %parallel_loop3A_2030 : vector<16xi1>, vector<16xf32>
      %parallel_loop3A_2076 = arith.select %parallel_loop3A_2067, %parallel_loop3A_2066, %parallel_loop3A_2031 : vector<16xi1>, vector<16xi32>
      %parallel_loop3A_2077 = arith.select %parallel_loop3A_2068, %parallel_loop3A_2064, %parallel_loop3A_2034 : vector<16xi1>, vector<16xf32>
      %parallel_loop3A_2078 = arith.select %parallel_loop3A_2068, %parallel_loop3A_2066, %parallel_loop3A_2035 : vector<16xi1>, vector<16xi32>
      %parallel_loop3A_2079 = arith.select %parallel_loop3A_2067, %parallel_loop3A_2030, %parallel_loop3A_2077 : vector<16xi1>, vector<16xf32>
      %parallel_loop3A_2080 = arith.select %parallel_loop3A_2067, %parallel_loop3A_2031, %parallel_loop3A_2078 : vector<16xi1>, vector<16xi32>
      %parallel_loop3A_2081 = arith.select %parallel_loop3A_2069, %parallel_loop3A_2064, %parallel_loop3A_2038 : vector<16xi1>, vector<16xf32>
      %parallel_loop3A_2082 = arith.select %parallel_loop3A_2069, %parallel_loop3A_2066, %parallel_loop3A_2039 : vector<16xi1>, vector<16xi32>
      %parallel_loop3A_2083 = arith.select %parallel_loop3A_2068, %parallel_loop3A_2034, %parallel_loop3A_2081 : vector<16xi1>, vector<16xf32>
      %parallel_loop3A_2084 = arith.select %parallel_loop3A_2068, %parallel_loop3A_2035, %parallel_loop3A_2082 : vector<16xi1>, vector<16xi32>
      %parallel_loop3A_2085 = arith.select %parallel_loop3A_2070, %parallel_loop3A_2064, %parallel_loop3A_2042 : vector<16xi1>, vector<16xf32>
      %parallel_loop3A_2086 = arith.select %parallel_loop3A_2070, %parallel_loop3A_2066, %parallel_loop3A_2043 : vector<16xi1>, vector<16xi32>
      %parallel_loop3A_2087 = arith.select %parallel_loop3A_2069, %parallel_loop3A_2038, %parallel_loop3A_2085 : vector<16xi1>, vector<16xf32>
      %parallel_loop3A_2088 = arith.select %parallel_loop3A_2069, %parallel_loop3A_2039, %parallel_loop3A_2086 : vector<16xi1>, vector<16xi32>
      %parallel_loop3A_2089 = arith.select %parallel_loop3A_2071, %parallel_loop3A_2064, %parallel_loop3A_2046 : vector<16xi1>, vector<16xf32>
      %parallel_loop3A_2090 = arith.select %parallel_loop3A_2071, %parallel_loop3A_2066, %parallel_loop3A_2047 : vector<16xi1>, vector<16xi32>
      %parallel_loop3A_2091 = arith.select %parallel_loop3A_2070, %parallel_loop3A_2042, %parallel_loop3A_2089 : vector<16xi1>, vector<16xf32>
      %parallel_loop3A_2092 = arith.select %parallel_loop3A_2070, %parallel_loop3A_2043, %parallel_loop3A_2090 : vector<16xi1>, vector<16xi32>
      %parallel_loop3A_2093 = arith.select %parallel_loop3A_2072, %parallel_loop3A_2064, %parallel_loop3A_2050 : vector<16xi1>, vector<16xf32>
      %parallel_loop3A_2094 = arith.select %parallel_loop3A_2072, %parallel_loop3A_2066, %parallel_loop3A_2051 : vector<16xi1>, vector<16xi32>
      %parallel_loop3A_2095 = arith.select %parallel_loop3A_2071, %parallel_loop3A_2046, %parallel_loop3A_2093 : vector<16xi1>, vector<16xf32>
      %parallel_loop3A_2096 = arith.select %parallel_loop3A_2071, %parallel_loop3A_2047, %parallel_loop3A_2094 : vector<16xi1>, vector<16xi32>
      %parallel_loop3A_2097 = arith.select %parallel_loop3A_2073, %parallel_loop3A_2064, %parallel_loop3A_2054 : vector<16xi1>, vector<16xf32>
      %parallel_loop3A_2098 = arith.select %parallel_loop3A_2073, %parallel_loop3A_2066, %parallel_loop3A_2055 : vector<16xi1>, vector<16xi32>
      %parallel_loop3A_2099 = arith.select %parallel_loop3A_2072, %parallel_loop3A_2050, %parallel_loop3A_2097 : vector<16xi1>, vector<16xf32>
      %parallel_loop3A_2100 = arith.select %parallel_loop3A_2072, %parallel_loop3A_2051, %parallel_loop3A_2098 : vector<16xi1>, vector<16xi32>
      %parallel_loop3A_2101 = arith.select %parallel_loop3A_2074, %parallel_loop3A_2064, %parallel_loop3A_2058 : vector<16xi1>, vector<16xf32>
      %parallel_loop3A_2102 = arith.select %parallel_loop3A_2074, %parallel_loop3A_2066, %parallel_loop3A_2059 : vector<16xi1>, vector<16xi32>
      %parallel_loop3A_2103 = arith.select %parallel_loop3A_2073, %parallel_loop3A_2054, %parallel_loop3A_2101 : vector<16xi1>, vector<16xf32>
      %parallel_loop3A_2104 = arith.select %parallel_loop3A_2073, %parallel_loop3A_2055, %parallel_loop3A_2102 : vector<16xi1>, vector<16xi32>
      %parallel_loop3A_2105 = arith.constant 49 : i32
      %parallel_loop3A_2106 = arith.index_cast %parallel_loop3A_2105 : i32 to index
      %parallel_loop3A_2107 = arith.index_cast %parallel_loop3A_7 : i32 to index
      %parallel_loop3A_2108 = tpu.vector_load %arg5[%parallel_loop3A_2106, %parallel_loop3A_2107] {strides = array<i32>} : memref<64x256xf32, #tpu.memory_space<vmem>>, vector<1x16xf32>,
      %parallel_loop3A_2109 = vector.shape_cast %parallel_loop3A_2108 : vector<1x16xf32> to vector<16xf32>
      %parallel_loop3A_2110 = arith.constant 49 : i32
      %parallel_loop3A_2111 = vector.broadcast %parallel_loop3A_2110 : i32 to vector<16xi32>
      %parallel_loop3A_2112 = arith.cmpf ogt, %parallel_loop3A_2109, %parallel_loop3A_2075 : vector<16xf32>
      %parallel_loop3A_2113 = arith.cmpf ogt, %parallel_loop3A_2109, %parallel_loop3A_2079 : vector<16xf32>
      %parallel_loop3A_2114 = arith.cmpf ogt, %parallel_loop3A_2109, %parallel_loop3A_2083 : vector<16xf32>
      %parallel_loop3A_2115 = arith.cmpf ogt, %parallel_loop3A_2109, %parallel_loop3A_2087 : vector<16xf32>
      %parallel_loop3A_2116 = arith.cmpf ogt, %parallel_loop3A_2109, %parallel_loop3A_2091 : vector<16xf32>
      %parallel_loop3A_2117 = arith.cmpf ogt, %parallel_loop3A_2109, %parallel_loop3A_2095 : vector<16xf32>
      %parallel_loop3A_2118 = arith.cmpf ogt, %parallel_loop3A_2109, %parallel_loop3A_2099 : vector<16xf32>
      %parallel_loop3A_2119 = arith.cmpf ogt, %parallel_loop3A_2109, %parallel_loop3A_2103 : vector<16xf32>
      %parallel_loop3A_2120 = arith.select %parallel_loop3A_2112, %parallel_loop3A_2109, %parallel_loop3A_2075 : vector<16xi1>, vector<16xf32>
      %parallel_loop3A_2121 = arith.select %parallel_loop3A_2112, %parallel_loop3A_2111, %parallel_loop3A_2076 : vector<16xi1>, vector<16xi32>
      %parallel_loop3A_2122 = arith.select %parallel_loop3A_2113, %parallel_loop3A_2109, %parallel_loop3A_2079 : vector<16xi1>, vector<16xf32>
      %parallel_loop3A_2123 = arith.select %parallel_loop3A_2113, %parallel_loop3A_2111, %parallel_loop3A_2080 : vector<16xi1>, vector<16xi32>
      %parallel_loop3A_2124 = arith.select %parallel_loop3A_2112, %parallel_loop3A_2075, %parallel_loop3A_2122 : vector<16xi1>, vector<16xf32>
      %parallel_loop3A_2125 = arith.select %parallel_loop3A_2112, %parallel_loop3A_2076, %parallel_loop3A_2123 : vector<16xi1>, vector<16xi32>
      %parallel_loop3A_2126 = arith.select %parallel_loop3A_2114, %parallel_loop3A_2109, %parallel_loop3A_2083 : vector<16xi1>, vector<16xf32>
      %parallel_loop3A_2127 = arith.select %parallel_loop3A_2114, %parallel_loop3A_2111, %parallel_loop3A_2084 : vector<16xi1>, vector<16xi32>
      %parallel_loop3A_2128 = arith.select %parallel_loop3A_2113, %parallel_loop3A_2079, %parallel_loop3A_2126 : vector<16xi1>, vector<16xf32>
      %parallel_loop3A_2129 = arith.select %parallel_loop3A_2113, %parallel_loop3A_2080, %parallel_loop3A_2127 : vector<16xi1>, vector<16xi32>
      %parallel_loop3A_2130 = arith.select %parallel_loop3A_2115, %parallel_loop3A_2109, %parallel_loop3A_2087 : vector<16xi1>, vector<16xf32>
      %parallel_loop3A_2131 = arith.select %parallel_loop3A_2115, %parallel_loop3A_2111, %parallel_loop3A_2088 : vector<16xi1>, vector<16xi32>
      %parallel_loop3A_2132 = arith.select %parallel_loop3A_2114, %parallel_loop3A_2083, %parallel_loop3A_2130 : vector<16xi1>, vector<16xf32>
      %parallel_loop3A_2133 = arith.select %parallel_loop3A_2114, %parallel_loop3A_2084, %parallel_loop3A_2131 : vector<16xi1>, vector<16xi32>
      %parallel_loop3A_2134 = arith.select %parallel_loop3A_2116, %parallel_loop3A_2109, %parallel_loop3A_2091 : vector<16xi1>, vector<16xf32>
      %parallel_loop3A_2135 = arith.select %parallel_loop3A_2116, %parallel_loop3A_2111, %parallel_loop3A_2092 : vector<16xi1>, vector<16xi32>
      %parallel_loop3A_2136 = arith.select %parallel_loop3A_2115, %parallel_loop3A_2087, %parallel_loop3A_2134 : vector<16xi1>, vector<16xf32>
      %parallel_loop3A_2137 = arith.select %parallel_loop3A_2115, %parallel_loop3A_2088, %parallel_loop3A_2135 : vector<16xi1>, vector<16xi32>
      %parallel_loop3A_2138 = arith.select %parallel_loop3A_2117, %parallel_loop3A_2109, %parallel_loop3A_2095 : vector<16xi1>, vector<16xf32>
      %parallel_loop3A_2139 = arith.select %parallel_loop3A_2117, %parallel_loop3A_2111, %parallel_loop3A_2096 : vector<16xi1>, vector<16xi32>
      %parallel_loop3A_2140 = arith.select %parallel_loop3A_2116, %parallel_loop3A_2091, %parallel_loop3A_2138 : vector<16xi1>, vector<16xf32>
      %parallel_loop3A_2141 = arith.select %parallel_loop3A_2116, %parallel_loop3A_2092, %parallel_loop3A_2139 : vector<16xi1>, vector<16xi32>
      %parallel_loop3A_2142 = arith.select %parallel_loop3A_2118, %parallel_loop3A_2109, %parallel_loop3A_2099 : vector<16xi1>, vector<16xf32>
      %parallel_loop3A_2143 = arith.select %parallel_loop3A_2118, %parallel_loop3A_2111, %parallel_loop3A_2100 : vector<16xi1>, vector<16xi32>
      %parallel_loop3A_2144 = arith.select %parallel_loop3A_2117, %parallel_loop3A_2095, %parallel_loop3A_2142 : vector<16xi1>, vector<16xf32>
      %parallel_loop3A_2145 = arith.select %parallel_loop3A_2117, %parallel_loop3A_2096, %parallel_loop3A_2143 : vector<16xi1>, vector<16xi32>
      %parallel_loop3A_2146 = arith.select %parallel_loop3A_2119, %parallel_loop3A_2109, %parallel_loop3A_2103 : vector<16xi1>, vector<16xf32>
      %parallel_loop3A_2147 = arith.select %parallel_loop3A_2119, %parallel_loop3A_2111, %parallel_loop3A_2104 : vector<16xi1>, vector<16xi32>
      %parallel_loop3A_2148 = arith.select %parallel_loop3A_2118, %parallel_loop3A_2099, %parallel_loop3A_2146 : vector<16xi1>, vector<16xf32>
      %parallel_loop3A_2149 = arith.select %parallel_loop3A_2118, %parallel_loop3A_2100, %parallel_loop3A_2147 : vector<16xi1>, vector<16xi32>
      %parallel_loop3A_2150 = arith.constant 50 : i32
      %parallel_loop3A_2151 = arith.index_cast %parallel_loop3A_2150 : i32 to index
      %parallel_loop3A_2152 = arith.index_cast %parallel_loop3A_7 : i32 to index
      %parallel_loop3A_2153 = tpu.vector_load %arg5[%parallel_loop3A_2151, %parallel_loop3A_2152] {strides = array<i32>} : memref<64x256xf32, #tpu.memory_space<vmem>>, vector<1x16xf32>,
      %parallel_loop3A_2154 = vector.shape_cast %parallel_loop3A_2153 : vector<1x16xf32> to vector<16xf32>
      %parallel_loop3A_2155 = arith.constant 50 : i32
      %parallel_loop3A_2156 = vector.broadcast %parallel_loop3A_2155 : i32 to vector<16xi32>
      %parallel_loop3A_2157 = arith.cmpf ogt, %parallel_loop3A_2154, %parallel_loop3A_2120 : vector<16xf32>
      %parallel_loop3A_2158 = arith.cmpf ogt, %parallel_loop3A_2154, %parallel_loop3A_2124 : vector<16xf32>
      %parallel_loop3A_2159 = arith.cmpf ogt, %parallel_loop3A_2154, %parallel_loop3A_2128 : vector<16xf32>
      %parallel_loop3A_2160 = arith.cmpf ogt, %parallel_loop3A_2154, %parallel_loop3A_2132 : vector<16xf32>
      %parallel_loop3A_2161 = arith.cmpf ogt, %parallel_loop3A_2154, %parallel_loop3A_2136 : vector<16xf32>
      %parallel_loop3A_2162 = arith.cmpf ogt, %parallel_loop3A_2154, %parallel_loop3A_2140 : vector<16xf32>
      %parallel_loop3A_2163 = arith.cmpf ogt, %parallel_loop3A_2154, %parallel_loop3A_2144 : vector<16xf32>
      %parallel_loop3A_2164 = arith.cmpf ogt, %parallel_loop3A_2154, %parallel_loop3A_2148 : vector<16xf32>
      %parallel_loop3A_2165 = arith.select %parallel_loop3A_2157, %parallel_loop3A_2154, %parallel_loop3A_2120 : vector<16xi1>, vector<16xf32>
      %parallel_loop3A_2166 = arith.select %parallel_loop3A_2157, %parallel_loop3A_2156, %parallel_loop3A_2121 : vector<16xi1>, vector<16xi32>
      %parallel_loop3A_2167 = arith.select %parallel_loop3A_2158, %parallel_loop3A_2154, %parallel_loop3A_2124 : vector<16xi1>, vector<16xf32>
      %parallel_loop3A_2168 = arith.select %parallel_loop3A_2158, %parallel_loop3A_2156, %parallel_loop3A_2125 : vector<16xi1>, vector<16xi32>
      %parallel_loop3A_2169 = arith.select %parallel_loop3A_2157, %parallel_loop3A_2120, %parallel_loop3A_2167 : vector<16xi1>, vector<16xf32>
      %parallel_loop3A_2170 = arith.select %parallel_loop3A_2157, %parallel_loop3A_2121, %parallel_loop3A_2168 : vector<16xi1>, vector<16xi32>
      %parallel_loop3A_2171 = arith.select %parallel_loop3A_2159, %parallel_loop3A_2154, %parallel_loop3A_2128 : vector<16xi1>, vector<16xf32>
      %parallel_loop3A_2172 = arith.select %parallel_loop3A_2159, %parallel_loop3A_2156, %parallel_loop3A_2129 : vector<16xi1>, vector<16xi32>
      %parallel_loop3A_2173 = arith.select %parallel_loop3A_2158, %parallel_loop3A_2124, %parallel_loop3A_2171 : vector<16xi1>, vector<16xf32>
      %parallel_loop3A_2174 = arith.select %parallel_loop3A_2158, %parallel_loop3A_2125, %parallel_loop3A_2172 : vector<16xi1>, vector<16xi32>
      %parallel_loop3A_2175 = arith.select %parallel_loop3A_2160, %parallel_loop3A_2154, %parallel_loop3A_2132 : vector<16xi1>, vector<16xf32>
      %parallel_loop3A_2176 = arith.select %parallel_loop3A_2160, %parallel_loop3A_2156, %parallel_loop3A_2133 : vector<16xi1>, vector<16xi32>
      %parallel_loop3A_2177 = arith.select %parallel_loop3A_2159, %parallel_loop3A_2128, %parallel_loop3A_2175 : vector<16xi1>, vector<16xf32>
      %parallel_loop3A_2178 = arith.select %parallel_loop3A_2159, %parallel_loop3A_2129, %parallel_loop3A_2176 : vector<16xi1>, vector<16xi32>
      %parallel_loop3A_2179 = arith.select %parallel_loop3A_2161, %parallel_loop3A_2154, %parallel_loop3A_2136 : vector<16xi1>, vector<16xf32>
      %parallel_loop3A_2180 = arith.select %parallel_loop3A_2161, %parallel_loop3A_2156, %parallel_loop3A_2137 : vector<16xi1>, vector<16xi32>
      %parallel_loop3A_2181 = arith.select %parallel_loop3A_2160, %parallel_loop3A_2132, %parallel_loop3A_2179 : vector<16xi1>, vector<16xf32>
      %parallel_loop3A_2182 = arith.select %parallel_loop3A_2160, %parallel_loop3A_2133, %parallel_loop3A_2180 : vector<16xi1>, vector<16xi32>
      %parallel_loop3A_2183 = arith.select %parallel_loop3A_2162, %parallel_loop3A_2154, %parallel_loop3A_2140 : vector<16xi1>, vector<16xf32>
      %parallel_loop3A_2184 = arith.select %parallel_loop3A_2162, %parallel_loop3A_2156, %parallel_loop3A_2141 : vector<16xi1>, vector<16xi32>
      %parallel_loop3A_2185 = arith.select %parallel_loop3A_2161, %parallel_loop3A_2136, %parallel_loop3A_2183 : vector<16xi1>, vector<16xf32>
      %parallel_loop3A_2186 = arith.select %parallel_loop3A_2161, %parallel_loop3A_2137, %parallel_loop3A_2184 : vector<16xi1>, vector<16xi32>
      %parallel_loop3A_2187 = arith.select %parallel_loop3A_2163, %parallel_loop3A_2154, %parallel_loop3A_2144 : vector<16xi1>, vector<16xf32>
      %parallel_loop3A_2188 = arith.select %parallel_loop3A_2163, %parallel_loop3A_2156, %parallel_loop3A_2145 : vector<16xi1>, vector<16xi32>
      %parallel_loop3A_2189 = arith.select %parallel_loop3A_2162, %parallel_loop3A_2140, %parallel_loop3A_2187 : vector<16xi1>, vector<16xf32>
      %parallel_loop3A_2190 = arith.select %parallel_loop3A_2162, %parallel_loop3A_2141, %parallel_loop3A_2188 : vector<16xi1>, vector<16xi32>
      %parallel_loop3A_2191 = arith.select %parallel_loop3A_2164, %parallel_loop3A_2154, %parallel_loop3A_2148 : vector<16xi1>, vector<16xf32>
      %parallel_loop3A_2192 = arith.select %parallel_loop3A_2164, %parallel_loop3A_2156, %parallel_loop3A_2149 : vector<16xi1>, vector<16xi32>
      %parallel_loop3A_2193 = arith.select %parallel_loop3A_2163, %parallel_loop3A_2144, %parallel_loop3A_2191 : vector<16xi1>, vector<16xf32>
      %parallel_loop3A_2194 = arith.select %parallel_loop3A_2163, %parallel_loop3A_2145, %parallel_loop3A_2192 : vector<16xi1>, vector<16xi32>
      %parallel_loop3A_2195 = arith.constant 51 : i32
      %parallel_loop3A_2196 = arith.index_cast %parallel_loop3A_2195 : i32 to index
      %parallel_loop3A_2197 = arith.index_cast %parallel_loop3A_7 : i32 to index
      %parallel_loop3A_2198 = tpu.vector_load %arg5[%parallel_loop3A_2196, %parallel_loop3A_2197] {strides = array<i32>} : memref<64x256xf32, #tpu.memory_space<vmem>>, vector<1x16xf32>,
      %parallel_loop3A_2199 = vector.shape_cast %parallel_loop3A_2198 : vector<1x16xf32> to vector<16xf32>
      %parallel_loop3A_2200 = arith.constant 51 : i32
      %parallel_loop3A_2201 = vector.broadcast %parallel_loop3A_2200 : i32 to vector<16xi32>
      %parallel_loop3A_2202 = arith.cmpf ogt, %parallel_loop3A_2199, %parallel_loop3A_2165 : vector<16xf32>
      %parallel_loop3A_2203 = arith.cmpf ogt, %parallel_loop3A_2199, %parallel_loop3A_2169 : vector<16xf32>
      %parallel_loop3A_2204 = arith.cmpf ogt, %parallel_loop3A_2199, %parallel_loop3A_2173 : vector<16xf32>
      %parallel_loop3A_2205 = arith.cmpf ogt, %parallel_loop3A_2199, %parallel_loop3A_2177 : vector<16xf32>
      %parallel_loop3A_2206 = arith.cmpf ogt, %parallel_loop3A_2199, %parallel_loop3A_2181 : vector<16xf32>
      %parallel_loop3A_2207 = arith.cmpf ogt, %parallel_loop3A_2199, %parallel_loop3A_2185 : vector<16xf32>
      %parallel_loop3A_2208 = arith.cmpf ogt, %parallel_loop3A_2199, %parallel_loop3A_2189 : vector<16xf32>
      %parallel_loop3A_2209 = arith.cmpf ogt, %parallel_loop3A_2199, %parallel_loop3A_2193 : vector<16xf32>
      %parallel_loop3A_2210 = arith.select %parallel_loop3A_2202, %parallel_loop3A_2199, %parallel_loop3A_2165 : vector<16xi1>, vector<16xf32>
      %parallel_loop3A_2211 = arith.select %parallel_loop3A_2202, %parallel_loop3A_2201, %parallel_loop3A_2166 : vector<16xi1>, vector<16xi32>
      %parallel_loop3A_2212 = arith.select %parallel_loop3A_2203, %parallel_loop3A_2199, %parallel_loop3A_2169 : vector<16xi1>, vector<16xf32>
      %parallel_loop3A_2213 = arith.select %parallel_loop3A_2203, %parallel_loop3A_2201, %parallel_loop3A_2170 : vector<16xi1>, vector<16xi32>
      %parallel_loop3A_2214 = arith.select %parallel_loop3A_2202, %parallel_loop3A_2165, %parallel_loop3A_2212 : vector<16xi1>, vector<16xf32>
      %parallel_loop3A_2215 = arith.select %parallel_loop3A_2202, %parallel_loop3A_2166, %parallel_loop3A_2213 : vector<16xi1>, vector<16xi32>
      %parallel_loop3A_2216 = arith.select %parallel_loop3A_2204, %parallel_loop3A_2199, %parallel_loop3A_2173 : vector<16xi1>, vector<16xf32>
      %parallel_loop3A_2217 = arith.select %parallel_loop3A_2204, %parallel_loop3A_2201, %parallel_loop3A_2174 : vector<16xi1>, vector<16xi32>
      %parallel_loop3A_2218 = arith.select %parallel_loop3A_2203, %parallel_loop3A_2169, %parallel_loop3A_2216 : vector<16xi1>, vector<16xf32>
      %parallel_loop3A_2219 = arith.select %parallel_loop3A_2203, %parallel_loop3A_2170, %parallel_loop3A_2217 : vector<16xi1>, vector<16xi32>
      %parallel_loop3A_2220 = arith.select %parallel_loop3A_2205, %parallel_loop3A_2199, %parallel_loop3A_2177 : vector<16xi1>, vector<16xf32>
      %parallel_loop3A_2221 = arith.select %parallel_loop3A_2205, %parallel_loop3A_2201, %parallel_loop3A_2178 : vector<16xi1>, vector<16xi32>
      %parallel_loop3A_2222 = arith.select %parallel_loop3A_2204, %parallel_loop3A_2173, %parallel_loop3A_2220 : vector<16xi1>, vector<16xf32>
      %parallel_loop3A_2223 = arith.select %parallel_loop3A_2204, %parallel_loop3A_2174, %parallel_loop3A_2221 : vector<16xi1>, vector<16xi32>
      %parallel_loop3A_2224 = arith.select %parallel_loop3A_2206, %parallel_loop3A_2199, %parallel_loop3A_2181 : vector<16xi1>, vector<16xf32>
      %parallel_loop3A_2225 = arith.select %parallel_loop3A_2206, %parallel_loop3A_2201, %parallel_loop3A_2182 : vector<16xi1>, vector<16xi32>
      %parallel_loop3A_2226 = arith.select %parallel_loop3A_2205, %parallel_loop3A_2177, %parallel_loop3A_2224 : vector<16xi1>, vector<16xf32>
      %parallel_loop3A_2227 = arith.select %parallel_loop3A_2205, %parallel_loop3A_2178, %parallel_loop3A_2225 : vector<16xi1>, vector<16xi32>
      %parallel_loop3A_2228 = arith.select %parallel_loop3A_2207, %parallel_loop3A_2199, %parallel_loop3A_2185 : vector<16xi1>, vector<16xf32>
      %parallel_loop3A_2229 = arith.select %parallel_loop3A_2207, %parallel_loop3A_2201, %parallel_loop3A_2186 : vector<16xi1>, vector<16xi32>
      %parallel_loop3A_2230 = arith.select %parallel_loop3A_2206, %parallel_loop3A_2181, %parallel_loop3A_2228 : vector<16xi1>, vector<16xf32>
      %parallel_loop3A_2231 = arith.select %parallel_loop3A_2206, %parallel_loop3A_2182, %parallel_loop3A_2229 : vector<16xi1>, vector<16xi32>
      %parallel_loop3A_2232 = arith.select %parallel_loop3A_2208, %parallel_loop3A_2199, %parallel_loop3A_2189 : vector<16xi1>, vector<16xf32>
      %parallel_loop3A_2233 = arith.select %parallel_loop3A_2208, %parallel_loop3A_2201, %parallel_loop3A_2190 : vector<16xi1>, vector<16xi32>
      %parallel_loop3A_2234 = arith.select %parallel_loop3A_2207, %parallel_loop3A_2185, %parallel_loop3A_2232 : vector<16xi1>, vector<16xf32>
      %parallel_loop3A_2235 = arith.select %parallel_loop3A_2207, %parallel_loop3A_2186, %parallel_loop3A_2233 : vector<16xi1>, vector<16xi32>
      %parallel_loop3A_2236 = arith.select %parallel_loop3A_2209, %parallel_loop3A_2199, %parallel_loop3A_2193 : vector<16xi1>, vector<16xf32>
      %parallel_loop3A_2237 = arith.select %parallel_loop3A_2209, %parallel_loop3A_2201, %parallel_loop3A_2194 : vector<16xi1>, vector<16xi32>
      %parallel_loop3A_2238 = arith.select %parallel_loop3A_2208, %parallel_loop3A_2189, %parallel_loop3A_2236 : vector<16xi1>, vector<16xf32>
      %parallel_loop3A_2239 = arith.select %parallel_loop3A_2208, %parallel_loop3A_2190, %parallel_loop3A_2237 : vector<16xi1>, vector<16xi32>
      %parallel_loop3A_2240 = arith.constant 52 : i32
      %parallel_loop3A_2241 = arith.index_cast %parallel_loop3A_2240 : i32 to index
      %parallel_loop3A_2242 = arith.index_cast %parallel_loop3A_7 : i32 to index
      %parallel_loop3A_2243 = tpu.vector_load %arg5[%parallel_loop3A_2241, %parallel_loop3A_2242] {strides = array<i32>} : memref<64x256xf32, #tpu.memory_space<vmem>>, vector<1x16xf32>,
      %parallel_loop3A_2244 = vector.shape_cast %parallel_loop3A_2243 : vector<1x16xf32> to vector<16xf32>
      %parallel_loop3A_2245 = arith.constant 52 : i32
      %parallel_loop3A_2246 = vector.broadcast %parallel_loop3A_2245 : i32 to vector<16xi32>
      %parallel_loop3A_2247 = arith.cmpf ogt, %parallel_loop3A_2244, %parallel_loop3A_2210 : vector<16xf32>
      %parallel_loop3A_2248 = arith.cmpf ogt, %parallel_loop3A_2244, %parallel_loop3A_2214 : vector<16xf32>
      %parallel_loop3A_2249 = arith.cmpf ogt, %parallel_loop3A_2244, %parallel_loop3A_2218 : vector<16xf32>
      %parallel_loop3A_2250 = arith.cmpf ogt, %parallel_loop3A_2244, %parallel_loop3A_2222 : vector<16xf32>
      %parallel_loop3A_2251 = arith.cmpf ogt, %parallel_loop3A_2244, %parallel_loop3A_2226 : vector<16xf32>
      %parallel_loop3A_2252 = arith.cmpf ogt, %parallel_loop3A_2244, %parallel_loop3A_2230 : vector<16xf32>
      %parallel_loop3A_2253 = arith.cmpf ogt, %parallel_loop3A_2244, %parallel_loop3A_2234 : vector<16xf32>
      %parallel_loop3A_2254 = arith.cmpf ogt, %parallel_loop3A_2244, %parallel_loop3A_2238 : vector<16xf32>
      %parallel_loop3A_2255 = arith.select %parallel_loop3A_2247, %parallel_loop3A_2244, %parallel_loop3A_2210 : vector<16xi1>, vector<16xf32>
      %parallel_loop3A_2256 = arith.select %parallel_loop3A_2247, %parallel_loop3A_2246, %parallel_loop3A_2211 : vector<16xi1>, vector<16xi32>
      %parallel_loop3A_2257 = arith.select %parallel_loop3A_2248, %parallel_loop3A_2244, %parallel_loop3A_2214 : vector<16xi1>, vector<16xf32>
      %parallel_loop3A_2258 = arith.select %parallel_loop3A_2248, %parallel_loop3A_2246, %parallel_loop3A_2215 : vector<16xi1>, vector<16xi32>
      %parallel_loop3A_2259 = arith.select %parallel_loop3A_2247, %parallel_loop3A_2210, %parallel_loop3A_2257 : vector<16xi1>, vector<16xf32>
      %parallel_loop3A_2260 = arith.select %parallel_loop3A_2247, %parallel_loop3A_2211, %parallel_loop3A_2258 : vector<16xi1>, vector<16xi32>
      %parallel_loop3A_2261 = arith.select %parallel_loop3A_2249, %parallel_loop3A_2244, %parallel_loop3A_2218 : vector<16xi1>, vector<16xf32>
      %parallel_loop3A_2262 = arith.select %parallel_loop3A_2249, %parallel_loop3A_2246, %parallel_loop3A_2219 : vector<16xi1>, vector<16xi32>
      %parallel_loop3A_2263 = arith.select %parallel_loop3A_2248, %parallel_loop3A_2214, %parallel_loop3A_2261 : vector<16xi1>, vector<16xf32>
      %parallel_loop3A_2264 = arith.select %parallel_loop3A_2248, %parallel_loop3A_2215, %parallel_loop3A_2262 : vector<16xi1>, vector<16xi32>
      %parallel_loop3A_2265 = arith.select %parallel_loop3A_2250, %parallel_loop3A_2244, %parallel_loop3A_2222 : vector<16xi1>, vector<16xf32>
      %parallel_loop3A_2266 = arith.select %parallel_loop3A_2250, %parallel_loop3A_2246, %parallel_loop3A_2223 : vector<16xi1>, vector<16xi32>
      %parallel_loop3A_2267 = arith.select %parallel_loop3A_2249, %parallel_loop3A_2218, %parallel_loop3A_2265 : vector<16xi1>, vector<16xf32>
      %parallel_loop3A_2268 = arith.select %parallel_loop3A_2249, %parallel_loop3A_2219, %parallel_loop3A_2266 : vector<16xi1>, vector<16xi32>
      %parallel_loop3A_2269 = arith.select %parallel_loop3A_2251, %parallel_loop3A_2244, %parallel_loop3A_2226 : vector<16xi1>, vector<16xf32>
      %parallel_loop3A_2270 = arith.select %parallel_loop3A_2251, %parallel_loop3A_2246, %parallel_loop3A_2227 : vector<16xi1>, vector<16xi32>
      %parallel_loop3A_2271 = arith.select %parallel_loop3A_2250, %parallel_loop3A_2222, %parallel_loop3A_2269 : vector<16xi1>, vector<16xf32>
      %parallel_loop3A_2272 = arith.select %parallel_loop3A_2250, %parallel_loop3A_2223, %parallel_loop3A_2270 : vector<16xi1>, vector<16xi32>
      %parallel_loop3A_2273 = arith.select %parallel_loop3A_2252, %parallel_loop3A_2244, %parallel_loop3A_2230 : vector<16xi1>, vector<16xf32>
      %parallel_loop3A_2274 = arith.select %parallel_loop3A_2252, %parallel_loop3A_2246, %parallel_loop3A_2231 : vector<16xi1>, vector<16xi32>
      %parallel_loop3A_2275 = arith.select %parallel_loop3A_2251, %parallel_loop3A_2226, %parallel_loop3A_2273 : vector<16xi1>, vector<16xf32>
      %parallel_loop3A_2276 = arith.select %parallel_loop3A_2251, %parallel_loop3A_2227, %parallel_loop3A_2274 : vector<16xi1>, vector<16xi32>
      %parallel_loop3A_2277 = arith.select %parallel_loop3A_2253, %parallel_loop3A_2244, %parallel_loop3A_2234 : vector<16xi1>, vector<16xf32>
      %parallel_loop3A_2278 = arith.select %parallel_loop3A_2253, %parallel_loop3A_2246, %parallel_loop3A_2235 : vector<16xi1>, vector<16xi32>
      %parallel_loop3A_2279 = arith.select %parallel_loop3A_2252, %parallel_loop3A_2230, %parallel_loop3A_2277 : vector<16xi1>, vector<16xf32>
      %parallel_loop3A_2280 = arith.select %parallel_loop3A_2252, %parallel_loop3A_2231, %parallel_loop3A_2278 : vector<16xi1>, vector<16xi32>
      %parallel_loop3A_2281 = arith.select %parallel_loop3A_2254, %parallel_loop3A_2244, %parallel_loop3A_2238 : vector<16xi1>, vector<16xf32>
      %parallel_loop3A_2282 = arith.select %parallel_loop3A_2254, %parallel_loop3A_2246, %parallel_loop3A_2239 : vector<16xi1>, vector<16xi32>
      %parallel_loop3A_2283 = arith.select %parallel_loop3A_2253, %parallel_loop3A_2234, %parallel_loop3A_2281 : vector<16xi1>, vector<16xf32>
      %parallel_loop3A_2284 = arith.select %parallel_loop3A_2253, %parallel_loop3A_2235, %parallel_loop3A_2282 : vector<16xi1>, vector<16xi32>
      %parallel_loop3A_2285 = arith.constant 53 : i32
      %parallel_loop3A_2286 = arith.index_cast %parallel_loop3A_2285 : i32 to index
      %parallel_loop3A_2287 = arith.index_cast %parallel_loop3A_7 : i32 to index
      %parallel_loop3A_2288 = tpu.vector_load %arg5[%parallel_loop3A_2286, %parallel_loop3A_2287] {strides = array<i32>} : memref<64x256xf32, #tpu.memory_space<vmem>>, vector<1x16xf32>,
      %parallel_loop3A_2289 = vector.shape_cast %parallel_loop3A_2288 : vector<1x16xf32> to vector<16xf32>
      %parallel_loop3A_2290 = arith.constant 53 : i32
      %parallel_loop3A_2291 = vector.broadcast %parallel_loop3A_2290 : i32 to vector<16xi32>
      %parallel_loop3A_2292 = arith.cmpf ogt, %parallel_loop3A_2289, %parallel_loop3A_2255 : vector<16xf32>
      %parallel_loop3A_2293 = arith.cmpf ogt, %parallel_loop3A_2289, %parallel_loop3A_2259 : vector<16xf32>
      %parallel_loop3A_2294 = arith.cmpf ogt, %parallel_loop3A_2289, %parallel_loop3A_2263 : vector<16xf32>
      %parallel_loop3A_2295 = arith.cmpf ogt, %parallel_loop3A_2289, %parallel_loop3A_2267 : vector<16xf32>
      %parallel_loop3A_2296 = arith.cmpf ogt, %parallel_loop3A_2289, %parallel_loop3A_2271 : vector<16xf32>
      %parallel_loop3A_2297 = arith.cmpf ogt, %parallel_loop3A_2289, %parallel_loop3A_2275 : vector<16xf32>
      %parallel_loop3A_2298 = arith.cmpf ogt, %parallel_loop3A_2289, %parallel_loop3A_2279 : vector<16xf32>
      %parallel_loop3A_2299 = arith.cmpf ogt, %parallel_loop3A_2289, %parallel_loop3A_2283 : vector<16xf32>
      %parallel_loop3A_2300 = arith.select %parallel_loop3A_2292, %parallel_loop3A_2289, %parallel_loop3A_2255 : vector<16xi1>, vector<16xf32>
      %parallel_loop3A_2301 = arith.select %parallel_loop3A_2292, %parallel_loop3A_2291, %parallel_loop3A_2256 : vector<16xi1>, vector<16xi32>
      %parallel_loop3A_2302 = arith.select %parallel_loop3A_2293, %parallel_loop3A_2289, %parallel_loop3A_2259 : vector<16xi1>, vector<16xf32>
      %parallel_loop3A_2303 = arith.select %parallel_loop3A_2293, %parallel_loop3A_2291, %parallel_loop3A_2260 : vector<16xi1>, vector<16xi32>
      %parallel_loop3A_2304 = arith.select %parallel_loop3A_2292, %parallel_loop3A_2255, %parallel_loop3A_2302 : vector<16xi1>, vector<16xf32>
      %parallel_loop3A_2305 = arith.select %parallel_loop3A_2292, %parallel_loop3A_2256, %parallel_loop3A_2303 : vector<16xi1>, vector<16xi32>
      %parallel_loop3A_2306 = arith.select %parallel_loop3A_2294, %parallel_loop3A_2289, %parallel_loop3A_2263 : vector<16xi1>, vector<16xf32>
      %parallel_loop3A_2307 = arith.select %parallel_loop3A_2294, %parallel_loop3A_2291, %parallel_loop3A_2264 : vector<16xi1>, vector<16xi32>
      %parallel_loop3A_2308 = arith.select %parallel_loop3A_2293, %parallel_loop3A_2259, %parallel_loop3A_2306 : vector<16xi1>, vector<16xf32>
      %parallel_loop3A_2309 = arith.select %parallel_loop3A_2293, %parallel_loop3A_2260, %parallel_loop3A_2307 : vector<16xi1>, vector<16xi32>
      %parallel_loop3A_2310 = arith.select %parallel_loop3A_2295, %parallel_loop3A_2289, %parallel_loop3A_2267 : vector<16xi1>, vector<16xf32>
      %parallel_loop3A_2311 = arith.select %parallel_loop3A_2295, %parallel_loop3A_2291, %parallel_loop3A_2268 : vector<16xi1>, vector<16xi32>
      %parallel_loop3A_2312 = arith.select %parallel_loop3A_2294, %parallel_loop3A_2263, %parallel_loop3A_2310 : vector<16xi1>, vector<16xf32>
      %parallel_loop3A_2313 = arith.select %parallel_loop3A_2294, %parallel_loop3A_2264, %parallel_loop3A_2311 : vector<16xi1>, vector<16xi32>
      %parallel_loop3A_2314 = arith.select %parallel_loop3A_2296, %parallel_loop3A_2289, %parallel_loop3A_2271 : vector<16xi1>, vector<16xf32>
      %parallel_loop3A_2315 = arith.select %parallel_loop3A_2296, %parallel_loop3A_2291, %parallel_loop3A_2272 : vector<16xi1>, vector<16xi32>
      %parallel_loop3A_2316 = arith.select %parallel_loop3A_2295, %parallel_loop3A_2267, %parallel_loop3A_2314 : vector<16xi1>, vector<16xf32>
      %parallel_loop3A_2317 = arith.select %parallel_loop3A_2295, %parallel_loop3A_2268, %parallel_loop3A_2315 : vector<16xi1>, vector<16xi32>
      %parallel_loop3A_2318 = arith.select %parallel_loop3A_2297, %parallel_loop3A_2289, %parallel_loop3A_2275 : vector<16xi1>, vector<16xf32>
      %parallel_loop3A_2319 = arith.select %parallel_loop3A_2297, %parallel_loop3A_2291, %parallel_loop3A_2276 : vector<16xi1>, vector<16xi32>
      %parallel_loop3A_2320 = arith.select %parallel_loop3A_2296, %parallel_loop3A_2271, %parallel_loop3A_2318 : vector<16xi1>, vector<16xf32>
      %parallel_loop3A_2321 = arith.select %parallel_loop3A_2296, %parallel_loop3A_2272, %parallel_loop3A_2319 : vector<16xi1>, vector<16xi32>
      %parallel_loop3A_2322 = arith.select %parallel_loop3A_2298, %parallel_loop3A_2289, %parallel_loop3A_2279 : vector<16xi1>, vector<16xf32>
      %parallel_loop3A_2323 = arith.select %parallel_loop3A_2298, %parallel_loop3A_2291, %parallel_loop3A_2280 : vector<16xi1>, vector<16xi32>
      %parallel_loop3A_2324 = arith.select %parallel_loop3A_2297, %parallel_loop3A_2275, %parallel_loop3A_2322 : vector<16xi1>, vector<16xf32>
      %parallel_loop3A_2325 = arith.select %parallel_loop3A_2297, %parallel_loop3A_2276, %parallel_loop3A_2323 : vector<16xi1>, vector<16xi32>
      %parallel_loop3A_2326 = arith.select %parallel_loop3A_2299, %parallel_loop3A_2289, %parallel_loop3A_2283 : vector<16xi1>, vector<16xf32>
      %parallel_loop3A_2327 = arith.select %parallel_loop3A_2299, %parallel_loop3A_2291, %parallel_loop3A_2284 : vector<16xi1>, vector<16xi32>
      %parallel_loop3A_2328 = arith.select %parallel_loop3A_2298, %parallel_loop3A_2279, %parallel_loop3A_2326 : vector<16xi1>, vector<16xf32>
      %parallel_loop3A_2329 = arith.select %parallel_loop3A_2298, %parallel_loop3A_2280, %parallel_loop3A_2327 : vector<16xi1>, vector<16xi32>
      %parallel_loop3A_2330 = arith.constant 54 : i32
      %parallel_loop3A_2331 = arith.index_cast %parallel_loop3A_2330 : i32 to index
      %parallel_loop3A_2332 = arith.index_cast %parallel_loop3A_7 : i32 to index
      %parallel_loop3A_2333 = tpu.vector_load %arg5[%parallel_loop3A_2331, %parallel_loop3A_2332] {strides = array<i32>} : memref<64x256xf32, #tpu.memory_space<vmem>>, vector<1x16xf32>,
      %parallel_loop3A_2334 = vector.shape_cast %parallel_loop3A_2333 : vector<1x16xf32> to vector<16xf32>
      %parallel_loop3A_2335 = arith.constant 54 : i32
      %parallel_loop3A_2336 = vector.broadcast %parallel_loop3A_2335 : i32 to vector<16xi32>
      %parallel_loop3A_2337 = arith.cmpf ogt, %parallel_loop3A_2334, %parallel_loop3A_2300 : vector<16xf32>
      %parallel_loop3A_2338 = arith.cmpf ogt, %parallel_loop3A_2334, %parallel_loop3A_2304 : vector<16xf32>
      %parallel_loop3A_2339 = arith.cmpf ogt, %parallel_loop3A_2334, %parallel_loop3A_2308 : vector<16xf32>
      %parallel_loop3A_2340 = arith.cmpf ogt, %parallel_loop3A_2334, %parallel_loop3A_2312 : vector<16xf32>
      %parallel_loop3A_2341 = arith.cmpf ogt, %parallel_loop3A_2334, %parallel_loop3A_2316 : vector<16xf32>
      %parallel_loop3A_2342 = arith.cmpf ogt, %parallel_loop3A_2334, %parallel_loop3A_2320 : vector<16xf32>
      %parallel_loop3A_2343 = arith.cmpf ogt, %parallel_loop3A_2334, %parallel_loop3A_2324 : vector<16xf32>
      %parallel_loop3A_2344 = arith.cmpf ogt, %parallel_loop3A_2334, %parallel_loop3A_2328 : vector<16xf32>
      %parallel_loop3A_2345 = arith.select %parallel_loop3A_2337, %parallel_loop3A_2334, %parallel_loop3A_2300 : vector<16xi1>, vector<16xf32>
      %parallel_loop3A_2346 = arith.select %parallel_loop3A_2337, %parallel_loop3A_2336, %parallel_loop3A_2301 : vector<16xi1>, vector<16xi32>
      %parallel_loop3A_2347 = arith.select %parallel_loop3A_2338, %parallel_loop3A_2334, %parallel_loop3A_2304 : vector<16xi1>, vector<16xf32>
      %parallel_loop3A_2348 = arith.select %parallel_loop3A_2338, %parallel_loop3A_2336, %parallel_loop3A_2305 : vector<16xi1>, vector<16xi32>
      %parallel_loop3A_2349 = arith.select %parallel_loop3A_2337, %parallel_loop3A_2300, %parallel_loop3A_2347 : vector<16xi1>, vector<16xf32>
      %parallel_loop3A_2350 = arith.select %parallel_loop3A_2337, %parallel_loop3A_2301, %parallel_loop3A_2348 : vector<16xi1>, vector<16xi32>
      %parallel_loop3A_2351 = arith.select %parallel_loop3A_2339, %parallel_loop3A_2334, %parallel_loop3A_2308 : vector<16xi1>, vector<16xf32>
      %parallel_loop3A_2352 = arith.select %parallel_loop3A_2339, %parallel_loop3A_2336, %parallel_loop3A_2309 : vector<16xi1>, vector<16xi32>
      %parallel_loop3A_2353 = arith.select %parallel_loop3A_2338, %parallel_loop3A_2304, %parallel_loop3A_2351 : vector<16xi1>, vector<16xf32>
      %parallel_loop3A_2354 = arith.select %parallel_loop3A_2338, %parallel_loop3A_2305, %parallel_loop3A_2352 : vector<16xi1>, vector<16xi32>
      %parallel_loop3A_2355 = arith.select %parallel_loop3A_2340, %parallel_loop3A_2334, %parallel_loop3A_2312 : vector<16xi1>, vector<16xf32>
      %parallel_loop3A_2356 = arith.select %parallel_loop3A_2340, %parallel_loop3A_2336, %parallel_loop3A_2313 : vector<16xi1>, vector<16xi32>
      %parallel_loop3A_2357 = arith.select %parallel_loop3A_2339, %parallel_loop3A_2308, %parallel_loop3A_2355 : vector<16xi1>, vector<16xf32>
      %parallel_loop3A_2358 = arith.select %parallel_loop3A_2339, %parallel_loop3A_2309, %parallel_loop3A_2356 : vector<16xi1>, vector<16xi32>
      %parallel_loop3A_2359 = arith.select %parallel_loop3A_2341, %parallel_loop3A_2334, %parallel_loop3A_2316 : vector<16xi1>, vector<16xf32>
      %parallel_loop3A_2360 = arith.select %parallel_loop3A_2341, %parallel_loop3A_2336, %parallel_loop3A_2317 : vector<16xi1>, vector<16xi32>
      %parallel_loop3A_2361 = arith.select %parallel_loop3A_2340, %parallel_loop3A_2312, %parallel_loop3A_2359 : vector<16xi1>, vector<16xf32>
      %parallel_loop3A_2362 = arith.select %parallel_loop3A_2340, %parallel_loop3A_2313, %parallel_loop3A_2360 : vector<16xi1>, vector<16xi32>
      %parallel_loop3A_2363 = arith.select %parallel_loop3A_2342, %parallel_loop3A_2334, %parallel_loop3A_2320 : vector<16xi1>, vector<16xf32>
      %parallel_loop3A_2364 = arith.select %parallel_loop3A_2342, %parallel_loop3A_2336, %parallel_loop3A_2321 : vector<16xi1>, vector<16xi32>
      %parallel_loop3A_2365 = arith.select %parallel_loop3A_2341, %parallel_loop3A_2316, %parallel_loop3A_2363 : vector<16xi1>, vector<16xf32>
      %parallel_loop3A_2366 = arith.select %parallel_loop3A_2341, %parallel_loop3A_2317, %parallel_loop3A_2364 : vector<16xi1>, vector<16xi32>
      %parallel_loop3A_2367 = arith.select %parallel_loop3A_2343, %parallel_loop3A_2334, %parallel_loop3A_2324 : vector<16xi1>, vector<16xf32>
      %parallel_loop3A_2368 = arith.select %parallel_loop3A_2343, %parallel_loop3A_2336, %parallel_loop3A_2325 : vector<16xi1>, vector<16xi32>
      %parallel_loop3A_2369 = arith.select %parallel_loop3A_2342, %parallel_loop3A_2320, %parallel_loop3A_2367 : vector<16xi1>, vector<16xf32>
      %parallel_loop3A_2370 = arith.select %parallel_loop3A_2342, %parallel_loop3A_2321, %parallel_loop3A_2368 : vector<16xi1>, vector<16xi32>
      %parallel_loop3A_2371 = arith.select %parallel_loop3A_2344, %parallel_loop3A_2334, %parallel_loop3A_2328 : vector<16xi1>, vector<16xf32>
      %parallel_loop3A_2372 = arith.select %parallel_loop3A_2344, %parallel_loop3A_2336, %parallel_loop3A_2329 : vector<16xi1>, vector<16xi32>
      %parallel_loop3A_2373 = arith.select %parallel_loop3A_2343, %parallel_loop3A_2324, %parallel_loop3A_2371 : vector<16xi1>, vector<16xf32>
      %parallel_loop3A_2374 = arith.select %parallel_loop3A_2343, %parallel_loop3A_2325, %parallel_loop3A_2372 : vector<16xi1>, vector<16xi32>
      %parallel_loop3A_2375 = arith.constant 55 : i32
      %parallel_loop3A_2376 = arith.index_cast %parallel_loop3A_2375 : i32 to index
      %parallel_loop3A_2377 = arith.index_cast %parallel_loop3A_7 : i32 to index
      %parallel_loop3A_2378 = tpu.vector_load %arg5[%parallel_loop3A_2376, %parallel_loop3A_2377] {strides = array<i32>} : memref<64x256xf32, #tpu.memory_space<vmem>>, vector<1x16xf32>,
      %parallel_loop3A_2379 = vector.shape_cast %parallel_loop3A_2378 : vector<1x16xf32> to vector<16xf32>
      %parallel_loop3A_2380 = arith.constant 55 : i32
      %parallel_loop3A_2381 = vector.broadcast %parallel_loop3A_2380 : i32 to vector<16xi32>
      %parallel_loop3A_2382 = arith.cmpf ogt, %parallel_loop3A_2379, %parallel_loop3A_2345 : vector<16xf32>
      %parallel_loop3A_2383 = arith.cmpf ogt, %parallel_loop3A_2379, %parallel_loop3A_2349 : vector<16xf32>
      %parallel_loop3A_2384 = arith.cmpf ogt, %parallel_loop3A_2379, %parallel_loop3A_2353 : vector<16xf32>
      %parallel_loop3A_2385 = arith.cmpf ogt, %parallel_loop3A_2379, %parallel_loop3A_2357 : vector<16xf32>
      %parallel_loop3A_2386 = arith.cmpf ogt, %parallel_loop3A_2379, %parallel_loop3A_2361 : vector<16xf32>
      %parallel_loop3A_2387 = arith.cmpf ogt, %parallel_loop3A_2379, %parallel_loop3A_2365 : vector<16xf32>
      %parallel_loop3A_2388 = arith.cmpf ogt, %parallel_loop3A_2379, %parallel_loop3A_2369 : vector<16xf32>
      %parallel_loop3A_2389 = arith.cmpf ogt, %parallel_loop3A_2379, %parallel_loop3A_2373 : vector<16xf32>
      %parallel_loop3A_2390 = arith.select %parallel_loop3A_2382, %parallel_loop3A_2379, %parallel_loop3A_2345 : vector<16xi1>, vector<16xf32>
      %parallel_loop3A_2391 = arith.select %parallel_loop3A_2382, %parallel_loop3A_2381, %parallel_loop3A_2346 : vector<16xi1>, vector<16xi32>
      %parallel_loop3A_2392 = arith.select %parallel_loop3A_2383, %parallel_loop3A_2379, %parallel_loop3A_2349 : vector<16xi1>, vector<16xf32>
      %parallel_loop3A_2393 = arith.select %parallel_loop3A_2383, %parallel_loop3A_2381, %parallel_loop3A_2350 : vector<16xi1>, vector<16xi32>
      %parallel_loop3A_2394 = arith.select %parallel_loop3A_2382, %parallel_loop3A_2345, %parallel_loop3A_2392 : vector<16xi1>, vector<16xf32>
      %parallel_loop3A_2395 = arith.select %parallel_loop3A_2382, %parallel_loop3A_2346, %parallel_loop3A_2393 : vector<16xi1>, vector<16xi32>
      %parallel_loop3A_2396 = arith.select %parallel_loop3A_2384, %parallel_loop3A_2379, %parallel_loop3A_2353 : vector<16xi1>, vector<16xf32>
      %parallel_loop3A_2397 = arith.select %parallel_loop3A_2384, %parallel_loop3A_2381, %parallel_loop3A_2354 : vector<16xi1>, vector<16xi32>
      %parallel_loop3A_2398 = arith.select %parallel_loop3A_2383, %parallel_loop3A_2349, %parallel_loop3A_2396 : vector<16xi1>, vector<16xf32>
      %parallel_loop3A_2399 = arith.select %parallel_loop3A_2383, %parallel_loop3A_2350, %parallel_loop3A_2397 : vector<16xi1>, vector<16xi32>
      %parallel_loop3A_2400 = arith.select %parallel_loop3A_2385, %parallel_loop3A_2379, %parallel_loop3A_2357 : vector<16xi1>, vector<16xf32>
      %parallel_loop3A_2401 = arith.select %parallel_loop3A_2385, %parallel_loop3A_2381, %parallel_loop3A_2358 : vector<16xi1>, vector<16xi32>
      %parallel_loop3A_2402 = arith.select %parallel_loop3A_2384, %parallel_loop3A_2353, %parallel_loop3A_2400 : vector<16xi1>, vector<16xf32>
      %parallel_loop3A_2403 = arith.select %parallel_loop3A_2384, %parallel_loop3A_2354, %parallel_loop3A_2401 : vector<16xi1>, vector<16xi32>
      %parallel_loop3A_2404 = arith.select %parallel_loop3A_2386, %parallel_loop3A_2379, %parallel_loop3A_2361 : vector<16xi1>, vector<16xf32>
      %parallel_loop3A_2405 = arith.select %parallel_loop3A_2386, %parallel_loop3A_2381, %parallel_loop3A_2362 : vector<16xi1>, vector<16xi32>
      %parallel_loop3A_2406 = arith.select %parallel_loop3A_2385, %parallel_loop3A_2357, %parallel_loop3A_2404 : vector<16xi1>, vector<16xf32>
      %parallel_loop3A_2407 = arith.select %parallel_loop3A_2385, %parallel_loop3A_2358, %parallel_loop3A_2405 : vector<16xi1>, vector<16xi32>
      %parallel_loop3A_2408 = arith.select %parallel_loop3A_2387, %parallel_loop3A_2379, %parallel_loop3A_2365 : vector<16xi1>, vector<16xf32>
      %parallel_loop3A_2409 = arith.select %parallel_loop3A_2387, %parallel_loop3A_2381, %parallel_loop3A_2366 : vector<16xi1>, vector<16xi32>
      %parallel_loop3A_2410 = arith.select %parallel_loop3A_2386, %parallel_loop3A_2361, %parallel_loop3A_2408 : vector<16xi1>, vector<16xf32>
      %parallel_loop3A_2411 = arith.select %parallel_loop3A_2386, %parallel_loop3A_2362, %parallel_loop3A_2409 : vector<16xi1>, vector<16xi32>
      %parallel_loop3A_2412 = arith.select %parallel_loop3A_2388, %parallel_loop3A_2379, %parallel_loop3A_2369 : vector<16xi1>, vector<16xf32>
      %parallel_loop3A_2413 = arith.select %parallel_loop3A_2388, %parallel_loop3A_2381, %parallel_loop3A_2370 : vector<16xi1>, vector<16xi32>
      %parallel_loop3A_2414 = arith.select %parallel_loop3A_2387, %parallel_loop3A_2365, %parallel_loop3A_2412 : vector<16xi1>, vector<16xf32>
      %parallel_loop3A_2415 = arith.select %parallel_loop3A_2387, %parallel_loop3A_2366, %parallel_loop3A_2413 : vector<16xi1>, vector<16xi32>
      %parallel_loop3A_2416 = arith.select %parallel_loop3A_2389, %parallel_loop3A_2379, %parallel_loop3A_2373 : vector<16xi1>, vector<16xf32>
      %parallel_loop3A_2417 = arith.select %parallel_loop3A_2389, %parallel_loop3A_2381, %parallel_loop3A_2374 : vector<16xi1>, vector<16xi32>
      %parallel_loop3A_2418 = arith.select %parallel_loop3A_2388, %parallel_loop3A_2369, %parallel_loop3A_2416 : vector<16xi1>, vector<16xf32>
      %parallel_loop3A_2419 = arith.select %parallel_loop3A_2388, %parallel_loop3A_2370, %parallel_loop3A_2417 : vector<16xi1>, vector<16xi32>
      %parallel_loop3A_2420 = arith.constant 56 : i32
      %parallel_loop3A_2421 = arith.index_cast %parallel_loop3A_2420 : i32 to index
      %parallel_loop3A_2422 = arith.index_cast %parallel_loop3A_7 : i32 to index
      %parallel_loop3A_2423 = tpu.vector_load %arg5[%parallel_loop3A_2421, %parallel_loop3A_2422] {strides = array<i32>} : memref<64x256xf32, #tpu.memory_space<vmem>>, vector<1x16xf32>,
      %parallel_loop3A_2424 = vector.shape_cast %parallel_loop3A_2423 : vector<1x16xf32> to vector<16xf32>
      %parallel_loop3A_2425 = arith.constant 56 : i32
      %parallel_loop3A_2426 = vector.broadcast %parallel_loop3A_2425 : i32 to vector<16xi32>
      %parallel_loop3A_2427 = arith.cmpf ogt, %parallel_loop3A_2424, %parallel_loop3A_2390 : vector<16xf32>
      %parallel_loop3A_2428 = arith.cmpf ogt, %parallel_loop3A_2424, %parallel_loop3A_2394 : vector<16xf32>
      %parallel_loop3A_2429 = arith.cmpf ogt, %parallel_loop3A_2424, %parallel_loop3A_2398 : vector<16xf32>
      %parallel_loop3A_2430 = arith.cmpf ogt, %parallel_loop3A_2424, %parallel_loop3A_2402 : vector<16xf32>
      %parallel_loop3A_2431 = arith.cmpf ogt, %parallel_loop3A_2424, %parallel_loop3A_2406 : vector<16xf32>
      %parallel_loop3A_2432 = arith.cmpf ogt, %parallel_loop3A_2424, %parallel_loop3A_2410 : vector<16xf32>
      %parallel_loop3A_2433 = arith.cmpf ogt, %parallel_loop3A_2424, %parallel_loop3A_2414 : vector<16xf32>
      %parallel_loop3A_2434 = arith.cmpf ogt, %parallel_loop3A_2424, %parallel_loop3A_2418 : vector<16xf32>
      %parallel_loop3A_2435 = arith.select %parallel_loop3A_2427, %parallel_loop3A_2424, %parallel_loop3A_2390 : vector<16xi1>, vector<16xf32>
      %parallel_loop3A_2436 = arith.select %parallel_loop3A_2427, %parallel_loop3A_2426, %parallel_loop3A_2391 : vector<16xi1>, vector<16xi32>
      %parallel_loop3A_2437 = arith.select %parallel_loop3A_2428, %parallel_loop3A_2424, %parallel_loop3A_2394 : vector<16xi1>, vector<16xf32>
      %parallel_loop3A_2438 = arith.select %parallel_loop3A_2428, %parallel_loop3A_2426, %parallel_loop3A_2395 : vector<16xi1>, vector<16xi32>
      %parallel_loop3A_2439 = arith.select %parallel_loop3A_2427, %parallel_loop3A_2390, %parallel_loop3A_2437 : vector<16xi1>, vector<16xf32>
      %parallel_loop3A_2440 = arith.select %parallel_loop3A_2427, %parallel_loop3A_2391, %parallel_loop3A_2438 : vector<16xi1>, vector<16xi32>
      %parallel_loop3A_2441 = arith.select %parallel_loop3A_2429, %parallel_loop3A_2424, %parallel_loop3A_2398 : vector<16xi1>, vector<16xf32>
      %parallel_loop3A_2442 = arith.select %parallel_loop3A_2429, %parallel_loop3A_2426, %parallel_loop3A_2399 : vector<16xi1>, vector<16xi32>
      %parallel_loop3A_2443 = arith.select %parallel_loop3A_2428, %parallel_loop3A_2394, %parallel_loop3A_2441 : vector<16xi1>, vector<16xf32>
      %parallel_loop3A_2444 = arith.select %parallel_loop3A_2428, %parallel_loop3A_2395, %parallel_loop3A_2442 : vector<16xi1>, vector<16xi32>
      %parallel_loop3A_2445 = arith.select %parallel_loop3A_2430, %parallel_loop3A_2424, %parallel_loop3A_2402 : vector<16xi1>, vector<16xf32>
      %parallel_loop3A_2446 = arith.select %parallel_loop3A_2430, %parallel_loop3A_2426, %parallel_loop3A_2403 : vector<16xi1>, vector<16xi32>
      %parallel_loop3A_2447 = arith.select %parallel_loop3A_2429, %parallel_loop3A_2398, %parallel_loop3A_2445 : vector<16xi1>, vector<16xf32>
      %parallel_loop3A_2448 = arith.select %parallel_loop3A_2429, %parallel_loop3A_2399, %parallel_loop3A_2446 : vector<16xi1>, vector<16xi32>
      %parallel_loop3A_2449 = arith.select %parallel_loop3A_2431, %parallel_loop3A_2424, %parallel_loop3A_2406 : vector<16xi1>, vector<16xf32>
      %parallel_loop3A_2450 = arith.select %parallel_loop3A_2431, %parallel_loop3A_2426, %parallel_loop3A_2407 : vector<16xi1>, vector<16xi32>
      %parallel_loop3A_2451 = arith.select %parallel_loop3A_2430, %parallel_loop3A_2402, %parallel_loop3A_2449 : vector<16xi1>, vector<16xf32>
      %parallel_loop3A_2452 = arith.select %parallel_loop3A_2430, %parallel_loop3A_2403, %parallel_loop3A_2450 : vector<16xi1>, vector<16xi32>
      %parallel_loop3A_2453 = arith.select %parallel_loop3A_2432, %parallel_loop3A_2424, %parallel_loop3A_2410 : vector<16xi1>, vector<16xf32>
      %parallel_loop3A_2454 = arith.select %parallel_loop3A_2432, %parallel_loop3A_2426, %parallel_loop3A_2411 : vector<16xi1>, vector<16xi32>
      %parallel_loop3A_2455 = arith.select %parallel_loop3A_2431, %parallel_loop3A_2406, %parallel_loop3A_2453 : vector<16xi1>, vector<16xf32>
      %parallel_loop3A_2456 = arith.select %parallel_loop3A_2431, %parallel_loop3A_2407, %parallel_loop3A_2454 : vector<16xi1>, vector<16xi32>
      %parallel_loop3A_2457 = arith.select %parallel_loop3A_2433, %parallel_loop3A_2424, %parallel_loop3A_2414 : vector<16xi1>, vector<16xf32>
      %parallel_loop3A_2458 = arith.select %parallel_loop3A_2433, %parallel_loop3A_2426, %parallel_loop3A_2415 : vector<16xi1>, vector<16xi32>
      %parallel_loop3A_2459 = arith.select %parallel_loop3A_2432, %parallel_loop3A_2410, %parallel_loop3A_2457 : vector<16xi1>, vector<16xf32>
      %parallel_loop3A_2460 = arith.select %parallel_loop3A_2432, %parallel_loop3A_2411, %parallel_loop3A_2458 : vector<16xi1>, vector<16xi32>
      %parallel_loop3A_2461 = arith.select %parallel_loop3A_2434, %parallel_loop3A_2424, %parallel_loop3A_2418 : vector<16xi1>, vector<16xf32>
      %parallel_loop3A_2462 = arith.select %parallel_loop3A_2434, %parallel_loop3A_2426, %parallel_loop3A_2419 : vector<16xi1>, vector<16xi32>
      %parallel_loop3A_2463 = arith.select %parallel_loop3A_2433, %parallel_loop3A_2414, %parallel_loop3A_2461 : vector<16xi1>, vector<16xf32>
      %parallel_loop3A_2464 = arith.select %parallel_loop3A_2433, %parallel_loop3A_2415, %parallel_loop3A_2462 : vector<16xi1>, vector<16xi32>
      %parallel_loop3A_2465 = arith.constant 57 : i32
      %parallel_loop3A_2466 = arith.index_cast %parallel_loop3A_2465 : i32 to index
      %parallel_loop3A_2467 = arith.index_cast %parallel_loop3A_7 : i32 to index
      %parallel_loop3A_2468 = tpu.vector_load %arg5[%parallel_loop3A_2466, %parallel_loop3A_2467] {strides = array<i32>} : memref<64x256xf32, #tpu.memory_space<vmem>>, vector<1x16xf32>,
      %parallel_loop3A_2469 = vector.shape_cast %parallel_loop3A_2468 : vector<1x16xf32> to vector<16xf32>
      %parallel_loop3A_2470 = arith.constant 57 : i32
      %parallel_loop3A_2471 = vector.broadcast %parallel_loop3A_2470 : i32 to vector<16xi32>
      %parallel_loop3A_2472 = arith.cmpf ogt, %parallel_loop3A_2469, %parallel_loop3A_2435 : vector<16xf32>
      %parallel_loop3A_2473 = arith.cmpf ogt, %parallel_loop3A_2469, %parallel_loop3A_2439 : vector<16xf32>
      %parallel_loop3A_2474 = arith.cmpf ogt, %parallel_loop3A_2469, %parallel_loop3A_2443 : vector<16xf32>
      %parallel_loop3A_2475 = arith.cmpf ogt, %parallel_loop3A_2469, %parallel_loop3A_2447 : vector<16xf32>
      %parallel_loop3A_2476 = arith.cmpf ogt, %parallel_loop3A_2469, %parallel_loop3A_2451 : vector<16xf32>
      %parallel_loop3A_2477 = arith.cmpf ogt, %parallel_loop3A_2469, %parallel_loop3A_2455 : vector<16xf32>
      %parallel_loop3A_2478 = arith.cmpf ogt, %parallel_loop3A_2469, %parallel_loop3A_2459 : vector<16xf32>
      %parallel_loop3A_2479 = arith.cmpf ogt, %parallel_loop3A_2469, %parallel_loop3A_2463 : vector<16xf32>
      %parallel_loop3A_2480 = arith.select %parallel_loop3A_2472, %parallel_loop3A_2469, %parallel_loop3A_2435 : vector<16xi1>, vector<16xf32>
      %parallel_loop3A_2481 = arith.select %parallel_loop3A_2472, %parallel_loop3A_2471, %parallel_loop3A_2436 : vector<16xi1>, vector<16xi32>
      %parallel_loop3A_2482 = arith.select %parallel_loop3A_2473, %parallel_loop3A_2469, %parallel_loop3A_2439 : vector<16xi1>, vector<16xf32>
      %parallel_loop3A_2483 = arith.select %parallel_loop3A_2473, %parallel_loop3A_2471, %parallel_loop3A_2440 : vector<16xi1>, vector<16xi32>
      %parallel_loop3A_2484 = arith.select %parallel_loop3A_2472, %parallel_loop3A_2435, %parallel_loop3A_2482 : vector<16xi1>, vector<16xf32>
      %parallel_loop3A_2485 = arith.select %parallel_loop3A_2472, %parallel_loop3A_2436, %parallel_loop3A_2483 : vector<16xi1>, vector<16xi32>
      %parallel_loop3A_2486 = arith.select %parallel_loop3A_2474, %parallel_loop3A_2469, %parallel_loop3A_2443 : vector<16xi1>, vector<16xf32>
      %parallel_loop3A_2487 = arith.select %parallel_loop3A_2474, %parallel_loop3A_2471, %parallel_loop3A_2444 : vector<16xi1>, vector<16xi32>
      %parallel_loop3A_2488 = arith.select %parallel_loop3A_2473, %parallel_loop3A_2439, %parallel_loop3A_2486 : vector<16xi1>, vector<16xf32>
      %parallel_loop3A_2489 = arith.select %parallel_loop3A_2473, %parallel_loop3A_2440, %parallel_loop3A_2487 : vector<16xi1>, vector<16xi32>
      %parallel_loop3A_2490 = arith.select %parallel_loop3A_2475, %parallel_loop3A_2469, %parallel_loop3A_2447 : vector<16xi1>, vector<16xf32>
      %parallel_loop3A_2491 = arith.select %parallel_loop3A_2475, %parallel_loop3A_2471, %parallel_loop3A_2448 : vector<16xi1>, vector<16xi32>
      %parallel_loop3A_2492 = arith.select %parallel_loop3A_2474, %parallel_loop3A_2443, %parallel_loop3A_2490 : vector<16xi1>, vector<16xf32>
      %parallel_loop3A_2493 = arith.select %parallel_loop3A_2474, %parallel_loop3A_2444, %parallel_loop3A_2491 : vector<16xi1>, vector<16xi32>
      %parallel_loop3A_2494 = arith.select %parallel_loop3A_2476, %parallel_loop3A_2469, %parallel_loop3A_2451 : vector<16xi1>, vector<16xf32>
      %parallel_loop3A_2495 = arith.select %parallel_loop3A_2476, %parallel_loop3A_2471, %parallel_loop3A_2452 : vector<16xi1>, vector<16xi32>
      %parallel_loop3A_2496 = arith.select %parallel_loop3A_2475, %parallel_loop3A_2447, %parallel_loop3A_2494 : vector<16xi1>, vector<16xf32>
      %parallel_loop3A_2497 = arith.select %parallel_loop3A_2475, %parallel_loop3A_2448, %parallel_loop3A_2495 : vector<16xi1>, vector<16xi32>
      %parallel_loop3A_2498 = arith.select %parallel_loop3A_2477, %parallel_loop3A_2469, %parallel_loop3A_2455 : vector<16xi1>, vector<16xf32>
      %parallel_loop3A_2499 = arith.select %parallel_loop3A_2477, %parallel_loop3A_2471, %parallel_loop3A_2456 : vector<16xi1>, vector<16xi32>
      %parallel_loop3A_2500 = arith.select %parallel_loop3A_2476, %parallel_loop3A_2451, %parallel_loop3A_2498 : vector<16xi1>, vector<16xf32>
      %parallel_loop3A_2501 = arith.select %parallel_loop3A_2476, %parallel_loop3A_2452, %parallel_loop3A_2499 : vector<16xi1>, vector<16xi32>
      %parallel_loop3A_2502 = arith.select %parallel_loop3A_2478, %parallel_loop3A_2469, %parallel_loop3A_2459 : vector<16xi1>, vector<16xf32>
      %parallel_loop3A_2503 = arith.select %parallel_loop3A_2478, %parallel_loop3A_2471, %parallel_loop3A_2460 : vector<16xi1>, vector<16xi32>
      %parallel_loop3A_2504 = arith.select %parallel_loop3A_2477, %parallel_loop3A_2455, %parallel_loop3A_2502 : vector<16xi1>, vector<16xf32>
      %parallel_loop3A_2505 = arith.select %parallel_loop3A_2477, %parallel_loop3A_2456, %parallel_loop3A_2503 : vector<16xi1>, vector<16xi32>
      %parallel_loop3A_2506 = arith.select %parallel_loop3A_2479, %parallel_loop3A_2469, %parallel_loop3A_2463 : vector<16xi1>, vector<16xf32>
      %parallel_loop3A_2507 = arith.select %parallel_loop3A_2479, %parallel_loop3A_2471, %parallel_loop3A_2464 : vector<16xi1>, vector<16xi32>
      %parallel_loop3A_2508 = arith.select %parallel_loop3A_2478, %parallel_loop3A_2459, %parallel_loop3A_2506 : vector<16xi1>, vector<16xf32>
      %parallel_loop3A_2509 = arith.select %parallel_loop3A_2478, %parallel_loop3A_2460, %parallel_loop3A_2507 : vector<16xi1>, vector<16xi32>
      %parallel_loop3A_2510 = arith.constant 58 : i32
      %parallel_loop3A_2511 = arith.index_cast %parallel_loop3A_2510 : i32 to index
      %parallel_loop3A_2512 = arith.index_cast %parallel_loop3A_7 : i32 to index
      %parallel_loop3A_2513 = tpu.vector_load %arg5[%parallel_loop3A_2511, %parallel_loop3A_2512] {strides = array<i32>} : memref<64x256xf32, #tpu.memory_space<vmem>>, vector<1x16xf32>,
      %parallel_loop3A_2514 = vector.shape_cast %parallel_loop3A_2513 : vector<1x16xf32> to vector<16xf32>
      %parallel_loop3A_2515 = arith.constant 58 : i32
      %parallel_loop3A_2516 = vector.broadcast %parallel_loop3A_2515 : i32 to vector<16xi32>
      %parallel_loop3A_2517 = arith.cmpf ogt, %parallel_loop3A_2514, %parallel_loop3A_2480 : vector<16xf32>
      %parallel_loop3A_2518 = arith.cmpf ogt, %parallel_loop3A_2514, %parallel_loop3A_2484 : vector<16xf32>
      %parallel_loop3A_2519 = arith.cmpf ogt, %parallel_loop3A_2514, %parallel_loop3A_2488 : vector<16xf32>
      %parallel_loop3A_2520 = arith.cmpf ogt, %parallel_loop3A_2514, %parallel_loop3A_2492 : vector<16xf32>
      %parallel_loop3A_2521 = arith.cmpf ogt, %parallel_loop3A_2514, %parallel_loop3A_2496 : vector<16xf32>
      %parallel_loop3A_2522 = arith.cmpf ogt, %parallel_loop3A_2514, %parallel_loop3A_2500 : vector<16xf32>
      %parallel_loop3A_2523 = arith.cmpf ogt, %parallel_loop3A_2514, %parallel_loop3A_2504 : vector<16xf32>
      %parallel_loop3A_2524 = arith.cmpf ogt, %parallel_loop3A_2514, %parallel_loop3A_2508 : vector<16xf32>
      %parallel_loop3A_2525 = arith.select %parallel_loop3A_2517, %parallel_loop3A_2514, %parallel_loop3A_2480 : vector<16xi1>, vector<16xf32>
      %parallel_loop3A_2526 = arith.select %parallel_loop3A_2517, %parallel_loop3A_2516, %parallel_loop3A_2481 : vector<16xi1>, vector<16xi32>
      %parallel_loop3A_2527 = arith.select %parallel_loop3A_2518, %parallel_loop3A_2514, %parallel_loop3A_2484 : vector<16xi1>, vector<16xf32>
      %parallel_loop3A_2528 = arith.select %parallel_loop3A_2518, %parallel_loop3A_2516, %parallel_loop3A_2485 : vector<16xi1>, vector<16xi32>
      %parallel_loop3A_2529 = arith.select %parallel_loop3A_2517, %parallel_loop3A_2480, %parallel_loop3A_2527 : vector<16xi1>, vector<16xf32>
      %parallel_loop3A_2530 = arith.select %parallel_loop3A_2517, %parallel_loop3A_2481, %parallel_loop3A_2528 : vector<16xi1>, vector<16xi32>
      %parallel_loop3A_2531 = arith.select %parallel_loop3A_2519, %parallel_loop3A_2514, %parallel_loop3A_2488 : vector<16xi1>, vector<16xf32>
      %parallel_loop3A_2532 = arith.select %parallel_loop3A_2519, %parallel_loop3A_2516, %parallel_loop3A_2489 : vector<16xi1>, vector<16xi32>
      %parallel_loop3A_2533 = arith.select %parallel_loop3A_2518, %parallel_loop3A_2484, %parallel_loop3A_2531 : vector<16xi1>, vector<16xf32>
      %parallel_loop3A_2534 = arith.select %parallel_loop3A_2518, %parallel_loop3A_2485, %parallel_loop3A_2532 : vector<16xi1>, vector<16xi32>
      %parallel_loop3A_2535 = arith.select %parallel_loop3A_2520, %parallel_loop3A_2514, %parallel_loop3A_2492 : vector<16xi1>, vector<16xf32>
      %parallel_loop3A_2536 = arith.select %parallel_loop3A_2520, %parallel_loop3A_2516, %parallel_loop3A_2493 : vector<16xi1>, vector<16xi32>
      %parallel_loop3A_2537 = arith.select %parallel_loop3A_2519, %parallel_loop3A_2488, %parallel_loop3A_2535 : vector<16xi1>, vector<16xf32>
      %parallel_loop3A_2538 = arith.select %parallel_loop3A_2519, %parallel_loop3A_2489, %parallel_loop3A_2536 : vector<16xi1>, vector<16xi32>
      %parallel_loop3A_2539 = arith.select %parallel_loop3A_2521, %parallel_loop3A_2514, %parallel_loop3A_2496 : vector<16xi1>, vector<16xf32>
      %parallel_loop3A_2540 = arith.select %parallel_loop3A_2521, %parallel_loop3A_2516, %parallel_loop3A_2497 : vector<16xi1>, vector<16xi32>
      %parallel_loop3A_2541 = arith.select %parallel_loop3A_2520, %parallel_loop3A_2492, %parallel_loop3A_2539 : vector<16xi1>, vector<16xf32>
      %parallel_loop3A_2542 = arith.select %parallel_loop3A_2520, %parallel_loop3A_2493, %parallel_loop3A_2540 : vector<16xi1>, vector<16xi32>
      %parallel_loop3A_2543 = arith.select %parallel_loop3A_2522, %parallel_loop3A_2514, %parallel_loop3A_2500 : vector<16xi1>, vector<16xf32>
      %parallel_loop3A_2544 = arith.select %parallel_loop3A_2522, %parallel_loop3A_2516, %parallel_loop3A_2501 : vector<16xi1>, vector<16xi32>
      %parallel_loop3A_2545 = arith.select %parallel_loop3A_2521, %parallel_loop3A_2496, %parallel_loop3A_2543 : vector<16xi1>, vector<16xf32>
      %parallel_loop3A_2546 = arith.select %parallel_loop3A_2521, %parallel_loop3A_2497, %parallel_loop3A_2544 : vector<16xi1>, vector<16xi32>
      %parallel_loop3A_2547 = arith.select %parallel_loop3A_2523, %parallel_loop3A_2514, %parallel_loop3A_2504 : vector<16xi1>, vector<16xf32>
      %parallel_loop3A_2548 = arith.select %parallel_loop3A_2523, %parallel_loop3A_2516, %parallel_loop3A_2505 : vector<16xi1>, vector<16xi32>
      %parallel_loop3A_2549 = arith.select %parallel_loop3A_2522, %parallel_loop3A_2500, %parallel_loop3A_2547 : vector<16xi1>, vector<16xf32>
      %parallel_loop3A_2550 = arith.select %parallel_loop3A_2522, %parallel_loop3A_2501, %parallel_loop3A_2548 : vector<16xi1>, vector<16xi32>
      %parallel_loop3A_2551 = arith.select %parallel_loop3A_2524, %parallel_loop3A_2514, %parallel_loop3A_2508 : vector<16xi1>, vector<16xf32>
      %parallel_loop3A_2552 = arith.select %parallel_loop3A_2524, %parallel_loop3A_2516, %parallel_loop3A_2509 : vector<16xi1>, vector<16xi32>
      %parallel_loop3A_2553 = arith.select %parallel_loop3A_2523, %parallel_loop3A_2504, %parallel_loop3A_2551 : vector<16xi1>, vector<16xf32>
      %parallel_loop3A_2554 = arith.select %parallel_loop3A_2523, %parallel_loop3A_2505, %parallel_loop3A_2552 : vector<16xi1>, vector<16xi32>
      %parallel_loop3A_2555 = arith.constant 59 : i32
      %parallel_loop3A_2556 = arith.index_cast %parallel_loop3A_2555 : i32 to index
      %parallel_loop3A_2557 = arith.index_cast %parallel_loop3A_7 : i32 to index
      %parallel_loop3A_2558 = tpu.vector_load %arg5[%parallel_loop3A_2556, %parallel_loop3A_2557] {strides = array<i32>} : memref<64x256xf32, #tpu.memory_space<vmem>>, vector<1x16xf32>,
      %parallel_loop3A_2559 = vector.shape_cast %parallel_loop3A_2558 : vector<1x16xf32> to vector<16xf32>
      %parallel_loop3A_2560 = arith.constant 59 : i32
      %parallel_loop3A_2561 = vector.broadcast %parallel_loop3A_2560 : i32 to vector<16xi32>
      %parallel_loop3A_2562 = arith.cmpf ogt, %parallel_loop3A_2559, %parallel_loop3A_2525 : vector<16xf32>
      %parallel_loop3A_2563 = arith.cmpf ogt, %parallel_loop3A_2559, %parallel_loop3A_2529 : vector<16xf32>
      %parallel_loop3A_2564 = arith.cmpf ogt, %parallel_loop3A_2559, %parallel_loop3A_2533 : vector<16xf32>
      %parallel_loop3A_2565 = arith.cmpf ogt, %parallel_loop3A_2559, %parallel_loop3A_2537 : vector<16xf32>
      %parallel_loop3A_2566 = arith.cmpf ogt, %parallel_loop3A_2559, %parallel_loop3A_2541 : vector<16xf32>
      %parallel_loop3A_2567 = arith.cmpf ogt, %parallel_loop3A_2559, %parallel_loop3A_2545 : vector<16xf32>
      %parallel_loop3A_2568 = arith.cmpf ogt, %parallel_loop3A_2559, %parallel_loop3A_2549 : vector<16xf32>
      %parallel_loop3A_2569 = arith.cmpf ogt, %parallel_loop3A_2559, %parallel_loop3A_2553 : vector<16xf32>
      %parallel_loop3A_2570 = arith.select %parallel_loop3A_2562, %parallel_loop3A_2559, %parallel_loop3A_2525 : vector<16xi1>, vector<16xf32>
      %parallel_loop3A_2571 = arith.select %parallel_loop3A_2562, %parallel_loop3A_2561, %parallel_loop3A_2526 : vector<16xi1>, vector<16xi32>
      %parallel_loop3A_2572 = arith.select %parallel_loop3A_2563, %parallel_loop3A_2559, %parallel_loop3A_2529 : vector<16xi1>, vector<16xf32>
      %parallel_loop3A_2573 = arith.select %parallel_loop3A_2563, %parallel_loop3A_2561, %parallel_loop3A_2530 : vector<16xi1>, vector<16xi32>
      %parallel_loop3A_2574 = arith.select %parallel_loop3A_2562, %parallel_loop3A_2525, %parallel_loop3A_2572 : vector<16xi1>, vector<16xf32>
      %parallel_loop3A_2575 = arith.select %parallel_loop3A_2562, %parallel_loop3A_2526, %parallel_loop3A_2573 : vector<16xi1>, vector<16xi32>
      %parallel_loop3A_2576 = arith.select %parallel_loop3A_2564, %parallel_loop3A_2559, %parallel_loop3A_2533 : vector<16xi1>, vector<16xf32>
      %parallel_loop3A_2577 = arith.select %parallel_loop3A_2564, %parallel_loop3A_2561, %parallel_loop3A_2534 : vector<16xi1>, vector<16xi32>
      %parallel_loop3A_2578 = arith.select %parallel_loop3A_2563, %parallel_loop3A_2529, %parallel_loop3A_2576 : vector<16xi1>, vector<16xf32>
      %parallel_loop3A_2579 = arith.select %parallel_loop3A_2563, %parallel_loop3A_2530, %parallel_loop3A_2577 : vector<16xi1>, vector<16xi32>
      %parallel_loop3A_2580 = arith.select %parallel_loop3A_2565, %parallel_loop3A_2559, %parallel_loop3A_2537 : vector<16xi1>, vector<16xf32>
      %parallel_loop3A_2581 = arith.select %parallel_loop3A_2565, %parallel_loop3A_2561, %parallel_loop3A_2538 : vector<16xi1>, vector<16xi32>
      %parallel_loop3A_2582 = arith.select %parallel_loop3A_2564, %parallel_loop3A_2533, %parallel_loop3A_2580 : vector<16xi1>, vector<16xf32>
      %parallel_loop3A_2583 = arith.select %parallel_loop3A_2564, %parallel_loop3A_2534, %parallel_loop3A_2581 : vector<16xi1>, vector<16xi32>
      %parallel_loop3A_2584 = arith.select %parallel_loop3A_2566, %parallel_loop3A_2559, %parallel_loop3A_2541 : vector<16xi1>, vector<16xf32>
      %parallel_loop3A_2585 = arith.select %parallel_loop3A_2566, %parallel_loop3A_2561, %parallel_loop3A_2542 : vector<16xi1>, vector<16xi32>
      %parallel_loop3A_2586 = arith.select %parallel_loop3A_2565, %parallel_loop3A_2537, %parallel_loop3A_2584 : vector<16xi1>, vector<16xf32>
      %parallel_loop3A_2587 = arith.select %parallel_loop3A_2565, %parallel_loop3A_2538, %parallel_loop3A_2585 : vector<16xi1>, vector<16xi32>
      %parallel_loop3A_2588 = arith.select %parallel_loop3A_2567, %parallel_loop3A_2559, %parallel_loop3A_2545 : vector<16xi1>, vector<16xf32>
      %parallel_loop3A_2589 = arith.select %parallel_loop3A_2567, %parallel_loop3A_2561, %parallel_loop3A_2546 : vector<16xi1>, vector<16xi32>
      %parallel_loop3A_2590 = arith.select %parallel_loop3A_2566, %parallel_loop3A_2541, %parallel_loop3A_2588 : vector<16xi1>, vector<16xf32>
      %parallel_loop3A_2591 = arith.select %parallel_loop3A_2566, %parallel_loop3A_2542, %parallel_loop3A_2589 : vector<16xi1>, vector<16xi32>
      %parallel_loop3A_2592 = arith.select %parallel_loop3A_2568, %parallel_loop3A_2559, %parallel_loop3A_2549 : vector<16xi1>, vector<16xf32>
      %parallel_loop3A_2593 = arith.select %parallel_loop3A_2568, %parallel_loop3A_2561, %parallel_loop3A_2550 : vector<16xi1>, vector<16xi32>
      %parallel_loop3A_2594 = arith.select %parallel_loop3A_2567, %parallel_loop3A_2545, %parallel_loop3A_2592 : vector<16xi1>, vector<16xf32>
      %parallel_loop3A_2595 = arith.select %parallel_loop3A_2567, %parallel_loop3A_2546, %parallel_loop3A_2593 : vector<16xi1>, vector<16xi32>
      %parallel_loop3A_2596 = arith.select %parallel_loop3A_2569, %parallel_loop3A_2559, %parallel_loop3A_2553 : vector<16xi1>, vector<16xf32>
      %parallel_loop3A_2597 = arith.select %parallel_loop3A_2569, %parallel_loop3A_2561, %parallel_loop3A_2554 : vector<16xi1>, vector<16xi32>
      %parallel_loop3A_2598 = arith.select %parallel_loop3A_2568, %parallel_loop3A_2549, %parallel_loop3A_2596 : vector<16xi1>, vector<16xf32>
      %parallel_loop3A_2599 = arith.select %parallel_loop3A_2568, %parallel_loop3A_2550, %parallel_loop3A_2597 : vector<16xi1>, vector<16xi32>
      %parallel_loop3A_2600 = arith.constant 60 : i32
      %parallel_loop3A_2601 = arith.index_cast %parallel_loop3A_2600 : i32 to index
      %parallel_loop3A_2602 = arith.index_cast %parallel_loop3A_7 : i32 to index
      %parallel_loop3A_2603 = tpu.vector_load %arg5[%parallel_loop3A_2601, %parallel_loop3A_2602] {strides = array<i32>} : memref<64x256xf32, #tpu.memory_space<vmem>>, vector<1x16xf32>,
      %parallel_loop3A_2604 = vector.shape_cast %parallel_loop3A_2603 : vector<1x16xf32> to vector<16xf32>
      %parallel_loop3A_2605 = arith.constant 60 : i32
      %parallel_loop3A_2606 = vector.broadcast %parallel_loop3A_2605 : i32 to vector<16xi32>
      %parallel_loop3A_2607 = arith.cmpf ogt, %parallel_loop3A_2604, %parallel_loop3A_2570 : vector<16xf32>
      %parallel_loop3A_2608 = arith.cmpf ogt, %parallel_loop3A_2604, %parallel_loop3A_2574 : vector<16xf32>
      %parallel_loop3A_2609 = arith.cmpf ogt, %parallel_loop3A_2604, %parallel_loop3A_2578 : vector<16xf32>
      %parallel_loop3A_2610 = arith.cmpf ogt, %parallel_loop3A_2604, %parallel_loop3A_2582 : vector<16xf32>
      %parallel_loop3A_2611 = arith.cmpf ogt, %parallel_loop3A_2604, %parallel_loop3A_2586 : vector<16xf32>
      %parallel_loop3A_2612 = arith.cmpf ogt, %parallel_loop3A_2604, %parallel_loop3A_2590 : vector<16xf32>
      %parallel_loop3A_2613 = arith.cmpf ogt, %parallel_loop3A_2604, %parallel_loop3A_2594 : vector<16xf32>
      %parallel_loop3A_2614 = arith.cmpf ogt, %parallel_loop3A_2604, %parallel_loop3A_2598 : vector<16xf32>
      %parallel_loop3A_2615 = arith.select %parallel_loop3A_2607, %parallel_loop3A_2604, %parallel_loop3A_2570 : vector<16xi1>, vector<16xf32>
      %parallel_loop3A_2616 = arith.select %parallel_loop3A_2607, %parallel_loop3A_2606, %parallel_loop3A_2571 : vector<16xi1>, vector<16xi32>
      %parallel_loop3A_2617 = arith.select %parallel_loop3A_2608, %parallel_loop3A_2604, %parallel_loop3A_2574 : vector<16xi1>, vector<16xf32>
      %parallel_loop3A_2618 = arith.select %parallel_loop3A_2608, %parallel_loop3A_2606, %parallel_loop3A_2575 : vector<16xi1>, vector<16xi32>
      %parallel_loop3A_2619 = arith.select %parallel_loop3A_2607, %parallel_loop3A_2570, %parallel_loop3A_2617 : vector<16xi1>, vector<16xf32>
      %parallel_loop3A_2620 = arith.select %parallel_loop3A_2607, %parallel_loop3A_2571, %parallel_loop3A_2618 : vector<16xi1>, vector<16xi32>
      %parallel_loop3A_2621 = arith.select %parallel_loop3A_2609, %parallel_loop3A_2604, %parallel_loop3A_2578 : vector<16xi1>, vector<16xf32>
      %parallel_loop3A_2622 = arith.select %parallel_loop3A_2609, %parallel_loop3A_2606, %parallel_loop3A_2579 : vector<16xi1>, vector<16xi32>
      %parallel_loop3A_2623 = arith.select %parallel_loop3A_2608, %parallel_loop3A_2574, %parallel_loop3A_2621 : vector<16xi1>, vector<16xf32>
      %parallel_loop3A_2624 = arith.select %parallel_loop3A_2608, %parallel_loop3A_2575, %parallel_loop3A_2622 : vector<16xi1>, vector<16xi32>
      %parallel_loop3A_2625 = arith.select %parallel_loop3A_2610, %parallel_loop3A_2604, %parallel_loop3A_2582 : vector<16xi1>, vector<16xf32>
      %parallel_loop3A_2626 = arith.select %parallel_loop3A_2610, %parallel_loop3A_2606, %parallel_loop3A_2583 : vector<16xi1>, vector<16xi32>
      %parallel_loop3A_2627 = arith.select %parallel_loop3A_2609, %parallel_loop3A_2578, %parallel_loop3A_2625 : vector<16xi1>, vector<16xf32>
      %parallel_loop3A_2628 = arith.select %parallel_loop3A_2609, %parallel_loop3A_2579, %parallel_loop3A_2626 : vector<16xi1>, vector<16xi32>
      %parallel_loop3A_2629 = arith.select %parallel_loop3A_2611, %parallel_loop3A_2604, %parallel_loop3A_2586 : vector<16xi1>, vector<16xf32>
      %parallel_loop3A_2630 = arith.select %parallel_loop3A_2611, %parallel_loop3A_2606, %parallel_loop3A_2587 : vector<16xi1>, vector<16xi32>
      %parallel_loop3A_2631 = arith.select %parallel_loop3A_2610, %parallel_loop3A_2582, %parallel_loop3A_2629 : vector<16xi1>, vector<16xf32>
      %parallel_loop3A_2632 = arith.select %parallel_loop3A_2610, %parallel_loop3A_2583, %parallel_loop3A_2630 : vector<16xi1>, vector<16xi32>
      %parallel_loop3A_2633 = arith.select %parallel_loop3A_2612, %parallel_loop3A_2604, %parallel_loop3A_2590 : vector<16xi1>, vector<16xf32>
      %parallel_loop3A_2634 = arith.select %parallel_loop3A_2612, %parallel_loop3A_2606, %parallel_loop3A_2591 : vector<16xi1>, vector<16xi32>
      %parallel_loop3A_2635 = arith.select %parallel_loop3A_2611, %parallel_loop3A_2586, %parallel_loop3A_2633 : vector<16xi1>, vector<16xf32>
      %parallel_loop3A_2636 = arith.select %parallel_loop3A_2611, %parallel_loop3A_2587, %parallel_loop3A_2634 : vector<16xi1>, vector<16xi32>
      %parallel_loop3A_2637 = arith.select %parallel_loop3A_2613, %parallel_loop3A_2604, %parallel_loop3A_2594 : vector<16xi1>, vector<16xf32>
      %parallel_loop3A_2638 = arith.select %parallel_loop3A_2613, %parallel_loop3A_2606, %parallel_loop3A_2595 : vector<16xi1>, vector<16xi32>
      %parallel_loop3A_2639 = arith.select %parallel_loop3A_2612, %parallel_loop3A_2590, %parallel_loop3A_2637 : vector<16xi1>, vector<16xf32>
      %parallel_loop3A_2640 = arith.select %parallel_loop3A_2612, %parallel_loop3A_2591, %parallel_loop3A_2638 : vector<16xi1>, vector<16xi32>
      %parallel_loop3A_2641 = arith.select %parallel_loop3A_2614, %parallel_loop3A_2604, %parallel_loop3A_2598 : vector<16xi1>, vector<16xf32>
      %parallel_loop3A_2642 = arith.select %parallel_loop3A_2614, %parallel_loop3A_2606, %parallel_loop3A_2599 : vector<16xi1>, vector<16xi32>
      %parallel_loop3A_2643 = arith.select %parallel_loop3A_2613, %parallel_loop3A_2594, %parallel_loop3A_2641 : vector<16xi1>, vector<16xf32>
      %parallel_loop3A_2644 = arith.select %parallel_loop3A_2613, %parallel_loop3A_2595, %parallel_loop3A_2642 : vector<16xi1>, vector<16xi32>
      %parallel_loop3A_2645 = arith.constant 61 : i32
      %parallel_loop3A_2646 = arith.index_cast %parallel_loop3A_2645 : i32 to index
      %parallel_loop3A_2647 = arith.index_cast %parallel_loop3A_7 : i32 to index
      %parallel_loop3A_2648 = tpu.vector_load %arg5[%parallel_loop3A_2646, %parallel_loop3A_2647] {strides = array<i32>} : memref<64x256xf32, #tpu.memory_space<vmem>>, vector<1x16xf32>,
      %parallel_loop3A_2649 = vector.shape_cast %parallel_loop3A_2648 : vector<1x16xf32> to vector<16xf32>
      %parallel_loop3A_2650 = arith.constant 61 : i32
      %parallel_loop3A_2651 = vector.broadcast %parallel_loop3A_2650 : i32 to vector<16xi32>
      %parallel_loop3A_2652 = arith.cmpf ogt, %parallel_loop3A_2649, %parallel_loop3A_2615 : vector<16xf32>
      %parallel_loop3A_2653 = arith.cmpf ogt, %parallel_loop3A_2649, %parallel_loop3A_2619 : vector<16xf32>
      %parallel_loop3A_2654 = arith.cmpf ogt, %parallel_loop3A_2649, %parallel_loop3A_2623 : vector<16xf32>
      %parallel_loop3A_2655 = arith.cmpf ogt, %parallel_loop3A_2649, %parallel_loop3A_2627 : vector<16xf32>
      %parallel_loop3A_2656 = arith.cmpf ogt, %parallel_loop3A_2649, %parallel_loop3A_2631 : vector<16xf32>
      %parallel_loop3A_2657 = arith.cmpf ogt, %parallel_loop3A_2649, %parallel_loop3A_2635 : vector<16xf32>
      %parallel_loop3A_2658 = arith.cmpf ogt, %parallel_loop3A_2649, %parallel_loop3A_2639 : vector<16xf32>
      %parallel_loop3A_2659 = arith.cmpf ogt, %parallel_loop3A_2649, %parallel_loop3A_2643 : vector<16xf32>
      %parallel_loop3A_2660 = arith.select %parallel_loop3A_2652, %parallel_loop3A_2649, %parallel_loop3A_2615 : vector<16xi1>, vector<16xf32>
      %parallel_loop3A_2661 = arith.select %parallel_loop3A_2652, %parallel_loop3A_2651, %parallel_loop3A_2616 : vector<16xi1>, vector<16xi32>
      %parallel_loop3A_2662 = arith.select %parallel_loop3A_2653, %parallel_loop3A_2649, %parallel_loop3A_2619 : vector<16xi1>, vector<16xf32>
      %parallel_loop3A_2663 = arith.select %parallel_loop3A_2653, %parallel_loop3A_2651, %parallel_loop3A_2620 : vector<16xi1>, vector<16xi32>
      %parallel_loop3A_2664 = arith.select %parallel_loop3A_2652, %parallel_loop3A_2615, %parallel_loop3A_2662 : vector<16xi1>, vector<16xf32>
      %parallel_loop3A_2665 = arith.select %parallel_loop3A_2652, %parallel_loop3A_2616, %parallel_loop3A_2663 : vector<16xi1>, vector<16xi32>
      %parallel_loop3A_2666 = arith.select %parallel_loop3A_2654, %parallel_loop3A_2649, %parallel_loop3A_2623 : vector<16xi1>, vector<16xf32>
      %parallel_loop3A_2667 = arith.select %parallel_loop3A_2654, %parallel_loop3A_2651, %parallel_loop3A_2624 : vector<16xi1>, vector<16xi32>
      %parallel_loop3A_2668 = arith.select %parallel_loop3A_2653, %parallel_loop3A_2619, %parallel_loop3A_2666 : vector<16xi1>, vector<16xf32>
      %parallel_loop3A_2669 = arith.select %parallel_loop3A_2653, %parallel_loop3A_2620, %parallel_loop3A_2667 : vector<16xi1>, vector<16xi32>
      %parallel_loop3A_2670 = arith.select %parallel_loop3A_2655, %parallel_loop3A_2649, %parallel_loop3A_2627 : vector<16xi1>, vector<16xf32>
      %parallel_loop3A_2671 = arith.select %parallel_loop3A_2655, %parallel_loop3A_2651, %parallel_loop3A_2628 : vector<16xi1>, vector<16xi32>
      %parallel_loop3A_2672 = arith.select %parallel_loop3A_2654, %parallel_loop3A_2623, %parallel_loop3A_2670 : vector<16xi1>, vector<16xf32>
      %parallel_loop3A_2673 = arith.select %parallel_loop3A_2654, %parallel_loop3A_2624, %parallel_loop3A_2671 : vector<16xi1>, vector<16xi32>
      %parallel_loop3A_2674 = arith.select %parallel_loop3A_2656, %parallel_loop3A_2649, %parallel_loop3A_2631 : vector<16xi1>, vector<16xf32>
      %parallel_loop3A_2675 = arith.select %parallel_loop3A_2656, %parallel_loop3A_2651, %parallel_loop3A_2632 : vector<16xi1>, vector<16xi32>
      %parallel_loop3A_2676 = arith.select %parallel_loop3A_2655, %parallel_loop3A_2627, %parallel_loop3A_2674 : vector<16xi1>, vector<16xf32>
      %parallel_loop3A_2677 = arith.select %parallel_loop3A_2655, %parallel_loop3A_2628, %parallel_loop3A_2675 : vector<16xi1>, vector<16xi32>
      %parallel_loop3A_2678 = arith.select %parallel_loop3A_2657, %parallel_loop3A_2649, %parallel_loop3A_2635 : vector<16xi1>, vector<16xf32>
      %parallel_loop3A_2679 = arith.select %parallel_loop3A_2657, %parallel_loop3A_2651, %parallel_loop3A_2636 : vector<16xi1>, vector<16xi32>
      %parallel_loop3A_2680 = arith.select %parallel_loop3A_2656, %parallel_loop3A_2631, %parallel_loop3A_2678 : vector<16xi1>, vector<16xf32>
      %parallel_loop3A_2681 = arith.select %parallel_loop3A_2656, %parallel_loop3A_2632, %parallel_loop3A_2679 : vector<16xi1>, vector<16xi32>
      %parallel_loop3A_2682 = arith.select %parallel_loop3A_2658, %parallel_loop3A_2649, %parallel_loop3A_2639 : vector<16xi1>, vector<16xf32>
      %parallel_loop3A_2683 = arith.select %parallel_loop3A_2658, %parallel_loop3A_2651, %parallel_loop3A_2640 : vector<16xi1>, vector<16xi32>
      %parallel_loop3A_2684 = arith.select %parallel_loop3A_2657, %parallel_loop3A_2635, %parallel_loop3A_2682 : vector<16xi1>, vector<16xf32>
      %parallel_loop3A_2685 = arith.select %parallel_loop3A_2657, %parallel_loop3A_2636, %parallel_loop3A_2683 : vector<16xi1>, vector<16xi32>
      %parallel_loop3A_2686 = arith.select %parallel_loop3A_2659, %parallel_loop3A_2649, %parallel_loop3A_2643 : vector<16xi1>, vector<16xf32>
      %parallel_loop3A_2687 = arith.select %parallel_loop3A_2659, %parallel_loop3A_2651, %parallel_loop3A_2644 : vector<16xi1>, vector<16xi32>
      %parallel_loop3A_2688 = arith.select %parallel_loop3A_2658, %parallel_loop3A_2639, %parallel_loop3A_2686 : vector<16xi1>, vector<16xf32>
      %parallel_loop3A_2689 = arith.select %parallel_loop3A_2658, %parallel_loop3A_2640, %parallel_loop3A_2687 : vector<16xi1>, vector<16xi32>
      %parallel_loop3A_2690 = arith.constant 62 : i32
      %parallel_loop3A_2691 = arith.index_cast %parallel_loop3A_2690 : i32 to index
      %parallel_loop3A_2692 = arith.index_cast %parallel_loop3A_7 : i32 to index
      %parallel_loop3A_2693 = tpu.vector_load %arg5[%parallel_loop3A_2691, %parallel_loop3A_2692] {strides = array<i32>} : memref<64x256xf32, #tpu.memory_space<vmem>>, vector<1x16xf32>,
      %parallel_loop3A_2694 = vector.shape_cast %parallel_loop3A_2693 : vector<1x16xf32> to vector<16xf32>
      %parallel_loop3A_2695 = arith.constant 62 : i32
      %parallel_loop3A_2696 = vector.broadcast %parallel_loop3A_2695 : i32 to vector<16xi32>
      %parallel_loop3A_2697 = arith.cmpf ogt, %parallel_loop3A_2694, %parallel_loop3A_2660 : vector<16xf32>
      %parallel_loop3A_2698 = arith.cmpf ogt, %parallel_loop3A_2694, %parallel_loop3A_2664 : vector<16xf32>
      %parallel_loop3A_2699 = arith.cmpf ogt, %parallel_loop3A_2694, %parallel_loop3A_2668 : vector<16xf32>
      %parallel_loop3A_2700 = arith.cmpf ogt, %parallel_loop3A_2694, %parallel_loop3A_2672 : vector<16xf32>
      %parallel_loop3A_2701 = arith.cmpf ogt, %parallel_loop3A_2694, %parallel_loop3A_2676 : vector<16xf32>
      %parallel_loop3A_2702 = arith.cmpf ogt, %parallel_loop3A_2694, %parallel_loop3A_2680 : vector<16xf32>
      %parallel_loop3A_2703 = arith.cmpf ogt, %parallel_loop3A_2694, %parallel_loop3A_2684 : vector<16xf32>
      %parallel_loop3A_2704 = arith.cmpf ogt, %parallel_loop3A_2694, %parallel_loop3A_2688 : vector<16xf32>
      %parallel_loop3A_2705 = arith.select %parallel_loop3A_2697, %parallel_loop3A_2694, %parallel_loop3A_2660 : vector<16xi1>, vector<16xf32>
      %parallel_loop3A_2706 = arith.select %parallel_loop3A_2697, %parallel_loop3A_2696, %parallel_loop3A_2661 : vector<16xi1>, vector<16xi32>
      %parallel_loop3A_2707 = arith.select %parallel_loop3A_2698, %parallel_loop3A_2694, %parallel_loop3A_2664 : vector<16xi1>, vector<16xf32>
      %parallel_loop3A_2708 = arith.select %parallel_loop3A_2698, %parallel_loop3A_2696, %parallel_loop3A_2665 : vector<16xi1>, vector<16xi32>
      %parallel_loop3A_2709 = arith.select %parallel_loop3A_2697, %parallel_loop3A_2660, %parallel_loop3A_2707 : vector<16xi1>, vector<16xf32>
      %parallel_loop3A_2710 = arith.select %parallel_loop3A_2697, %parallel_loop3A_2661, %parallel_loop3A_2708 : vector<16xi1>, vector<16xi32>
      %parallel_loop3A_2711 = arith.select %parallel_loop3A_2699, %parallel_loop3A_2694, %parallel_loop3A_2668 : vector<16xi1>, vector<16xf32>
      %parallel_loop3A_2712 = arith.select %parallel_loop3A_2699, %parallel_loop3A_2696, %parallel_loop3A_2669 : vector<16xi1>, vector<16xi32>
      %parallel_loop3A_2713 = arith.select %parallel_loop3A_2698, %parallel_loop3A_2664, %parallel_loop3A_2711 : vector<16xi1>, vector<16xf32>
      %parallel_loop3A_2714 = arith.select %parallel_loop3A_2698, %parallel_loop3A_2665, %parallel_loop3A_2712 : vector<16xi1>, vector<16xi32>
      %parallel_loop3A_2715 = arith.select %parallel_loop3A_2700, %parallel_loop3A_2694, %parallel_loop3A_2672 : vector<16xi1>, vector<16xf32>
      %parallel_loop3A_2716 = arith.select %parallel_loop3A_2700, %parallel_loop3A_2696, %parallel_loop3A_2673 : vector<16xi1>, vector<16xi32>
      %parallel_loop3A_2717 = arith.select %parallel_loop3A_2699, %parallel_loop3A_2668, %parallel_loop3A_2715 : vector<16xi1>, vector<16xf32>
      %parallel_loop3A_2718 = arith.select %parallel_loop3A_2699, %parallel_loop3A_2669, %parallel_loop3A_2716 : vector<16xi1>, vector<16xi32>
      %parallel_loop3A_2719 = arith.select %parallel_loop3A_2701, %parallel_loop3A_2694, %parallel_loop3A_2676 : vector<16xi1>, vector<16xf32>
      %parallel_loop3A_2720 = arith.select %parallel_loop3A_2701, %parallel_loop3A_2696, %parallel_loop3A_2677 : vector<16xi1>, vector<16xi32>
      %parallel_loop3A_2721 = arith.select %parallel_loop3A_2700, %parallel_loop3A_2672, %parallel_loop3A_2719 : vector<16xi1>, vector<16xf32>
      %parallel_loop3A_2722 = arith.select %parallel_loop3A_2700, %parallel_loop3A_2673, %parallel_loop3A_2720 : vector<16xi1>, vector<16xi32>
      %parallel_loop3A_2723 = arith.select %parallel_loop3A_2702, %parallel_loop3A_2694, %parallel_loop3A_2680 : vector<16xi1>, vector<16xf32>
      %parallel_loop3A_2724 = arith.select %parallel_loop3A_2702, %parallel_loop3A_2696, %parallel_loop3A_2681 : vector<16xi1>, vector<16xi32>
      %parallel_loop3A_2725 = arith.select %parallel_loop3A_2701, %parallel_loop3A_2676, %parallel_loop3A_2723 : vector<16xi1>, vector<16xf32>
      %parallel_loop3A_2726 = arith.select %parallel_loop3A_2701, %parallel_loop3A_2677, %parallel_loop3A_2724 : vector<16xi1>, vector<16xi32>
      %parallel_loop3A_2727 = arith.select %parallel_loop3A_2703, %parallel_loop3A_2694, %parallel_loop3A_2684 : vector<16xi1>, vector<16xf32>
      %parallel_loop3A_2728 = arith.select %parallel_loop3A_2703, %parallel_loop3A_2696, %parallel_loop3A_2685 : vector<16xi1>, vector<16xi32>
      %parallel_loop3A_2729 = arith.select %parallel_loop3A_2702, %parallel_loop3A_2680, %parallel_loop3A_2727 : vector<16xi1>, vector<16xf32>
      %parallel_loop3A_2730 = arith.select %parallel_loop3A_2702, %parallel_loop3A_2681, %parallel_loop3A_2728 : vector<16xi1>, vector<16xi32>
      %parallel_loop3A_2731 = arith.select %parallel_loop3A_2704, %parallel_loop3A_2694, %parallel_loop3A_2688 : vector<16xi1>, vector<16xf32>
      %parallel_loop3A_2732 = arith.select %parallel_loop3A_2704, %parallel_loop3A_2696, %parallel_loop3A_2689 : vector<16xi1>, vector<16xi32>
      %parallel_loop3A_2733 = arith.select %parallel_loop3A_2703, %parallel_loop3A_2684, %parallel_loop3A_2731 : vector<16xi1>, vector<16xf32>
      %parallel_loop3A_2734 = arith.select %parallel_loop3A_2703, %parallel_loop3A_2685, %parallel_loop3A_2732 : vector<16xi1>, vector<16xi32>
      %parallel_loop3A_2735 = arith.constant 63 : i32
      %parallel_loop3A_2736 = arith.index_cast %parallel_loop3A_2735 : i32 to index
      %parallel_loop3A_2737 = arith.index_cast %parallel_loop3A_7 : i32 to index
      %parallel_loop3A_2738 = tpu.vector_load %arg5[%parallel_loop3A_2736, %parallel_loop3A_2737] {strides = array<i32>} : memref<64x256xf32, #tpu.memory_space<vmem>>, vector<1x16xf32>,
      %parallel_loop3A_2739 = vector.shape_cast %parallel_loop3A_2738 : vector<1x16xf32> to vector<16xf32>
      %parallel_loop3A_2740 = arith.constant 63 : i32
      %parallel_loop3A_2741 = vector.broadcast %parallel_loop3A_2740 : i32 to vector<16xi32>
      %parallel_loop3A_2742 = arith.cmpf ogt, %parallel_loop3A_2739, %parallel_loop3A_2705 : vector<16xf32>
      %parallel_loop3A_2743 = arith.cmpf ogt, %parallel_loop3A_2739, %parallel_loop3A_2709 : vector<16xf32>
      %parallel_loop3A_2744 = arith.cmpf ogt, %parallel_loop3A_2739, %parallel_loop3A_2713 : vector<16xf32>
      %parallel_loop3A_2745 = arith.cmpf ogt, %parallel_loop3A_2739, %parallel_loop3A_2717 : vector<16xf32>
      %parallel_loop3A_2746 = arith.cmpf ogt, %parallel_loop3A_2739, %parallel_loop3A_2721 : vector<16xf32>
      %parallel_loop3A_2747 = arith.cmpf ogt, %parallel_loop3A_2739, %parallel_loop3A_2725 : vector<16xf32>
      %parallel_loop3A_2748 = arith.cmpf ogt, %parallel_loop3A_2739, %parallel_loop3A_2729 : vector<16xf32>
      %parallel_loop3A_2749 = arith.cmpf ogt, %parallel_loop3A_2739, %parallel_loop3A_2733 : vector<16xf32>
      %parallel_loop3A_2750 = arith.select %parallel_loop3A_2742, %parallel_loop3A_2739, %parallel_loop3A_2705 : vector<16xi1>, vector<16xf32>
      %parallel_loop3A_2751 = arith.select %parallel_loop3A_2742, %parallel_loop3A_2741, %parallel_loop3A_2706 : vector<16xi1>, vector<16xi32>
      %parallel_loop3A_2752 = arith.select %parallel_loop3A_2743, %parallel_loop3A_2739, %parallel_loop3A_2709 : vector<16xi1>, vector<16xf32>
      %parallel_loop3A_2753 = arith.select %parallel_loop3A_2743, %parallel_loop3A_2741, %parallel_loop3A_2710 : vector<16xi1>, vector<16xi32>
      %parallel_loop3A_2754 = arith.select %parallel_loop3A_2742, %parallel_loop3A_2705, %parallel_loop3A_2752 : vector<16xi1>, vector<16xf32>
      %parallel_loop3A_2755 = arith.select %parallel_loop3A_2742, %parallel_loop3A_2706, %parallel_loop3A_2753 : vector<16xi1>, vector<16xi32>
      %parallel_loop3A_2756 = arith.select %parallel_loop3A_2744, %parallel_loop3A_2739, %parallel_loop3A_2713 : vector<16xi1>, vector<16xf32>
      %parallel_loop3A_2757 = arith.select %parallel_loop3A_2744, %parallel_loop3A_2741, %parallel_loop3A_2714 : vector<16xi1>, vector<16xi32>
      %parallel_loop3A_2758 = arith.select %parallel_loop3A_2743, %parallel_loop3A_2709, %parallel_loop3A_2756 : vector<16xi1>, vector<16xf32>
      %parallel_loop3A_2759 = arith.select %parallel_loop3A_2743, %parallel_loop3A_2710, %parallel_loop3A_2757 : vector<16xi1>, vector<16xi32>
      %parallel_loop3A_2760 = arith.select %parallel_loop3A_2745, %parallel_loop3A_2739, %parallel_loop3A_2717 : vector<16xi1>, vector<16xf32>
      %parallel_loop3A_2761 = arith.select %parallel_loop3A_2745, %parallel_loop3A_2741, %parallel_loop3A_2718 : vector<16xi1>, vector<16xi32>
      %parallel_loop3A_2762 = arith.select %parallel_loop3A_2744, %parallel_loop3A_2713, %parallel_loop3A_2760 : vector<16xi1>, vector<16xf32>
      %parallel_loop3A_2763 = arith.select %parallel_loop3A_2744, %parallel_loop3A_2714, %parallel_loop3A_2761 : vector<16xi1>, vector<16xi32>
      %parallel_loop3A_2764 = arith.select %parallel_loop3A_2746, %parallel_loop3A_2739, %parallel_loop3A_2721 : vector<16xi1>, vector<16xf32>
      %parallel_loop3A_2765 = arith.select %parallel_loop3A_2746, %parallel_loop3A_2741, %parallel_loop3A_2722 : vector<16xi1>, vector<16xi32>
      %parallel_loop3A_2766 = arith.select %parallel_loop3A_2745, %parallel_loop3A_2717, %parallel_loop3A_2764 : vector<16xi1>, vector<16xf32>
      %parallel_loop3A_2767 = arith.select %parallel_loop3A_2745, %parallel_loop3A_2718, %parallel_loop3A_2765 : vector<16xi1>, vector<16xi32>
      %parallel_loop3A_2768 = arith.select %parallel_loop3A_2747, %parallel_loop3A_2739, %parallel_loop3A_2725 : vector<16xi1>, vector<16xf32>
      %parallel_loop3A_2769 = arith.select %parallel_loop3A_2747, %parallel_loop3A_2741, %parallel_loop3A_2726 : vector<16xi1>, vector<16xi32>
      %parallel_loop3A_2770 = arith.select %parallel_loop3A_2746, %parallel_loop3A_2721, %parallel_loop3A_2768 : vector<16xi1>, vector<16xf32>
      %parallel_loop3A_2771 = arith.select %parallel_loop3A_2746, %parallel_loop3A_2722, %parallel_loop3A_2769 : vector<16xi1>, vector<16xi32>
      %parallel_loop3A_2772 = arith.select %parallel_loop3A_2748, %parallel_loop3A_2739, %parallel_loop3A_2729 : vector<16xi1>, vector<16xf32>
      %parallel_loop3A_2773 = arith.select %parallel_loop3A_2748, %parallel_loop3A_2741, %parallel_loop3A_2730 : vector<16xi1>, vector<16xi32>
      %parallel_loop3A_2774 = arith.select %parallel_loop3A_2747, %parallel_loop3A_2725, %parallel_loop3A_2772 : vector<16xi1>, vector<16xf32>
      %parallel_loop3A_2775 = arith.select %parallel_loop3A_2747, %parallel_loop3A_2726, %parallel_loop3A_2773 : vector<16xi1>, vector<16xi32>
      %parallel_loop3A_2776 = arith.select %parallel_loop3A_2749, %parallel_loop3A_2739, %parallel_loop3A_2733 : vector<16xi1>, vector<16xf32>
      %parallel_loop3A_2777 = arith.select %parallel_loop3A_2749, %parallel_loop3A_2741, %parallel_loop3A_2734 : vector<16xi1>, vector<16xi32>
      %parallel_loop3A_2778 = arith.select %parallel_loop3A_2748, %parallel_loop3A_2729, %parallel_loop3A_2776 : vector<16xi1>, vector<16xf32>
      %parallel_loop3A_2779 = arith.select %parallel_loop3A_2748, %parallel_loop3A_2730, %parallel_loop3A_2777 : vector<16xi1>, vector<16xi32>
      %parallel_loop3A_2780 = arith.subf %parallel_loop3A_2750, %parallel_loop3A_2750 : vector<16xf32>
      %parallel_loop3A_2781 = math.exp %parallel_loop3A_2780 : vector<16xf32>
      %parallel_loop3A_2782 = arith.subf %parallel_loop3A_2754, %parallel_loop3A_2750 : vector<16xf32>
      %parallel_loop3A_2783 = math.exp %parallel_loop3A_2782 : vector<16xf32>
      %parallel_loop3A_2784 = arith.subf %parallel_loop3A_2758, %parallel_loop3A_2750 : vector<16xf32>
      %parallel_loop3A_2785 = math.exp %parallel_loop3A_2784 : vector<16xf32>
      %parallel_loop3A_2786 = arith.subf %parallel_loop3A_2762, %parallel_loop3A_2750 : vector<16xf32>
      %parallel_loop3A_2787 = math.exp %parallel_loop3A_2786 : vector<16xf32>
      %parallel_loop3A_2788 = arith.subf %parallel_loop3A_2766, %parallel_loop3A_2750 : vector<16xf32>
      %parallel_loop3A_2789 = math.exp %parallel_loop3A_2788 : vector<16xf32>
      %parallel_loop3A_2790 = arith.subf %parallel_loop3A_2770, %parallel_loop3A_2750 : vector<16xf32>
      %parallel_loop3A_2791 = math.exp %parallel_loop3A_2790 : vector<16xf32>
      %parallel_loop3A_2792 = arith.subf %parallel_loop3A_2774, %parallel_loop3A_2750 : vector<16xf32>
      %parallel_loop3A_2793 = math.exp %parallel_loop3A_2792 : vector<16xf32>
      %parallel_loop3A_2794 = arith.subf %parallel_loop3A_2778, %parallel_loop3A_2750 : vector<16xf32>
      %parallel_loop3A_2795 = math.exp %parallel_loop3A_2794 : vector<16xf32>
      %parallel_loop3A_2796 = arith.addf %parallel_loop3A_2781, %parallel_loop3A_2783 : vector<16xf32>
      %parallel_loop3A_2797 = arith.addf %parallel_loop3A_2796, %parallel_loop3A_2785 : vector<16xf32>
      %parallel_loop3A_2798 = arith.addf %parallel_loop3A_2797, %parallel_loop3A_2787 : vector<16xf32>
      %parallel_loop3A_2799 = arith.addf %parallel_loop3A_2798, %parallel_loop3A_2789 : vector<16xf32>
      %parallel_loop3A_2800 = arith.addf %parallel_loop3A_2799, %parallel_loop3A_2791 : vector<16xf32>
      %parallel_loop3A_2801 = arith.addf %parallel_loop3A_2800, %parallel_loop3A_2793 : vector<16xf32>
      %parallel_loop3A_2802 = arith.addf %parallel_loop3A_2801, %parallel_loop3A_2795 : vector<16xf32>
      %parallel_loop3A_2803 = arith.constant 1.000000e+00 : f32
      %parallel_loop3A_2804 = vector.broadcast %parallel_loop3A_2803 : f32 to vector<16xf32>
      %parallel_loop3A_2805 = arith.divf %parallel_loop3A_2804, %parallel_loop3A_2802 : vector<16xf32>
      %parallel_loop3A_2806 = arith.mulf %parallel_loop3A_2781, %parallel_loop3A_2805 : vector<16xf32>
      %parallel_loop3A_2807 = arith.constant 0 : i32
      %parallel_loop3A_2808 = arith.index_cast %parallel_loop3A_2807 : i32 to index
      %parallel_loop3A_2809 = arith.index_cast %parallel_loop3A_7 : i32 to index
      %parallel_loop3A_2810 = tpu.vector_load %arg6[%parallel_loop3A_2808, %parallel_loop3A_2809] {strides = array<i32>} : memref<8x256xf32, #tpu.memory_space<vmem>>, vector<1x16xf32>,
      %parallel_loop3A_2811 = vector.shape_cast %parallel_loop3A_2810 : vector<1x16xf32> to vector<16xf32>
      %parallel_loop3A_2812 = vector.shape_cast %parallel_loop3A_2806 : vector<16xf32> to vector<1x16xf32>
      tpu.vector_store %arg6[%parallel_loop3A_2808, %parallel_loop3A_2809], %parallel_loop3A_2812 {strides = array<i32>} : memref<8x256xf32, #tpu.memory_space<vmem>>, vector<1x16xf32>,
      %parallel_loop3A_2813 = arith.constant 0 : i32
      %parallel_loop3A_2814 = arith.index_cast %parallel_loop3A_2813 : i32 to index
      %parallel_loop3A_2815 = arith.index_cast %parallel_loop3A_7 : i32 to index
      %parallel_loop3A_2816 = tpu.vector_load %arg7[%parallel_loop3A_2814, %parallel_loop3A_2815] {strides = array<i32>} : memref<8x256xi32, #tpu.memory_space<vmem>>, vector<1x16xi32>,
      %parallel_loop3A_2817 = vector.shape_cast %parallel_loop3A_2816 : vector<1x16xi32> to vector<16xi32>
      %parallel_loop3A_2818 = vector.shape_cast %parallel_loop3A_2751 : vector<16xi32> to vector<1x16xi32>
      tpu.vector_store %arg7[%parallel_loop3A_2814, %parallel_loop3A_2815], %parallel_loop3A_2818 {strides = array<i32>} : memref<8x256xi32, #tpu.memory_space<vmem>>, vector<1x16xi32>,
      %parallel_loop3A_2819 = arith.mulf %parallel_loop3A_2783, %parallel_loop3A_2805 : vector<16xf32>
      %parallel_loop3A_2820 = arith.constant 1 : i32
      %parallel_loop3A_2821 = arith.index_cast %parallel_loop3A_2820 : i32 to index
      %parallel_loop3A_2822 = arith.index_cast %parallel_loop3A_7 : i32 to index
      %parallel_loop3A_2823 = tpu.vector_load %arg6[%parallel_loop3A_2821, %parallel_loop3A_2822] {strides = array<i32>} : memref<8x256xf32, #tpu.memory_space<vmem>>, vector<1x16xf32>,
      %parallel_loop3A_2824 = vector.shape_cast %parallel_loop3A_2823 : vector<1x16xf32> to vector<16xf32>
      %parallel_loop3A_2825 = vector.shape_cast %parallel_loop3A_2819 : vector<16xf32> to vector<1x16xf32>
      tpu.vector_store %arg6[%parallel_loop3A_2821, %parallel_loop3A_2822], %parallel_loop3A_2825 {strides = array<i32>} : memref<8x256xf32, #tpu.memory_space<vmem>>, vector<1x16xf32>,
      %parallel_loop3A_2826 = arith.constant 1 : i32
      %parallel_loop3A_2827 = arith.index_cast %parallel_loop3A_2826 : i32 to index
      %parallel_loop3A_2828 = arith.index_cast %parallel_loop3A_7 : i32 to index
      %parallel_loop3A_2829 = tpu.vector_load %arg7[%parallel_loop3A_2827, %parallel_loop3A_2828] {strides = array<i32>} : memref<8x256xi32, #tpu.memory_space<vmem>>, vector<1x16xi32>,
      %parallel_loop3A_2830 = vector.shape_cast %parallel_loop3A_2829 : vector<1x16xi32> to vector<16xi32>
      %parallel_loop3A_2831 = vector.shape_cast %parallel_loop3A_2755 : vector<16xi32> to vector<1x16xi32>
      tpu.vector_store %arg7[%parallel_loop3A_2827, %parallel_loop3A_2828], %parallel_loop3A_2831 {strides = array<i32>} : memref<8x256xi32, #tpu.memory_space<vmem>>, vector<1x16xi32>,
      %parallel_loop3A_2832 = arith.mulf %parallel_loop3A_2785, %parallel_loop3A_2805 : vector<16xf32>
      %parallel_loop3A_2833 = arith.constant 2 : i32
      %parallel_loop3A_2834 = arith.index_cast %parallel_loop3A_2833 : i32 to index
      %parallel_loop3A_2835 = arith.index_cast %parallel_loop3A_7 : i32 to index
      %parallel_loop3A_2836 = tpu.vector_load %arg6[%parallel_loop3A_2834, %parallel_loop3A_2835] {strides = array<i32>} : memref<8x256xf32, #tpu.memory_space<vmem>>, vector<1x16xf32>,
      %parallel_loop3A_2837 = vector.shape_cast %parallel_loop3A_2836 : vector<1x16xf32> to vector<16xf32>
      %parallel_loop3A_2838 = vector.shape_cast %parallel_loop3A_2832 : vector<16xf32> to vector<1x16xf32>
      tpu.vector_store %arg6[%parallel_loop3A_2834, %parallel_loop3A_2835], %parallel_loop3A_2838 {strides = array<i32>} : memref<8x256xf32, #tpu.memory_space<vmem>>, vector<1x16xf32>,
      %parallel_loop3A_2839 = arith.constant 2 : i32
      %parallel_loop3A_2840 = arith.index_cast %parallel_loop3A_2839 : i32 to index
      %parallel_loop3A_2841 = arith.index_cast %parallel_loop3A_7 : i32 to index
      %parallel_loop3A_2842 = tpu.vector_load %arg7[%parallel_loop3A_2840, %parallel_loop3A_2841] {strides = array<i32>} : memref<8x256xi32, #tpu.memory_space<vmem>>, vector<1x16xi32>,
      %parallel_loop3A_2843 = vector.shape_cast %parallel_loop3A_2842 : vector<1x16xi32> to vector<16xi32>
      %parallel_loop3A_2844 = vector.shape_cast %parallel_loop3A_2759 : vector<16xi32> to vector<1x16xi32>
      tpu.vector_store %arg7[%parallel_loop3A_2840, %parallel_loop3A_2841], %parallel_loop3A_2844 {strides = array<i32>} : memref<8x256xi32, #tpu.memory_space<vmem>>, vector<1x16xi32>,
      %parallel_loop3A_2845 = arith.mulf %parallel_loop3A_2787, %parallel_loop3A_2805 : vector<16xf32>
      %parallel_loop3A_2846 = arith.constant 3 : i32
      %parallel_loop3A_2847 = arith.index_cast %parallel_loop3A_2846 : i32 to index
      %parallel_loop3A_2848 = arith.index_cast %parallel_loop3A_7 : i32 to index
      %parallel_loop3A_2849 = tpu.vector_load %arg6[%parallel_loop3A_2847, %parallel_loop3A_2848] {strides = array<i32>} : memref<8x256xf32, #tpu.memory_space<vmem>>, vector<1x16xf32>,
      %parallel_loop3A_2850 = vector.shape_cast %parallel_loop3A_2849 : vector<1x16xf32> to vector<16xf32>
      %parallel_loop3A_2851 = vector.shape_cast %parallel_loop3A_2845 : vector<16xf32> to vector<1x16xf32>
      tpu.vector_store %arg6[%parallel_loop3A_2847, %parallel_loop3A_2848], %parallel_loop3A_2851 {strides = array<i32>} : memref<8x256xf32, #tpu.memory_space<vmem>>, vector<1x16xf32>,
      %parallel_loop3A_2852 = arith.constant 3 : i32
      %parallel_loop3A_2853 = arith.index_cast %parallel_loop3A_2852 : i32 to index
      %parallel_loop3A_2854 = arith.index_cast %parallel_loop3A_7 : i32 to index
      %parallel_loop3A_2855 = tpu.vector_load %arg7[%parallel_loop3A_2853, %parallel_loop3A_2854] {strides = array<i32>} : memref<8x256xi32, #tpu.memory_space<vmem>>, vector<1x16xi32>,
      %parallel_loop3A_2856 = vector.shape_cast %parallel_loop3A_2855 : vector<1x16xi32> to vector<16xi32>
      %parallel_loop3A_2857 = vector.shape_cast %parallel_loop3A_2763 : vector<16xi32> to vector<1x16xi32>
      tpu.vector_store %arg7[%parallel_loop3A_2853, %parallel_loop3A_2854], %parallel_loop3A_2857 {strides = array<i32>} : memref<8x256xi32, #tpu.memory_space<vmem>>, vector<1x16xi32>,
      %parallel_loop3A_2858 = arith.mulf %parallel_loop3A_2789, %parallel_loop3A_2805 : vector<16xf32>
      %parallel_loop3A_2859 = arith.constant 4 : i32
      %parallel_loop3A_2860 = arith.index_cast %parallel_loop3A_2859 : i32 to index
      %parallel_loop3A_2861 = arith.index_cast %parallel_loop3A_7 : i32 to index
      %parallel_loop3A_2862 = tpu.vector_load %arg6[%parallel_loop3A_2860, %parallel_loop3A_2861] {strides = array<i32>} : memref<8x256xf32, #tpu.memory_space<vmem>>, vector<1x16xf32>,
      %parallel_loop3A_2863 = vector.shape_cast %parallel_loop3A_2862 : vector<1x16xf32> to vector<16xf32>
      %parallel_loop3A_2864 = vector.shape_cast %parallel_loop3A_2858 : vector<16xf32> to vector<1x16xf32>
      tpu.vector_store %arg6[%parallel_loop3A_2860, %parallel_loop3A_2861], %parallel_loop3A_2864 {strides = array<i32>} : memref<8x256xf32, #tpu.memory_space<vmem>>, vector<1x16xf32>,
      %parallel_loop3A_2865 = arith.constant 4 : i32
      %parallel_loop3A_2866 = arith.index_cast %parallel_loop3A_2865 : i32 to index
      %parallel_loop3A_2867 = arith.index_cast %parallel_loop3A_7 : i32 to index
      %parallel_loop3A_2868 = tpu.vector_load %arg7[%parallel_loop3A_2866, %parallel_loop3A_2867] {strides = array<i32>} : memref<8x256xi32, #tpu.memory_space<vmem>>, vector<1x16xi32>,
      %parallel_loop3A_2869 = vector.shape_cast %parallel_loop3A_2868 : vector<1x16xi32> to vector<16xi32>
      %parallel_loop3A_2870 = vector.shape_cast %parallel_loop3A_2767 : vector<16xi32> to vector<1x16xi32>
      tpu.vector_store %arg7[%parallel_loop3A_2866, %parallel_loop3A_2867], %parallel_loop3A_2870 {strides = array<i32>} : memref<8x256xi32, #tpu.memory_space<vmem>>, vector<1x16xi32>,
      %parallel_loop3A_2871 = arith.mulf %parallel_loop3A_2791, %parallel_loop3A_2805 : vector<16xf32>
      %parallel_loop3A_2872 = arith.constant 5 : i32
      %parallel_loop3A_2873 = arith.index_cast %parallel_loop3A_2872 : i32 to index
      %parallel_loop3A_2874 = arith.index_cast %parallel_loop3A_7 : i32 to index
      %parallel_loop3A_2875 = tpu.vector_load %arg6[%parallel_loop3A_2873, %parallel_loop3A_2874] {strides = array<i32>} : memref<8x256xf32, #tpu.memory_space<vmem>>, vector<1x16xf32>,
      %parallel_loop3A_2876 = vector.shape_cast %parallel_loop3A_2875 : vector<1x16xf32> to vector<16xf32>
      %parallel_loop3A_2877 = vector.shape_cast %parallel_loop3A_2871 : vector<16xf32> to vector<1x16xf32>
      tpu.vector_store %arg6[%parallel_loop3A_2873, %parallel_loop3A_2874], %parallel_loop3A_2877 {strides = array<i32>} : memref<8x256xf32, #tpu.memory_space<vmem>>, vector<1x16xf32>,
      %parallel_loop3A_2878 = arith.constant 5 : i32
      %parallel_loop3A_2879 = arith.index_cast %parallel_loop3A_2878 : i32 to index
      %parallel_loop3A_2880 = arith.index_cast %parallel_loop3A_7 : i32 to index
      %parallel_loop3A_2881 = tpu.vector_load %arg7[%parallel_loop3A_2879, %parallel_loop3A_2880] {strides = array<i32>} : memref<8x256xi32, #tpu.memory_space<vmem>>, vector<1x16xi32>,
      %parallel_loop3A_2882 = vector.shape_cast %parallel_loop3A_2881 : vector<1x16xi32> to vector<16xi32>
      %parallel_loop3A_2883 = vector.shape_cast %parallel_loop3A_2771 : vector<16xi32> to vector<1x16xi32>
      tpu.vector_store %arg7[%parallel_loop3A_2879, %parallel_loop3A_2880], %parallel_loop3A_2883 {strides = array<i32>} : memref<8x256xi32, #tpu.memory_space<vmem>>, vector<1x16xi32>,
      %parallel_loop3A_2884 = arith.mulf %parallel_loop3A_2793, %parallel_loop3A_2805 : vector<16xf32>
      %parallel_loop3A_2885 = arith.constant 6 : i32
      %parallel_loop3A_2886 = arith.index_cast %parallel_loop3A_2885 : i32 to index
      %parallel_loop3A_2887 = arith.index_cast %parallel_loop3A_7 : i32 to index
      %parallel_loop3A_2888 = tpu.vector_load %arg6[%parallel_loop3A_2886, %parallel_loop3A_2887] {strides = array<i32>} : memref<8x256xf32, #tpu.memory_space<vmem>>, vector<1x16xf32>,
      %parallel_loop3A_2889 = vector.shape_cast %parallel_loop3A_2888 : vector<1x16xf32> to vector<16xf32>
      %parallel_loop3A_2890 = vector.shape_cast %parallel_loop3A_2884 : vector<16xf32> to vector<1x16xf32>
      tpu.vector_store %arg6[%parallel_loop3A_2886, %parallel_loop3A_2887], %parallel_loop3A_2890 {strides = array<i32>} : memref<8x256xf32, #tpu.memory_space<vmem>>, vector<1x16xf32>,
      %parallel_loop3A_2891 = arith.constant 6 : i32
      %parallel_loop3A_2892 = arith.index_cast %parallel_loop3A_2891 : i32 to index
      %parallel_loop3A_2893 = arith.index_cast %parallel_loop3A_7 : i32 to index
      %parallel_loop3A_2894 = tpu.vector_load %arg7[%parallel_loop3A_2892, %parallel_loop3A_2893] {strides = array<i32>} : memref<8x256xi32, #tpu.memory_space<vmem>>, vector<1x16xi32>,
      %parallel_loop3A_2895 = vector.shape_cast %parallel_loop3A_2894 : vector<1x16xi32> to vector<16xi32>
      %parallel_loop3A_2896 = vector.shape_cast %parallel_loop3A_2775 : vector<16xi32> to vector<1x16xi32>
      tpu.vector_store %arg7[%parallel_loop3A_2892, %parallel_loop3A_2893], %parallel_loop3A_2896 {strides = array<i32>} : memref<8x256xi32, #tpu.memory_space<vmem>>, vector<1x16xi32>,
      %parallel_loop3A_2897 = arith.mulf %parallel_loop3A_2795, %parallel_loop3A_2805 : vector<16xf32>
      %parallel_loop3A_2898 = arith.constant 7 : i32
      %parallel_loop3A_2899 = arith.index_cast %parallel_loop3A_2898 : i32 to index
      %parallel_loop3A_2900 = arith.index_cast %parallel_loop3A_7 : i32 to index
      %parallel_loop3A_2901 = tpu.vector_load %arg6[%parallel_loop3A_2899, %parallel_loop3A_2900] {strides = array<i32>} : memref<8x256xf32, #tpu.memory_space<vmem>>, vector<1x16xf32>,
      %parallel_loop3A_2902 = vector.shape_cast %parallel_loop3A_2901 : vector<1x16xf32> to vector<16xf32>
      %parallel_loop3A_2903 = vector.shape_cast %parallel_loop3A_2897 : vector<16xf32> to vector<1x16xf32>
      tpu.vector_store %arg6[%parallel_loop3A_2899, %parallel_loop3A_2900], %parallel_loop3A_2903 {strides = array<i32>} : memref<8x256xf32, #tpu.memory_space<vmem>>, vector<1x16xf32>,
      %parallel_loop3A_2904 = arith.constant 7 : i32
      %parallel_loop3A_2905 = arith.index_cast %parallel_loop3A_2904 : i32 to index
      %parallel_loop3A_2906 = arith.index_cast %parallel_loop3A_7 : i32 to index
      %parallel_loop3A_2907 = tpu.vector_load %arg7[%parallel_loop3A_2905, %parallel_loop3A_2906] {strides = array<i32>} : memref<8x256xi32, #tpu.memory_space<vmem>>, vector<1x16xi32>,
      %parallel_loop3A_2908 = vector.shape_cast %parallel_loop3A_2907 : vector<1x16xi32> to vector<16xi32>
      %parallel_loop3A_2909 = vector.shape_cast %parallel_loop3A_2779 : vector<16xi32> to vector<1x16xi32>
      tpu.vector_store %arg7[%parallel_loop3A_2905, %parallel_loop3A_2906], %parallel_loop3A_2909 {strides = array<i32>} : memref<8x256xi32, #tpu.memory_space<vmem>>, vector<1x16xi32>,
    } {sc.loop_unroll_factor = 1 : i64, sc.parallel_access}
    "tpu.region"() ({
      %run_scoped3A = tpu.sem_alloc : memref<!tpu.dma_semaphore, #tpu.memory_space<semaphore_mem>>
      %dma_start3A = arith.constant 0 : i32
      %dma_start3A_5 = tpu.memref_slice %arg3[%dma_start3A, %mul3A_2] : memref<8x8192xf32, #tpu.memory_space<hbm>> -> memref<8x256xf32, #tpu.memory_space<hbm>>
      %dma_start3A_6 = arith.constant 0 : i32
      %dma_start3A_7 = tpu.memref_slice %arg3[%dma_start3A_6, %mul3A_2] : memref<8x8192xf32, #tpu.memory_space<hbm>> -> memref<8x256xf32, #tpu.memory_space<hbm>>
      tpu.enqueue_dma source(%arg6 : memref<8x256xf32, #tpu.memory_space<vmem>>) target(%dma_start3A_7 : memref<8x256xf32, #tpu.memory_space<hbm>>) target_semaphore(%run_scoped3A : memref<!tpu.dma_semaphore, #tpu.memory_space<semaphore_mem>>)
      %dma_wait3A = arith.constant 0 : i32
      %dma_wait3A_8 = tpu.memref_slice %arg3[%dma_wait3A, %mul3A_2] : memref<8x8192xf32, #tpu.memory_space<hbm>> -> memref<8x256xf32, #tpu.memory_space<hbm>>
      %dma_wait3A_9 = arith.constant 0 : i32
      %dma_wait3A_10 = tpu.memref_slice %arg3[%dma_wait3A_9, %mul3A_2] : memref<8x8192xf32, #tpu.memory_space<hbm>> -> memref<8x256xf32, #tpu.memory_space<hbm>>
      tpu.wait_dma2 semaphore(%run_scoped3A : memref<!tpu.dma_semaphore, #tpu.memory_space<semaphore_mem>>) src(%arg6 : memref<8x256xf32, #tpu.memory_space<vmem>>) dst(%dma_wait3A_10 : memref<8x256xf32, #tpu.memory_space<hbm>>)
      tpu.yield
    }) : () -> ()
    "tpu.region"() ({
      %run_scoped3A = tpu.sem_alloc : memref<!tpu.dma_semaphore, #tpu.memory_space<semaphore_mem>>
      %dma_start3A = arith.constant 0 : i32
      %dma_start3A_5 = tpu.memref_slice %arg4[%dma_start3A, %mul3A_2] : memref<8x8192xi32, #tpu.memory_space<hbm>> -> memref<8x256xi32, #tpu.memory_space<hbm>>
      %dma_start3A_6 = arith.constant 0 : i32
      %dma_start3A_7 = tpu.memref_slice %arg4[%dma_start3A_6, %mul3A_2] : memref<8x8192xi32, #tpu.memory_space<hbm>> -> memref<8x256xi32, #tpu.memory_space<hbm>>
      tpu.enqueue_dma source(%arg7 : memref<8x256xi32, #tpu.memory_space<vmem>>) target(%dma_start3A_7 : memref<8x256xi32, #tpu.memory_space<hbm>>) target_semaphore(%run_scoped3A : memref<!tpu.dma_semaphore, #tpu.memory_space<semaphore_mem>>)
      %dma_wait3A = arith.constant 0 : i32
      %dma_wait3A_8 = tpu.memref_slice %arg4[%dma_wait3A, %mul3A_2] : memref<8x8192xi32, #tpu.memory_space<hbm>> -> memref<8x256xi32, #tpu.memory_space<hbm>>
      %dma_wait3A_9 = arith.constant 0 : i32
      %dma_wait3A_10 = tpu.memref_slice %arg4[%dma_wait3A_9, %mul3A_2] : memref<8x8192xi32, #tpu.memory_space<hbm>> -> memref<8x256xi32, #tpu.memory_space<hbm>>
      tpu.wait_dma2 semaphore(%run_scoped3A : memref<!tpu.dma_semaphore, #tpu.memory_space<semaphore_mem>>) src(%arg7 : memref<8x256xi32, #tpu.memory_space<vmem>>) dst(%dma_wait3A_10 : memref<8x256xi32, #tpu.memory_space<hbm>>)
      tpu.yield
    }) : () -> ()
    return
  }
}

module attributes {stable_mosaic.version = 14 : i64} {
  func.func @_logits_t_kernel(%arg0: i32, %arg1: memref<1024x2048xf32, #tpu.memory_space<vmem>>, %arg2: memref<2048x64xf32, #tpu.memory_space<vmem>>, %arg3: memref<64x1xf32, #tpu.memory_space<vmem>>, %arg4: memref<4x64x256xf32, #tpu.memory_space<vmem>>) attributes {dimension_semantics = [#tpu.dimension_semantics<arbitrary>], iteration_bounds = array<i64: 8>, scalar_prefetch = 0 : i64, scratch_operands = 0 : i64, tpu.core_type = #tpu.core_type<tc>, window_params = [{transform_indices = @transform_0, window_bounds = array<i64: 1024, 2048>}, {pipeline_mode = #tpu.pipeline_mode<synchronous>, transform_indices = @transform_1, window_bounds = array<i64: 2048, 64>}, {pipeline_mode = #tpu.pipeline_mode<synchronous>, transform_indices = @transform_2, window_bounds = array<i64: 64, 1>}, {transform_indices = @transform_3, window_bounds = array<i64: 4, 64, 256>}]} {
    %get3A = arith.constant 0 : index
    %get3A_0 = arith.constant 0 : index
    %get3A_1 = vector.load %arg1[%get3A, %get3A_0] : memref<1024x2048xf32, #tpu.memory_space<vmem>>, vector<1024x2048xf32>
    %get3A_2 = arith.constant 0 : index
    %get3A_3 = arith.constant 0 : index
    %get3A_4 = vector.load %arg2[%get3A_2, %get3A_3] : memref<2048x64xf32, #tpu.memory_space<vmem>>, vector<2048x64xf32>
    %dot_general3A = arith.constant dense<0.000000e+00> : vector<64x1024xf32>
    %dot_general3A_5 = tpu.matmul %get3A_4, %get3A_1, %dot_general3A {dimension_numbers = #tpu.dot_dimension_numbers<[0], [1], [1], [0], [0, 1, 1, 0], [], []>, transpose_lhs_hint = false} : vector<2048x64xf32>, vector<1024x2048xf32>, vector<64x1024xf32> -> vector<64x1024xf32>
    %get3A_6 = arith.constant 0 : index
    %get3A_7 = arith.constant 0 : index
    %get3A_8 = vector.load %arg3[%get3A_6, %get3A_7] : memref<64x1xf32, #tpu.memory_space<vmem>>, vector<64x1xf32>
    %add3A = vector.broadcast %get3A_8 : vector<64x1xf32> to vector<64x1024xf32>
    %add3A_9 = arith.addf %dot_general3A_5, %add3A : vector<64x1024xf32>
    %slice3A = vector.extract_strided_slice %add3A_9 {offsets = [0, 0], sizes = [64, 256], strides = [1, 1]} : vector<64x1024xf32> to vector<64x256xf32>
    %swap3A = arith.constant 0 : index
    %swap3A_10 = arith.constant 0 : index
    %swap3A_11 = arith.constant 0 : index
    %swap3A_12 = vector.load %arg4[%swap3A, %swap3A_10, %swap3A_11] : memref<4x64x256xf32, #tpu.memory_space<vmem>>, vector<1x64x256xf32>
    %swap3A_13 = vector.shape_cast %swap3A_12 : vector<1x64x256xf32> to vector<64x256xf32>
    %swap3A_14 = vector.shape_cast %slice3A : vector<64x256xf32> to vector<1x64x256xf32>
    tpu.vector_store %arg4[%swap3A, %swap3A_10, %swap3A_11], %swap3A_14 {strides = array<i32>} : memref<4x64x256xf32, #tpu.memory_space<vmem>>, vector<1x64x256xf32>,
    %slice3A_15 = vector.extract_strided_slice %add3A_9 {offsets = [0, 256], sizes = [64, 256], strides = [1, 1]} : vector<64x1024xf32> to vector<64x256xf32>
    %swap3A_16 = arith.constant 1 : index
    %swap3A_17 = arith.constant 0 : index
    %swap3A_18 = arith.constant 0 : index
    %swap3A_19 = vector.load %arg4[%swap3A_16, %swap3A_17, %swap3A_18] : memref<4x64x256xf32, #tpu.memory_space<vmem>>, vector<1x64x256xf32>
    %swap3A_20 = vector.shape_cast %swap3A_19 : vector<1x64x256xf32> to vector<64x256xf32>
    %swap3A_21 = vector.shape_cast %slice3A_15 : vector<64x256xf32> to vector<1x64x256xf32>
    tpu.vector_store %arg4[%swap3A_16, %swap3A_17, %swap3A_18], %swap3A_21 {strides = array<i32>} : memref<4x64x256xf32, #tpu.memory_space<vmem>>, vector<1x64x256xf32>,
    %slice3A_22 = vector.extract_strided_slice %add3A_9 {offsets = [0, 512], sizes = [64, 256], strides = [1, 1]} : vector<64x1024xf32> to vector<64x256xf32>
    %swap3A_23 = arith.constant 2 : index
    %swap3A_24 = arith.constant 0 : index
    %swap3A_25 = arith.constant 0 : index
    %swap3A_26 = vector.load %arg4[%swap3A_23, %swap3A_24, %swap3A_25] : memref<4x64x256xf32, #tpu.memory_space<vmem>>, vector<1x64x256xf32>
    %swap3A_27 = vector.shape_cast %swap3A_26 : vector<1x64x256xf32> to vector<64x256xf32>
    %swap3A_28 = vector.shape_cast %slice3A_22 : vector<64x256xf32> to vector<1x64x256xf32>
    tpu.vector_store %arg4[%swap3A_23, %swap3A_24, %swap3A_25], %swap3A_28 {strides = array<i32>} : memref<4x64x256xf32, #tpu.memory_space<vmem>>, vector<1x64x256xf32>,
    %slice3A_29 = vector.extract_strided_slice %add3A_9 {offsets = [0, 768], sizes = [64, 256], strides = [1, 1]} : vector<64x1024xf32> to vector<64x256xf32>
    %swap3A_30 = arith.constant 3 : index
    %swap3A_31 = arith.constant 0 : index
    %swap3A_32 = arith.constant 0 : index
    %swap3A_33 = vector.load %arg4[%swap3A_30, %swap3A_31, %swap3A_32] : memref<4x64x256xf32, #tpu.memory_space<vmem>>, vector<1x64x256xf32>
    %swap3A_34 = vector.shape_cast %swap3A_33 : vector<1x64x256xf32> to vector<64x256xf32>
    %swap3A_35 = vector.shape_cast %slice3A_29 : vector<64x256xf32> to vector<1x64x256xf32>
    tpu.vector_store %arg4[%swap3A_30, %swap3A_31, %swap3A_32], %swap3A_35 {strides = array<i32>} : memref<4x64x256xf32, #tpu.memory_space<vmem>>, vector<1x64x256xf32>,
    return
  }
  func.func @transform_0(%arg0: i32) -> (i32, i32) {
    %c0_i32 = arith.constant 0 : i32
    %c0_i32_0 = arith.constant 0 : i32
    return %arg0, %c0_i32 : i32, i32
  }
  func.func @transform_1(%arg0: i32) -> (i32, i32) {
    %c0_i32 = arith.constant 0 : i32
    %c0_i32_0 = arith.constant 0 : i32
    %c0_i32_1 = arith.constant 0 : i32
    return %c0_i32, %c0_i32_0 : i32, i32
  }
  func.func @transform_2(%arg0: i32) -> (i32, i32) {
    %c0_i32 = arith.constant 0 : i32
    %c0_i32_0 = arith.constant 0 : i32
    %c0_i32_1 = arith.constant 0 : i32
    return %c0_i32, %c0_i32_0 : i32, i32
  }
  func.func @transform_3(%arg0: i32) -> (i32, i32, i32) {
    %c0_i32 = arith.constant 0 : i32
    %c0_i32_0 = arith.constant 0 : i32
    %c0_i32_1 = arith.constant 0 : i32
    return %arg0, %c0_i32, %c0_i32_0 : i32, i32, i32
  }
}

</mosaic_0001>

<sc_bundles>
// kernel: kernel.4.cloned.1.call-start
scs
__scs_entry_jumppad:
0x0: {  	(pc) =	sbr.rel $0x88, $3  }
0x1: {  	(tag) =	ssettag $0x0;
	lr =	simm.s32 $0x1  }
0x2: {  	[smem:$0x3F9E] =	sst lr;
	_ =	strace $0xD0000000  }
0x3: {  	_ = 	snop  }
0x4: {  	_ = 	snop  }
0x5: {  	_ = 	snop  }
0x6: {  	_ = 	snop  }
0x7: {  	_ = 	snop  }
__scs_overlays_trampoline_lowered:
0x8: {  	[smem:$0x3FAD] =	sst s0  }
0x9: {  	[smem:$0x3FAE] =	sst s1  }
0xa: {  	[smem:$0x3FAF] =	sst s2  }
0xb: {  	[smem:$0x3FB0] =	sst s3  }
0xc: {  	[smem:$0x3FB1] =	sst s4  }
0xd: {  	[smem:$0x3FB2] =	sst s5  }
0xe: {  	[smem:$0x3FB3] =	sst s6  }
0xf: {  	[smem:$0x3FB4] =	sst s7  }
0x10: {  	[smem:$0x3FB5] =	sst s8  }
0x11: {  	[smem:$0x3FB6] =	sst s9;
	s0 =	simm.s32 @!p0 $0x0  }
0x12: {  	s1 =	sld [smem:$0x3F9C];
	s0 =	simm.s32 @p0 $0x1  }
0x13: {  	[smem:$0x3FB7] =	sst s0;
	s0 =	simm.s32 @!p1 $0x0  }
0x14: {  	s2 =	sld [smem:$0x3F9B];
	s0 =	simm.s32 @p1 $0x1  }
0x15: {  	[smem:$0x3FB8] =	sst s0;
	s0 =	simm.s32 @!p2 $0x0  }
0x16: {  	s3 =	sld [smem:$0x3FDB];
	s0 =	simm.s32 @p2 $0x1  }
0x17: {  	s4 =	simm.s32 $0x1BF5;
	[smem:$0x3FBA] =	sst s0  }
0x18: {  	s0 =	sld [smem:$0x3F9D];
	_ =	swait.ge [sflag:s4], $0x0  }
0x19: {  	s7 =	sld [smem:$0x3F9E]  }
0x1a: {  	s8 =	sadd.s32 $0xFFFFE003, lr  }
0x1b: {  	s9 =	sadd.s32 $0xFFFFFEF7, lr;
	s5 =	simm.s32 $0xFFFFFFFF;
	p2 =	slt.u32 s8, $0xFFFFF086  }
0x1c: {  	p1 =	slt.u32 s9, $0xF7A;
	s5 =	simm.s32 @!p2 $0x0  }
0x1d: {  	s5 =	simm.s32 @p1 $0x1;
	p0 =	seq.s32 s7, s2  }
0x1e: {  	s7 =	smul.u32 @!p0 $0xF7A, s2;
	p2 =	seq.s32 @!p0 s5, $0x0  }
0x1f: {  	s9 =	smul.u32 $0xF7A, s1;
	s8 =	simm.s32 @!p0 $0x1BF5;
	p2 =	por !p2, p0  }
0x20: {  	[sflag:s8] =	ssyncset.s32 @!p0 $0xFFFFF086;
	s6 =	sadd.s32 @!p0 s3, s7;
	s7 =	simm.s32 @!p0 $0x108  }
0x21: {  	s3 =	sadd.s32 s3, s9;
	s6 =	sadd.s32 @!p0 $0x88, s6;
	s7 =	simm.s32 @p2 $0x1082  }
0x22: {  	[simem:s7], [sflag:s8] =	dma.local @!p0 [hbm:s6], $0xF7A  }
0x23: {  	s9 =	sor.u32 $0xD0000000, s2;
	s6 =	simm.s32 $0x108;
	_ =	swait.ge @!p0 [sflag:s8], $0x0  }
0x24: {  	s3 =	sadd.s32 $0x88, s3;
	s6 =	simm.s32 @!p1 $0x1082;
	[sflag:s4] =	ssyncset.s32 $0xFFFFF086  }
0x25: {  	[simem:s6], [sflag:s4] =	dma.local [hbm:s3], $0xF7A  }
0x26: {  	[smem:$0x3F9E] =	sst s1;
	(tag) =	ssettag s2;
	_ =	strace s9  }
0x27: {  	s1 =	sld [smem:$0x3FAE]  }
0x28: {  	s2 =	sld [smem:$0x3FAF]  }
0x29: {  	s4 =	sld [smem:$0x3FB1]  }
0x2a: {  	p0 =	seq.s32 s5, $0x0;
	s5 =	sld [smem:$0x3FB2]  }
0x2b: {  	s6 =	sld [smem:$0x3FB3]  }
0x2c: {  	s7 =	sld [smem:$0x3FB4]  }
0x2d: {  	s3 =	simm.s32 $0x108;
	s8 =	sld [smem:$0x3FB5]  }
0x2e: {  	s3 =	simm.s32 @!p0 $0x1082;
	s9 =	sld [smem:$0x3FB6]  }
0x2f: {  	lr =	sadd.s32 s0, s3;
	s0 =	sld [smem:$0x3FAD]  }
0x30: {  	s3 =	sld [smem:$0x3FB0]  }
0x31: {  	[smem:$0x3FB9] =	sst s10  }
0x32: {  	s10 =	sld [smem:$0x3FB7];
	_ =	sdelay $0x3  }
0x33: {  	p0 =	seq.s32 s10, $0x1;
	s10 =	sld [smem:$0x3FB9];
	_ =	sdelay $0x3  }
0x34: {  	[smem:$0x3FB9] =	sst s10  }
0x35: {  	s10 =	sld [smem:$0x3FB8];
	_ =	sdelay $0x3  }
0x36: {  	p1 =	seq.s32 s10, $0x1;
	s10 =	sld [smem:$0x3FB9];
	_ =	sdelay $0x3  }
0x37: {  	[smem:$0x3FB9] =	sst s10  }
0x38: {  	s10 =	sld [smem:$0x3FBA]  }
0x39: {  	_ = 	snop;
	(pc) =	sbr.ind lr, $3  }
0x3a: {  	_ = 	snop  }
0x3b: {  	_ = 	snop  }
0x3c: {  	p2 =	seq.s32 s10, $0x1;
	s10 =	sld [smem:$0x3FB9]  }
0x3d: {  	_ =	shalt  }
0x3e: {  	_ =	shalt  }
0x3f: {  	_ =	shalt  }
0x40: {  	_ =	shalt  }
0x41: {  	_ =	shalt  }
0x42: {  	_ =	shalt  }
0x43: {  	_ =	shalt  }
0x44: {  	_ =	shalt  }
0x45: {  	_ =	shalt  }
0x46: {  	_ =	shalt  }
0x47: {  	_ =	shalt  }
0x48: {  	_ =	shalt  }
0x49: {  	_ =	shalt  }
0x4a: {  	_ =	shalt  }
0x4b: {  	_ =	shalt  }
0x4c: {  	_ =	shalt  }
0x4d: {  	_ =	shalt  }
0x4e: {  	_ =	shalt  }
0x4f: {  	_ =	shalt  }
0x50: {  	_ =	shalt  }
0x51: {  	_ =	shalt  }
0x52: {  	_ =	shalt  }
0x53: {  	_ =	shalt  }
0x54: {  	_ =	shalt  }
0x55: {  	_ =	shalt  }
0x56: {  	_ =	shalt  }
0x57: {  	_ =	shalt  }
0x58: {  	_ =	shalt  }
0x59: {  	_ =	shalt  }
0x5a: {  	_ =	shalt  }
0x5b: {  	_ =	shalt  }
0x5c: {  	_ =	shalt  }
0x5d: {  	_ =	shalt  }
0x5e: {  	_ =	shalt  }
0x5f: {  	_ =	shalt  }
0x60: {  	_ =	shalt  }
0x61: {  	_ =	shalt  }
0x62: {  	_ =	shalt  }
0x63: {  	_ =	shalt  }
0x64: {  	_ =	shalt  }
0x65: {  	_ =	shalt  }
0x66: {  	_ =	shalt  }
0x67: {  	_ =	shalt  }
0x68: {  	_ =	shalt  }
0x69: {  	_ =	shalt  }
0x6a: {  	_ =	shalt  }
0x6b: {  	_ =	shalt  }
0x6c: {  	_ =	shalt  }
0x6d: {  	_ =	shalt  }
0x6e: {  	_ =	shalt  }
0x6f: {  	_ =	shalt  }
0x70: {  	_ =	shalt  }
0x71: {  	_ =	shalt  }
0x72: {  	_ =	shalt  }
0x73: {  	_ =	shalt  }
0x74: {  	_ =	shalt  }
0x75: {  	_ =	shalt  }
0x76: {  	_ =	shalt  }
0x77: {  	_ =	shalt  }
0x78: {  	_ =	shalt  }
0x79: {  	_ =	shalt  }
0x7a: {  	_ =	shalt  }
0x7b: {  	_ =	shalt  }
0x7c: {  	_ =	shalt  }
0x7d: {  	_ =	shalt  }
0x7e: {  	_ =	shalt  }
0x7f: {  	_ =	shalt  }
0x80: {  	_ =	shalt  }
0x81: {  	_ =	shalt  }
0x82: {  	_ =	shalt  }
0x83: {  	_ =	shalt  }
0x84: {  	_ =	shalt  }
0x85: {  	_ =	shalt  }
0x86: {  	_ =	shalt  }
0x87: {  	_ =	shalt  }
.Lfunc_end0:
.L_simem_size_0:
called_computation_lowered:
.L_overlay_start_0:
0x88: {  	s2 =	sld [smem:$0x3FD9]  }
0x89: {  	s3 =	sld [smem:$0x3FFE];
	_ =	sdelay $0x1  }
0x8a: {  	s1 =	srdreg.scid  }
0x8b: {  	s0 =	sand.u32 $0x1, s1  }
0x8c: {  	s14 =	sshll.u32 s0, $0xA;
	s2 =	sadd.s32 s3, s2  }
0x8d: {  	s2 =	sadd.s32 s2, s14  }
0x8e: {  	[smem:$0x3FC5] =	sst s2  }
0x8f: {  	_ = 	snop  }
0x90: {  	s2 =	sld [smem:$0x3FD0];
	_ =	sdelay $0x2  }
0x91: {  	s15 =	simm.s32 $0xA;
	s4 =	simm.s32 $0x10  }
0x92: {  	[smem:s4], [sflag:s15] =	dma.local [hbm:s2], $0x1  }
0x93: {  	_ =	swait.eq [sflag:s15], $0x1  }
0x94: {  	[sflag:s15] =	ssyncset.done $0x0  }
0x95: {  	s16 =	sld [smem:$0x10];
	[sflag:s15] =	ssyncadd.s32 $0xFFFFFFFF  }
0x96: {  	s17 =	sld [smem:$0x11];
	(tm) =	ssettm $0x1  }
0x97: {  	s18 =	sld [smem:$0x3FFB];
	_ =	sdelay $0x3  }
0x98: {  	_ =	strace s18  }
0x99: {  	s4 =	sld [smem:$0x3FFC];
	_ =	sdelay $0x3  }
0x9a: {  	_ =	strace s4  }
0x9b: {  	s4 =	sld [smem:$0x3FFD];
	_ =	sdelay $0x3  }
0x9c: {  	_ =	strace s4  }
0x9d: {  	_ =	strace $0x8FFFFFFF  }
0x9e: {  	s19 =	sld [smem:$0x3FDB];
	_ =	sdelay $0x1  }
0x9f: {  	s5 =	simm.s32 $_scs_section_size  }
0xa0: {  	s6 =	simm.s32 $_size__tile_overlayer_lowered;
	s7 =	simm.s32 $_tile_overlayer_lowered  }
0xa1: {  	s22 =	simm.s32 $0x1BFF;
	s21 =	sshll.u32 s7, $0x1;
	s4 =	sadd.s32 s5, s19  }
0xa2: {  	s8 =	simm.s32 $0x0;
	s20 =	sshll.u32 s6, $0x1;
	s6 =	sadd.s32 s21, s4  }
0xa3: {  	[timem:s8], [sflag:s22] =	dma.local [hbm:s6], s20  }
0xa4: {  	_ =	swait.ge [sflag:s22], s20  }
0xa5: {  	s5 =	ssub.s32 $0x0, s20;
	[sflag:s22] =	ssyncset.done $0x0  }
0xa6: {  	[sflag:s22] =	ssyncadd.s32 s5;
	_ =	sdelay $0x1  }
0xa7: {  	s23 =	simm.s32 $0x1B8B  }
0xa8: {  	_ =	swait.ge [sflag:s23], $0x1  }
0xa9: {  	[sflag:s23] =	ssyncset.done $0x0  }
0xaa: {  	s25 =	simm.s32 $0x1B8E;
	s24 =	sld [smem:$0x3FFE];
	[sflag:s23] =	ssyncadd.s32 $0xFFFFFFFF  }
0xab: {  	s26 =	simm.s32 $execute0_lowered;
	[smem:$0x3FD2] =	sst s25  }
0xac: {  	s6 =	sshll.u32 s26, $0x1;
	_ =	strace $0x80000046;
	[dreg:$0x1] =	wrdreg $0xFFFFFFFF  }
0xad: {  	s28 =	simm.s32 $_size_execute0_lowered;
	s4 =	sadd.s32 s4, s6;
	[dreg:$0x0] =	wrdreg $0x0  }
0xae: {  	s6 =	sshll.u32 s28, $0x1;
	[dreg:$0x2] =	wrdreg s4  }
0xaf: {  	[dreg:$0x3] =	wrdreg s6  }
0xb0: {  	[dreg:$0x4] =	wrdreg $0xC0  }
0xb1: {  	_ =	task [dreg:s8], $0x5FFFF  }
0xb2: {  	[dreg:$0x1] =	wrdreg $0xFFFFFFFF  }
0xb3: {  	[dreg:$0x0] =	wrdreg $0x60  }
0xb4: {  	[dreg:$0x2] =	wrdreg s24  }
0xb5: {  	[dreg:$0x3] =	wrdreg s16  }
0xb6: {  	[dreg:$0x4] =	wrdreg s17  }
0xb7: {  	[dreg:$0x5] =	wrdreg $0x9  }
0xb8: {  	_ =	task.clear_ibuf [dreg:s8], $0x6FFFF;
	_ =	strace $0x90000046  }
0xb9: {  	s29 =	simm.s32 $0x9;
	_ =	strace $0x80000048  }
0xba: {  	_ =	swait.ge [sflag:s29], $0x1  }
0xbb: {  	[sflag:s29] =	ssyncadd.s32 $0xFFFFFFFF  }
0xbc: {  	_ =	strace $0x90000048  }
0xbd: {  	_ =	sfence  }
0xbe: {  	s30 =	sld [smem:$0x0];
	_ =	sdelay $0x2  }
0xbf: {  	s31 =	sshll.u32 s1, $0xD;
	s1 =	sshrl.u32 s1, $0x2  }
0xc0: {  	s3 =	sand.u32 $0x4000, s31;
	s1 =	sadd.s32 s1, s30  }
0xc1: {  	s0 =	sor.u32 s3, s0;
	s1 =	sshll.u32 s1, $0x11  }
0xc2: {  	s0 =	sor.u32 s1, s0  }
0xc3: {  	s0 =	sadd.s32 $0x8F2B, s0  }
0xc4: {  	[sflag:s0] =	ssyncadd.remote.s32 $0x1  }
0xc5: {  	_ =	sfence.sel $0xFFFF  }
0xc6: {  	[dreg:$0x0] =	wrdreg $0xFFFFFFFF;
	(pc) =	sbr.abs _section_cstart, $3  }
0xc7: {  	[dreg:$0x1] =	wrdreg $0xFFFFFFFF  }
0xc8: {  	_ =	task.clear_ibuf [dreg:s8], $0x2FFFF;
	_ =	strace $0x9FFFFFFF  }
0xc9: {  	(tm) =	ssettm $0x7FFFFFFF  }
tec
execute0_lowered:
.L_overlay_start_1:
0x0: {  	(tag) =	ssettag $0x1  }
0x1: {  	s3 =	rddreg [dreg:$0x0]  }
0x2: {  	s4 =	rddreg [dreg:$0x1]  }
0x3: {  	s5 =	rddreg [dreg:$0x2]  }
0x4: {  	s0 =	rddreg [dreg:$0x3];
	s6 =	srdreg.scid  }
0x5: {  	s1 =	stileid.u32;
	s2 =	simm.s32 $0x0;
	s9 =	simm.s32 $0x4800  }
0x6: {  	s10 =	simm.s32 $0x0;
	s6 =	sand.u32 $0x1, s6;
	s7 =	sshll.u32 s1, $0x1  }
0x7: {  	[smem:$0x7FF] =	sst s2;
	s7 =	sor.u32 s6, s7;
	s6 =	ssub.s32 $0x2, s6  }
0x8: {  	_ =	strace $0x80000047;
	s8 =	sshll.u32 s7, $0xB;
	s31 =	sshrl.u32 s6, $0x1  }
0x9: {  	s7 =	sshll.u32 s7, $0x8;
	s3 =	sadd.s32 s8, s3;
	s6 =	ssub.s32 s6, s31  }
0xa: {  	s4 =	sadd.s32 s4, s7;
	s5 =	sadd.s32 s5, s7;
	s7 =	simm.s32 $0x1  }
0xb: {  	v0 =	vimm.s32 $0x0;
	s8 =	simm.s32 $0x4000;
	s3 =	sadd.s32 $0xA00, s3;
	s6 =	smax.u32 s6, $0x1  }
.LBB2_1:
0xc: {  	[tilespmem:s2], [sflag:$0x1] =	stream.linear.gather [hbm4b:s3+s2], $0x4000, $0x38;
	[tilespmem:$0x5000] =	vst v63  }
0xd: {  	_ =	swait.ge [sflag:s7], $0x4000  }
0xe: {  	[sflag:s7] =	ssyncset.done $0x0  }
0xf: {  	s11 =	simm.s32 $0x0;
	s12 =	simm.s32 $0x0;
	[sflag:s7] =	ssyncadd.s32 $0xFFFFC000  }
.LBB2_2:
0x10: {  	s13 =	sand.u32 $0x70, s12;
	s14 =	sand.u32 $0x400, s11  }
0x11: {  	s15 =	sand.u32 $0xFFFFFC00, s11;
	s13 =	sor.u32 s13, s14  }
0x12: {  	s16 =	sadd.s32 s15, s12;
	v1 =	vld [tilespmem:s13+$0x0]  }
0x13: {  	s15 =	sor.u32 $0x80, s16;
	v3 =	vld [tilespmem:s13+$0x100]  }
0x14: {  	s31 =	sor.u32 $0x180, s16;
	v2 =	vld [tilespmem:s15+$0x0]  }
0x15: {  	s16 =	sor.u32 $0x280, s16;
	v6 =	vld [tilespmem:s31+$0x0]  }
0x16: {  	v14 =	vld [tilespmem:s16+$0x0]  }
0x17: {  	v37 =	vld [tilespmem:s13+$0x200]  }
0x18: {  	vm0 =	vgt.f32 v1, $-Inf;
	vm10 =	vlt.f32 v3, $-Inf  }
0x19: {  	vm11 =	vgt.f32 v3, $-Inf;
	v1 =	vnsel vm0, $0xFF800000, v1;
	vm1 =	vlt.f32 v2, $-Inf  }
0x1a: {  	vm2 =	vgt.f32 v2, $-Inf;
	vm14 =	vlt.f32 v6, $-Inf;
	vm15 =	vgt.f32 v6, $-Inf  }
0x1b: {  	vm6 =	vgt.f32 v14, $-Inf;
	vm0 =	vgt.f32 v2, v1;
	vm1 =	vmor vm2, vm1  }
0x1c: {  	vm2 =	vmor vm11, vm10;
	vm11 =	vlt.f32 v37, $-Inf;
	vm3 =	vmneg vm0  }
0x1d: {  	v4 =	vsel vm0, v2, v1;
	v5 =	vsel vm0, $0x1, v0;
	v2 =	vnsel vm1, $0xFF800000, v2  }
0x1e: {  	v36 =	vsel vm2, $0x2, v0;
	vm1 =	vmand vm1, vm3;
	v1 =	vsel vm0, v1, v2  }
0x1f: {  	vm8 =	vgt.f32 v3, v4;
	v2 =	vsel vm1, $0x1, v0;
	vm9 =	vgt.f32 v3, v1  }
0x20: {  	v7 =	vsel vm8, v3, v4;
	v9 =	vsel vm8, $0x2, v5;
	v8 =	vsel vm9, v3, v1  }
0x21: {  	v10 =	vsel vm9, $0x2, v2;
	v3 =	vnsel vm2, $0xFF800000, v3;
	v2 =	vsel vm9, v2, v36  }
0x22: {  	vm12 =	vgt.f32 v6, v7;
	vm2 =	vmor vm15, vm14;
	v4 =	vsel vm8, v4, v8  }
0x23: {  	v5 =	vsel vm8, v5, v10;
	v1 =	vsel vm9, v1, v3;
	v3 =	vsel vm12, v6, v7  }
0x24: {  	v38 =	vsel vm12, $0x3, v9;
	v41 =	vsel vm2, $0x3, v0;
	vm13 =	vgt.f32 v6, v4  }
0x25: {  	vm4 =	vgt.f32 v6, v1;
	vm8 =	vgt.f32 v37, v3;
	v11 =	vsel vm13, v6, v4  }
0x26: {  	v12 =	vsel vm13, $0x3, v5;
	v39 =	vsel vm4, v6, v1;
	v40 =	vsel vm4, $0x3, v2  }
0x27: {  	v6 =	vnsel vm2, $0xFF800000, v6;
	v2 =	vsel vm4, v2, v41;
	v42 =	vsel vm8, v37, v3  }
0x28: {  	v43 =	vsel vm8, $0x4, v38;
	v7 =	vsel vm12, v7, v11;
	v9 =	vsel vm12, v9, v12  }
0x29: {  	v4 =	vsel vm13, v4, v39;
	v5 =	vsel vm13, v5, v40;
	v1 =	vsel vm4, v1, v6  }
0x2a: {  	v16 =	vld [tilespmem:s13+$0x300];
	vm12 =	vgt.f32 v37, $-Inf;
	vm13 =	vgt.f32 v14, v42;
	vm9 =	vgt.f32 v37, v7  }
0x2b: {  	vm10 =	vgt.f32 v37, v4;
	vm5 =	vgt.f32 v37, v1;
	vm3 =	vmor vm12, vm11  }
0x2c: {  	vm11 =	vlt.f32 v14, $-Inf;
	v50 =	vsel vm13, v14, v42;
	v52 =	vsel vm13, $0x5, v43  }
0x2d: {  	v44 =	vsel vm9, v37, v7;
	v13 =	vsel vm9, $0x4, v9;
	v45 =	vsel vm10, v37, v4  }
0x2e: {  	v46 =	vsel vm10, $0x4, v5;
	v47 =	vsel vm5, v37, v1;
	v48 =	vsel vm5, $0x4, v2  }
0x2f: {  	s17 =	sor.u32 s11, s12;
	v8 =	vnsel vm3, $0xFF800000, v37;
	v49 =	vsel vm3, $0x4, v0;
	vm12 =	vgt.f32 v16, v50  }
0x30: {  	s17 =	sor.u32 $0x380, s17;
	v3 =	vsel vm8, v3, v44;
	v10 =	vsel vm8, v38, v13;
	v7 =	vsel vm9, v7, v45  }
0x31: {  	v24 =	vld [tilespmem:s17+$0x0];
	v9 =	vsel vm9, v9, v46;
	v4 =	vsel vm10, v4, v47;
	v5 =	vsel vm10, v5, v48  }
0x32: {  	v1 =	vsel vm5, v1, v8;
	v2 =	vsel vm5, v2, v49;
	vm5 =	vmor vm6, vm11  }
0x33: {  	vm11 =	vgt.f32 v16, $-Inf;
	v61 =	vsel vm12, v16, v50;
	v62 =	vsel vm12, $0x6, v52  }
0x34: {  	vm14 =	vgt.f32 v14, v3;
	vm15 =	vgt.f32 v14, v7;
	vm9 =	vgt.f32 v14, v4  }
0x35: {  	vm10 =	vgt.f32 v14, v1;
	v59 =	vnsel vm5, $0xFF800000, v14;
	v60 =	vsel vm5, $0x5, v0  }
0x36: {  	vm0 =	vgt.f32 v24, v61;
	v51 =	vsel vm14, v14, v3;
	v15 =	vsel vm14, $0x5, v10  }
0x37: {  	v53 =	vsel vm15, v14, v7;
	v54 =	vsel vm15, $0x5, v9;
	v55 =	vsel vm9, v14, v4  }
0x38: {  	v56 =	vsel vm9, $0x5, v5;
	v57 =	vsel vm10, v14, v1;
	v58 =	vsel vm10, $0x5, v2  }
0x39: {  	v1 =	vsel vm10, v1, v59;
	v2 =	vsel vm10, v2, v60;
	vm10 =	vlt.f32 v16, $-Inf  }
0x3a: {  	v29 =	vsel vm0, v24, v61;
	v30 =	vsel vm0, $0x7, v62;
	v6 =	vsel vm13, v42, v51  }
0x3b: {  	v11 =	vsel vm13, v43, v15;
	v3 =	vsel vm14, v3, v53;
	v10 =	vsel vm14, v10, v54  }
0x3c: {  	v7 =	vsel vm15, v7, v55;
	v9 =	vsel vm15, v9, v56;
	v4 =	vsel vm9, v4, v57  }
0x3d: {  	v5 =	vsel vm9, v5, v58;
	vm7 =	vgt.f32 v16, v1;
	vm5 =	vmor vm11, vm10  }
0x3e: {  	vm13 =	vgt.f32 v16, v6;
	vm14 =	vgt.f32 v16, v3;
	vm15 =	vgt.f32 v16, v7  }
0x3f: {  	vm9 =	vgt.f32 v16, v4;
	v26 =	vsel vm7, v16, v1;
	v27 =	vsel vm7, $0x6, v2  }
0x40: {  	v28 =	vsel vm5, $0x6, v0;
	v63 =	vsel vm13, v16, v6;
	v17 =	vsel vm13, $0x6, v11  }
0x41: {  	v20 =	vsel vm14, v16, v3;
	v21 =	vsel vm14, $0x6, v10;
	v22 =	vsel vm15, v16, v7  }
0x42: {  	v23 =	vsel vm15, $0x6, v9;
	v25 =	vsel vm9, v16, v4;
	v18 =	vsel vm9, $0x6, v5  }
0x43: {  	v4 =	vsel vm9, v4, v26;
	v16 =	vnsel vm5, $0xFF800000, v16;
	v5 =	vsel vm9, v5, v27  }
0x44: {  	v2 =	vsel vm7, v2, v28;
	v8 =	vsel vm12, v50, v63;
	v13 =	vsel vm12, v52, v17  }
0x45: {  	v6 =	vsel vm13, v6, v20;
	v11 =	vsel vm13, v11, v21;
	v3 =	vsel vm14, v3, v22  }
0x46: {  	v10 =	vsel vm14, v10, v23;
	v7 =	vsel vm15, v7, v25;
	v9 =	vsel vm15, v9, v18  }
0x47: {  	v1 =	vsel vm7, v1, v16;
	vm13 =	vgt.f32 v24, v4;
	vm14 =	vlt.f32 v24, $-Inf  }
0x48: {  	vm15 =	vgt.f32 v24, $-Inf;
	vm1 =	vgt.f32 v24, v8;
	vm2 =	vgt.f32 v24, v6  }
0x49: {  	vm3 =	vgt.f32 v24, v3;
	vm12 =	vgt.f32 v24, v7;
	vm8 =	vgt.f32 v24, v1  }
0x4a: {  	vm6 =	vmor vm15, vm14;
	v38 =	vsel vm13, v24, v4;
	v39 =	vsel vm13, $0x7, v5  }
0x4b: {  	v31 =	vsel vm1, v24, v8;
	v19 =	vsel vm1, $0x7, v13;
	v32 =	vsel vm2, v24, v6  }
0x4c: {  	v33 =	vsel vm2, $0x7, v11;
	v34 =	vsel vm3, v24, v3;
	v35 =	vsel vm3, $0x7, v10  }
0x4d: {  	v36 =	vsel vm12, v24, v7;
	v37 =	vsel vm12, $0x7, v9;
	v7 =	vsel vm12, v7, v38  }
0x4e: {  	v20 =	vld [tilespmem:s13+$0x800];
	v40 =	vsel vm8, v24, v1;
	v9 =	vsel vm12, v9, v39;
	v41 =	vsel vm8, $0x7, v2  }
0x4f: {  	v15 =	vnsel vm6, $0xFF800000, v24;
	v42 =	vsel vm6, $0x7, v0;
	v12 =	vsel vm0, v61, v31  }
0x50: {  	v14 =	vsel vm0, v62, v19;
	v8 =	vsel vm1, v8, v32;
	v13 =	vsel vm1, v13, v33  }
0x51: {  	v6 =	vsel vm2, v6, v34;
	v11 =	vsel vm2, v11, v35;
	v3 =	vsel vm3, v3, v36  }
0x52: {  	v10 =	vsel vm3, v10, v37;
	v4 =	vsel vm13, v4, v40;
	v5 =	vsel vm13, v5, v41  }
0x53: {  	v1 =	vsel vm8, v1, v15;
	v2 =	vsel vm8, v2, v42;
	vm0 =	vgt.f32 v20, v29  }
0x54: {  	vm9 =	vgt.f32 v20, v12;
	vm10 =	vgt.f32 v20, v8;
	vm11 =	vgt.f32 v20, v6  }
0x55: {  	vm12 =	vgt.f32 v20, v3;
	vm13 =	vgt.f32 v20, v7;
	vm14 =	vgt.f32 v20, v4  }
0x56: {  	vm15 =	vgt.f32 v20, v1;
	v43 =	vsel vm0, v20, v29;
	v44 =	vsel vm9, v20, v12  }
0x57: {  	v45 =	vsel vm0, $0x8, v30;
	v21 =	vsel vm9, $0x8, v14;
	v46 =	vsel vm10, v20, v8  }
0x58: {  	v47 =	vsel vm10, $0x8, v13;
	v48 =	vsel vm11, v20, v6;
	v49 =	vsel vm11, $0x8, v11  }
0x59: {  	v50 =	vsel vm12, v20, v3;
	v51 =	vsel vm12, $0x8, v10;
	v53 =	vsel vm13, v20, v7  }
0x5a: {  	v22 =	vsel vm13, $0x8, v9;
	v54 =	vsel vm14, v20, v4;
	v55 =	vsel vm14, $0x8, v5  }
0x5b: {  	v52 =	vld [tilespmem:s13+$0x880];
	v1 =	vsel vm15, v20, v1;
	v2 =	vsel vm15, $0x8, v2;
	v16 =	vsel vm0, v29, v44  }
0x5c: {  	v17 =	vsel vm0, v30, v21;
	v12 =	vsel vm9, v12, v46;
	v14 =	vsel vm9, v14, v47  }
0x5d: {  	v8 =	vsel vm10, v8, v48;
	v13 =	vsel vm10, v13, v49;
	v6 =	vsel vm11, v6, v50  }
0x5e: {  	v11 =	vsel vm11, v11, v51;
	v3 =	vsel vm12, v3, v53;
	v10 =	vsel vm12, v10, v22  }
0x5f: {  	v7 =	vsel vm13, v7, v54;
	v9 =	vsel vm13, v9, v55;
	v1 =	vsel vm14, v4, v1  }
0x60: {  	v2 =	vsel vm14, v5, v2;
	vm0 =	vgt.f32 v52, v43;
	v22 =	vimm.s32 $0x0  }
0x61: {  	vm9 =	vgt.f32 v52, v16;
	vm10 =	vgt.f32 v52, v12;
	vm11 =	vgt.f32 v52, v8  }
0x62: {  	vm12 =	vgt.f32 v52, v6;
	vm13 =	vgt.f32 v52, v3;
	vm14 =	vgt.f32 v52, v7  }
0x63: {  	vm15 =	vgt.f32 v52, v1;
	v56 =	vsel vm0, v52, v43;
	v57 =	vsel vm0, $0x9, v45  }
0x64: {  	v58 =	vsel vm9, v52, v16;
	v59 =	vsel vm9, $0x9, v17;
	v60 =	vsel vm10, v52, v12  }
0x65: {  	v61 =	vsel vm10, $0x9, v14;
	v62 =	vsel vm11, v52, v8;
	v63 =	vsel vm11, $0x9, v13  }
0x66: {  	v24 =	vsel vm12, v52, v6;
	v25 =	vsel vm12, $0x9, v11;
	v26 =	vsel vm13, v52, v3  }
0x67: {  	v28 =	vsel vm13, $0x9, v10;
	v29 =	vsel vm14, v52, v7;
	v30 =	vsel vm14, $0x9, v9  }
0x68: {  	v27 =	vld [tilespmem:s13+$0x900];
	v1 =	vsel vm15, v52, v1;
	v2 =	vsel vm15, $0x9, v2;
	v15 =	vsel vm0, v43, v58  }
0x69: {  	v19 =	vsel vm0, v45, v59;
	v16 =	vsel vm9, v16, v60;
	v17 =	vsel vm9, v17, v61  }
0x6a: {  	v12 =	vsel vm10, v12, v62;
	v14 =	vsel vm10, v14, v63;
	v8 =	vsel vm11, v8, v24  }
0x6b: {  	v13 =	vsel vm11, v13, v25;
	v6 =	vsel vm12, v6, v26;
	v11 =	vsel vm12, v11, v28  }
0x6c: {  	v3 =	vsel vm13, v3, v29;
	v10 =	vsel vm13, v10, v30;
	v1 =	vsel vm14, v7, v1  }
0x6d: {  	v2 =	vsel vm14, v9, v2;
	vm0 =	vgt.f32 v27, v56;
	vm9 =	vgt.f32 v27, v15  }
0x6e: {  	vm10 =	vgt.f32 v27, v16;
	vm11 =	vgt.f32 v27, v12;
	vm12 =	vgt.f32 v27, v8  }
0x6f: {  	vm13 =	vgt.f32 v27, v6;
	vm14 =	vgt.f32 v27, v3;
	vm15 =	vgt.f32 v27, v1  }
0x70: {  	v31 =	vsel vm0, v27, v56;
	v32 =	vsel vm0, $0xA, v57;
	v33 =	vsel vm9, v27, v15  }
0x71: {  	v34 =	vsel vm9, $0xA, v19;
	v35 =	vsel vm10, v27, v16;
	v36 =	vsel vm10, $0xA, v17  }
0x72: {  	v37 =	vsel vm11, v27, v12;
	v38 =	vsel vm11, $0xA, v14;
	v39 =	vsel vm12, v27, v8  }
0x73: {  	v40 =	vsel vm12, $0xA, v13;
	v42 =	vsel vm13, v27, v6;
	v43 =	vsel vm13, $0xA, v11  }
0x74: {  	v44 =	vsel vm14, v27, v3;
	v45 =	vsel vm14, $0xA, v10;
	v1 =	vsel vm15, v27, v1  }
0x75: {  	v41 =	vld [tilespmem:s13+$0x980];
	v2 =	vsel vm15, $0xA, v2;
	v4 =	vsel vm0, v56, v33;
	v5 =	vsel vm0, v57, v34  }
0x76: {  	v15 =	vsel vm9, v15, v35;
	v19 =	vsel vm9, v19, v36;
	v16 =	vsel vm10, v16, v37  }
0x77: {  	v17 =	vsel vm10, v17, v38;
	v12 =	vsel vm11, v12, v39;
	v14 =	vsel vm11, v14, v40  }
0x78: {  	v8 =	vsel vm12, v8, v42;
	v13 =	vsel vm12, v13, v43;
	v6 =	vsel vm13, v6, v44  }
0x79: {  	v11 =	vsel vm13, v11, v45;
	v1 =	vsel vm14, v3, v1;
	v2 =	vsel vm14, v10, v2  }
0x7a: {  	vm0 =	vgt.f32 v41, v31;
	vm9 =	vgt.f32 v41, v4;
	vm10 =	vgt.f32 v41, v15  }
0x7b: {  	vm11 =	vgt.f32 v41, v16;
	vm12 =	vgt.f32 v41, v12;
	vm13 =	vgt.f32 v41, v8  }
0x7c: {  	vm14 =	vgt.f32 v41, v6;
	vm15 =	vgt.f32 v41, v1;
	v3 =	vsel vm0, v41, v31  }
0x7d: {  	v47 =	vsel vm0, $0xB, v32;
	v46 =	vsel vm9, v41, v4;
	v48 =	vsel vm9, $0xB, v5  }
0x7e: {  	v49 =	vsel vm10, v41, v15;
	v50 =	vsel vm10, $0xB, v19;
	v51 =	vsel vm11, v41, v16  }
0x7f: {  	v52 =	vsel vm11, $0xB, v17;
	v53 =	vsel vm12, v41, v12;
	v54 =	vsel vm12, $0xB, v14  }
0x80: {  	v56 =	vsel vm13, v41, v8;
	v57 =	vsel vm13, $0xB, v13;
	v58 =	vsel vm14, v41, v6  }
0x81: {  	v55 =	vld [tilespmem:s13+$0xA00];
	v59 =	vsel vm14, $0xB, v11;
	v1 =	vsel vm15, v41, v1;
	v2 =	vsel vm15, $0xB, v2  }
0x82: {  	v7 =	vsel vm0, v31, v46;
	v9 =	vsel vm0, v32, v48;
	v4 =	vsel vm9, v4, v49  }
0x83: {  	v5 =	vsel vm9, v5, v50;
	v10 =	vsel vm10, v15, v51;
	v19 =	vsel vm10, v19, v52  }
0x84: {  	v15 =	vsel vm11, v16, v53;
	v17 =	vsel vm11, v17, v54;
	v12 =	vsel vm12, v12, v56  }
0x85: {  	v14 =	vsel vm12, v14, v57;
	v8 =	vsel vm13, v8, v58;
	v13 =	vsel vm13, v13, v59  }
0x86: {  	v1 =	vsel vm14, v6, v1;
	v2 =	vsel vm14, v11, v2;
	vm0 =	vgt.f32 v55, v3  }
0x87: {  	vm9 =	vgt.f32 v55, v7;
	vm10 =	vgt.f32 v55, v4;
	vm11 =	vgt.f32 v55, v10  }
0x88: {  	vm12 =	vgt.f32 v55, v15;
	vm13 =	vgt.f32 v55, v12;
	vm14 =	vgt.f32 v55, v8  }
0x89: {  	vm15 =	vgt.f32 v55, v1;
	v60 =	vsel vm0, v55, v3;
	v61 =	vsel vm0, $0xC, v47  }
0x8a: {  	v62 =	vsel vm9, v55, v7;
	v63 =	vsel vm9, $0xC, v9;
	v24 =	vsel vm10, v55, v4  }
0x8b: {  	v25 =	vsel vm10, $0xC, v5;
	v26 =	vsel vm11, v55, v10;
	v27 =	vsel vm11, $0xC, v19  }
0x8c: {  	v28 =	vsel vm12, v55, v15;
	v29 =	vsel vm12, $0xC, v17;
	v30 =	vsel vm13, v55, v12  }
0x8d: {  	v32 =	vsel vm13, $0xC, v14;
	v33 =	vsel vm14, v55, v8;
	v34 =	vsel vm14, $0xC, v13  }
0x8e: {  	v31 =	vld [tilespmem:s13+$0xA80];
	v1 =	vsel vm15, v55, v1;
	v2 =	vsel vm15, $0xC, v2;
	v3 =	vsel vm0, v3, v62  }
0x8f: {  	v18 =	vsel vm0, v47, v63;
	v7 =	vsel vm9, v7, v24;
	v9 =	vsel vm9, v9, v25  }
0x90: {  	v4 =	vsel vm10, v4, v26;
	v5 =	vsel vm10, v5, v27;
	v10 =	vsel vm11, v10, v28  }
0x91: {  	v19 =	vsel vm11, v19, v29;
	v15 =	vsel vm12, v15, v30;
	v17 =	vsel vm12, v17, v32  }
0x92: {  	v12 =	vsel vm13, v12, v33;
	v14 =	vsel vm13, v14, v34;
	v1 =	vsel vm14, v8, v1  }
0x93: {  	v2 =	vsel vm14, v13, v2;
	vm0 =	vgt.f32 v31, v60;
	vm9 =	vgt.f32 v31, v3  }
0x94: {  	vm10 =	vgt.f32 v31, v7;
	vm11 =	vgt.f32 v31, v4;
	vm12 =	vgt.f32 v31, v10  }
0x95: {  	vm13 =	vgt.f32 v31, v15;
	vm14 =	vgt.f32 v31, v12;
	vm15 =	vgt.f32 v31, v1  }
0x96: {  	v35 =	vsel vm0, v31, v60;
	v36 =	vsel vm0, $0xD, v61;
	v37 =	vsel vm9, v31, v3  }
0x97: {  	v38 =	vsel vm9, $0xD, v18;
	v39 =	vsel vm10, v31, v7;
	v40 =	vsel vm10, $0xD, v9  }
0x98: {  	v41 =	vsel vm11, v31, v4;
	v42 =	vsel vm11, $0xD, v5;
	v43 =	vsel vm12, v31, v10  }
0x99: {  	v44 =	vsel vm12, $0xD, v19;
	v46 =	vsel vm13, v31, v15;
	v47 =	vsel vm13, $0xD, v17  }
0x9a: {  	v48 =	vsel vm14, v31, v12;
	v49 =	vsel vm14, $0xD, v14;
	v1 =	vsel vm15, v31, v1  }
0x9b: {  	v45 =	vld [tilespmem:s13+$0xB00];
	v2 =	vsel vm15, $0xD, v2;
	v6 =	vsel vm0, v60, v37;
	v11 =	vsel vm0, v61, v38  }
0x9c: {  	v3 =	vsel vm9, v3, v39;
	v18 =	vsel vm9, v18, v40;
	v7 =	vsel vm10, v7, v41  }
0x9d: {  	v9 =	vsel vm10, v9, v42;
	v4 =	vsel vm11, v4, v43;
	v5 =	vsel vm11, v5, v44  }
0x9e: {  	v10 =	vsel vm12, v10, v46;
	v19 =	vsel vm12, v19, v47;
	v15 =	vsel vm13, v15, v48  }
0x9f: {  	v50 =	vsel vm13, v17, v49;
	v1 =	vsel vm14, v12, v1;
	v2 =	vsel vm14, v14, v2  }
0xa0: {  	vm0 =	vgt.f32 v45, v35;
	vm9 =	vgt.f32 v45, v6;
	vm10 =	vgt.f32 v45, v3  }
0xa1: {  	vm11 =	vgt.f32 v45, v7;
	vm12 =	vgt.f32 v45, v4;
	vm13 =	vgt.f32 v45, v10  }
0xa2: {  	vm14 =	vgt.f32 v45, v15;
	vm15 =	vgt.f32 v45, v1;
	v51 =	vsel vm0, v45, v35  }
0xa3: {  	v53 =	vsel vm0, $0xE, v36;
	v52 =	vsel vm9, v45, v6;
	v54 =	vsel vm9, $0xE, v11  }
0xa4: {  	v55 =	vsel vm10, v45, v3;
	v56 =	vsel vm10, $0xE, v18;
	v57 =	vsel vm11, v45, v7  }
0xa5: {  	v58 =	vsel vm11, $0xE, v9;
	v59 =	vsel vm12, v45, v4;
	v60 =	vsel vm12, $0xE, v5  }
0xa6: {  	v62 =	vsel vm13, v45, v10;
	v63 =	vsel vm13, $0xE, v19;
	v24 =	vsel vm14, v45, v15  }
0xa7: {  	v61 =	vld [tilespmem:s13+$0xB80];
	v25 =	vsel vm14, $0xE, v50;
	v1 =	vsel vm15, v45, v1;
	v2 =	vsel vm15, $0xE, v2  }
0xa8: {  	v8 =	vsel vm0, v35, v52;
	v13 =	vsel vm0, v36, v54;
	v6 =	vsel vm9, v6, v55  }
0xa9: {  	v11 =	vsel vm9, v11, v56;
	v3 =	vsel vm10, v3, v57;
	v18 =	vsel vm10, v18, v58  }
0xaa: {  	v7 =	vsel vm11, v7, v59;
	v9 =	vsel vm11, v9, v60;
	v4 =	vsel vm12, v4, v62  }
0xab: {  	v5 =	vsel vm12, v5, v63;
	v10 =	vsel vm13, v10, v24;
	v19 =	vsel vm13, v19, v25  }
0xac: {  	v1 =	vsel vm14, v15, v1;
	v2 =	vsel vm14, v50, v2;
	vm0 =	vgt.f32 v61, v51  }
0xad: {  	vm9 =	vgt.f32 v61, v8;
	vm10 =	vgt.f32 v61, v6;
	vm11 =	vgt.f32 v61, v3  }
0xae: {  	vm12 =	vgt.f32 v61, v7;
	vm13 =	vgt.f32 v61, v4;
	vm14 =	vgt.f32 v61, v10  }
0xaf: {  	vm15 =	vgt.f32 v61, v1;
	v26 =	vsel vm0, v61, v51;
	v27 =	vsel vm0, $0xF, v53  }
0xb0: {  	v28 =	vsel vm9, v61, v8;
	v29 =	vsel vm9, $0xF, v13;
	v30 =	vsel vm10, v61, v6  }
0xb1: {  	v31 =	vsel vm10, $0xF, v11;
	v32 =	vsel vm11, v61, v3;
	v33 =	vsel vm11, $0xF, v18  }
0xb2: {  	v34 =	vsel vm12, v61, v7;
	v35 =	vsel vm12, $0xF, v9;
	v36 =	vsel vm13, v61, v4  }
0xb3: {  	v38 =	vsel vm13, $0xF, v5;
	v39 =	vsel vm14, v61, v10;
	v40 =	vsel vm14, $0xF, v19  }
0xb4: {  	v37 =	vld [tilespmem:s13+$0x1000];
	v1 =	vsel vm15, v61, v1;
	v2 =	vsel vm15, $0xF, v2;
	v12 =	vsel vm0, v51, v28  }
0xb5: {  	v17 =	vsel vm0, v53, v29;
	v8 =	vsel vm9, v8, v30;
	v13 =	vsel vm9, v13, v31  }
0xb6: {  	v6 =	vsel vm10, v6, v32;
	v11 =	vsel vm10, v11, v33;
	v3 =	vsel vm11, v3, v34  }
0xb7: {  	v18 =	vsel vm11, v18, v35;
	v7 =	vsel vm12, v7, v36;
	v9 =	vsel vm12, v9, v38  }
0xb8: {  	v4 =	vsel vm13, v4, v39;
	v5 =	vsel vm13, v5, v40;
	v1 =	vsel vm14, v10, v1  }
0xb9: {  	v2 =	vsel vm14, v19, v2;
	vm0 =	vgt.f32 v37, v26;
	vm9 =	vgt.f32 v37, v12  }
0xba: {  	vm10 =	vgt.f32 v37, v8;
	vm11 =	vgt.f32 v37, v6;
	vm12 =	vgt.f32 v37, v3  }
0xbb: {  	vm13 =	vgt.f32 v37, v7;
	vm14 =	vgt.f32 v37, v4;
	vm15 =	vgt.f32 v37, v1  }
0xbc: {  	v41 =	vsel vm0, v37, v26;
	v42 =	vsel vm0, $0x10, v27;
	v43 =	vsel vm9, v37, v12  }
0xbd: {  	v44 =	vsel vm9, $0x10, v17;
	v45 =	vsel vm10, v37, v8;
	v46 =	vsel vm10, $0x10, v13  }
0xbe: {  	v47 =	vsel vm11, v37, v6;
	v48 =	vsel vm11, $0x10, v11;
	v49 =	vsel vm12, v37, v3  }
0xbf: {  	v50 =	vsel vm12, $0x10, v18;
	v52 =	vsel vm13, v37, v7;
	v53 =	vsel vm13, $0x10, v9  }
0xc0: {  	v54 =	vsel vm14, v37, v4;
	v55 =	vsel vm14, $0x10, v5;
	v1 =	vsel vm15, v37, v1  }
0xc1: {  	v51 =	vld [tilespmem:s13+$0x1080];
	v2 =	vsel vm15, $0x10, v2;
	v15 =	vsel vm0, v26, v43;
	v16 =	vsel vm0, v27, v44  }
0xc2: {  	v12 =	vsel vm9, v12, v45;
	v17 =	vsel vm9, v17, v46;
	v8 =	vsel vm10, v8, v47  }
0xc3: {  	v13 =	vsel vm10, v13, v48;
	v6 =	vsel vm11, v6, v49;
	v11 =	vsel vm11, v11, v50  }
0xc4: {  	v3 =	vsel vm12, v3, v52;
	v18 =	vsel vm12, v18, v53;
	v7 =	vsel vm13, v7, v54  }
0xc5: {  	v9 =	vsel vm13, v9, v55;
	v1 =	vsel vm14, v4, v1;
	v2 =	vsel vm14, v5, v2  }
0xc6: {  	vm0 =	vgt.f32 v51, v41;
	vm9 =	vgt.f32 v51, v15;
	vm10 =	vgt.f32 v51, v12  }
0xc7: {  	vm11 =	vgt.f32 v51, v8;
	vm12 =	vgt.f32 v51, v6;
	vm13 =	vgt.f32 v51, v3  }
0xc8: {  	vm14 =	vgt.f32 v51, v7;
	vm15 =	vgt.f32 v51, v1;
	v56 =	vsel vm0, v51, v41  }
0xc9: {  	v57 =	vsel vm9, v51, v15;
	v58 =	vsel vm0, $0x11, v42;
	v59 =	vsel vm9, $0x11, v16  }
0xca: {  	v61 =	vsel vm10, v51, v12;
	v62 =	vsel vm10, $0x11, v17;
	v24 =	vsel vm11, v51, v8  }
0xcb: {  	v25 =	vsel vm11, $0x11, v13;
	v26 =	vsel vm12, v51, v6;
	v27 =	vsel vm12, $0x11, v11  }
0xcc: {  	v29 =	vsel vm13, v51, v3;
	v30 =	vsel vm13, $0x11, v18;
	v31 =	vsel vm14, v51, v7  }
0xcd: {  	v28 =	vld [tilespmem:s13+$0x1100];
	v32 =	vsel vm14, $0x11, v9;
	v1 =	vsel vm15, v51, v1;
	v2 =	vsel vm15, $0x11, v2  }
0xce: {  	v5 =	vsel vm0, v41, v57;
	v60 =	vsel vm0, v42, v59;
	v14 =	vsel vm9, v15, v61  }
0xcf: {  	v63 =	vsel vm9, v16, v62;
	v12 =	vsel vm10, v12, v24;
	v17 =	vsel vm10, v17, v25  }
0xd0: {  	v8 =	vsel vm11, v8, v26;
	v13 =	vsel vm11, v13, v27;
	v6 =	vsel vm12, v6, v29  }
0xd1: {  	v11 =	vsel vm12, v11, v30;
	v3 =	vsel vm13, v3, v31;
	v18 =	vsel vm13, v18, v32  }
0xd2: {  	v1 =	vsel vm14, v7, v1;
	v2 =	vsel vm14, v9, v2;
	vm0 =	vgt.f32 v28, v56  }
0xd3: {  	vm9 =	vgt.f32 v28, v5;
	vm10 =	vgt.f32 v28, v14;
	vm11 =	vgt.f32 v28, v12  }
0xd4: {  	vm12 =	vgt.f32 v28, v8;
	vm13 =	vgt.f32 v28, v6;
	vm14 =	vgt.f32 v28, v3  }
0xd5: {  	vm15 =	vgt.f32 v28, v1;
	v33 =	vsel vm0, v28, v56;
	v34 =	vsel vm0, $0x12, v58  }
0xd6: {  	v35 =	vsel vm9, v28, v5;
	v36 =	vsel vm9, $0x12, v60;
	v37 =	vsel vm10, v28, v14  }
0xd7: {  	v38 =	vsel vm10, $0x12, v63;
	v39 =	vsel vm11, v28, v12;
	v40 =	vsel vm11, $0x12, v17  }
0xd8: {  	v41 =	vsel vm12, v28, v8;
	v42 =	vsel vm12, $0x12, v13;
	v43 =	vsel vm13, v28, v6  }
0xd9: {  	v45 =	vsel vm13, $0x12, v11;
	v46 =	vsel vm14, v28, v3;
	v47 =	vsel vm14, $0x12, v18  }
0xda: {  	v44 =	vld [tilespmem:s13+$0x1180];
	v1 =	vsel vm15, v28, v1;
	v2 =	vsel vm15, $0x12, v2;
	v4 =	vsel vm0, v56, v35  }
0xdb: {  	v19 =	vsel vm0, v58, v36;
	v5 =	vsel vm9, v5, v37;
	v10 =	vsel vm9, v60, v38  }
0xdc: {  	v14 =	vsel vm10, v14, v39;
	v15 =	vsel vm10, v63, v40;
	v12 =	vsel vm11, v12, v41  }
0xdd: {  	v17 =	vsel vm11, v17, v42;
	v8 =	vsel vm12, v8, v43;
	v13 =	vsel vm12, v13, v45  }
0xde: {  	v6 =	vsel vm13, v6, v46;
	v11 =	vsel vm13, v11, v47;
	v1 =	vsel vm14, v3, v1  }
0xdf: {  	v2 =	vsel vm14, v18, v2;
	vm0 =	vgt.f32 v44, v33;
	vm9 =	vgt.f32 v44, v4  }
0xe0: {  	vm10 =	vgt.f32 v44, v5;
	vm11 =	vgt.f32 v44, v14;
	vm12 =	vgt.f32 v44, v12  }
0xe1: {  	vm13 =	vgt.f32 v44, v8;
	vm14 =	vgt.f32 v44, v6;
	vm15 =	vgt.f32 v44, v1  }
0xe2: {  	v3 =	vsel vm0, v44, v33;
	v48 =	vsel vm0, $0x13, v34;
	v49 =	vsel vm9, v44, v4  }
0xe3: {  	v50 =	vsel vm9, $0x13, v19;
	v51 =	vsel vm10, v44, v5;
	v52 =	vsel vm10, $0x13, v10  }
0xe4: {  	v53 =	vsel vm11, v44, v14;
	v54 =	vsel vm11, $0x13, v15;
	v55 =	vsel vm12, v44, v12  }
0xe5: {  	v56 =	vsel vm12, $0x13, v17;
	v58 =	vsel vm13, v44, v8;
	v59 =	vsel vm13, $0x13, v13  }
0xe6: {  	v60 =	vsel vm14, v44, v6;
	v61 =	vsel vm14, $0x13, v11;
	v1 =	vsel vm15, v44, v1  }
0xe7: {  	v57 =	vld [tilespmem:s13+$0x1200];
	v2 =	vsel vm15, $0x13, v2;
	v7 =	vsel vm0, v33, v49;
	v9 =	vsel vm0, v34, v50  }
0xe8: {  	v4 =	vsel vm9, v4, v51;
	v19 =	vsel vm9, v19, v52;
	v5 =	vsel vm10, v5, v53  }
0xe9: {  	v10 =	vsel vm10, v10, v54;
	v14 =	vsel vm11, v14, v55;
	v15 =	vsel vm11, v15, v56  }
0xea: {  	v12 =	vsel vm12, v12, v58;
	v17 =	vsel vm12, v17, v59;
	v8 =	vsel vm13, v8, v60  }
0xeb: {  	v13 =	vsel vm13, v13, v61;
	v1 =	vsel vm14, v6, v1;
	v2 =	vsel vm14, v11, v2  }
0xec: {  	vm0 =	vgt.f32 v57, v3;
	vm9 =	vgt.f32 v57, v7;
	vm10 =	vgt.f32 v57, v4  }
0xed: {  	vm11 =	vgt.f32 v57, v5;
	vm12 =	vgt.f32 v57, v14;
	vm13 =	vgt.f32 v57, v12  }
0xee: {  	vm14 =	vgt.f32 v57, v8;
	vm15 =	vgt.f32 v57, v1;
	v62 =	vsel vm0, v57, v3  }
0xef: {  	v24 =	vsel vm0, $0x14, v48;
	v63 =	vsel vm9, v57, v7;
	v25 =	vsel vm9, $0x14, v9  }
0xf0: {  	v27 =	vsel vm10, v57, v4;
	v28 =	vsel vm10, $0x14, v19;
	v29 =	vsel vm11, v57, v5  }
0xf1: {  	v30 =	vsel vm11, $0x14, v10;
	v31 =	vsel vm12, v57, v14;
	v32 =	vsel vm12, $0x14, v15  }
0xf2: {  	v34 =	vsel vm13, v57, v12;
	v35 =	vsel vm13, $0x14, v17;
	v36 =	vsel vm14, v57, v8  }
0xf3: {  	v33 =	vld [tilespmem:s13+$0x1280];
	v37 =	vsel vm14, $0x14, v13;
	v1 =	vsel vm15, v57, v1;
	v2 =	vsel vm15, $0x14, v2  }
0xf4: {  	v3 =	vsel vm0, v3, v63;
	v26 =	vsel vm0, v48, v25;
	v7 =	vsel vm9, v7, v27  }
0xf5: {  	v9 =	vsel vm9, v9, v28;
	v4 =	vsel vm10, v4, v29;
	v19 =	vsel vm10, v19, v30  }
0xf6: {  	v5 =	vsel vm11, v5, v31;
	v10 =	vsel vm11, v10, v32;
	v14 =	vsel vm12, v14, v34  }
0xf7: {  	v15 =	vsel vm12, v15, v35;
	v12 =	vsel vm13, v12, v36;
	v17 =	vsel vm13, v17, v37  }
0xf8: {  	v1 =	vsel vm14, v8, v1;
	v2 =	vsel vm14, v13, v2;
	vm0 =	vgt.f32 v33, v62  }
0xf9: {  	vm9 =	vgt.f32 v33, v3;
	vm10 =	vgt.f32 v33, v7;
	vm11 =	vgt.f32 v33, v4  }
0xfa: {  	vm12 =	vgt.f32 v33, v5;
	vm13 =	vgt.f32 v33, v14;
	vm14 =	vgt.f32 v33, v12  }
0xfb: {  	vm15 =	vgt.f32 v33, v1;
	v38 =	vsel vm0, v33, v62;
	v39 =	vsel vm0, $0x15, v24  }
0xfc: {  	v40 =	vsel vm9, v33, v3;
	v41 =	vsel vm9, $0x15, v26;
	v42 =	vsel vm10, v33, v7  }
0xfd: {  	v43 =	vsel vm10, $0x15, v9;
	v44 =	vsel vm11, v33, v4;
	v45 =	vsel vm11, $0x15, v19  }
0xfe: {  	v46 =	vsel vm12, v33, v5;
	v47 =	vsel vm12, $0x15, v10;
	v48 =	vsel vm13, v33, v14  }
0xff: {  	v50 =	vsel vm13, $0x15, v15;
	v51 =	vsel vm14, v33, v12;
	v52 =	vsel vm14, $0x15, v17  }
0x100: {  	v49 =	vld [tilespmem:s13+$0x1300];
	v1 =	vsel vm15, v33, v1;
	v2 =	vsel vm15, $0x15, v2;
	v6 =	vsel vm0, v62, v40  }
0x101: {  	v18 =	vsel vm0, v24, v41;
	v3 =	vsel vm9, v3, v42;
	v11 =	vsel vm9, v26, v43  }
0x102: {  	v7 =	vsel vm10, v7, v44;
	v9 =	vsel vm10, v9, v45;
	v4 =	vsel vm11, v4, v46  }
0x103: {  	v19 =	vsel vm11, v19, v47;
	v5 =	vsel vm12, v5, v48;
	v10 =	vsel vm12, v10, v50  }
0x104: {  	v14 =	vsel vm13, v14, v51;
	v15 =	vsel vm13, v15, v52;
	v1 =	vsel vm14, v12, v1  }
0x105: {  	v2 =	vsel vm14, v17, v2;
	vm0 =	vgt.f32 v49, v38;
	vm9 =	vgt.f32 v49, v6  }
0x106: {  	vm10 =	vgt.f32 v49, v3;
	vm11 =	vgt.f32 v49, v7;
	vm12 =	vgt.f32 v49, v4  }
0x107: {  	vm13 =	vgt.f32 v49, v5;
	vm14 =	vgt.f32 v49, v14;
	vm15 =	vgt.f32 v49, v1  }
0x108: {  	v53 =	vsel vm0, v49, v38;
	v54 =	vsel vm0, $0x16, v39;
	v55 =	vsel vm9, v49, v6  }
0x109: {  	v56 =	vsel vm9, $0x16, v18;
	v57 =	vsel vm10, v49, v3;
	v58 =	vsel vm10, $0x16, v11  }
0x10a: {  	v59 =	vsel vm11, v49, v7;
	v60 =	vsel vm11, $0x16, v9;
	v61 =	vsel vm12, v49, v4  }
0x10b: {  	v62 =	vsel vm12, $0x16, v19;
	v24 =	vsel vm13, v49, v5;
	v25 =	vsel vm13, $0x16, v10  }
0x10c: {  	v26 =	vsel vm14, v49, v14;
	v27 =	vsel vm14, $0x16, v15;
	v1 =	vsel vm15, v49, v1  }
0x10d: {  	v63 =	vld [tilespmem:s13+$0x1380];
	v2 =	vsel vm15, $0x16, v2;
	v8 =	vsel vm0, v38, v55;
	v13 =	vsel vm0, v39, v56  }
0x10e: {  	v6 =	vsel vm9, v6, v57;
	v18 =	vsel vm9, v18, v58;
	v3 =	vsel vm10, v3, v59  }
0x10f: {  	v11 =	vsel vm10, v11, v60;
	v7 =	vsel vm11, v7, v61;
	v9 =	vsel vm11, v9, v62  }
0x110: {  	v4 =	vsel vm12, v4, v24;
	v19 =	vsel vm12, v19, v25;
	v5 =	vsel vm13, v5, v26  }
0x111: {  	v10 =	vsel vm13, v10, v27;
	v1 =	vsel vm14, v14, v1;
	v2 =	vsel vm14, v15, v2  }
0x112: {  	vm0 =	vgt.f32 v63, v53;
	vm9 =	vgt.f32 v63, v8;
	vm10 =	vgt.f32 v63, v6  }
0x113: {  	vm11 =	vgt.f32 v63, v3;
	vm12 =	vgt.f32 v63, v7;
	vm13 =	vgt.f32 v63, v4  }
0x114: {  	vm14 =	vgt.f32 v63, v5;
	vm15 =	vgt.f32 v63, v1;
	v28 =	vsel vm0, v63, v53  }
0x115: {  	v30 =	vsel vm0, $0x17, v54;
	v29 =	vsel vm9, v63, v8;
	v31 =	vsel vm9, $0x17, v13  }
0x116: {  	v33 =	vsel vm10, v63, v6;
	v34 =	vsel vm10, $0x17, v18;
	v35 =	vsel vm11, v63, v3  }
0x117: {  	v36 =	vsel vm11, $0x17, v11;
	v37 =	vsel vm12, v63, v7;
	v38 =	vsel vm12, $0x17, v9  }
0x118: {  	v40 =	vsel vm13, v63, v4;
	v41 =	vsel vm13, $0x17, v19;
	v42 =	vsel vm14, v63, v5  }
0x119: {  	v39 =	vld [tilespmem:s13+$0x1800];
	v43 =	vsel vm14, $0x17, v10;
	v1 =	vsel vm15, v63, v1;
	v2 =	vsel vm15, $0x17, v2  }
0x11a: {  	v12 =	vsel vm0, v53, v29;
	v32 =	vsel vm0, v54, v31;
	v8 =	vsel vm9, v8, v33  }
0x11b: {  	v13 =	vsel vm9, v13, v34;
	v6 =	vsel vm10, v6, v35;
	v18 =	vsel vm10, v18, v36  }
0x11c: {  	v3 =	vsel vm11, v3, v37;
	v11 =	vsel vm11, v11, v38;
	v7 =	vsel vm12, v7, v40  }
0x11d: {  	v9 =	vsel vm12, v9, v41;
	v4 =	vsel vm13, v4, v42;
	v19 =	vsel vm13, v19, v43  }
0x11e: {  	v1 =	vsel vm14, v5, v1;
	v2 =	vsel vm14, v10, v2;
	vm0 =	vgt.f32 v39, v28  }
0x11f: {  	vm9 =	vgt.f32 v39, v12;
	vm10 =	vgt.f32 v39, v8;
	vm11 =	vgt.f32 v39, v6  }
0x120: {  	vm12 =	vgt.f32 v39, v3;
	vm13 =	vgt.f32 v39, v7;
	vm14 =	vgt.f32 v39, v4  }
0x121: {  	vm15 =	vgt.f32 v39, v1;
	v44 =	vsel vm0, v39, v28;
	v45 =	vsel vm0, $0x18, v30  }
0x122: {  	v46 =	vsel vm9, v39, v12;
	v47 =	vsel vm9, $0x18, v32;
	v48 =	vsel vm10, v39, v8  }
0x123: {  	v49 =	vsel vm10, $0x18, v13;
	v50 =	vsel vm11, v39, v6;
	v51 =	vsel vm11, $0x18, v18  }
0x124: {  	v52 =	vsel vm12, v39, v3;
	v53 =	vsel vm12, $0x18, v11;
	v54 =	vsel vm13, v39, v7  }
0x125: {  	v56 =	vsel vm13, $0x18, v9;
	v57 =	vsel vm14, v39, v4;
	v58 =	vsel vm14, $0x18, v19  }
0x126: {  	v55 =	vld [tilespmem:s13+$0x1880];
	v1 =	vsel vm15, v39, v1;
	v2 =	vsel vm15, $0x18, v2;
	v14 =	vsel vm0, v28, v46  }
0x127: {  	v17 =	vsel vm0, v30, v47;
	v12 =	vsel vm9, v12, v48;
	v15 =	vsel vm9, v32, v49  }
0x128: {  	v8 =	vsel vm10, v8, v50;
	v13 =	vsel vm10, v13, v51;
	v6 =	vsel vm11, v6, v52  }
0x129: {  	v18 =	vsel vm11, v18, v53;
	v3 =	vsel vm12, v3, v54;
	v11 =	vsel vm12, v11, v56  }
0x12a: {  	v7 =	vsel vm13, v7, v57;
	v9 =	vsel vm13, v9, v58;
	v1 =	vsel vm14, v4, v1  }
0x12b: {  	v2 =	vsel vm14, v19, v2;
	vm0 =	vgt.f32 v55, v44;
	vm9 =	vgt.f32 v55, v14  }
0x12c: {  	vm10 =	vgt.f32 v55, v12;
	vm11 =	vgt.f32 v55, v8;
	vm12 =	vgt.f32 v55, v6  }
0x12d: {  	vm13 =	vgt.f32 v55, v3;
	vm14 =	vgt.f32 v55, v7;
	vm15 =	vgt.f32 v55, v1  }
0x12e: {  	v59 =	vsel vm0, v55, v44;
	v60 =	vsel vm0, $0x19, v45;
	v61 =	vsel vm9, v55, v14  }
0x12f: {  	v62 =	vsel vm9, $0x19, v17;
	v63 =	vsel vm10, v55, v12;
	v24 =	vsel vm10, $0x19, v15  }
0x130: {  	v25 =	vsel vm11, v55, v8;
	v26 =	vsel vm11, $0x19, v13;
	v27 =	vsel vm12, v55, v6  }
0x131: {  	v28 =	vsel vm12, $0x19, v18;
	v30 =	vsel vm13, v55, v3;
	v31 =	vsel vm13, $0x19, v11  }
0x132: {  	v32 =	vsel vm14, v55, v7;
	v33 =	vsel vm14, $0x19, v9;
	v1 =	vsel vm15, v55, v1  }
0x133: {  	v29 =	vld [tilespmem:s13+$0x1900];
	v2 =	vsel vm15, $0x19, v2;
	v5 =	vsel vm0, v44, v61;
	v10 =	vsel vm0, v45, v62  }
0x134: {  	v14 =	vsel vm9, v14, v63;
	v17 =	vsel vm9, v17, v24;
	v12 =	vsel vm10, v12, v25  }
0x135: {  	v15 =	vsel vm10, v15, v26;
	v8 =	vsel vm11, v8, v27;
	v13 =	vsel vm11, v13, v28  }
0x136: {  	v6 =	vsel vm12, v6, v30;
	v18 =	vsel vm12, v18, v31;
	v3 =	vsel vm13, v3, v32  }
0x137: {  	v11 =	vsel vm13, v11, v33;
	v1 =	vsel vm14, v7, v1;
	v2 =	vsel vm14, v9, v2  }
0x138: {  	vm0 =	vgt.f32 v29, v59;
	vm9 =	vgt.f32 v29, v5;
	vm10 =	vgt.f32 v29, v14  }
0x139: {  	vm11 =	vgt.f32 v29, v12;
	vm12 =	vgt.f32 v29, v8;
	vm13 =	vgt.f32 v29, v6  }
0x13a: {  	vm14 =	vgt.f32 v29, v3;
	vm15 =	vgt.f32 v29, v1;
	v34 =	vsel vm0, v29, v59  }
0x13b: {  	v36 =	vsel vm0, $0x1A, v60;
	v35 =	vsel vm9, v29, v5;
	v37 =	vsel vm9, $0x1A, v10  }
0x13c: {  	v39 =	vsel vm10, v29, v14;
	v40 =	vsel vm10, $0x1A, v17;
	v41 =	vsel vm11, v29, v12  }
0x13d: {  	v42 =	vsel vm11, $0x1A, v15;
	v43 =	vsel vm12, v29, v8;
	v44 =	vsel vm12, $0x1A, v13  }
0x13e: {  	v46 =	vsel vm13, v29, v6;
	v47 =	vsel vm13, $0x1A, v18;
	v48 =	vsel vm14, v29, v3  }
0x13f: {  	v45 =	vld [tilespmem:s13+$0x1980];
	v49 =	vsel vm14, $0x1A, v11;
	v1 =	vsel vm15, v29, v1;
	v2 =	vsel vm15, $0x1A, v2  }
0x140: {  	v4 =	vsel vm0, v59, v35;
	v38 =	vsel vm0, v60, v37;
	v5 =	vsel vm9, v5, v39  }
0x141: {  	v10 =	vsel vm9, v10, v40;
	v14 =	vsel vm10, v14, v41;
	v17 =	vsel vm10, v17, v42  }
0x142: {  	v12 =	vsel vm11, v12, v43;
	v15 =	vsel vm11, v15, v44;
	v8 =	vsel vm12, v8, v46  }
0x143: {  	v13 =	vsel vm12, v13, v47;
	v6 =	vsel vm13, v6, v48;
	v18 =	vsel vm13, v18, v49  }
0x144: {  	v1 =	vsel vm14, v3, v1;
	v2 =	vsel vm14, v11, v2;
	vm0 =	vgt.f32 v45, v34  }
0x145: {  	vm9 =	vgt.f32 v45, v4;
	vm10 =	vgt.f32 v45, v5;
	vm11 =	vgt.f32 v45, v14  }
0x146: {  	vm12 =	vgt.f32 v45, v12;
	vm13 =	vgt.f32 v45, v8;
	vm14 =	vgt.f32 v45, v6  }
0x147: {  	vm15 =	vgt.f32 v45, v1;
	v3 =	vsel vm0, v45, v34;
	v50 =	vsel vm0, $0x1B, v36  }
0x148: {  	v51 =	vsel vm9, v45, v4;
	v52 =	vsel vm9, $0x1B, v38;
	v53 =	vsel vm10, v45, v5  }
0x149: {  	v54 =	vsel vm10, $0x1B, v10;
	v55 =	vsel vm11, v45, v14;
	v56 =	vsel vm11, $0x1B, v17  }
0x14a: {  	v57 =	vsel vm12, v45, v12;
	v58 =	vsel vm12, $0x1B, v15;
	v59 =	vsel vm13, v45, v8  }
0x14b: {  	v61 =	vsel vm13, $0x1B, v13;
	v62 =	vsel vm14, v45, v6;
	v63 =	vsel vm14, $0x1B, v18  }
0x14c: {  	v60 =	vld [tilespmem:s13+$0x1A00];
	v1 =	vsel vm15, v45, v1;
	v2 =	vsel vm15, $0x1B, v2;
	v7 =	vsel vm0, v34, v51  }
0x14d: {  	v19 =	vsel vm0, v36, v52;
	v4 =	vsel vm9, v4, v53;
	v9 =	vsel vm9, v38, v54  }
0x14e: {  	v5 =	vsel vm10, v5, v55;
	v10 =	vsel vm10, v10, v56;
	v14 =	vsel vm11, v14, v57  }
0x14f: {  	v17 =	vsel vm11, v17, v58;
	v12 =	vsel vm12, v12, v59;
	v15 =	vsel vm12, v15, v61  }
0x150: {  	v8 =	vsel vm13, v8, v62;
	v13 =	vsel vm13, v13, v63;
	v1 =	vsel vm14, v6, v1  }
0x151: {  	v2 =	vsel vm14, v18, v2;
	vm0 =	vgt.f32 v60, v3;
	vm9 =	vgt.f32 v60, v7  }
0x152: {  	vm10 =	vgt.f32 v60, v4;
	vm11 =	vgt.f32 v60, v5;
	vm12 =	vgt.f32 v60, v14  }
0x153: {  	vm13 =	vgt.f32 v60, v12;
	vm14 =	vgt.f32 v60, v8;
	vm15 =	vgt.f32 v60, v1  }
0x154: {  	v24 =	vsel vm0, v60, v3;
	v25 =	vsel vm0, $0x1C, v50;
	v26 =	vsel vm9, v60, v7  }
0x155: {  	v27 =	vsel vm9, $0x1C, v19;
	v28 =	vsel vm10, v60, v4;
	v29 =	vsel vm10, $0x1C, v9  }
0x156: {  	v30 =	vsel vm11, v60, v5;
	v31 =	vsel vm11, $0x1C, v10;
	v32 =	vsel vm12, v60, v14  }
0x157: {  	v33 =	vsel vm12, $0x1C, v17;
	v35 =	vsel vm13, v60, v12;
	v36 =	vsel vm13, $0x1C, v15  }
0x158: {  	v37 =	vsel vm14, v60, v8;
	v38 =	vsel vm14, $0x1C, v13;
	v1 =	vsel vm15, v60, v1  }
0x159: {  	v34 =	vld [tilespmem:s13+$0x1A80];
	v2 =	vsel vm15, $0x1C, v2;
	v3 =	vsel vm0, v3, v26;
	v11 =	vsel vm0, v50, v27  }
0x15a: {  	v7 =	vsel vm9, v7, v28;
	v19 =	vsel vm9, v19, v29;
	v4 =	vsel vm10, v4, v30  }
0x15b: {  	v9 =	vsel vm10, v9, v31;
	v5 =	vsel vm11, v5, v32;
	v10 =	vsel vm11, v10, v33  }
0x15c: {  	v14 =	vsel vm12, v14, v35;
	v17 =	vsel vm12, v17, v36;
	v12 =	vsel vm13, v12, v37  }
0x15d: {  	v15 =	vsel vm13, v15, v38;
	v1 =	vsel vm14, v8, v1;
	v2 =	vsel vm14, v13, v2  }
0x15e: {  	vm0 =	vgt.f32 v34, v24;
	vm9 =	vgt.f32 v34, v3;
	vm10 =	vgt.f32 v34, v7  }
0x15f: {  	vm11 =	vgt.f32 v34, v4;
	vm12 =	vgt.f32 v34, v5;
	vm13 =	vgt.f32 v34, v14  }
0x160: {  	vm14 =	vgt.f32 v34, v12;
	vm15 =	vgt.f32 v34, v1;
	v39 =	vsel vm0, v34, v24  }
0x161: {  	v40 =	vsel vm9, v34, v3;
	v41 =	vsel vm0, $0x1D, v25;
	v42 =	vsel vm9, $0x1D, v11  }
0x162: {  	v44 =	vsel vm10, v34, v7;
	v45 =	vsel vm10, $0x1D, v19;
	v46 =	vsel vm11, v34, v4  }
0x163: {  	v47 =	vsel vm11, $0x1D, v9;
	v48 =	vsel vm12, v34, v5;
	v49 =	vsel vm12, $0x1D, v10  }
0x164: {  	v51 =	vsel vm13, v34, v14;
	v52 =	vsel vm13, $0x1D, v17;
	v53 =	vsel vm14, v34, v12  }
0x165: {  	v50 =	vld [tilespmem:s13+$0x1B00];
	v54 =	vsel vm14, $0x1D, v15;
	v1 =	vsel vm15, v34, v1;
	v2 =	vsel vm15, $0x1D, v2  }
0x166: {  	v6 =	vsel vm0, v24, v40;
	v43 =	vsel vm0, v25, v42;
	v3 =	vsel vm9, v3, v44  }
0x167: {  	v11 =	vsel vm9, v11, v45;
	v7 =	vsel vm10, v7, v46;
	v19 =	vsel vm10, v19, v47  }
0x168: {  	v4 =	vsel vm11, v4, v48;
	v9 =	vsel vm11, v9, v49;
	v5 =	vsel vm12, v5, v51  }
0x169: {  	v10 =	vsel vm12, v10, v52;
	v14 =	vsel vm13, v14, v53;
	v17 =	vsel vm13, v17, v54  }
0x16a: {  	v1 =	vsel vm14, v12, v1;
	v2 =	vsel vm14, v15, v2;
	vm0 =	vgt.f32 v50, v39  }
0x16b: {  	vm9 =	vgt.f32 v50, v6;
	vm10 =	vgt.f32 v50, v3;
	vm11 =	vgt.f32 v50, v7  }
0x16c: {  	vm12 =	vgt.f32 v50, v4;
	vm13 =	vgt.f32 v50, v5;
	vm14 =	vgt.f32 v50, v14  }
0x16d: {  	vm15 =	vgt.f32 v50, v1;
	v55 =	vsel vm0, v50, v39;
	v56 =	vsel vm0, $0x1E, v41  }
0x16e: {  	v57 =	vsel vm9, v50, v6;
	v58 =	vsel vm9, $0x1E, v43;
	v59 =	vsel vm10, v50, v3  }
0x16f: {  	v60 =	vsel vm10, $0x1E, v11;
	v61 =	vsel vm11, v50, v7;
	v62 =	vsel vm11, $0x1E, v19  }
0x170: {  	v63 =	vsel vm12, v50, v4;
	v24 =	vsel vm12, $0x1E, v9;
	v25 =	vsel vm13, v50, v5  }
0x171: {  	v27 =	vsel vm13, $0x1E, v10;
	v28 =	vsel vm14, v50, v14;
	v29 =	vsel vm14, $0x1E, v17  }
0x172: {  	v26 =	vld [tilespmem:s13+$0x1B80];
	v1 =	vsel vm15, v50, v1;
	v2 =	vsel vm15, $0x1E, v2;
	v8 =	vsel vm0, v39, v57  }
0x173: {  	v18 =	vsel vm0, v41, v58;
	v6 =	vsel vm9, v6, v59;
	v13 =	vsel vm9, v43, v60  }
0x174: {  	v3 =	vsel vm10, v3, v61;
	v11 =	vsel vm10, v11, v62;
	v7 =	vsel vm11, v7, v63  }
0x175: {  	v19 =	vsel vm11, v19, v24;
	v4 =	vsel vm12, v4, v25;
	v9 =	vsel vm12, v9, v27  }
0x176: {  	v5 =	vsel vm13, v5, v28;
	v10 =	vsel vm13, v10, v29;
	v1 =	vsel vm14, v14, v1  }
0x177: {  	v2 =	vsel vm14, v17, v2;
	vm0 =	vgt.f32 v26, v55;
	vm9 =	vgt.f32 v26, v8  }
0x178: {  	vm10 =	vgt.f32 v26, v6;
	vm11 =	vgt.f32 v26, v3;
	vm12 =	vgt.f32 v26, v7  }
0x179: {  	vm13 =	vgt.f32 v26, v4;
	vm14 =	vgt.f32 v26, v5;
	vm15 =	vgt.f32 v26, v1  }
0x17a: {  	v30 =	vsel vm0, v26, v55;
	v31 =	vsel vm0, $0x1F, v56;
	v32 =	vsel vm9, v26, v8  }
0x17b: {  	v33 =	vsel vm9, $0x1F, v18;
	v34 =	vsel vm10, v26, v6;
	v35 =	vsel vm10, $0x1F, v13  }
0x17c: {  	v36 =	vsel vm11, v26, v3;
	v37 =	vsel vm11, $0x1F, v11;
	v38 =	vsel vm12, v26, v7  }
0x17d: {  	v39 =	vsel vm12, $0x1F, v19;
	v41 =	vsel vm13, v26, v4;
	v42 =	vsel vm13, $0x1F, v9  }
0x17e: {  	v43 =	vsel vm14, v26, v5;
	v44 =	vsel vm14, $0x1F, v10;
	v1 =	vsel vm15, v26, v1  }
0x17f: {  	v40 =	vld [tilespmem:s13+$0x2000];
	v2 =	vsel vm15, $0x1F, v2;
	v12 =	vsel vm0, v55, v32;
	v15 =	vsel vm0, v56, v33  }
0x180: {  	v8 =	vsel vm9, v8, v34;
	v18 =	vsel vm9, v18, v35;
	v6 =	vsel vm10, v6, v36  }
0x181: {  	v13 =	vsel vm10, v13, v37;
	v3 =	vsel vm11, v3, v38;
	v11 =	vsel vm11, v11, v39  }
0x182: {  	v7 =	vsel vm12, v7, v41;
	v19 =	vsel vm12, v19, v42;
	v4 =	vsel vm13, v4, v43  }
0x183: {  	v9 =	vsel vm13, v9, v44;
	v1 =	vsel vm14, v5, v1;
	v2 =	vsel vm14, v10, v2  }
0x184: {  	vm0 =	vgt.f32 v40, v30;
	vm9 =	vgt.f32 v40, v12;
	vm10 =	vgt.f32 v40, v8  }
0x185: {  	vm11 =	vgt.f32 v40, v6;
	vm12 =	vgt.f32 v40, v3;
	vm13 =	vgt.f32 v40, v7  }
0x186: {  	vm14 =	vgt.f32 v40, v4;
	vm15 =	vgt.f32 v40, v1;
	v45 =	vsel vm0, v40, v30  }
0x187: {  	v47 =	vsel vm0, $0x20, v31;
	v46 =	vsel vm9, v40, v12;
	v48 =	vsel vm9, $0x20, v15  }
0x188: {  	v50 =	vsel vm10, v40, v8;
	v51 =	vsel vm10, $0x20, v18;
	v52 =	vsel vm11, v40, v6  }
0x189: {  	v53 =	vsel vm11, $0x20, v13;
	v54 =	vsel vm12, v40, v3;
	v55 =	vsel vm12, $0x20, v11  }
0x18a: {  	v57 =	vsel vm13, v40, v7;
	v58 =	vsel vm13, $0x20, v19;
	v59 =	vsel vm14, v40, v4  }
0x18b: {  	v56 =	vld [tilespmem:s13+$0x2080];
	v60 =	vsel vm14, $0x20, v9;
	v1 =	vsel vm15, v40, v1;
	v2 =	vsel vm15, $0x20, v2  }
0x18c: {  	v10 =	vsel vm0, v30, v46;
	v49 =	vsel vm0, v31, v48;
	v12 =	vsel vm9, v12, v50  }
0x18d: {  	v15 =	vsel vm9, v15, v51;
	v8 =	vsel vm10, v8, v52;
	v18 =	vsel vm10, v18, v53  }
0x18e: {  	v6 =	vsel vm11, v6, v54;
	v13 =	vsel vm11, v13, v55;
	v3 =	vsel vm12, v3, v57  }
0x18f: {  	v11 =	vsel vm12, v11, v58;
	v7 =	vsel vm13, v7, v59;
	v19 =	vsel vm13, v19, v60  }
0x190: {  	v1 =	vsel vm14, v4, v1;
	v2 =	vsel vm14, v9, v2;
	vm0 =	vgt.f32 v56, v45  }
0x191: {  	vm9 =	vgt.f32 v56, v10;
	vm10 =	vgt.f32 v56, v12;
	vm11 =	vgt.f32 v56, v8  }
0x192: {  	vm12 =	vgt.f32 v56, v6;
	vm13 =	vgt.f32 v56, v3;
	vm14 =	vgt.f32 v56, v7  }
0x193: {  	vm15 =	vgt.f32 v56, v1;
	v61 =	vsel vm0, v56, v45;
	v62 =	vsel vm0, $0x21, v47  }
0x194: {  	v63 =	vsel vm9, v56, v10;
	v24 =	vsel vm9, $0x21, v49;
	v25 =	vsel vm10, v56, v12  }
0x195: {  	v26 =	vsel vm10, $0x21, v15;
	v27 =	vsel vm11, v56, v8;
	v28 =	vsel vm11, $0x21, v18  }
0x196: {  	v29 =	vsel vm12, v56, v6;
	v30 =	vsel vm12, $0x21, v13;
	v31 =	vsel vm13, v56, v3  }
0x197: {  	v33 =	vsel vm13, $0x21, v11;
	v34 =	vsel vm14, v56, v7;
	v35 =	vsel vm14, $0x21, v19  }
0x198: {  	v32 =	vld [tilespmem:s13+$0x2100];
	v1 =	vsel vm15, v56, v1;
	v2 =	vsel vm15, $0x21, v2;
	v5 =	vsel vm0, v45, v63  }
0x199: {  	v17 =	vsel vm0, v47, v24;
	v10 =	vsel vm9, v10, v25;
	v14 =	vsel vm9, v49, v26  }
0x19a: {  	v12 =	vsel vm10, v12, v27;
	v15 =	vsel vm10, v15, v28;
	v8 =	vsel vm11, v8, v29  }
0x19b: {  	v18 =	vsel vm11, v18, v30;
	v6 =	vsel vm12, v6, v31;
	v13 =	vsel vm12, v13, v33  }
0x19c: {  	v3 =	vsel vm13, v3, v34;
	v11 =	vsel vm13, v11, v35;
	v1 =	vsel vm14, v7, v1  }
0x19d: {  	v2 =	vsel vm14, v19, v2;
	vm0 =	vgt.f32 v32, v61;
	vm9 =	vgt.f32 v32, v5  }
0x19e: {  	vm10 =	vgt.f32 v32, v10;
	vm11 =	vgt.f32 v32, v12;
	vm12 =	vgt.f32 v32, v8  }
0x19f: {  	vm13 =	vgt.f32 v32, v6;
	vm14 =	vgt.f32 v32, v3;
	vm15 =	vgt.f32 v32, v1  }
0x1a0: {  	v36 =	vsel vm0, v32, v61;
	v37 =	vsel vm0, $0x22, v62;
	v38 =	vsel vm9, v32, v5  }
0x1a1: {  	v39 =	vsel vm9, $0x22, v17;
	v40 =	vsel vm10, v32, v10;
	v41 =	vsel vm10, $0x22, v14  }
0x1a2: {  	v42 =	vsel vm11, v32, v12;
	v43 =	vsel vm11, $0x22, v15;
	v44 =	vsel vm12, v32, v8  }
0x1a3: {  	v45 =	vsel vm12, $0x22, v18;
	v47 =	vsel vm13, v32, v6;
	v48 =	vsel vm13, $0x22, v13  }
0x1a4: {  	v49 =	vsel vm14, v32, v3;
	v50 =	vsel vm14, $0x22, v11;
	v1 =	vsel vm15, v32, v1  }
0x1a5: {  	v46 =	vld [tilespmem:s13+$0x2180];
	v2 =	vsel vm15, $0x22, v2;
	v4 =	vsel vm0, v61, v38;
	v9 =	vsel vm0, v62, v39  }
0x1a6: {  	v5 =	vsel vm9, v5, v40;
	v17 =	vsel vm9, v17, v41;
	v10 =	vsel vm10, v10, v42  }
0x1a7: {  	v14 =	vsel vm10, v14, v43;
	v12 =	vsel vm11, v12, v44;
	v15 =	vsel vm11, v15, v45  }
0x1a8: {  	v8 =	vsel vm12, v8, v47;
	v18 =	vsel vm12, v18, v48;
	v6 =	vsel vm13, v6, v49  }
0x1a9: {  	v13 =	vsel vm13, v13, v50;
	v1 =	vsel vm14, v3, v1;
	v2 =	vsel vm14, v11, v2  }
0x1aa: {  	vm0 =	vgt.f32 v46, v36;
	vm9 =	vgt.f32 v46, v4;
	vm10 =	vgt.f32 v46, v5  }
0x1ab: {  	vm11 =	vgt.f32 v46, v10;
	vm12 =	vgt.f32 v46, v12;
	vm13 =	vgt.f32 v46, v8  }
0x1ac: {  	vm14 =	vgt.f32 v46, v6;
	vm15 =	vgt.f32 v46, v1;
	v3 =	vsel vm0, v46, v36  }
0x1ad: {  	v52 =	vsel vm0, $0x23, v37;
	v51 =	vsel vm9, v46, v4;
	v53 =	vsel vm9, $0x23, v9  }
0x1ae: {  	v55 =	vsel vm10, v46, v5;
	v56 =	vsel vm10, $0x23, v17;
	v57 =	vsel vm11, v46, v10  }
0x1af: {  	v58 =	vsel vm11, $0x23, v14;
	v59 =	vsel vm12, v46, v12;
	v60 =	vsel vm12, $0x23, v15  }
0x1b0: {  	v62 =	vsel vm13, v46, v8;
	v63 =	vsel vm13, $0x23, v18;
	v24 =	vsel vm14, v46, v6  }
0x1b1: {  	v61 =	vld [tilespmem:s13+$0x2200];
	v25 =	vsel vm14, $0x23, v13;
	v1 =	vsel vm15, v46, v1;
	v2 =	vsel vm15, $0x23, v2  }
0x1b2: {  	v7 =	vsel vm0, v36, v51;
	v54 =	vsel vm0, v37, v53;
	v4 =	vsel vm9, v4, v55  }
0x1b3: {  	v9 =	vsel vm9, v9, v56;
	v5 =	vsel vm10, v5, v57;
	v17 =	vsel vm10, v17, v58  }
0x1b4: {  	v10 =	vsel vm11, v10, v59;
	v14 =	vsel vm11, v14, v60;
	v12 =	vsel vm12, v12, v62  }
0x1b5: {  	v15 =	vsel vm12, v15, v63;
	v8 =	vsel vm13, v8, v24;
	v18 =	vsel vm13, v18, v25  }
0x1b6: {  	v1 =	vsel vm14, v6, v1;
	v2 =	vsel vm14, v13, v2;
	vm0 =	vgt.f32 v61, v3  }
0x1b7: {  	vm9 =	vgt.f32 v61, v7;
	vm10 =	vgt.f32 v61, v4;
	vm11 =	vgt.f32 v61, v5  }
0x1b8: {  	vm12 =	vgt.f32 v61, v10;
	vm13 =	vgt.f32 v61, v12;
	vm14 =	vgt.f32 v61, v8  }
0x1b9: {  	vm15 =	vgt.f32 v61, v1;
	v26 =	vsel vm0, v61, v3;
	v27 =	vsel vm0, $0x24, v52  }
0x1ba: {  	v28 =	vsel vm9, v61, v7;
	v29 =	vsel vm9, $0x24, v54;
	v30 =	vsel vm10, v61, v4  }
0x1bb: {  	v31 =	vsel vm10, $0x24, v9;
	v32 =	vsel vm11, v61, v5;
	v33 =	vsel vm11, $0x24, v17  }
0x1bc: {  	v34 =	vsel vm12, v61, v10;
	v35 =	vsel vm12, $0x24, v14;
	v36 =	vsel vm13, v61, v12  }
0x1bd: {  	v38 =	vsel vm13, $0x24, v15;
	v39 =	vsel vm14, v61, v8;
	v40 =	vsel vm14, $0x24, v18  }
0x1be: {  	v37 =	vld [tilespmem:s13+$0x2280];
	v1 =	vsel vm15, v61, v1;
	v2 =	vsel vm15, $0x24, v2;
	v3 =	vsel vm0, v3, v28  }
0x1bf: {  	v19 =	vsel vm0, v52, v29;
	v7 =	vsel vm9, v7, v30;
	v11 =	vsel vm9, v54, v31  }
0x1c0: {  	v4 =	vsel vm10, v4, v32;
	v9 =	vsel vm10, v9, v33;
	v5 =	vsel vm11, v5, v34  }
0x1c1: {  	v17 =	vsel vm11, v17, v35;
	v10 =	vsel vm12, v10, v36;
	v14 =	vsel vm12, v14, v38  }
0x1c2: {  	v12 =	vsel vm13, v12, v39;
	v15 =	vsel vm13, v15, v40;
	v1 =	vsel vm14, v8, v1  }
0x1c3: {  	v2 =	vsel vm14, v18, v2;
	vm0 =	vgt.f32 v37, v26;
	vm9 =	vgt.f32 v37, v3  }
0x1c4: {  	vm10 =	vgt.f32 v37, v7;
	vm11 =	vgt.f32 v37, v4;
	vm12 =	vgt.f32 v37, v5  }
0x1c5: {  	vm13 =	vgt.f32 v37, v10;
	vm14 =	vgt.f32 v37, v12;
	vm15 =	vgt.f32 v37, v1  }
0x1c6: {  	v41 =	vsel vm0, v37, v26;
	v42 =	vsel vm0, $0x25, v27;
	v43 =	vsel vm9, v37, v3  }
0x1c7: {  	v44 =	vsel vm9, $0x25, v19;
	v45 =	vsel vm10, v37, v7;
	v46 =	vsel vm10, $0x25, v11  }
0x1c8: {  	v47 =	vsel vm11, v37, v4;
	v48 =	vsel vm11, $0x25, v9;
	v49 =	vsel vm12, v37, v5  }
0x1c9: {  	v50 =	vsel vm12, $0x25, v17;
	v52 =	vsel vm13, v37, v10;
	v53 =	vsel vm13, $0x25, v14  }
0x1ca: {  	v54 =	vsel vm14, v37, v12;
	v55 =	vsel vm14, $0x25, v15;
	v1 =	vsel vm15, v37, v1  }
0x1cb: {  	v51 =	vld [tilespmem:s13+$0x2300];
	v2 =	vsel vm15, $0x25, v2;
	v6 =	vsel vm0, v26, v43;
	v13 =	vsel vm0, v27, v44  }
0x1cc: {  	v3 =	vsel vm9, v3, v45;
	v19 =	vsel vm9, v19, v46;
	v7 =	vsel vm10, v7, v47  }
0x1cd: {  	v11 =	vsel vm10, v11, v48;
	v4 =	vsel vm11, v4, v49;
	v9 =	vsel vm11, v9, v50  }
0x1ce: {  	v5 =	vsel vm12, v5, v52;
	v17 =	vsel vm12, v17, v53;
	v10 =	vsel vm13, v10, v54  }
0x1cf: {  	v14 =	vsel vm13, v14, v55;
	v1 =	vsel vm14, v12, v1;
	v2 =	vsel vm14, v15, v2  }
0x1d0: {  	vm0 =	vgt.f32 v51, v41;
	vm9 =	vgt.f32 v51, v6;
	vm10 =	vgt.f32 v51, v3  }
0x1d1: {  	vm11 =	vgt.f32 v51, v7;
	vm12 =	vgt.f32 v51, v4;
	vm13 =	vgt.f32 v51, v5  }
0x1d2: {  	vm14 =	vgt.f32 v51, v10;
	vm15 =	vgt.f32 v51, v1;
	v56 =	vsel vm0, v51, v41  }
0x1d3: {  	v58 =	vsel vm0, $0x26, v42;
	v57 =	vsel vm9, v51, v6;
	v59 =	vsel vm9, $0x26, v13  }
0x1d4: {  	v61 =	vsel vm10, v51, v3;
	v62 =	vsel vm10, $0x26, v19;
	v63 =	vsel vm11, v51, v7  }
0x1d5: {  	v24 =	vsel vm11, $0x26, v11;
	v25 =	vsel vm12, v51, v4;
	v26 =	vsel vm12, $0x26, v9  }
0x1d6: {  	v28 =	vsel vm13, v51, v5;
	v29 =	vsel vm13, $0x26, v17;
	v30 =	vsel vm14, v51, v10  }
0x1d7: {  	v27 =	vld [tilespmem:s13+$0x2380];
	v31 =	vsel vm14, $0x26, v14;
	v1 =	vsel vm15, v51, v1;
	v2 =	vsel vm15, $0x26, v2  }
0x1d8: {  	v8 =	vsel vm0, v41, v57;
	v60 =	vsel vm0, v42, v59;
	v6 =	vsel vm9, v6, v61  }
0x1d9: {  	v13 =	vsel vm9, v13, v62;
	v3 =	vsel vm10, v3, v63;
	v19 =	vsel vm10, v19, v24  }
0x1da: {  	v7 =	vsel vm11, v7, v25;
	v11 =	vsel vm11, v11, v26;
	v4 =	vsel vm12, v4, v28  }
0x1db: {  	v9 =	vsel vm12, v9, v29;
	v5 =	vsel vm13, v5, v30;
	v17 =	vsel vm13, v17, v31  }
0x1dc: {  	v1 =	vsel vm14, v10, v1;
	v2 =	vsel vm14, v14, v2;
	vm0 =	vgt.f32 v27, v56  }
0x1dd: {  	vm9 =	vgt.f32 v27, v8;
	vm10 =	vgt.f32 v27, v6;
	vm11 =	vgt.f32 v27, v3  }
0x1de: {  	vm12 =	vgt.f32 v27, v7;
	vm13 =	vgt.f32 v27, v4;
	vm14 =	vgt.f32 v27, v5  }
0x1df: {  	vm15 =	vgt.f32 v27, v1;
	v32 =	vsel vm0, v27, v56;
	v33 =	vsel vm0, $0x27, v58  }
0x1e0: {  	v34 =	vsel vm9, v27, v8;
	v35 =	vsel vm9, $0x27, v60;
	v36 =	vsel vm10, v27, v6  }
0x1e1: {  	v37 =	vsel vm10, $0x27, v13;
	v38 =	vsel vm11, v27, v3;
	v39 =	vsel vm11, $0x27, v19  }
0x1e2: {  	v40 =	vsel vm12, v27, v7;
	v41 =	vsel vm12, $0x27, v11;
	v42 =	vsel vm13, v27, v4  }
0x1e3: {  	v44 =	vsel vm13, $0x27, v9;
	v45 =	vsel vm14, v27, v5;
	v46 =	vsel vm14, $0x27, v17  }
0x1e4: {  	v43 =	vld [tilespmem:s13+$0x2800];
	v1 =	vsel vm15, v27, v1;
	v2 =	vsel vm15, $0x27, v2;
	v12 =	vsel vm0, v56, v34  }
0x1e5: {  	v18 =	vsel vm0, v58, v35;
	v8 =	vsel vm9, v8, v36;
	v15 =	vsel vm9, v60, v37  }
0x1e6: {  	v6 =	vsel vm10, v6, v38;
	v13 =	vsel vm10, v13, v39;
	v3 =	vsel vm11, v3, v40  }
0x1e7: {  	v19 =	vsel vm11, v19, v41;
	v7 =	vsel vm12, v7, v42;
	v11 =	vsel vm12, v11, v44  }
0x1e8: {  	v4 =	vsel vm13, v4, v45;
	v9 =	vsel vm13, v9, v46;
	v1 =	vsel vm14, v5, v1  }
0x1e9: {  	v2 =	vsel vm14, v17, v2;
	vm0 =	vgt.f32 v43, v32;
	vm9 =	vgt.f32 v43, v12  }
0x1ea: {  	vm10 =	vgt.f32 v43, v8;
	vm11 =	vgt.f32 v43, v6;
	vm12 =	vgt.f32 v43, v3  }
0x1eb: {  	vm13 =	vgt.f32 v43, v7;
	vm14 =	vgt.f32 v43, v4;
	vm15 =	vgt.f32 v43, v1  }
0x1ec: {  	v47 =	vsel vm0, v43, v32;
	v48 =	vsel vm0, $0x28, v33;
	v49 =	vsel vm9, v43, v12  }
0x1ed: {  	v50 =	vsel vm9, $0x28, v18;
	v51 =	vsel vm10, v43, v8;
	v52 =	vsel vm10, $0x28, v15  }
0x1ee: {  	v53 =	vsel vm11, v43, v6;
	v54 =	vsel vm11, $0x28, v13;
	v55 =	vsel vm12, v43, v3  }
0x1ef: {  	v56 =	vsel vm12, $0x28, v19;
	v58 =	vsel vm13, v43, v7;
	v59 =	vsel vm13, $0x28, v11  }
0x1f0: {  	v60 =	vsel vm14, v43, v4;
	v61 =	vsel vm14, $0x28, v9;
	v1 =	vsel vm15, v43, v1  }
0x1f1: {  	v57 =	vld [tilespmem:s13+$0x2880];
	v2 =	vsel vm15, $0x28, v2;
	v10 =	vsel vm0, v32, v49;
	v14 =	vsel vm0, v33, v50  }
0x1f2: {  	v12 =	vsel vm9, v12, v51;
	v18 =	vsel vm9, v18, v52;
	v8 =	vsel vm10, v8, v53  }
0x1f3: {  	v15 =	vsel vm10, v15, v54;
	v6 =	vsel vm11, v6, v55;
	v13 =	vsel vm11, v13, v56  }
0x1f4: {  	v3 =	vsel vm12, v3, v58;
	v19 =	vsel vm12, v19, v59;
	v7 =	vsel vm13, v7, v60  }
0x1f5: {  	v11 =	vsel vm13, v11, v61;
	v1 =	vsel vm14, v4, v1;
	v2 =	vsel vm14, v9, v2  }
0x1f6: {  	vm0 =	vgt.f32 v57, v47;
	vm9 =	vgt.f32 v57, v10;
	vm10 =	vgt.f32 v57, v12  }
0x1f7: {  	vm11 =	vgt.f32 v57, v8;
	vm12 =	vgt.f32 v57, v6;
	vm13 =	vgt.f32 v57, v3  }
0x1f8: {  	vm14 =	vgt.f32 v57, v7;
	vm15 =	vgt.f32 v57, v1;
	v62 =	vsel vm0, v57, v47  }
0x1f9: {  	v24 =	vsel vm0, $0x29, v48;
	v63 =	vsel vm9, v57, v10;
	v25 =	vsel vm9, $0x29, v14  }
0x1fa: {  	v27 =	vsel vm10, v57, v12;
	v28 =	vsel vm10, $0x29, v18;
	v29 =	vsel vm11, v57, v8  }
0x1fb: {  	v30 =	vsel vm11, $0x29, v15;
	v31 =	vsel vm12, v57, v6;
	v32 =	vsel vm12, $0x29, v13  }
0x1fc: {  	v34 =	vsel vm13, v57, v3;
	v35 =	vsel vm13, $0x29, v19;
	v36 =	vsel vm14, v57, v7  }
0x1fd: {  	v33 =	vld [tilespmem:s13+$0x2900];
	v37 =	vsel vm14, $0x29, v11;
	v1 =	vsel vm15, v57, v1;
	v2 =	vsel vm15, $0x29, v2  }
0x1fe: {  	v5 =	vsel vm0, v47, v63;
	v26 =	vsel vm0, v48, v25;
	v10 =	vsel vm9, v10, v27  }
0x1ff: {  	v14 =	vsel vm9, v14, v28;
	v12 =	vsel vm10, v12, v29;
	v18 =	vsel vm10, v18, v30  }
0x200: {  	v8 =	vsel vm11, v8, v31;
	v15 =	vsel vm11, v15, v32;
	v6 =	vsel vm12, v6, v34  }
0x201: {  	v13 =	vsel vm12, v13, v35;
	v3 =	vsel vm13, v3, v36;
	v19 =	vsel vm13, v19, v37  }
0x202: {  	v1 =	vsel vm14, v7, v1;
	v2 =	vsel vm14, v11, v2;
	vm0 =	vgt.f32 v33, v62  }
0x203: {  	vm9 =	vgt.f32 v33, v5;
	vm10 =	vgt.f32 v33, v10;
	vm11 =	vgt.f32 v33, v12  }
0x204: {  	vm12 =	vgt.f32 v33, v8;
	vm13 =	vgt.f32 v33, v6;
	vm14 =	vgt.f32 v33, v3  }
0x205: {  	vm15 =	vgt.f32 v33, v1;
	v38 =	vsel vm0, v33, v62;
	v39 =	vsel vm0, $0x2A, v24  }
0x206: {  	v40 =	vsel vm9, v33, v5;
	v41 =	vsel vm9, $0x2A, v26;
	v42 =	vsel vm10, v33, v10  }
0x207: {  	v43 =	vsel vm10, $0x2A, v14;
	v44 =	vsel vm11, v33, v12;
	v45 =	vsel vm11, $0x2A, v18  }
0x208: {  	v46 =	vsel vm12, v33, v8;
	v47 =	vsel vm12, $0x2A, v15;
	v48 =	vsel vm13, v33, v6  }
0x209: {  	v50 =	vsel vm13, $0x2A, v13;
	v51 =	vsel vm14, v33, v3;
	v52 =	vsel vm14, $0x2A, v19  }
0x20a: {  	v49 =	vld [tilespmem:s13+$0x2980];
	v1 =	vsel vm15, v33, v1;
	v2 =	vsel vm15, $0x2A, v2;
	v4 =	vsel vm0, v62, v40  }
0x20b: {  	v17 =	vsel vm0, v24, v41;
	v5 =	vsel vm9, v5, v42;
	v9 =	vsel vm9, v26, v43  }
0x20c: {  	v10 =	vsel vm10, v10, v44;
	v14 =	vsel vm10, v14, v45;
	v12 =	vsel vm11, v12, v46  }
0x20d: {  	v18 =	vsel vm11, v18, v47;
	v8 =	vsel vm12, v8, v48;
	v15 =	vsel vm12, v15, v50  }
0x20e: {  	v6 =	vsel vm13, v6, v51;
	v13 =	vsel vm13, v13, v52;
	v1 =	vsel vm14, v3, v1  }
0x20f: {  	v2 =	vsel vm14, v19, v2;
	vm0 =	vgt.f32 v49, v38;
	vm9 =	vgt.f32 v49, v4  }
0x210: {  	vm10 =	vgt.f32 v49, v5;
	vm11 =	vgt.f32 v49, v10;
	vm12 =	vgt.f32 v49, v12  }
0x211: {  	vm13 =	vgt.f32 v49, v8;
	vm14 =	vgt.f32 v49, v6;
	vm15 =	vgt.f32 v49, v1  }
0x212: {  	v3 =	vsel vm0, v49, v38;
	v53 =	vsel vm0, $0x2B, v39;
	v54 =	vsel vm9, v49, v4  }
0x213: {  	v55 =	vsel vm9, $0x2B, v17;
	v56 =	vsel vm10, v49, v5;
	v57 =	vsel vm10, $0x2B, v9  }
0x214: {  	v58 =	vsel vm11, v49, v10;
	v59 =	vsel vm11, $0x2B, v14;
	v60 =	vsel vm12, v49, v12  }
0x215: {  	v61 =	vsel vm12, $0x2B, v18;
	v63 =	vsel vm13, v49, v8;
	v24 =	vsel vm13, $0x2B, v15  }
0x216: {  	v25 =	vsel vm14, v49, v6;
	v26 =	vsel vm14, $0x2B, v13;
	v1 =	vsel vm15, v49, v1  }
0x217: {  	v62 =	vld [tilespmem:s13+$0x2A00];
	v2 =	vsel vm15, $0x2B, v2;
	v7 =	vsel vm0, v38, v54;
	v11 =	vsel vm0, v39, v55  }
0x218: {  	v4 =	vsel vm9, v4, v56;
	v17 =	vsel vm9, v17, v57;
	v5 =	vsel vm10, v5, v58  }
0x219: {  	v9 =	vsel vm10, v9, v59;
	v10 =	vsel vm11, v10, v60;
	v14 =	vsel vm11, v14, v61  }
0x21a: {  	v12 =	vsel vm12, v12, v63;
	v18 =	vsel vm12, v18, v24;
	v8 =	vsel vm13, v8, v25  }
0x21b: {  	v15 =	vsel vm13, v15, v26;
	v1 =	vsel vm14, v6, v1;
	v2 =	vsel vm14, v13, v2  }
0x21c: {  	vm0 =	vgt.f32 v62, v3;
	vm9 =	vgt.f32 v62, v7;
	vm10 =	vgt.f32 v62, v4  }
0x21d: {  	vm11 =	vgt.f32 v62, v5;
	vm12 =	vgt.f32 v62, v10;
	vm13 =	vgt.f32 v62, v12  }
0x21e: {  	vm14 =	vgt.f32 v62, v8;
	vm15 =	vgt.f32 v62, v1;
	v27 =	vsel vm0, v62, v3  }
0x21f: {  	v28 =	vsel vm9, v62, v7;
	v29 =	vsel vm0, $0x2C, v53;
	v30 =	vsel vm9, $0x2C, v11  }
0x220: {  	v32 =	vsel vm10, v62, v4;
	v33 =	vsel vm10, $0x2C, v17;
	v34 =	vsel vm11, v62, v5  }
0x221: {  	v35 =	vsel vm11, $0x2C, v9;
	v36 =	vsel vm12, v62, v10;
	v37 =	vsel vm12, $0x2C, v14  }
0x222: {  	v39 =	vsel vm13, v62, v12;
	v40 =	vsel vm13, $0x2C, v18;
	v41 =	vsel vm14, v62, v8  }
0x223: {  	v38 =	vld [tilespmem:s13+$0x2A80];
	v42 =	vsel vm14, $0x2C, v15;
	v1 =	vsel vm15, v62, v1;
	v2 =	vsel vm15, $0x2C, v2  }
0x224: {  	v3 =	vsel vm0, v3, v28;
	v31 =	vsel vm0, v53, v30;
	v7 =	vsel vm9, v7, v32  }
0x225: {  	v11 =	vsel vm9, v11, v33;
	v4 =	vsel vm10, v4, v34;
	v17 =	vsel vm10, v17, v35  }
0x226: {  	v5 =	vsel vm11, v5, v36;
	v9 =	vsel vm11, v9, v37;
	v10 =	vsel vm12, v10, v39  }
0x227: {  	v14 =	vsel vm12, v14, v40;
	v12 =	vsel vm13, v12, v41;
	v18 =	vsel vm13, v18, v42  }
0x228: {  	v1 =	vsel vm14, v8, v1;
	v2 =	vsel vm14, v15, v2;
	vm0 =	vgt.f32 v38, v27  }
0x229: {  	vm9 =	vgt.f32 v38, v3;
	vm10 =	vgt.f32 v38, v7;
	vm11 =	vgt.f32 v38, v4  }
0x22a: {  	vm12 =	vgt.f32 v38, v5;
	vm13 =	vgt.f32 v38, v10;
	vm14 =	vgt.f32 v38, v12  }
0x22b: {  	vm15 =	vgt.f32 v38, v1;
	v43 =	vsel vm0, v38, v27;
	v44 =	vsel vm0, $0x2D, v29  }
0x22c: {  	v45 =	vsel vm9, v38, v3;
	v46 =	vsel vm9, $0x2D, v31;
	v47 =	vsel vm10, v38, v7  }
0x22d: {  	v48 =	vsel vm10, $0x2D, v11;
	v49 =	vsel vm11, v38, v4;
	v50 =	vsel vm11, $0x2D, v17  }
0x22e: {  	v51 =	vsel vm12, v38, v5;
	v52 =	vsel vm12, $0x2D, v9;
	v53 =	vsel vm13, v38, v10  }
0x22f: {  	v55 =	vsel vm13, $0x2D, v14;
	v56 =	vsel vm14, v38, v12;
	v57 =	vsel vm14, $0x2D, v18  }
0x230: {  	v54 =	vld [tilespmem:s13+$0x2B00];
	v1 =	vsel vm15, v38, v1;
	v2 =	vsel vm15, $0x2D, v2;
	v6 =	vsel vm0, v27, v45  }
0x231: {  	v19 =	vsel vm0, v29, v46;
	v3 =	vsel vm9, v3, v47;
	v13 =	vsel vm9, v31, v48  }
0x232: {  	v7 =	vsel vm10, v7, v49;
	v11 =	vsel vm10, v11, v50;
	v4 =	vsel vm11, v4, v51  }
0x233: {  	v17 =	vsel vm11, v17, v52;
	v5 =	vsel vm12, v5, v53;
	v9 =	vsel vm12, v9, v55  }
0x234: {  	v10 =	vsel vm13, v10, v56;
	v14 =	vsel vm13, v14, v57;
	v1 =	vsel vm14, v12, v1  }
0x235: {  	v2 =	vsel vm14, v18, v2;
	vm0 =	vgt.f32 v54, v43;
	vm9 =	vgt.f32 v54, v6  }
0x236: {  	vm10 =	vgt.f32 v54, v3;
	vm11 =	vgt.f32 v54, v7;
	vm12 =	vgt.f32 v54, v4  }
0x237: {  	vm13 =	vgt.f32 v54, v5;
	vm14 =	vgt.f32 v54, v10;
	vm15 =	vgt.f32 v54, v1  }
0x238: {  	v58 =	vsel vm0, v54, v43;
	v59 =	vsel vm0, $0x2E, v44;
	v60 =	vsel vm9, v54, v6  }
0x239: {  	v61 =	vsel vm9, $0x2E, v19;
	v62 =	vsel vm10, v54, v3;
	v63 =	vsel vm10, $0x2E, v13  }
0x23a: {  	v24 =	vsel vm11, v54, v7;
	v25 =	vsel vm11, $0x2E, v11;
	v26 =	vsel vm12, v54, v4  }
0x23b: {  	v27 =	vsel vm12, $0x2E, v17;
	v29 =	vsel vm13, v54, v5;
	v30 =	vsel vm13, $0x2E, v9  }
0x23c: {  	v31 =	vsel vm14, v54, v10;
	v32 =	vsel vm14, $0x2E, v14;
	v1 =	vsel vm15, v54, v1  }
0x23d: {  	v28 =	vld [tilespmem:s13+$0x2B80];
	v2 =	vsel vm15, $0x2E, v2;
	v8 =	vsel vm0, v43, v60;
	v15 =	vsel vm0, v44, v61  }
0x23e: {  	v6 =	vsel vm9, v6, v62;
	v19 =	vsel vm9, v19, v63;
	v3 =	vsel vm10, v3, v24  }
0x23f: {  	v13 =	vsel vm10, v13, v25;
	v7 =	vsel vm11, v7, v26;
	v11 =	vsel vm11, v11, v27  }
0x240: {  	v4 =	vsel vm12, v4, v29;
	v17 =	vsel vm12, v17, v30;
	v5 =	vsel vm13, v5, v31  }
0x241: {  	v9 =	vsel vm13, v9, v32;
	v1 =	vsel vm14, v10, v1;
	v2 =	vsel vm14, v14, v2  }
0x242: {  	vm0 =	vgt.f32 v28, v58;
	vm9 =	vgt.f32 v28, v8;
	vm10 =	vgt.f32 v28, v6  }
0x243: {  	vm11 =	vgt.f32 v28, v3;
	vm12 =	vgt.f32 v28, v7;
	vm13 =	vgt.f32 v28, v4  }
0x244: {  	vm14 =	vgt.f32 v28, v5;
	vm15 =	vgt.f32 v28, v1;
	v33 =	vsel vm0, v28, v58  }
0x245: {  	v35 =	vsel vm0, $0x2F, v59;
	v34 =	vsel vm9, v28, v8;
	v36 =	vsel vm9, $0x2F, v15  }
0x246: {  	v38 =	vsel vm10, v28, v6;
	v39 =	vsel vm10, $0x2F, v19;
	v40 =	vsel vm11, v28, v3  }
0x247: {  	v41 =	vsel vm11, $0x2F, v13;
	v42 =	vsel vm12, v28, v7;
	v43 =	vsel vm12, $0x2F, v11  }
0x248: {  	v45 =	vsel vm13, v28, v4;
	v46 =	vsel vm13, $0x2F, v17;
	v47 =	vsel vm14, v28, v5  }
0x249: {  	v44 =	vld [tilespmem:s13+$0x3000];
	v48 =	vsel vm14, $0x2F, v9;
	v1 =	vsel vm15, v28, v1;
	v2 =	vsel vm15, $0x2F, v2  }
0x24a: {  	v12 =	vsel vm0, v58, v34;
	v37 =	vsel vm0, v59, v36;
	v8 =	vsel vm9, v8, v38  }
0x24b: {  	v15 =	vsel vm9, v15, v39;
	v6 =	vsel vm10, v6, v40;
	v19 =	vsel vm10, v19, v41  }
0x24c: {  	v3 =	vsel vm11, v3, v42;
	v13 =	vsel vm11, v13, v43;
	v7 =	vsel vm12, v7, v45  }
0x24d: {  	v11 =	vsel vm12, v11, v46;
	v4 =	vsel vm13, v4, v47;
	v17 =	vsel vm13, v17, v48  }
0x24e: {  	v1 =	vsel vm14, v5, v1;
	v2 =	vsel vm14, v9, v2;
	vm0 =	vgt.f32 v44, v33  }
0x24f: {  	vm9 =	vgt.f32 v44, v12;
	vm10 =	vgt.f32 v44, v8;
	vm11 =	vgt.f32 v44, v6  }
0x250: {  	vm12 =	vgt.f32 v44, v3;
	vm13 =	vgt.f32 v44, v7;
	vm14 =	vgt.f32 v44, v4  }
0x251: {  	vm15 =	vgt.f32 v44, v1;
	v49 =	vsel vm0, v44, v33;
	v50 =	vsel vm0, $0x30, v35  }
0x252: {  	v51 =	vsel vm9, v44, v12;
	v52 =	vsel vm9, $0x30, v37;
	v53 =	vsel vm10, v44, v8  }
0x253: {  	v54 =	vsel vm10, $0x30, v15;
	v55 =	vsel vm11, v44, v6;
	v56 =	vsel vm11, $0x30, v19  }
0x254: {  	v57 =	vsel vm12, v44, v3;
	v58 =	vsel vm12, $0x30, v13;
	v59 =	vsel vm13, v44, v7  }
0x255: {  	v61 =	vsel vm13, $0x30, v11;
	v62 =	vsel vm14, v44, v4;
	v63 =	vsel vm14, $0x30, v17  }
0x256: {  	v60 =	vld [tilespmem:s13+$0x3080];
	v1 =	vsel vm15, v44, v1;
	v2 =	vsel vm15, $0x30, v2;
	v10 =	vsel vm0, v33, v51  }
0x257: {  	v18 =	vsel vm0, v35, v52;
	v12 =	vsel vm9, v12, v53;
	v14 =	vsel vm9, v37, v54  }
0x258: {  	v8 =	vsel vm10, v8, v55;
	v15 =	vsel vm10, v15, v56;
	v6 =	vsel vm11, v6, v57  }
0x259: {  	v19 =	vsel vm11, v19, v58;
	v3 =	vsel vm12, v3, v59;
	v13 =	vsel vm12, v13, v61  }
0x25a: {  	v7 =	vsel vm13, v7, v62;
	v11 =	vsel vm13, v11, v63;
	v1 =	vsel vm14, v4, v1  }
0x25b: {  	v2 =	vsel vm14, v17, v2;
	vm0 =	vgt.f32 v60, v49;
	vm9 =	vgt.f32 v60, v10  }
0x25c: {  	vm10 =	vgt.f32 v60, v12;
	vm11 =	vgt.f32 v60, v8;
	vm12 =	vgt.f32 v60, v6  }
0x25d: {  	vm13 =	vgt.f32 v60, v3;
	vm14 =	vgt.f32 v60, v7;
	vm15 =	vgt.f32 v60, v1  }
0x25e: {  	v24 =	vsel vm0, v60, v49;
	v25 =	vsel vm0, $0x31, v50;
	v26 =	vsel vm9, v60, v10  }
0x25f: {  	v27 =	vsel vm9, $0x31, v18;
	v28 =	vsel vm10, v60, v12;
	v29 =	vsel vm10, $0x31, v14  }
0x260: {  	v30 =	vsel vm11, v60, v8;
	v31 =	vsel vm11, $0x31, v15;
	v32 =	vsel vm12, v60, v6  }
0x261: {  	v33 =	vsel vm12, $0x31, v19;
	v35 =	vsel vm13, v60, v3;
	v36 =	vsel vm13, $0x31, v13  }
0x262: {  	v37 =	vsel vm14, v60, v7;
	v38 =	vsel vm14, $0x31, v11;
	v1 =	vsel vm15, v60, v1  }
0x263: {  	v34 =	vld [tilespmem:s13+$0x3100];
	v2 =	vsel vm15, $0x31, v2;
	v5 =	vsel vm0, v49, v26;
	v9 =	vsel vm0, v50, v27  }
0x264: {  	v10 =	vsel vm9, v10, v28;
	v18 =	vsel vm9, v18, v29;
	v12 =	vsel vm10, v12, v30  }
0x265: {  	v14 =	vsel vm10, v14, v31;
	v8 =	vsel vm11, v8, v32;
	v15 =	vsel vm11, v15, v33  }
0x266: {  	v6 =	vsel vm12, v6, v35;
	v19 =	vsel vm12, v19, v36;
	v3 =	vsel vm13, v3, v37  }
0x267: {  	v13 =	vsel vm13, v13, v38;
	v1 =	vsel vm14, v7, v1;
	v2 =	vsel vm14, v11, v2  }
0x268: {  	vm0 =	vgt.f32 v34, v24;
	vm9 =	vgt.f32 v34, v5;
	vm10 =	vgt.f32 v34, v10  }
0x269: {  	vm11 =	vgt.f32 v34, v12;
	vm12 =	vgt.f32 v34, v8;
	vm13 =	vgt.f32 v34, v6  }
0x26a: {  	vm14 =	vgt.f32 v34, v3;
	vm15 =	vgt.f32 v34, v1;
	v39 =	vsel vm0, v34, v24  }
0x26b: {  	v41 =	vsel vm0, $0x32, v25;
	v40 =	vsel vm9, v34, v5;
	v42 =	vsel vm9, $0x32, v9  }
0x26c: {  	v44 =	vsel vm10, v34, v10;
	v45 =	vsel vm10, $0x32, v18;
	v46 =	vsel vm11, v34, v12  }
0x26d: {  	v47 =	vsel vm11, $0x32, v14;
	v48 =	vsel vm12, v34, v8;
	v49 =	vsel vm12, $0x32, v15  }
0x26e: {  	v51 =	vsel vm13, v34, v6;
	v52 =	vsel vm13, $0x32, v19;
	v53 =	vsel vm14, v34, v3  }
0x26f: {  	v50 =	vld [tilespmem:s13+$0x3180];
	v54 =	vsel vm14, $0x32, v13;
	v1 =	vsel vm15, v34, v1;
	v2 =	vsel vm15, $0x32, v2  }
0x270: {  	v4 =	vsel vm0, v24, v40;
	v43 =	vsel vm0, v25, v42;
	v5 =	vsel vm9, v5, v44  }
0x271: {  	v9 =	vsel vm9, v9, v45;
	v10 =	vsel vm10, v10, v46;
	v18 =	vsel vm10, v18, v47  }
0x272: {  	v12 =	vsel vm11, v12, v48;
	v14 =	vsel vm11, v14, v49;
	v8 =	vsel vm12, v8, v51  }
0x273: {  	v15 =	vsel vm12, v15, v52;
	v6 =	vsel vm13, v6, v53;
	v19 =	vsel vm13, v19, v54  }
0x274: {  	v1 =	vsel vm14, v3, v1;
	v2 =	vsel vm14, v13, v2;
	vm0 =	vgt.f32 v50, v39  }
0x275: {  	vm9 =	vgt.f32 v50, v4;
	vm10 =	vgt.f32 v50, v5;
	vm11 =	vgt.f32 v50, v10  }
0x276: {  	vm12 =	vgt.f32 v50, v12;
	vm13 =	vgt.f32 v50, v8;
	vm14 =	vgt.f32 v50, v6  }
0x277: {  	vm15 =	vgt.f32 v50, v1;
	v3 =	vsel vm0, v50, v39;
	v55 =	vsel vm0, $0x33, v41  }
0x278: {  	v56 =	vsel vm9, v50, v4;
	v57 =	vsel vm9, $0x33, v43;
	v58 =	vsel vm10, v50, v5  }
0x279: {  	v59 =	vsel vm10, $0x33, v9;
	v60 =	vsel vm11, v50, v10;
	v61 =	vsel vm11, $0x33, v18  }
0x27a: {  	v62 =	vsel vm12, v50, v12;
	v63 =	vsel vm12, $0x33, v14;
	v24 =	vsel vm13, v50, v8  }
0x27b: {  	v26 =	vsel vm13, $0x33, v15;
	v27 =	vsel vm14, v50, v6;
	v28 =	vsel vm14, $0x33, v19  }
0x27c: {  	v25 =	vld [tilespmem:s13+$0x3200];
	v1 =	vsel vm15, v50, v1;
	v2 =	vsel vm15, $0x33, v2;
	v7 =	vsel vm0, v39, v56  }
0x27d: {  	v17 =	vsel vm0, v41, v57;
	v4 =	vsel vm9, v4, v58;
	v11 =	vsel vm9, v43, v59  }
0x27e: {  	v5 =	vsel vm10, v5, v60;
	v9 =	vsel vm10, v9, v61;
	v10 =	vsel vm11, v10, v62  }
0x27f: {  	v18 =	vsel vm11, v18, v63;
	v12 =	vsel vm12, v12, v24;
	v14 =	vsel vm12, v14, v26  }
0x280: {  	v8 =	vsel vm13, v8, v27;
	v15 =	vsel vm13, v15, v28;
	v1 =	vsel vm14, v6, v1  }
0x281: {  	v2 =	vsel vm14, v19, v2;
	vm0 =	vgt.f32 v25, v3;
	vm9 =	vgt.f32 v25, v7  }
0x282: {  	vm10 =	vgt.f32 v25, v4;
	vm11 =	vgt.f32 v25, v5;
	vm12 =	vgt.f32 v25, v10  }
0x283: {  	vm13 =	vgt.f32 v25, v12;
	vm14 =	vgt.f32 v25, v8;
	vm15 =	vgt.f32 v25, v1  }
0x284: {  	v29 =	vsel vm0, v25, v3;
	v30 =	vsel vm0, $0x34, v55;
	v31 =	vsel vm9, v25, v7  }
0x285: {  	v32 =	vsel vm9, $0x34, v17;
	v33 =	vsel vm10, v25, v4;
	v34 =	vsel vm10, $0x34, v11  }
0x286: {  	v35 =	vsel vm11, v25, v5;
	v36 =	vsel vm11, $0x34, v9;
	v37 =	vsel vm12, v25, v10  }
0x287: {  	v38 =	vsel vm12, $0x34, v18;
	v40 =	vsel vm13, v25, v12;
	v41 =	vsel vm13, $0x34, v14  }
0x288: {  	v42 =	vsel vm14, v25, v8;
	v43 =	vsel vm14, $0x34, v15;
	v1 =	vsel vm15, v25, v1  }
0x289: {  	v39 =	vld [tilespmem:s13+$0x3280];
	v2 =	vsel vm15, $0x34, v2;
	v3 =	vsel vm0, v3, v31;
	v13 =	vsel vm0, v55, v32  }
0x28a: {  	v7 =	vsel vm9, v7, v33;
	v17 =	vsel vm9, v17, v34;
	v4 =	vsel vm10, v4, v35  }
0x28b: {  	v11 =	vsel vm10, v11, v36;
	v5 =	vsel vm11, v5, v37;
	v9 =	vsel vm11, v9, v38  }
0x28c: {  	v10 =	vsel vm12, v10, v40;
	v18 =	vsel vm12, v18, v41;
	v12 =	vsel vm13, v12, v42  }
0x28d: {  	v14 =	vsel vm13, v14, v43;
	v1 =	vsel vm14, v8, v1;
	v2 =	vsel vm14, v15, v2  }
0x28e: {  	vm0 =	vgt.f32 v39, v29;
	vm9 =	vgt.f32 v39, v3;
	vm10 =	vgt.f32 v39, v7  }
0x28f: {  	vm11 =	vgt.f32 v39, v4;
	vm12 =	vgt.f32 v39, v5;
	vm13 =	vgt.f32 v39, v10  }
0x290: {  	vm14 =	vgt.f32 v39, v12;
	vm15 =	vgt.f32 v39, v1;
	v44 =	vsel vm0, v39, v29  }
0x291: {  	v45 =	vsel vm9, v39, v3;
	v46 =	vsel vm0, $0x35, v30;
	v47 =	vsel vm9, $0x35, v13  }
0x292: {  	v49 =	vsel vm10, v39, v7;
	v50 =	vsel vm10, $0x35, v17;
	v51 =	vsel vm11, v39, v4  }
0x293: {  	v52 =	vsel vm11, $0x35, v11;
	v53 =	vsel vm12, v39, v5;
	v54 =	vsel vm12, $0x35, v9  }
0x294: {  	v56 =	vsel vm13, v39, v10;
	v57 =	vsel vm13, $0x35, v18;
	v58 =	vsel vm14, v39, v12  }
0x295: {  	v55 =	vld [tilespmem:s13+$0x3300];
	v59 =	vsel vm14, $0x35, v14;
	v1 =	vsel vm15, v39, v1;
	v2 =	vsel vm15, $0x35, v2  }
0x296: {  	v6 =	vsel vm0, v29, v45;
	v48 =	vsel vm0, v30, v47;
	v3 =	vsel vm9, v3, v49  }
0x297: {  	v13 =	vsel vm9, v13, v50;
	v7 =	vsel vm10, v7, v51;
	v17 =	vsel vm10, v17, v52  }
0x298: {  	v4 =	vsel vm11, v4, v53;
	v11 =	vsel vm11, v11, v54;
	v5 =	vsel vm12, v5, v56  }
0x299: {  	v9 =	vsel vm12, v9, v57;
	v10 =	vsel vm13, v10, v58;
	v18 =	vsel vm13, v18, v59  }
0x29a: {  	v1 =	vsel vm14, v12, v1;
	v2 =	vsel vm14, v14, v2;
	vm0 =	vgt.f32 v55, v44  }
0x29b: {  	vm9 =	vgt.f32 v55, v6;
	vm10 =	vgt.f32 v55, v3;
	vm11 =	vgt.f32 v55, v7  }
0x29c: {  	vm12 =	vgt.f32 v55, v4;
	vm13 =	vgt.f32 v55, v5;
	vm14 =	vgt.f32 v55, v10  }
0x29d: {  	vm15 =	vgt.f32 v55, v1;
	v60 =	vsel vm0, v55, v44;
	v61 =	vsel vm0, $0x36, v46  }
0x29e: {  	v62 =	vsel vm9, v55, v6;
	v63 =	vsel vm9, $0x36, v48;
	v24 =	vsel vm10, v55, v3  }
0x29f: {  	v25 =	vsel vm10, $0x36, v13;
	v26 =	vsel vm11, v55, v7;
	v27 =	vsel vm11, $0x36, v17  }
0x2a0: {  	v28 =	vsel vm12, v55, v4;
	v29 =	vsel vm12, $0x36, v11;
	v30 =	vsel vm13, v55, v5  }
0x2a1: {  	v32 =	vsel vm13, $0x36, v9;
	v33 =	vsel vm14, v55, v10;
	v34 =	vsel vm14, $0x36, v18  }
0x2a2: {  	v31 =	vld [tilespmem:s13+$0x3380];
	v1 =	vsel vm15, v55, v1;
	v2 =	vsel vm15, $0x36, v2;
	v8 =	vsel vm0, v44, v62  }
0x2a3: {  	v19 =	vsel vm0, v46, v63;
	v6 =	vsel vm9, v6, v24;
	v15 =	vsel vm9, v48, v25  }
0x2a4: {  	v3 =	vsel vm10, v3, v26;
	v13 =	vsel vm10, v13, v27;
	v7 =	vsel vm11, v7, v28  }
0x2a5: {  	v17 =	vsel vm11, v17, v29;
	v4 =	vsel vm12, v4, v30;
	v11 =	vsel vm12, v11, v32  }
0x2a6: {  	v5 =	vsel vm13, v5, v33;
	v9 =	vsel vm13, v9, v34;
	v1 =	vsel vm14, v10, v1  }
0x2a7: {  	v2 =	vsel vm14, v18, v2;
	vm0 =	vgt.f32 v31, v60;
	v24 =	vimm.s32 $0x0  }
0x2a8: {  	v25 =	vimm.s32 $0x0;
	v26 =	vimm.s32 $0x0;
	v27 =	vimm.s32 $0x0  }
0x2a9: {  	v28 =	vimm.s32 $0x0;
	v30 =	vimm.s32 $0x0;
	vm9 =	vgt.f32 v31, v8  }
0x2aa: {  	vm10 =	vgt.f32 v31, v6;
	vm11 =	vgt.f32 v31, v3;
	vm12 =	vgt.f32 v31, v7  }
0x2ab: {  	vm13 =	vgt.f32 v31, v4;
	vm14 =	vgt.f32 v31, v5;
	vm15 =	vgt.f32 v31, v1  }
0x2ac: {  	v35 =	vsel vm0, v31, v60;
	v36 =	vsel vm0, $0x37, v61;
	v37 =	vsel vm9, v31, v8  }
0x2ad: {  	v38 =	vsel vm9, $0x37, v19;
	v39 =	vsel vm10, v31, v6;
	v40 =	vsel vm10, $0x37, v15  }
0x2ae: {  	v41 =	vsel vm11, v31, v3;
	v42 =	vsel vm11, $0x37, v13;
	v43 =	vsel vm12, v31, v7  }
0x2af: {  	v44 =	vsel vm12, $0x37, v17;
	v46 =	vsel vm13, $0x37, v11;
	v47 =	vsel vm14, $0x37, v9  }
0x2b0: {  	v45 =	vld [tilespmem:s13+$0x3800];
	v1 =	vsel vm15, v31, v1;
	v2 =	vsel vm15, $0x37, v2;
	v12 =	vsel vm0, v60, v37  }
0x2b1: {  	v14 =	vsel vm0, v61, v38;
	v8 =	vsel vm9, v8, v39;
	v19 =	vsel vm9, v19, v40  }
0x2b2: {  	v6 =	vsel vm10, v6, v41;
	v15 =	vsel vm10, v15, v42;
	v18 =	vsel vm11, v3, v43  }
0x2b3: {  	v13 =	vsel vm11, v13, v44;
	v3 =	vsel vm13, v31, v4;
	v17 =	vsel vm12, v17, v46  }
0x2b4: {  	v11 =	vsel vm13, v11, v47;
	v48 =	vsel vm14, v5, v1;
	v9 =	vsel vm14, v9, v2  }
0x2b5: {  	vm0 =	vgt.f32 v45, v35;
	v39 =	vimm.s32 $0x0;
	v40 =	vimm.s32 $0x0  }
0x2b6: {  	v41 =	vimm.s32 $0x0;
	v42 =	vimm.s32 $0x0;
	v43 =	vimm.s32 $0x0  }
0x2b7: {  	v44 =	vimm.s32 $0x0;
	v46 =	vimm.s32 $0x0;
	v7 =	vsel vm12, v7, v3  }
0x2b8: {  	v3 =	vsel vm14, v31, v5;
	vm9 =	vgt.f32 v45, v12;
	vm10 =	vgt.f32 v45, v8  }
0x2b9: {  	vm11 =	vgt.f32 v45, v6;
	vm12 =	vgt.f32 v45, v18;
	vm15 =	vgt.f32 v45, v48  }
0x2ba: {  	v49 =	vsel vm0, v45, v35;
	v2 =	vsel vm0, $0x38, v36;
	v23 =	vsel vm13, v4, v3  }
0x2bb: {  	vm13 =	vgt.f32 v45, v7;
	v1 =	vsel vm9, v45, v12;
	v3 =	vsel vm9, $0x38, v14  }
0x2bc: {  	v50 =	vsel vm11, $0x38, v15;
	v52 =	vsel vm12, v45, v18;
	v53 =	vsel vm12, $0x38, v13  }
0x2bd: {  	v62 =	vsel vm15, v45, v48;
	v9 =	vsel vm15, $0x38, v9;
	vm14 =	vgt.f32 v45, v23  }
0x2be: {  	v55 =	vld [tilespmem:s13+$0x3880];
	v10 =	vsel vm0, v35, v1;
	v5 =	vsel vm0, v36, v3;
	v1 =	vsel vm10, v45, v8  }
0x2bf: {  	v3 =	vsel vm10, $0x38, v19;
	v54 =	vsel vm11, v6, v52;
	v4 =	vsel vm11, v15, v53  }
0x2c0: {  	v56 =	vsel vm13, v45, v7;
	v57 =	vsel vm13, $0x38, v17;
	v36 =	vimm.s32 $0x0  }
0x2c1: {  	v12 =	vsel vm9, v12, v1;
	v3 =	vsel vm9, v14, v3;
	v1 =	vsel vm11, v45, v6  }
0x2c2: {  	v58 =	vsel vm12, v18, v56;
	v6 =	vsel vm12, v13, v57;
	v59 =	vsel vm14, v45, v23  }
0x2c3: {  	v60 =	vsel vm14, $0x38, v11;
	v63 =	vsel vm14, v23, v62;
	vm9 =	vgt.f32 v55, v49  }
0x2c4: {  	vm12 =	vgt.f32 v55, v54;
	v45 =	vimm.s32 $0x0;
	v56 =	vimm.s32 $0x0  }
0x2c5: {  	v51 =	vsel vm10, v8, v1;
	v1 =	vsel vm10, v19, v50;
	v61 =	vsel vm13, v7, v59  }
0x2c6: {  	v7 =	vsel vm13, v17, v60;
	v8 =	vsel vm14, v11, v9;
	v9 =	vsel vm9, $0xFFFFFFFF, v24  }
0x2c7: {  	vm10 =	vgt.f32 v55, v10;
	vm11 =	vgt.f32 v55, v12;
	vm13 =	vgt.f32 v55, v58  }
0x2c8: {  	v32 =	vld [tilespmem:s13+$0x3900];
	vm8 =	vgt.f32 v55, v63;
	v31 =	vsel vm9, v55, v49;
	v35 =	vsel vm12, v55, v54  }
0x2c9: {  	v59 =	vimm.s32 $0x0;
	v60 =	vimm.s32 $0x0;
	v24 =	vimm.s32 $0x0  }
0x2ca: {  	[tilespmem:$0x1FD50] =	vst v9;
	v9 =	vsel vm10, $0xFFFFFFFF, v25;
	vm15 =	vgt.f32 v55, v51;
	vm14 =	vgt.f32 v55, v61  }
0x2cb: {  	v29 =	vsel vm10, v55, v10;
	v11 =	vsel vm8, $0xFFFFFFFF, v30;
	v33 =	vsel vm11, v55, v12  }
0x2cc: {  	v20 =	vsel vm13, $0xFFFFFFFF, v36;
	v37 =	vsel vm13, v55, v58;
	v13 =	vsel vm8, v55, v63  }
0x2cd: {  	vm7 =	vgt.f32 v32, v31;
	v25 =	vimm.s32 $0x0;
	v30 =	vimm.s32 $0x0  }
0x2ce: {  	v48 =	vld [tilespmem:s13+$0x3980];
	v36 =	vimm.s32 $0x0;
	[tilespmem:$0x1FD60] =	vst v9;
	v9 =	vsel vm11, $0xFFFFFFFF, v26;
	v34 =	vsel vm15, v55, v51  }
0x2cf: {  	v10 =	vsel vm10, v10, v33;
	v14 =	vsel vm15, v51, v35;
	v38 =	vsel vm14, v55, v61  }
0x2d0: {  	v16 =	vsel vm12, v54, v37;
	v13 =	vsel vm14, v61, v13;
	v18 =	vsel vm7, $0xFFFFFFFF, v39  }
0x2d1: {  	v47 =	vsel vm7, v32, v31;
	v55 =	vimm.s32 $0x0;
	v33 =	vimm.s32 $0x0  }
0x2d2: {  	[tilespmem:$0x1FD70] =	vst v9;
	v9 =	vsel vm12, $0xFFFFFFFF, v27;
	v12 =	vsel vm11, v12, v34;
	v15 =	vsel vm13, v58, v38  }
0x2d3: {  	vm11 =	vgt.f32 v32, v14;
	vm12 =	vgt.f32 v32, v16;
	vm6 =	vgt.f32 v48, v47  }
0x2d4: {  	v38 =	vimm.s32 $0x0;
	[tilespmem:$0x1FD80] =	vst v9;
	v9 =	vsel vm14, $0xFFFFFFFF, v28;
	vm10 =	vgt.f32 v32, v12  }
0x2d5: {  	vm13 =	vgt.f32 v32, v15;
	vm14 =	vgt.f32 v32, v13;
	v52 =	vsel vm11, v32, v14  }
0x2d6: {  	v53 =	vsel vm12, v32, v16;
	v17 =	vsel vm6, $0xFFFFFFFF, v55;
	v57 =	vsel vm6, v48, v47  }
0x2d7: {  	v28 =	vimm.s32 $0x0;
	[tilespmem:$0x1FDA0] =	vst v9;
	v9 =	vsel vm9, v49, v29;
	vm9 =	vgt.f32 v32, v10  }
0x2d8: {  	v51 =	vsel vm10, v32, v12;
	v54 =	vsel vm13, v32, v15;
	v12 =	vsel vm10, v12, v52  }
0x2d9: {  	v14 =	vsel vm11, v14, v53;
	v13 =	vsel vm14, v32, v13;
	v29 =	vimm.s32 $0x0  }
0x2da: {  	vm5 =	vgt.f32 v32, v9;
	v50 =	vsel vm9, v32, v10;
	v10 =	vsel vm9, v10, v51  }
0x2db: {  	v16 =	vsel vm12, v16, v54;
	v13 =	vsel vm13, v15, v13;
	v51 =	vimm.s32 $0x0  }
0x2dc: {  	[tilespmem:$0x1FDD0] =	vst v18;
	v54 =	vimm.s32 $0x0;
	v18 =	vsel vm5, $0xFFFFFFFF, v40;
	v49 =	vsel vm5, v32, v9  }
0x2dd: {  	[tilespmem:$0x1FDB0] =	vst v11;
	v9 =	vsel vm5, v9, v50;
	v40 =	vimm.s32 $0x0;
	v50 =	vimm.s32 $0x0  }
0x2de: {  	[tilespmem:$0x1FDC0] =	vst v18;
	v18 =	vsel vm9, $0xFFFFFFFF, v41;
	v11 =	vsel vm7, v31, v49;
	vm8 =	vgt.f32 v48, v9  }
0x2df: {  	vm9 =	vgt.f32 v48, v10;
	[tilespmem:$0x1FDE0] =	vst v18;
	v18 =	vsel vm10, $0xFFFFFFFF, v42;
	vm7 =	vgt.f32 v48, v11  }
0x2e0: {  	v63 =	vld [tilespmem:s13+$0x3A00];
	[tilespmem:$0x1FE50] =	vst v17;
	v61 =	vsel vm8, v48, v9;
	v62 =	vsel vm9, v48, v10;
	vm10 =	vgt.f32 v48, v12  }
0x2e1: {  	v42 =	vimm.s32 $0x0;
	[tilespmem:$0x1FDF0] =	vst v18;
	v18 =	vsel vm11, $0xFFFFFFFF, v43;
	v17 =	vsel vm7, $0xFFFFFFFF, v56  }
0x2e2: {  	v58 =	vsel vm7, v48, v11;
	v11 =	vsel vm7, v11, v61;
	v9 =	vsel vm8, v9, v62  }
0x2e3: {  	v23 =	vsel vm10, v48, v12;
	vm11 =	vgt.f32 v48, v14;
	v56 =	vimm.s32 $0x0;
	[tilespmem:$0x1FE00] =	vst v18  }
0x2e4: {  	v18 =	vsel vm12, $0xFFFFFFFF, v44;
	[tilespmem:$0x1FE40] =	vst v17;
	v17 =	vsel vm6, v47, v58;
	v10 =	vsel vm9, v10, v23  }
0x2e5: {  	vm12 =	vgt.f32 v48, v16;
	v26 =	vsel vm11, v48, v14;
	vm5 =	vgt.f32 v63, v11  }
0x2e6: {  	vm6 =	vgt.f32 v63, v9;
	v44 =	vimm.s32 $0x0;
	v23 =	vimm.s32 $0x0  }
0x2e7: {  	[tilespmem:$0x1FE10] =	vst v18;
	v18 =	vsel vm13, $0xFFFFFFFF, v45;
	v27 =	vsel vm12, v48, v16;
	vm13 =	vgt.f32 v48, v13  }
0x2e8: {  	v12 =	vsel vm10, v12, v26;
	vm4 =	vgt.f32 v63, v17;
	v19 =	vsel vm5, $0xFFFFFFFF, v33  }
0x2e9: {  	v34 =	vsel vm5, v63, v11;
	v37 =	vsel vm6, v63, v9;
	vm7 =	vgt.f32 v63, v10  }
0x2ea: {  	v45 =	vimm.s32 $0x0;
	[tilespmem:$0x1FE20] =	vst v18;
	v18 =	vsel vm14, $0xFFFFFFFF, v46;
	v14 =	vsel vm11, v14, v27  }
0x2eb: {  	v13 =	vsel vm13, v48, v13;
	vm14 =	vgt.f32 v63, v57;
	v32 =	vsel vm4, v63, v17  }
0x2ec: {  	v35 =	vld [tilespmem:s13+$0x3A80];
	v17 =	vsel vm4, v17, v34;
	v11 =	vsel vm5, v11, v37;
	v39 =	vsel vm7, v63, v10  }
0x2ed: {  	[tilespmem:$0x1FE30] =	vst v18;
	v18 =	vsel vm8, $0xFFFFFFFF, v59;
	v13 =	vsel vm12, v16, v13;
	v16 =	vsel vm14, $0xFFFFFFFF, v29  }
0x2ee: {  	v31 =	vsel vm14, v63, v57;
	v15 =	vsel vm14, v57, v32;
	vm8 =	vgt.f32 v63, v12  }
0x2ef: {  	v9 =	vsel vm6, v9, v39;
	v57 =	vimm.s32 $0x0;
	v29 =	vimm.s32 $0x0;
	[tilespmem:$0x1FE60] =	vst v18  }
0x2f0: {  	v39 =	vimm.s32 $0x0;
	v18 =	vsel vm9, $0xFFFFFFFF, v60;
	[tilespmem:$0x1FED0] =	vst v16;
	v16 =	vsel vm4, $0xFFFFFFFF, v30  }
0x2f1: {  	v41 =	vsel vm8, v63, v12;
	vm9 =	vgt.f32 v63, v14;
	vm14 =	vgt.f32 v35, v31  }
0x2f2: {  	[tilespmem:$0x1FE70] =	vst v18;
	v18 =	vsel vm10, $0xFFFFFFFF, v22;
	v22 =	vsel vm13, $0xFFFFFFFF, v28;
	v10 =	vsel vm7, v10, v41  }
0x2f3: {  	v43 =	vsel vm9, v63, v14;
	vm10 =	vgt.f32 v63, v13;
	v47 =	vsel vm14, v35, v31  }
0x2f4: {  	vm13 =	vgt.f32 v35, v17;
	v28 =	vimm.s32 $0x0;
	[tilespmem:$0x1FE80] =	vst v18;
	v18 =	vsel vm11, $0xFFFFFFFF, v24  }
0x2f5: {  	[tilespmem:$0x1FD90] =	vst v20;
	v49 =	vld [tilespmem:s13+$0x3B00];
	v20 =	vsel vm10, $0xFFFFFFFF, v44;
	v12 =	vsel vm8, v12, v43;
	v13 =	vsel vm10, v63, v13  }
0x2f6: {  	vm11 =	vgt.f32 v35, v15;
	v48 =	vsel vm13, v35, v17;
	v63 =	vimm.s32 $0x0  }
0x2f7: {  	v24 =	vimm.s32 $0x0;
	[tilespmem:$0x1FE90] =	vst v18;
	v18 =	vsel vm12, $0xFFFFFFFF, v25;
	v13 =	vsel vm9, v14, v13  }
0x2f8: {  	v14 =	vsel vm11, $0xFFFFFFFF, v45;
	v46 =	vsel vm11, v35, v15;
	v15 =	vsel vm11, v15, v48;
	[tilespmem:$0x1FEB0] =	vst v18  }
0x2f9: {  	v41 =	vld [tilespmem:$0x1FD50];
	v45 =	vsel vm15, $0x39, v1;
	v18 =	vsel vm6, $0xFFFFFFFF, v36;
	[tilespmem:$0x1FF40] =	vst v14;
	v14 =	vsel vm14, v31, v46  }
0x2fa: {  	vm6 =	vgt.f32 v35, v11;
	vm10 =	vgt.f32 v35, v13;
	vm12 =	vgt.f32 v49, v15  }
0x2fb: {  	[tilespmem:$0x1FEF0] =	vst v18;
	v18 =	vsel vm7, $0xFFFFFFFF, v38;
	v21 =	vsel vm6, $0xFFFFFFFF, v50;
	vm7 =	vgt.f32 v35, v9  }
0x2fc: {  	v52 =	vsel vm6, v35, v11;
	v13 =	vsel vm10, v35, v13;
	v61 =	vsel vm12, v49, v15;
	[tilespmem:$0x1FF00] =	vst v18  }
0x2fd: {  	v18 =	vsel vm8, $0xFFFFFFFF, v40;
	[tilespmem:$0x1FF50] =	vst v21;
	v21 =	vsel vm7, $0xFFFFFFFF, v51;
	v53 =	vsel vm7, v35, v9  }
0x2fe: {  	[tilespmem:$0x1FEC0] =	vst v16;
	v16 =	vsel vm13, v17, v52;
	vm8 =	vgt.f32 v35, v10;
	vm1 =	vnez.u8 v41  }
0x2ff: {  	[tilespmem:$0x1FF10] =	vst v18;
	v18 =	vsel vm9, $0xFFFFFFFF, v42;
	v11 =	vsel vm6, v11, v53;
	v17 =	vsel vm8, $0xFFFFFFFF, v54  }
0x300: {  	v55 =	vsel vm8, v35, v10;
	vm9 =	vgt.f32 v35, v12;
	vm6 =	vgt.f32 v49, v47  }
0x301: {  	v62 =	vld [tilespmem:s13+$0x3B80];
	[tilespmem:$0x1FF60] =	vst v21;
	vm11 =	vgt.f32 v49, v16;
	v21 =	vsel vm9, $0xFFFFFFFF, v56;
	v9 =	vsel vm7, v9, v55  }
0x302: {  	[tilespmem:$0x1FEA0] =	vst v22;
	v58 =	vsel vm9, v35, v12;
	v12 =	vsel vm9, v12, v13;
	v59 =	vsel vm6, v49, v47  }
0x303: {  	[tilespmem:$0x1FF30] =	vst v18;
	vm9 =	vgt.f32 v49, v14;
	v22 =	vsel vm11, $0xFFFFFFFF, v63;
	vm7 =	vgt.f32 v49, v11  }
0x304: {  	[tilespmem:$0x1FF90] =	vst v21;
	v21 =	vsel vm10, $0xFFFFFFFF, v57;
	v10 =	vsel vm8, v10, v58;
	v60 =	vsel vm9, v49, v14  }
0x305: {  	[tilespmem:$0x1FF80] =	vst v22;
	v14 =	vsel vm9, v14, v61;
	v22 =	vsel vm11, v49, v16;
	v18 =	vsel vm7, $0xFFFFFFFF, v23  }
0x306: {  	[tilespmem:$0x1FF70] =	vst v17;
	vm8 =	vgt.f32 v49, v9;
	v25 =	vsel vm7, v49, v11;
	vm3 =	vgt.f32 v62, v59  }
0x307: {  	v17 =	vsel vm6, v47, v60;
	v15 =	vsel vm12, v15, v22;
	[tilespmem:$0x1FFA0] =	vst v18;
	v18 =	vsel vm8, $0xFFFFFFFF, v24  }
0x308: {  	v26 =	vsel vm8, v49, v9;
	vm10 =	vgt.f32 v49, v10;
	v16 =	vsel vm11, v16, v25  }
0x309: {  	vm11 =	vgt.f32 v49, v12;
	v31 =	vsel vm3, v62, v59;
	vm5 =	vgt.f32 v62, v14  }
0x30a: {  	[tilespmem:$0x1FEE0] =	vst v19;
	v42 =	vld [tilespmem:$0x1FD60];
	v11 =	vsel vm7, v11, v26;
	v27 =	vsel vm10, v49, v10;
	vm2 =	vmmov vm10  }
0x30b: {  	[tilespmem:$0x1FFC0] =	vst v18;
	v19 =	vsel vm10, $0xFFFFFFFF, v28;
	v18 =	vsel vm11, $0xFFFFFFFF, v29;
	vm4 =	vgt.f32 v62, v17  }
0x30c: {  	v12 =	vsel vm11, v49, v12;
	v32 =	vsel vm5, v62, v14;
	v33 =	vsub.f32 v31, v31  }
0x30d: {  	vm10 =	vgt.f32 v62, v16;
	v9 =	vsel vm8, v9, v27;
	v30 =	vsel vm4, v62, v17  }
0x30e: {  	vm8 =	vgt.f32 v62, v15;
	v17 =	vsel vm4, v17, v32;
	v35 =	vsel vm10, v62, v16  }
0x30f: {  	vm11 =	vgt.f32 v62, v11;
	v10 =	vsel vm2, v10, v12;
	vm2 =	vnez.u8 v42  }
0x310: {  	[tilespmem:$0x1FF20] =	vst v20;
	v13 =	vsel vm3, v59, v30;
	v34 =	vsel vm8, v62, v15;
	v20 =	vmul.f32 $1.442695020e+00, v33  }
0x311: {  	v17 =	vsub.f32 v17, v31;
	v36 =	vsel vm11, v62, v11;
	v15 =	vsel vm8, v15, v35  }
0x312: {  	vm7 =	vgt.f32 v62, v9;
	vm0 =	vgt.f32 v62, v10;
	v13 =	vsub.f32 v13, v31  }
0x313: {  	v44 =	vld [tilespmem:$0x1FD70];
	v14 =	vsel vm5, v14, v34;
	v15 =	vsub.f32 v15, v31;
	v37 =	vsel vm7, v62, v9  }
0x314: {  	v10 =	vsel vm0, v62, v10;
	(erf) = vpow2.f32 v20;
	v17 =	vmul.f32 $1.442695020e+00, v17  }
0x315: {  	v14 =	vsub.f32 v14, v31;
	v11 =	vsel vm11, v11, v37;
	v9 =	vsel vm7, v9, v10  }
0x316: {  	v47 =	vld [tilespmem:$0x1FD80];
	v10 =	vsel vm2, $0x39, v5;
	v13 =	vmul.f32 $1.442695020e+00, v13;
	v38 =	vmul.f32 $1.442695020e+00, v15  }
0x317: {  	v15 =	vsel vm0, $0xFFFFFFFF, v39;
	v11 =	vsub.f32 v11, v31;
	v9 =	vsub.f32 v9, v31  }
0x318: {  	v48 =	vld [tilespmem:$0x1FD90];
	vm0 =	vnez.u8 v44;
	v14 =	vmul.f32 $1.442695020e+00, v14;
	(erf) = vpow2.f32 v13  }
0x319: {  	v49 =	vld [tilespmem:$0x1FDA0];
	v13 =	vsel vm10, v16, v36;
	v11 =	vmul.f32 $1.442695020e+00, v11;
	(erf) = vpow2.f32 v17  }
0x31a: {  	v52 =	vld [tilespmem:$0x1FDD0];
	v9 =	vmul.f32 $1.442695020e+00, v9;
	v13 =	vsub.f32 v13, v31;
	(erf) = vpow2.f32 v14  }
0x31b: {  	v51 =	vld [tilespmem:$0x1FDC0];
	v14 =	vsel vm0, $0x39, v3;
	v3 =	vsel vm0, v3, v45;
	vm0 =	vnez.u8 v47  }
0x31c: {  	v40 =	vmul.f32 $1.442695020e+00, v13;
	(erf) = vpow2.f32 v38;
	v13 =	vsel vm1, $0x39, v2  }
0x31d: {  	v50 =	vld [tilespmem:$0x1FDB0];
	v2 =	vsel vm1, v2, v10;
	v5 =	vsel vm2, v5, v14;
	vm1 =	vnez.u8 v48  }
0x31e: {  	[tilespmem:$0x1FFF0] =	vst v15;
	v10 =	vsel vm0, $0x39, v4;
	vm2 =	vnez.u8 v49;
	v15 =	vsel vm1, $0x39, v6  }
0x31f: {  	v55 =	vld [tilespmem:$0x1FDF0];
	v1 =	vsel vm15, v1, v10;
	vm15 =	vnez.u8 v52;
	(erf) = vpow2.f32 v40  }
0x320: {  	v54 =	vld [tilespmem:$0x1FDE0];
	v4 =	vsel vm0, v4, v15;
	vm0 =	vnez.u8 v51;
	v43 =	vpop (erf);
	(erf) = vpow2.f32 v11  }
0x321: {  	v56 =	vld [tilespmem:$0x1FE00];
	v10 =	vsel vm0, $0x3A, v2;
	v14 =	vpop (erf);
	(erf) = vpow2.f32 v9;
	v9 =	vsel vm2, $0x39, v7  }
0x322: {  	v57 =	vld [tilespmem:$0x1FE10];
	v46 =	vadd.f32 v14, v43;
	v6 =	vsel vm1, v6, v9;
	vm1 =	vnez.u8 v50  }
0x323: {  	v58 =	vld [tilespmem:$0x1FE20];
	v10 =	vsel vm15, v13, v10;
	v16 =	vpop (erf);
	v8 =	vsel vm1, $0x39, v8  }
0x324: {  	v60 =	vld [tilespmem:$0x1FE40];
	vm1 =	vnez.u8 v55;
	v11 =	vadd.f32 v46, v16;
	v7 =	vsel vm2, v7, v8  }
0x325: {  	v59 =	vld [tilespmem:$0x1FE30];
	v8 =	vsel vm15, $0x3A, v13;
	vm15 =	vnez.u8 v54;
	v17 =	vsel vm1, $0x3A, v3  }
0x326: {  	v9 =	vpop (erf);
	vm2 =	vnez.u8 v56;
	v15 =	vsel vm15, $0x3A, v5;
	v5 =	vsel vm15, v5, v17  }
0x327: {  	v61 =	vld [tilespmem:$0x1FE50];
	v17 =	vsel vm2, $0x3A, v1;
	vm15 =	vnez.u8 v57;
	v11 =	vadd.f32 v11, v9  }
0x328: {  	v63 =	vld [tilespmem:$0x1FE70];
	[tilespmem:$0x1FFE0] =	vst v18;
	v2 =	vsel vm0, v2, v15;
	v18 =	vsel vm15, $0x3A, v4;
	vm0 =	vnez.u8 v58  }
0x329: {  	[tilespmem:$0x1FFD0] =	vst v19;
	v62 =	vld [tilespmem:$0x1FE60];
	v53 =	vpop (erf);
	v3 =	vsel vm1, v3, v17;
	vm1 =	vnez.u8 v60;
	v19 =	vsel vm0, $0x3A, v6  }
0x32a: {  	v24 =	vld [tilespmem:$0x1FE80];
	v11 =	vadd.f32 v11, v53;
	v4 =	vsel vm15, v4, v19;
	vm15 =	vnez.u8 v59  }
0x32b: {  	v1 =	vsel vm2, v1, v18;
	v18 =	vsel vm1, $0x3B, v10;
	v15 =	vpop (erf);
	v7 =	vsel vm15, $0x3A, v7  }
0x32c: {  	v25 =	vld [tilespmem:$0x1FE90];
	vm15 =	vnez.u8 v61;
	v11 =	vadd.f32 v11, v15;
	v6 =	vsel vm0, v6, v7  }
0x32d: {  	v17 =	vpop (erf);
	v7 =	vsel vm15, $0x3B, v8;
	v8 =	vsel vm15, v8, v18;
	vm0 =	vnez.u8 v63  }
0x32e: {  	v26 =	vld [tilespmem:$0x1FEA0];
	vm15 =	vnez.u8 v62;
	v20 =	vsel vm0, $0x3B, v5;
	v11 =	vadd.f32 v11, v17  }
0x32f: {  	v27 =	vld [tilespmem:$0x1FEB0];
	v18 =	vpop (erf);
	v19 =	vsel vm15, $0x3B, v2;
	v2 =	vsel vm15, v2, v20;
	vm15 =	vnez.u8 v24  }
0x330: {  	v28 =	vld [tilespmem:$0x1FEC0];
	v10 =	vsel vm1, v10, v19;
	v19 =	vsel vm15, $0x3B, v3;
	v11 =	vadd.f32 v11, v18  }
0x331: {  	v29 =	vld [tilespmem:$0x1FED0];
	v5 =	vsel vm0, v5, v19;
	vm0 =	vnez.u8 v25  }
0x332: {  	v30 =	vld [tilespmem:$0x1FEE0];
	(erf) = vrcp.f32 v11;
	v11 =	vsel vm0, $0x3B, v1  }
0x333: {  	v32 =	vld [tilespmem:$0x1FF00];
	v3 =	vsel vm15, v3, v11;
	vm15 =	vnez.u8 v26  }
0x334: {  	v31 =	vld [tilespmem:$0x1FEF0];
	v6 =	vsel vm15, $0x3B, v6;
	vm15 =	vnez.u8 v27  }
0x335: {  	vm1 =	vnez.u8 v28;
	v11 =	vsel vm15, $0x3B, v4  }
0x336: {  	v33 =	vld [tilespmem:$0x1FF10];
	v4 =	vsel vm15, v4, v6;
	v6 =	vsel vm1, $0x3C, v8;
	vm15 =	vnez.u8 v29  }
0x337: {  	v1 =	vsel vm0, v1, v11;
	v11 =	vsel vm15, $0x3C, v7;
	vm0 =	vnez.u8 v30  }
0x338: {  	v6 =	vsel vm15, v7, v6;
	vm15 =	vnez.u8 v32;
	v7 =	vsel vm0, $0x3C, v10  }
0x339: {  	v34 =	vld [tilespmem:$0x1FF20];
	v36 =	vsel vm14, $0x3D, v11;
	v7 =	vsel vm1, v8, v7;
	vm1 =	vnez.u8 v31  }
0x33a: {  	v35 =	vld [tilespmem:$0x1FF30];
	v19 =	vsel vm15, $0x3C, v5;
	v41 =	vsel vm6, $0x3E, v36;
	v8 =	vsel vm1, $0x3C, v2  }
0x33b: {  	v39 =	vld [tilespmem:$0x1FF50];
	v2 =	vsel vm1, v2, v19;
	v8 =	vsel vm0, v10, v8;
	vm0 =	vnez.u8 v33  }
0x33c: {  	v37 =	vld [tilespmem:$0x1FF40];
	v38 =	vsel vm13, $0x3D, v7;
	v45 =	vsel vm3, $0x3F, v41;
	v10 =	vsel vm0, $0x3C, v3;
	v40 =	vpop (erf)  }
0x33d: {  	v5 =	vsel vm15, v5, v10;
	v12 =	vmul.f32 v40, v43;
	v14 =	vmul.f32 v40, v14  }
0x33e: {  	vm15 =	vnez.u8 v34;
	v43 =	vld [tilespmem:$0x1FF60];
	v16 =	vmul.f32 v40, v16;
	v9 =	vmul.f32 v40, v9  }
0x33f: {  	[tilespmem:$0x1FFB0] =	vst v21;
	v47 =	vld [tilespmem:$0x1FF70];
	v53 =	vmul.f32 v40, v53;
	v4 =	vsel vm15, $0x3C, v4;
	vm15 =	vnez.u8 v35  }
0x340: {  	v54 =	vld [tilespmem:$0x1FFB0];
	v10 =	vsel vm15, $0x3C, v1;
	v1 =	vsel vm15, v1, v4;
	vm15 =	vnez.u8 v39  }
0x341: {  	v48 =	vld [tilespmem:$0x1FF80];
	v3 =	vsel vm0, v3, v10;
	vm0 =	vnez.u8 v37;
	v20 =	vsel vm15, $0x3D, v8  }
0x342: {  	v10 =	vsel vm0, $0x3D, v6;
	v6 =	vsel vm0, v6, v38;
	v7 =	vsel vm13, v7, v20  }
0x343: {  	v50 =	vld [tilespmem:$0x1FF90];
	v10 =	vsel vm14, v11, v10;
	vm13 =	vnez.u8 v43;
	v44 =	vsel vm12, $0x3E, v6  }
0x344: {  	vm14 =	vnez.u8 v47;
	v42 =	vsel vm9, $0x3E, v10;
	v20 =	vsel vm13, $0x3D, v2  }
0x345: {  	v51 =	vld [tilespmem:$0x1FFA0];
	v10 =	vsel vm9, v10, v44;
	v19 =	vsel vm14, $0x3D, v5;
	vm9 =	vnez.u8 v54  }
0x346: {  	[tilespmem:s13+$0x4800] =	vst v45;
	v4 =	vsel vm6, v36, v42;
	v8 =	vsel vm15, v8, v20;
	vm15 =	vnez.u8 v48  }
0x347: {  	v55 =	vld [tilespmem:$0x1FFC0];
	[tilespmem:s13+$0x4000] =	vst v12;
	v49 =	vsel vm5, $0x3F, v10;
	v1 =	vsel vm9, $0x3D, v1;
	v46 =	vsel vm4, $0x3F, v4  }
0x348: {  	[tilespmem:s15+$0x4000] =	vst v14;
	v4 =	vsel vm4, v4, v49;
	vm4 =	vnez.u8 v50;
	v12 =	vsel vm3, v41, v46  }
0x349: {  	v14 =	vsel vm15, $0x3E, v7;
	v1 =	vsel vm4, v3, v1;
	[tilespmem:s15+$0x4800] =	vst v12;
	v12 =	vsel vm4, $0x3D, v3;
	v3 =	vld [tilespmem:$0x1FFD0]  }
0x34a: {  	v2 =	vsel vm13, v2, v19;
	vm6 =	vnez.u8 v51;
	v6 =	vsel vm12, v6, v14;
	[tilespmem:s13+$0x4100] =	vst v16  }
0x34b: {  	v60 =	vld [tilespmem:$0x1FFE0];
	v52 =	vsel vm8, $0x3F, v6;
	v5 =	vsel vm14, v5, v12;
	v12 =	vsel vm6, $0x3E, v8;
	[tilespmem:s13+$0x4900] =	vst v4  }
0x34c: {  	vm12 =	vnez.u8 v55;
	v4 =	vsel vm5, v10, v52;
	v7 =	vsel vm15, v7, v12;
	[tilespmem:s31+$0x4000] =	vst v9  }
0x34d: {  	v63 =	vld [tilespmem:$0x1FFF0];
	v57 =	vmul.f32 v40, v15;
	v10 =	vsel vm12, $0x3E, v2;
	[tilespmem:s31+$0x4800] =	vst v4;
	v12 =	vsel vm10, $0x3F, v7  }
0x34e: {  	v56 =	vsel vm6, v8, v10;
	[tilespmem:s13+$0x4200] =	vst v53;
	v6 =	vsel vm8, v6, v12;
	vm13 =	vnez.u8 v3  }
0x34f: {  	v59 =	vmul.f32 v40, v17;
	v58 =	vsel vm11, $0x3F, v56;
	[tilespmem:s13+$0x4A00] =	vst v6;
	v3 =	vsel vm13, $0x3E, v5  }
0x350: {  	p0 =	sne.s32 s12, $0xF0;
	vm14 =	vnez.u8 v60;
	[tilespmem:s16+$0x4000] =	vst v57;
	v2 =	vsel vm12, v2, v3;
	v3 =	vsel vm10, v7, v58  }
.Ltmp0:
0x351: {  	v62 =	vmul.f32 v40, v18;
	v1 =	vsel vm14, $0x3E, v1;
	v61 =	vsel vm7, $0x3F, v2;
	[tilespmem:s16+$0x4800] =	vst v3;
	(pc) =	sbr.rel @p0 .LBB2_2-.Ltmp0, $4  }
0x352: {  	vm15 =	vnez.u8 v63;
	v1 =	vsel vm13, v5, v1;
	v3 =	vsel vm11, v56, v61;
	[tilespmem:s13+$0x4300] =	vst v59  }
0x353: {  	v1 =	vsel vm15, $0x3F, v1;
	[tilespmem:s13+$0x4B00] =	vst v3  }
0x354: {  	v1 =	vsel vm7, v2, v1;
	[tilespmem:s17+$0x4000] =	vst v62  }
0x355: {  	s11 =	sadd.s32 $0x80, s11;
	s12 =	sadd.s32 $0x10, s12;
	[tilespmem:s17+$0x4800] =	vst v1  }
0x356: {  	[hbm4b:s4+s2] =	stream.linear.scatter [tilespmem:s8], [sflag:$0x1], $0x800, $0x38;
	[tilespmem:$0x5000] =	vst v63  }
0x357: {  	s10 =	sadd.s32 $0x1, s10;
	_ =	swait.ge [sflag:s7], $0x800  }
0x358: {  	p0 =	sne.s32 s10, s6;
	[sflag:s7] =	ssyncset.done $0x0  }
.Ltmp1:
0x359: {  	[sflag:s7] =	ssyncadd.s32 $0xFFFFF800;
	(pc) =	sbr.rel @p0 .LBB2_1-.Ltmp1, $4  }
0x35a: {  	[hbm4b:s5+s2] =	stream.linear.scatter [tilespmem:s9], [sflag:$0x1], $0x800, $0x38;
	[tilespmem:$0x5000] =	vst v63  }
0x35b: {  	_ =	swait.ge [sflag:s7], $0x800  }
0x35c: {  	[sflag:s7] =	ssyncset.done $0x0  }
0x35d: {  	[sflag:s7] =	ssyncadd.s32 $0xFFFFF800  }
0x35e: {  	_ =	sfence.sel $0x180000  }
0x35f: {  	[bflag:$0x0] =	sbarrier.arrive $0xFFFF  }
0x360: {  	p0 =	sne.s32 s1, $0x0;
	_ =	strace $0x90000047  }
0x361: {  	s0 =	sadd.s32 @!p0 $0x100000, s0;
	[bflag:$0x2] =	sbarrier.arrive $0xFFFF  }
0x362: {  	[sflag:s0] =	ssyncadd.tile.s32 @!p0 $0x1;
	_ =	shalt  }
.Lfunc_end2:
_tile_overlayer_lowered:
.L_overlay_start_2:
0x363: {  	(tag) =	ssettag $0x2  }
0x364: {  	s0 =	rddreg [dreg:$0x0];
	s2 =	stileid.u32  }
0x365: {  	s1 =	rddreg [dreg:$0x1];
	p0 =	sne.s32 s2, $0x0  }
0x366: {  	s3 =	rddreg [dreg:$0x2];
	[bflag:$0x3] =	sbarrier.arrive $0xFFFF;
	s2 =	simm.s32 @!p0 $0x1C01  }
0x367: {  	[timem:s3], [sflag:s2] =	dma.local @!p0 [hbm:s0], s1  }
0x368: {  	s0 =	simm.s32 @!p0 $0x1  }
0x369: {  	_ =	swait.ge @!p0 [sflag:s0], s1  }
0x36a: {  	s1 =	ssub.s32 @!p0 $0x0, s1;
	[sflag:s0] =	ssyncset.done @!p0 $0x0  }
0x36b: {  	[sflag:s0] =	ssyncadd.s32 @!p0 s1  }
0x36c: {  	[bflag:$0x3] =	sbarrier.arrive $0xFFFF  }
0x36d: {  	_ =	shalt  }

</sc_bundles>
